<compile_context>
chip_gen: v7x
topology: tpu7x:2x2x1
jax: 0.10.2.dev20260603
libtpu: 0.0.44.dev20260713+nightly
codegen_flags: <defaults>
</compile_context>

<pallas_src>
import functools

import jax
import jax.numpy as jnp
from jax import lax
from jax.experimental import pallas as pl
from jax.experimental.pallas import tpu as pltpu
from jax.experimental.pallas import tpu_sc as plsc

B = 16
DIM = 2048
NH = 16
NKV = 1
HD = 128
INTER = 4096
PAGE = 64
TOPK = 8
NPP = 16
MAXPAGES = 32
THD = (NH + 2 * NKV) * HD
NB = THD // HD
EPS = 1e-6
HALF = PAGE * HD // 2
IBLK = 512
SCALE = float(HD) ** -0.5


def _rms_rows(x):
    var = jnp.mean(x * x, axis=1, keepdims=True)
    return x * lax.rsqrt(var + EPS)


def _qkv_body(hs_ref, w_ref, b_ref, inln_ref, qnw_ref, knw_ref,
              aout_ref, qmean_ref, hsn_ref):
    j = pl.program_id(0)

    @pl.when(j == 0)
    def _():
        x = hs_ref[...]
        var = jnp.mean(x * x, axis=1, keepdims=True)
        hsn_ref[...] = (x * lax.rsqrt(var + EPS)
                        * inln_ref[...]).astype(jnp.bfloat16)
        qmean_ref[...] = jnp.zeros_like(qmean_ref)

    out = lax.dot_general(hsn_ref[...], w_ref[...].astype(jnp.bfloat16),
                          (((1,), (1,)), ((), ())),
                          preferred_element_type=jnp.float32)
    h = [out[:, i * HD:(i + 1) * HD] + b_ref[0, i:i + 1, :] for i in range(6)]

    @pl.when(j < 2)
    def _():
        qs = jnp.zeros((B, HD), jnp.float32)
        for i in range(6):
            qn = _rms_rows(h[i]) * qnw_ref[...]
            aout_ref[i] = qn
            qs = qs + qn
        qmean_ref[...] += qs * (1.0 / NH)

    @pl.when(j == 2)
    def _():
        qs = jnp.zeros((B, HD), jnp.float32)
        for i in range(4):
            qn = _rms_rows(h[i]) * qnw_ref[...]
            aout_ref[i] = qn
            qs = qs + qn
        qmean_ref[...] += qs * (1.0 / NH)
        aout_ref[4] = _rms_rows(h[4]) * knw_ref[...]
        aout_ref[5] = h[5]


def _qkv_call(hs2, wqkv_w, bias, inln, qnw, knw):
    return pl.pallas_call(
        _qkv_body,
        grid=(NB // 6,),
        in_specs=[
            pl.BlockSpec((B, DIM), lambda j: (0, 0)),
            pl.BlockSpec((6 * HD, DIM), lambda j: (j, 0)),
            pl.BlockSpec((1, 6, HD), lambda j: (j, 0, 0)),
            pl.BlockSpec((1, DIM), lambda j: (0, 0)),
            pl.BlockSpec((1, HD), lambda j: (0, 0)),
            pl.BlockSpec((1, HD), lambda j: (0, 0)),
        ],
        out_specs=[
            pl.BlockSpec((6, B, HD), lambda j: (j, 0, 0)),
            pl.BlockSpec((B, HD), lambda j: (0, 0)),
        ],
        out_shape=[
            jax.ShapeDtypeStruct((NB, B, HD), jnp.float32),
            jax.ShapeDtypeStruct((B, HD), jnp.float32),
        ],
        scratch_shapes=[pltpu.VMEM((B, DIM), jnp.bfloat16)],
        compiler_params=pltpu.CompilerParams(
            dimension_semantics=("arbitrary",)),
    )(hs2, wqkv_w, bias, inln, qnw, knw)


def _sc_select(qmean, cck):
    mesh = plsc.VectorSubcoreMesh(core_axis_name="c", subcore_axis_name="s")

    @functools.partial(
        pl.kernel,
        out_type=jax.ShapeDtypeStruct((B, HD), jnp.int32),
        mesh=mesh,
        compiler_params=pltpu.CompilerParams(needs_layout_passes=False),
        scratch_types=[
            pltpu.VMEM((NPP, HD), jnp.float32),
            pltpu.VMEM((HD,), jnp.float32),
            pltpu.VMEM((16,), jnp.int32),
        ],
    )
    def body(qmean_hbm, cck_hbm, out_hbm, cck_v, q_v, res_v):
        b = lax.axis_index("s")
        cid = lax.axis_index("c")
        pltpu.sync_copy(cck_hbm.at[b], cck_v)
        pltpu.sync_copy(qmean_hbm.at[b], q_v)

        nvec = lax.iota(jnp.int32, 16)
        acc = jnp.zeros((16,), jnp.float32)
        for g in range(HD // 16):
            qchunk = q_v[pl.ds(g * 16, 16)]
            for l in range(16):
                col = plsc.load_gather(
                    cck_v, [nvec, jnp.full((16,), g * 16 + l, jnp.int32)])
                acc = acc + qchunk[l] * col

        tvec = lax.iota(jnp.int32, 16)
        _, t_sorted = plsc.sort_key_val(acc, tvec, descending=True)
        ivec = t_sorted * B + b
        page = (ivec % (NPP + 1)) * B + ivec // (NPP + 1)
        lane = lax.iota(jnp.int32, 16)
        own_last = (page == NPP * B + b) & (lane < TOPK)
        cnt = jnp.sum(jnp.where(own_last, 1, 0), axis=0)
        mn = jnp.min(jnp.where(own_last, lane * PAGE, 1 << 20), axis=0)
        maskpos = jnp.where(cnt > 0, mn, -1)
        mult = 1 + cnt
        res = jnp.where(lane == TOPK, maskpos,
                        jnp.where(lane == TOPK + 1, mult, page))
        res_v[...] = res

        @pl.when(cid == 0)
        def _():
            pltpu.sync_copy(res_v, out_hbm.at[b, pl.ds(0, 16)])

    return body(qmean, cck)


def _attn_body(aout_ref, pg_ref, kv_ref, o_ref, kbuf, vbuf, abuf, sem):
    b = pl.program_id(0)

    def page_copies(bb, slot):
        cps = [pltpu.make_async_copy(
            aout_ref.at[:, bb, :], abuf.at[slot], sem.at[slot])]
        for j in range(TOPK):
            p = pg_ref[bb, j]
            cps.append(pltpu.make_async_copy(
                kv_ref.at[p, 0, :, 0, :], kbuf.at[slot, j], sem.at[slot]))
            cps.append(pltpu.make_async_copy(
                kv_ref.at[p, 1, :, 0, :], vbuf.at[slot, j], sem.at[slot]))
        return cps

    slot = lax.rem(b, 2)

    @pl.when(b == 0)
    def _():
        for cp in page_copies(0, 0):
            cp.start()

    @pl.when(b < B - 1)
    def _():
        for cp in page_copies(b + 1, 1 - slot):
            cp.start()

    mult = pg_ref[b, TOPK + 1].astype(jnp.float32)
    maskpos = pg_ref[b, TOPK]

    for cp in page_copies(b, slot):
        cp.wait()
    a = abuf[pl.ds(slot, 1)][0]
    q = a[0:NH, :]
    kn = a[NH:NH + 1, :]
    vn = a[NH + 1:NH + 2, :]
    sc = jnp.sum(q * kn, axis=1, keepdims=True) * SCALE
    keys = kbuf[pl.ds(slot, 1)].reshape(TOPK * PAGE, HD)
    vals = vbuf[pl.ds(slot, 1)].reshape(TOPK * PAGE, HD)
    s = lax.dot_general(q, keys, (((1,), (1,)), ((), ())),
                        preferred_element_type=jnp.float32) * SCALE
    pos = lax.broadcasted_iota(jnp.int32, (1, TOPK * PAGE), 1)
    s = jnp.where(pos == maskpos, -jnp.inf, s)
    m = jnp.maximum(jnp.max(s, axis=1, keepdims=True), sc)
    p = jnp.exp(s - m)
    pc = jnp.exp(sc - m) * mult
    den = jnp.sum(p, axis=1, keepdims=True) + pc
    o = (jnp.dot(p, vals, preferred_element_type=jnp.float32) + pc * vn) / den
    o_ref[0] = o


def _attn_call(aout, pg, kv_cache):
    return pl.pallas_call(
        _attn_body,
        grid=(B,),
        in_specs=[
            pl.BlockSpec(memory_space=pltpu.MemorySpace.HBM),
            pl.BlockSpec(memory_space=pltpu.MemorySpace.SMEM),
            pl.BlockSpec(memory_space=pltpu.MemorySpace.HBM),
        ],
        out_specs=pl.BlockSpec((1, NH, HD), lambda b: (b, 0, 0)),
        out_shape=jax.ShapeDtypeStruct((B, NH, HD), jnp.float32),
        scratch_shapes=[
            pltpu.VMEM((2, TOPK, PAGE, HD), jnp.float32),
            pltpu.VMEM((2, TOPK, PAGE, HD), jnp.float32),
            pltpu.VMEM((2, NB, HD), jnp.float32),
            pltpu.SemaphoreType.DMA((2,)),
        ],
        compiler_params=pltpu.CompilerParams(
            dimension_semantics=("arbitrary",)),
    )(aout, pg, kv_cache)


def _mlp_body(o_ref, wo_ref, res_ref, pln_ref, up_ref, gate_ref, down_ref,
              y_ref, hn_ref):
    j = pl.program_id(0)

    @pl.when(j == 0)
    def _():
        x = lax.dot_general(o_ref[...], wo_ref[...],
                            (((1,), (1,)), ((), ())),
                            preferred_element_type=jnp.float32)
        x = (x.reshape(B, NH, DIM) + res_ref[...]).reshape(B * NH, DIM)
        y_ref[...] = x
        var = jnp.mean(x * x, axis=1, keepdims=True)
        hn_ref[...] = (x * lax.rsqrt(var + EPS)
                       * pln_ref[...]).astype(jnp.bfloat16)

    hn = hn_ref[...]
    u = lax.dot_general(hn, up_ref[...].astype(jnp.bfloat16),
                        (((1,), (1,)), ((), ())),
                        preferred_element_type=jnp.float32)
    g = lax.dot_general(hn, gate_ref[...].astype(jnp.bfloat16),
                        (((1,), (1,)), ((), ())),
                        preferred_element_type=jnp.float32)
    g = g * (1.0 / (1.0 + jnp.exp(-g)))
    h = (u * g).astype(jnp.bfloat16)
    y_ref[...] += lax.dot_general(h, down_ref[...].astype(jnp.bfloat16),
                                  (((1,), (1,)), ((), ())),
                                  preferred_element_type=jnp.float32)


def _mlp_call(o2, wo_w, resb, pln, up_w, gate_w, down_w):
    return pl.pallas_call(
        _mlp_body,
        grid=(INTER // IBLK,),
        in_specs=[
            pl.BlockSpec((B * NH, HD), lambda j: (0, 0)),
            pl.BlockSpec((DIM, HD), lambda j: (0, 0)),
            pl.BlockSpec((B, 1, DIM), lambda j: (0, 0, 0)),
            pl.BlockSpec((1, DIM), lambda j: (0, 0)),
            pl.BlockSpec((IBLK, DIM), lambda j: (j, 0)),
            pl.BlockSpec((IBLK, DIM), lambda j: (j, 0)),
            pl.BlockSpec((DIM, IBLK), lambda j: (0, j)),
        ],
        out_specs=pl.BlockSpec((B * NH, DIM), lambda j: (0, 0)),
        out_shape=jax.ShapeDtypeStruct((B * NH, DIM), jnp.float32),
        scratch_shapes=[pltpu.VMEM((B * NH, DIM), jnp.bfloat16)],
        compiler_params=pltpu.CompilerParams(
            dimension_semantics=("arbitrary",)),
    )(o2, wo_w, resb, pln, up_w, gate_w, down_w)


def kernel(hidden_states, wqkv_w, wqkv_b, wo_w, up_w, gate_w, down_w,
           qnorm_w, knorm_w, in_ln_w, post_ln_w, kv_cache,
           compressed_key_cache):
    hs2 = hidden_states.reshape(B, DIM)
    aout, qmean = _qkv_call(hs2, wqkv_w, wqkv_b.reshape(NB // 6, 6, HD),
                            in_ln_w.reshape(1, DIM), qnorm_w.reshape(1, HD),
                            knorm_w.reshape(1, HD))
    pg = _sc_select(qmean, compressed_key_cache)
    o = _attn_call(aout, pg, kv_cache)
    y = _mlp_call(o.reshape(B * NH, HD), wo_w, hidden_states,
                  post_ln_w.reshape(1, DIM), up_w, gate_w, down_w)
    return y.reshape(B, NH, DIM)

# --- scband reference (transcript-rebuilt; emitter-appended) ---
"""Pipeline reference for scband-block-topk-decoder-layer-17832704213649 (READ-ONLY COPY).

The authoritative reference and input builder live on the scoring server;
editing this copy changes nothing except your own understanding.
"""

import jax, jax.numpy as jnp
import numpy as np

BSZ = 16; QLEN = 1; DIM = 2048; NH = 16; NKV = 1; HD = 128; INTER = 4096
MAXLEN = 2048; PAGE = 64; PREFIX = 1024; TOPK = 8; EPS = 1e-06
NPP = PREFIX // PAGE
MAXPAGES = MAXLEN // PAGE
THD = (NH + 2 * NKV) * HD


def rmsnorm(x, w, eps=EPS):
    v = jnp.mean(x * x, axis=-1, keepdims=True)
    return x * jax.lax.rsqrt(v + eps) * w


def setup_inputs(seed: int = 0):
    key = jax.random.key(seed)
    ks = jax.random.split(key, 12)
    s = 0.02
    return {
        'hidden_states': jax.random.normal(ks[0], (BSZ, QLEN, DIM), jnp.float32),
        'wqkv_w': jax.random.normal(ks[1], (THD, DIM), jnp.float32) * s,
        'wqkv_b': jnp.zeros((THD,), jnp.float32),
        'wo_w': jax.random.normal(ks[2], (DIM, HD), jnp.float32) * s,
        'up_w': jax.random.normal(ks[3], (INTER, DIM), jnp.float32) * s,
        'gate_w': jax.random.normal(ks[4], (INTER, DIM), jnp.float32) * s,
        'down_w': jax.random.normal(ks[5], (DIM, INTER), jnp.float32) * s,
        'qnorm_w': jnp.ones((HD,), jnp.float32),
        'knorm_w': jnp.ones((HD,), jnp.float32),
        'in_ln_w': jnp.ones((DIM,), jnp.float32),
        'post_ln_w': jnp.ones((DIM,), jnp.float32),
        'kv_cache': jax.random.normal(ks[6], (MAXPAGES * BSZ, 2, PAGE, NKV, HD), jnp.float32),
        'compressed_key_cache': jax.random.normal(ks[7], (BSZ, NPP, HD), jnp.float32),
    }


def reference(hidden_states, wqkv_w, wqkv_b, wo_w, up_w, gate_w, down_w,
              qnorm_w, knorm_w, in_ln_w, post_ln_w, kv_cache, compressed_key_cache):
    bsz, q_len, _ = hidden_states.shape
    residual = hidden_states
    hs = rmsnorm(hidden_states, in_ln_w)
    proj = hs @ wqkv_w.T + wqkv_b
    q_dim = HD * NH
    kv_dim = HD * NKV
    q = proj[..., :q_dim]
    k = proj[..., q_dim:q_dim + kv_dim]
    v = proj[..., q_dim + kv_dim:]
    q = q.reshape(bsz, q_len, NH, HD)
    k = k.reshape(bsz, q_len, NKV, HD)
    v = v.reshape(bsz, NKV, HD)
    q = rmsnorm(q, qnorm_w)
    k = rmsnorm(k, knorm_w)
    q = q.reshape(bsz, NH, HD)
    k = k.reshape(bsz, NKV, HD)
    # update_kv: append current token's k/v at slot 0 of each request's last page
    last_page_ids = NPP * bsz + jnp.arange(bsz, dtype=jnp.int32)
    kv_cache = kv_cache.at[last_page_ids, 0, 0].set(k)
    kv_cache = kv_cache.at[last_page_ids, 1, 0].set(v)
    # block top-k page selection via compressed keys
    csim = jnp.einsum('bgd,bnd->bgn', q, compressed_key_cache).mean(axis=1)
    _, topk_idx = jax.lax.top_k(csim, TOPK)
    paged_flat = (jnp.arange(NPP + 1, dtype=jnp.int32)[None, :] * bsz
                  + jnp.arange(bsz, dtype=jnp.int32)[:, None]).reshape(-1)
    flat_idx = topk_idx * bsz + jnp.arange(bsz, dtype=jnp.int32)[:, None]
    topk_pages = paged_flat[flat_idx]
    all_pages = jnp.concatenate([topk_pages, last_page_ids[:, None]], axis=-1)  # [bsz, TOPK+1]
    kv_sel = kv_cache[all_pages]  # [bsz, TOPK+1, 2, PAGE, NKV, HD]
    keys = kv_sel[:, :, 0, :, 0, :].reshape(bsz, (TOPK + 1) * PAGE, HD)
    vals = kv_sel[:, :, 1, :, 0, :].reshape(bsz, (TOPK + 1) * PAGE, HD)
    valid = jnp.concatenate([jnp.ones(TOPK * PAGE, dtype=bool), jnp.arange(PAGE) < 1])
    scores = jnp.einsum('bhd,btd->bht', q, keys) / jnp.sqrt(jnp.float32(HD))
    scores = jnp.where(valid[None, None, :], scores, -jnp.inf)
    attn = jax.nn.softmax(scores, axis=-1)
    o = jnp.einsum('bht,btd->bhd', attn, vals)
    hs = o @ wo_w.T  # [bsz, NH, DIM] (wo is Linear(head_dim, dim), per original code)
    hs = residual + hs  # broadcast [bsz,1,DIM] + [bsz,NH,DIM]
    residual2 = hs
    hs = rmsnorm(hs, post_ln_w)
    up = hs @ up_w.T
    gate = jax.nn.silu(hs @ gate_w.T)
    hs = (gate * up) @ down_w.T
    return residual2 + hs

if __name__ == "__main__":
    import jax
    _d = setup_inputs()
    print(jax.jit(kernel)(*tuple(_d.values())))

</pallas_src>

<mosaic_0001>
#map = affine_map<(d0, d1) -> (0, 0)>
#map1 = affine_map<(d0, d1) -> (0, 0, 0)>
module attributes {stable_mosaic.version = 14 : i64} {
  func.func @body(%arg0: i32, %arg1: i32, %arg2: memref<16x128xf32, #tpu.memory_space<hbm>>, %arg3: memref<16x16x128xf32, #tpu.memory_space<hbm>>, %arg4: memref<16x128xi32, #tpu.memory_space<hbm>>, %arg5: memref<16x128xf32, #tpu.memory_space<vmem>>, %arg6: memref<128xf32, #tpu.memory_space<vmem>>, %arg7: memref<16xi32, #tpu.memory_space<vmem>>) attributes {dimension_semantics = [#tpu.dimension_semantics<core_parallel>, #tpu.dimension_semantics<subcore_parallel>], iteration_bounds = array<i64: 2, 16>, scalar_prefetch = 0 : i64, scratch_operands = 3 : i64, tpu.core_type = #tpu.core_type<sc_vector_subcore>, window_params = [{transform_indices = #map}, {transform_indices = #map1}, {transform_indices = #map}]} {
    "tpu.region"() ({
      %run_scoped3A = tpu.sem_alloc : memref<!tpu.dma_semaphore, #tpu.memory_space<semaphore_mem>>
      %dma_start3A = arith.constant 0 : i32
      %dma_start3A_1140 = arith.constant 0 : i32
      %dma_start3A_1141 = tpu.memref_slice %arg3[%arg1, %dma_start3A, %dma_start3A_1140] : memref<16x16x128xf32, #tpu.memory_space<hbm>> -> memref<1x16x128xf32, #tpu.memory_space<hbm>>
      %dma_start3A_1142 = tpu.memref_squeeze %dma_start3A_1141 : memref<1x16x128xf32, #tpu.memory_space<hbm>> -> memref<16x128xf32, #tpu.memory_space<hbm>>
      %dma_start3A_1143 = arith.constant 0 : i32
      %dma_start3A_1144 = arith.constant 0 : i32
      %dma_start3A_1145 = tpu.memref_slice %arg3[%arg1, %dma_start3A_1143, %dma_start3A_1144] : memref<16x16x128xf32, #tpu.memory_space<hbm>> -> memref<1x16x128xf32, #tpu.memory_space<hbm>>
      %dma_start3A_1146 = tpu.memref_squeeze %dma_start3A_1145 : memref<1x16x128xf32, #tpu.memory_space<hbm>> -> memref<16x128xf32, #tpu.memory_space<hbm>>
      tpu.enqueue_dma source(%dma_start3A_1146 : memref<16x128xf32, #tpu.memory_space<hbm>>) target(%arg5 : memref<16x128xf32, #tpu.memory_space<vmem>>) target_semaphore(%run_scoped3A : memref<!tpu.dma_semaphore, #tpu.memory_space<semaphore_mem>>)
      %dma_wait3A = arith.constant 0 : i32
      %dma_wait3A_1147 = arith.constant 0 : i32
      %dma_wait3A_1148 = tpu.memref_slice %arg3[%arg1, %dma_wait3A, %dma_wait3A_1147] : memref<16x16x128xf32, #tpu.memory_space<hbm>> -> memref<1x16x128xf32, #tpu.memory_space<hbm>>
      %dma_wait3A_1149 = tpu.memref_squeeze %dma_wait3A_1148 : memref<1x16x128xf32, #tpu.memory_space<hbm>> -> memref<16x128xf32, #tpu.memory_space<hbm>>
      %dma_wait3A_1150 = arith.constant 0 : i32
      %dma_wait3A_1151 = arith.constant 0 : i32
      %dma_wait3A_1152 = tpu.memref_slice %arg3[%arg1, %dma_wait3A_1150, %dma_wait3A_1151] : memref<16x16x128xf32, #tpu.memory_space<hbm>> -> memref<1x16x128xf32, #tpu.memory_space<hbm>>
      %dma_wait3A_1153 = tpu.memref_squeeze %dma_wait3A_1152 : memref<1x16x128xf32, #tpu.memory_space<hbm>> -> memref<16x128xf32, #tpu.memory_space<hbm>>
      tpu.wait_dma2 semaphore(%run_scoped3A : memref<!tpu.dma_semaphore, #tpu.memory_space<semaphore_mem>>) src(%dma_wait3A_1153 : memref<16x128xf32, #tpu.memory_space<hbm>>) dst(%arg5 : memref<16x128xf32, #tpu.memory_space<vmem>>)
      tpu.yield
    }) : () -> ()
    "tpu.region"() ({
      %run_scoped3A = tpu.sem_alloc : memref<!tpu.dma_semaphore, #tpu.memory_space<semaphore_mem>>
      %dma_start3A = arith.constant 0 : i32
      %dma_start3A_1140 = tpu.memref_slice %arg2[%arg1, %dma_start3A] : memref<16x128xf32, #tpu.memory_space<hbm>> -> memref<1x128xf32, #tpu.memory_space<hbm>>
      %dma_start3A_1141 = tpu.memref_squeeze %dma_start3A_1140 : memref<1x128xf32, #tpu.memory_space<hbm>> -> memref<128xf32, #tpu.memory_space<hbm>>
      %dma_start3A_1142 = arith.constant 0 : i32
      %dma_start3A_1143 = tpu.memref_slice %arg2[%arg1, %dma_start3A_1142] : memref<16x128xf32, #tpu.memory_space<hbm>> -> memref<1x128xf32, #tpu.memory_space<hbm>>
      %dma_start3A_1144 = tpu.memref_squeeze %dma_start3A_1143 : memref<1x128xf32, #tpu.memory_space<hbm>> -> memref<128xf32, #tpu.memory_space<hbm>>
      tpu.enqueue_dma source(%dma_start3A_1144 : memref<128xf32, #tpu.memory_space<hbm>>) target(%arg6 : memref<128xf32, #tpu.memory_space<vmem>>) target_semaphore(%run_scoped3A : memref<!tpu.dma_semaphore, #tpu.memory_space<semaphore_mem>>)
      %dma_wait3A = arith.constant 0 : i32
      %dma_wait3A_1145 = tpu.memref_slice %arg2[%arg1, %dma_wait3A] : memref<16x128xf32, #tpu.memory_space<hbm>> -> memref<1x128xf32, #tpu.memory_space<hbm>>
      %dma_wait3A_1146 = tpu.memref_squeeze %dma_wait3A_1145 : memref<1x128xf32, #tpu.memory_space<hbm>> -> memref<128xf32, #tpu.memory_space<hbm>>
      %dma_wait3A_1147 = arith.constant 0 : i32
      %dma_wait3A_1148 = tpu.memref_slice %arg2[%arg1, %dma_wait3A_1147] : memref<16x128xf32, #tpu.memory_space<hbm>> -> memref<1x128xf32, #tpu.memory_space<hbm>>
      %dma_wait3A_1149 = tpu.memref_squeeze %dma_wait3A_1148 : memref<1x128xf32, #tpu.memory_space<hbm>> -> memref<128xf32, #tpu.memory_space<hbm>>
      tpu.wait_dma2 semaphore(%run_scoped3A : memref<!tpu.dma_semaphore, #tpu.memory_space<semaphore_mem>>) src(%dma_wait3A_1149 : memref<128xf32, #tpu.memory_space<hbm>>) dst(%arg6 : memref<128xf32, #tpu.memory_space<vmem>>)
      tpu.yield
    }) : () -> ()
    %iota3A = tpu.iota {dimensions = array<i32: 0>} : vector<16xi32>
    %broadcast_in_dim3A = arith.constant 0.000000e+00 : f32
    %broadcast_in_dim3A_0 = vector.broadcast %broadcast_in_dim3A : f32 to vector<16xf32>
    %get3A = arith.constant 0 : index
    %get3A_1 = tpu.vector_load %arg6[%get3A] {strides = array<i32>} : memref<128xf32, #tpu.memory_space<vmem>>, vector<16xf32>,
    %broadcast_in_dim3A_2 = arith.constant 0 : i32
    %broadcast_in_dim3A_3 = vector.broadcast %broadcast_in_dim3A_2 : i32 to vector<16xi32>
    %gather3A = tpu.vector_load_idx %arg5[%iota3A, %broadcast_in_dim3A_3] : memref<16x128xf32, #tpu.memory_space<vmem>>[vector<16xi32>, vector<16xi32>], vector<16xf32>,
    %slice3A = vector.extract_strided_slice %get3A_1 {offsets = [0], sizes = [1], strides = [1]} : vector<16xf32> to vector<1xf32>
    %squeeze3A = vector.extract %slice3A[0] : f32 from vector<1xf32>
    %mul3A = vector.broadcast %squeeze3A : f32 to vector<16xf32>
    %mul3A_4 = arith.mulf %mul3A, %gather3A : vector<16xf32>
    %add3A = arith.addf %broadcast_in_dim3A_0, %mul3A_4 : vector<16xf32>
    %broadcast_in_dim3A_5 = arith.constant 1 : i32
    %broadcast_in_dim3A_6 = vector.broadcast %broadcast_in_dim3A_5 : i32 to vector<16xi32>
    %gather3A_7 = tpu.vector_load_idx %arg5[%iota3A, %broadcast_in_dim3A_6] : memref<16x128xf32, #tpu.memory_space<vmem>>[vector<16xi32>, vector<16xi32>], vector<16xf32>,
    %slice3A_8 = vector.extract_strided_slice %get3A_1 {offsets = [1], sizes = [1], strides = [1]} : vector<16xf32> to vector<1xf32>
    %squeeze3A_9 = vector.extract %slice3A_8[0] : f32 from vector<1xf32>
    %mul3A_10 = vector.broadcast %squeeze3A_9 : f32 to vector<16xf32>
    %mul3A_11 = arith.mulf %mul3A_10, %gather3A_7 : vector<16xf32>
    %add3A_12 = arith.addf %add3A, %mul3A_11 : vector<16xf32>
    %broadcast_in_dim3A_13 = arith.constant 2 : i32
    %broadcast_in_dim3A_14 = vector.broadcast %broadcast_in_dim3A_13 : i32 to vector<16xi32>
    %gather3A_15 = tpu.vector_load_idx %arg5[%iota3A, %broadcast_in_dim3A_14] : memref<16x128xf32, #tpu.memory_space<vmem>>[vector<16xi32>, vector<16xi32>], vector<16xf32>,
    %slice3A_16 = vector.extract_strided_slice %get3A_1 {offsets = [2], sizes = [1], strides = [1]} : vector<16xf32> to vector<1xf32>
    %squeeze3A_17 = vector.extract %slice3A_16[0] : f32 from vector<1xf32>
    %mul3A_18 = vector.broadcast %squeeze3A_17 : f32 to vector<16xf32>
    %mul3A_19 = arith.mulf %mul3A_18, %gather3A_15 : vector<16xf32>
    %add3A_20 = arith.addf %add3A_12, %mul3A_19 : vector<16xf32>
    %broadcast_in_dim3A_21 = arith.constant 3 : i32
    %broadcast_in_dim3A_22 = vector.broadcast %broadcast_in_dim3A_21 : i32 to vector<16xi32>
    %gather3A_23 = tpu.vector_load_idx %arg5[%iota3A, %broadcast_in_dim3A_22] : memref<16x128xf32, #tpu.memory_space<vmem>>[vector<16xi32>, vector<16xi32>], vector<16xf32>,
    %slice3A_24 = vector.extract_strided_slice %get3A_1 {offsets = [3], sizes = [1], strides = [1]} : vector<16xf32> to vector<1xf32>
    %squeeze3A_25 = vector.extract %slice3A_24[0] : f32 from vector<1xf32>
    %mul3A_26 = vector.broadcast %squeeze3A_25 : f32 to vector<16xf32>
    %mul3A_27 = arith.mulf %mul3A_26, %gather3A_23 : vector<16xf32>
    %add3A_28 = arith.addf %add3A_20, %mul3A_27 : vector<16xf32>
    %broadcast_in_dim3A_29 = arith.constant 4 : i32
    %broadcast_in_dim3A_30 = vector.broadcast %broadcast_in_dim3A_29 : i32 to vector<16xi32>
    %gather3A_31 = tpu.vector_load_idx %arg5[%iota3A, %broadcast_in_dim3A_30] : memref<16x128xf32, #tpu.memory_space<vmem>>[vector<16xi32>, vector<16xi32>], vector<16xf32>,
    %slice3A_32 = vector.extract_strided_slice %get3A_1 {offsets = [4], sizes = [1], strides = [1]} : vector<16xf32> to vector<1xf32>
    %squeeze3A_33 = vector.extract %slice3A_32[0] : f32 from vector<1xf32>
    %mul3A_34 = vector.broadcast %squeeze3A_33 : f32 to vector<16xf32>
    %mul3A_35 = arith.mulf %mul3A_34, %gather3A_31 : vector<16xf32>
    %add3A_36 = arith.addf %add3A_28, %mul3A_35 : vector<16xf32>
    %broadcast_in_dim3A_37 = arith.constant 5 : i32
    %broadcast_in_dim3A_38 = vector.broadcast %broadcast_in_dim3A_37 : i32 to vector<16xi32>
    %gather3A_39 = tpu.vector_load_idx %arg5[%iota3A, %broadcast_in_dim3A_38] : memref<16x128xf32, #tpu.memory_space<vmem>>[vector<16xi32>, vector<16xi32>], vector<16xf32>,
    %slice3A_40 = vector.extract_strided_slice %get3A_1 {offsets = [5], sizes = [1], strides = [1]} : vector<16xf32> to vector<1xf32>
    %squeeze3A_41 = vector.extract %slice3A_40[0] : f32 from vector<1xf32>
    %mul3A_42 = vector.broadcast %squeeze3A_41 : f32 to vector<16xf32>
    %mul3A_43 = arith.mulf %mul3A_42, %gather3A_39 : vector<16xf32>
    %add3A_44 = arith.addf %add3A_36, %mul3A_43 : vector<16xf32>
    %broadcast_in_dim3A_45 = arith.constant 6 : i32
    %broadcast_in_dim3A_46 = vector.broadcast %broadcast_in_dim3A_45 : i32 to vector<16xi32>
    %gather3A_47 = tpu.vector_load_idx %arg5[%iota3A, %broadcast_in_dim3A_46] : memref<16x128xf32, #tpu.memory_space<vmem>>[vector<16xi32>, vector<16xi32>], vector<16xf32>,
    %slice3A_48 = vector.extract_strided_slice %get3A_1 {offsets = [6], sizes = [1], strides = [1]} : vector<16xf32> to vector<1xf32>
    %squeeze3A_49 = vector.extract %slice3A_48[0] : f32 from vector<1xf32>
    %mul3A_50 = vector.broadcast %squeeze3A_49 : f32 to vector<16xf32>
    %mul3A_51 = arith.mulf %mul3A_50, %gather3A_47 : vector<16xf32>
    %add3A_52 = arith.addf %add3A_44, %mul3A_51 : vector<16xf32>
    %broadcast_in_dim3A_53 = arith.constant 7 : i32
    %broadcast_in_dim3A_54 = vector.broadcast %broadcast_in_dim3A_53 : i32 to vector<16xi32>
    %gather3A_55 = tpu.vector_load_idx %arg5[%iota3A, %broadcast_in_dim3A_54] : memref<16x128xf32, #tpu.memory_space<vmem>>[vector<16xi32>, vector<16xi32>], vector<16xf32>,
    %slice3A_56 = vector.extract_strided_slice %get3A_1 {offsets = [7], sizes = [1], strides = [1]} : vector<16xf32> to vector<1xf32>
    %squeeze3A_57 = vector.extract %slice3A_56[0] : f32 from vector<1xf32>
    %mul3A_58 = vector.broadcast %squeeze3A_57 : f32 to vector<16xf32>
    %mul3A_59 = arith.mulf %mul3A_58, %gather3A_55 : vector<16xf32>
    %add3A_60 = arith.addf %add3A_52, %mul3A_59 : vector<16xf32>
    %broadcast_in_dim3A_61 = arith.constant 8 : i32
    %broadcast_in_dim3A_62 = vector.broadcast %broadcast_in_dim3A_61 : i32 to vector<16xi32>
    %gather3A_63 = tpu.vector_load_idx %arg5[%iota3A, %broadcast_in_dim3A_62] : memref<16x128xf32, #tpu.memory_space<vmem>>[vector<16xi32>, vector<16xi32>], vector<16xf32>,
    %slice3A_64 = vector.extract_strided_slice %get3A_1 {offsets = [8], sizes = [1], strides = [1]} : vector<16xf32> to vector<1xf32>
    %squeeze3A_65 = vector.extract %slice3A_64[0] : f32 from vector<1xf32>
    %mul3A_66 = vector.broadcast %squeeze3A_65 : f32 to vector<16xf32>
    %mul3A_67 = arith.mulf %mul3A_66, %gather3A_63 : vector<16xf32>
    %add3A_68 = arith.addf %add3A_60, %mul3A_67 : vector<16xf32>
    %broadcast_in_dim3A_69 = arith.constant 9 : i32
    %broadcast_in_dim3A_70 = vector.broadcast %broadcast_in_dim3A_69 : i32 to vector<16xi32>
    %gather3A_71 = tpu.vector_load_idx %arg5[%iota3A, %broadcast_in_dim3A_70] : memref<16x128xf32, #tpu.memory_space<vmem>>[vector<16xi32>, vector<16xi32>], vector<16xf32>,
    %slice3A_72 = vector.extract_strided_slice %get3A_1 {offsets = [9], sizes = [1], strides = [1]} : vector<16xf32> to vector<1xf32>
    %squeeze3A_73 = vector.extract %slice3A_72[0] : f32 from vector<1xf32>
    %mul3A_74 = vector.broadcast %squeeze3A_73 : f32 to vector<16xf32>
    %mul3A_75 = arith.mulf %mul3A_74, %gather3A_71 : vector<16xf32>
    %add3A_76 = arith.addf %add3A_68, %mul3A_75 : vector<16xf32>
    %broadcast_in_dim3A_77 = arith.constant 10 : i32
    %broadcast_in_dim3A_78 = vector.broadcast %broadcast_in_dim3A_77 : i32 to vector<16xi32>
    %gather3A_79 = tpu.vector_load_idx %arg5[%iota3A, %broadcast_in_dim3A_78] : memref<16x128xf32, #tpu.memory_space<vmem>>[vector<16xi32>, vector<16xi32>], vector<16xf32>,
    %slice3A_80 = vector.extract_strided_slice %get3A_1 {offsets = [10], sizes = [1], strides = [1]} : vector<16xf32> to vector<1xf32>
    %squeeze3A_81 = vector.extract %slice3A_80[0] : f32 from vector<1xf32>
    %mul3A_82 = vector.broadcast %squeeze3A_81 : f32 to vector<16xf32>
    %mul3A_83 = arith.mulf %mul3A_82, %gather3A_79 : vector<16xf32>
    %add3A_84 = arith.addf %add3A_76, %mul3A_83 : vector<16xf32>
    %broadcast_in_dim3A_85 = arith.constant 11 : i32
    %broadcast_in_dim3A_86 = vector.broadcast %broadcast_in_dim3A_85 : i32 to vector<16xi32>
    %gather3A_87 = tpu.vector_load_idx %arg5[%iota3A, %broadcast_in_dim3A_86] : memref<16x128xf32, #tpu.memory_space<vmem>>[vector<16xi32>, vector<16xi32>], vector<16xf32>,
    %slice3A_88 = vector.extract_strided_slice %get3A_1 {offsets = [11], sizes = [1], strides = [1]} : vector<16xf32> to vector<1xf32>
    %squeeze3A_89 = vector.extract %slice3A_88[0] : f32 from vector<1xf32>
    %mul3A_90 = vector.broadcast %squeeze3A_89 : f32 to vector<16xf32>
    %mul3A_91 = arith.mulf %mul3A_90, %gather3A_87 : vector<16xf32>
    %add3A_92 = arith.addf %add3A_84, %mul3A_91 : vector<16xf32>
    %broadcast_in_dim3A_93 = arith.constant 12 : i32
    %broadcast_in_dim3A_94 = vector.broadcast %broadcast_in_dim3A_93 : i32 to vector<16xi32>
    %gather3A_95 = tpu.vector_load_idx %arg5[%iota3A, %broadcast_in_dim3A_94] : memref<16x128xf32, #tpu.memory_space<vmem>>[vector<16xi32>, vector<16xi32>], vector<16xf32>,
    %slice3A_96 = vector.extract_strided_slice %get3A_1 {offsets = [12], sizes = [1], strides = [1]} : vector<16xf32> to vector<1xf32>
    %squeeze3A_97 = vector.extract %slice3A_96[0] : f32 from vector<1xf32>
    %mul3A_98 = vector.broadcast %squeeze3A_97 : f32 to vector<16xf32>
    %mul3A_99 = arith.mulf %mul3A_98, %gather3A_95 : vector<16xf32>
    %add3A_100 = arith.addf %add3A_92, %mul3A_99 : vector<16xf32>
    %broadcast_in_dim3A_101 = arith.constant 13 : i32
    %broadcast_in_dim3A_102 = vector.broadcast %broadcast_in_dim3A_101 : i32 to vector<16xi32>
    %gather3A_103 = tpu.vector_load_idx %arg5[%iota3A, %broadcast_in_dim3A_102] : memref<16x128xf32, #tpu.memory_space<vmem>>[vector<16xi32>, vector<16xi32>], vector<16xf32>,
    %slice3A_104 = vector.extract_strided_slice %get3A_1 {offsets = [13], sizes = [1], strides = [1]} : vector<16xf32> to vector<1xf32>
    %squeeze3A_105 = vector.extract %slice3A_104[0] : f32 from vector<1xf32>
    %mul3A_106 = vector.broadcast %squeeze3A_105 : f32 to vector<16xf32>
    %mul3A_107 = arith.mulf %mul3A_106, %gather3A_103 : vector<16xf32>
    %add3A_108 = arith.addf %add3A_100, %mul3A_107 : vector<16xf32>
    %broadcast_in_dim3A_109 = arith.constant 14 : i32
    %broadcast_in_dim3A_110 = vector.broadcast %broadcast_in_dim3A_109 : i32 to vector<16xi32>
    %gather3A_111 = tpu.vector_load_idx %arg5[%iota3A, %broadcast_in_dim3A_110] : memref<16x128xf32, #tpu.memory_space<vmem>>[vector<16xi32>, vector<16xi32>], vector<16xf32>,
    %slice3A_112 = vector.extract_strided_slice %get3A_1 {offsets = [14], sizes = [1], strides = [1]} : vector<16xf32> to vector<1xf32>
    %squeeze3A_113 = vector.extract %slice3A_112[0] : f32 from vector<1xf32>
    %mul3A_114 = vector.broadcast %squeeze3A_113 : f32 to vector<16xf32>
    %mul3A_115 = arith.mulf %mul3A_114, %gather3A_111 : vector<16xf32>
    %add3A_116 = arith.addf %add3A_108, %mul3A_115 : vector<16xf32>
    %broadcast_in_dim3A_117 = arith.constant 15 : i32
    %broadcast_in_dim3A_118 = vector.broadcast %broadcast_in_dim3A_117 : i32 to vector<16xi32>
    %gather3A_119 = tpu.vector_load_idx %arg5[%iota3A, %broadcast_in_dim3A_118] : memref<16x128xf32, #tpu.memory_space<vmem>>[vector<16xi32>, vector<16xi32>], vector<16xf32>,
    %slice3A_120 = vector.extract_strided_slice %get3A_1 {offsets = [15], sizes = [1], strides = [1]} : vector<16xf32> to vector<1xf32>
    %squeeze3A_121 = vector.extract %slice3A_120[0] : f32 from vector<1xf32>
    %mul3A_122 = vector.broadcast %squeeze3A_121 : f32 to vector<16xf32>
    %mul3A_123 = arith.mulf %mul3A_122, %gather3A_119 : vector<16xf32>
    %add3A_124 = arith.addf %add3A_116, %mul3A_123 : vector<16xf32>
    %get3A_125 = arith.constant 16 : index
    %get3A_126 = tpu.vector_load %arg6[%get3A_125] {strides = array<i32>} : memref<128xf32, #tpu.memory_space<vmem>>, vector<16xf32>,
    %broadcast_in_dim3A_127 = arith.constant 16 : i32
    %broadcast_in_dim3A_128 = vector.broadcast %broadcast_in_dim3A_127 : i32 to vector<16xi32>
    %gather3A_129 = tpu.vector_load_idx %arg5[%iota3A, %broadcast_in_dim3A_128] : memref<16x128xf32, #tpu.memory_space<vmem>>[vector<16xi32>, vector<16xi32>], vector<16xf32>,
    %slice3A_130 = vector.extract_strided_slice %get3A_126 {offsets = [0], sizes = [1], strides = [1]} : vector<16xf32> to vector<1xf32>
    %squeeze3A_131 = vector.extract %slice3A_130[0] : f32 from vector<1xf32>
    %mul3A_132 = vector.broadcast %squeeze3A_131 : f32 to vector<16xf32>
    %mul3A_133 = arith.mulf %mul3A_132, %gather3A_129 : vector<16xf32>
    %add3A_134 = arith.addf %add3A_124, %mul3A_133 : vector<16xf32>
    %broadcast_in_dim3A_135 = arith.constant 17 : i32
    %broadcast_in_dim3A_136 = vector.broadcast %broadcast_in_dim3A_135 : i32 to vector<16xi32>
    %gather3A_137 = tpu.vector_load_idx %arg5[%iota3A, %broadcast_in_dim3A_136] : memref<16x128xf32, #tpu.memory_space<vmem>>[vector<16xi32>, vector<16xi32>], vector<16xf32>,
    %slice3A_138 = vector.extract_strided_slice %get3A_126 {offsets = [1], sizes = [1], strides = [1]} : vector<16xf32> to vector<1xf32>
    %squeeze3A_139 = vector.extract %slice3A_138[0] : f32 from vector<1xf32>
    %mul3A_140 = vector.broadcast %squeeze3A_139 : f32 to vector<16xf32>
    %mul3A_141 = arith.mulf %mul3A_140, %gather3A_137 : vector<16xf32>
    %add3A_142 = arith.addf %add3A_134, %mul3A_141 : vector<16xf32>
    %broadcast_in_dim3A_143 = arith.constant 18 : i32
    %broadcast_in_dim3A_144 = vector.broadcast %broadcast_in_dim3A_143 : i32 to vector<16xi32>
    %gather3A_145 = tpu.vector_load_idx %arg5[%iota3A, %broadcast_in_dim3A_144] : memref<16x128xf32, #tpu.memory_space<vmem>>[vector<16xi32>, vector<16xi32>], vector<16xf32>,
    %slice3A_146 = vector.extract_strided_slice %get3A_126 {offsets = [2], sizes = [1], strides = [1]} : vector<16xf32> to vector<1xf32>
    %squeeze3A_147 = vector.extract %slice3A_146[0] : f32 from vector<1xf32>
    %mul3A_148 = vector.broadcast %squeeze3A_147 : f32 to vector<16xf32>
    %mul3A_149 = arith.mulf %mul3A_148, %gather3A_145 : vector<16xf32>
    %add3A_150 = arith.addf %add3A_142, %mul3A_149 : vector<16xf32>
    %broadcast_in_dim3A_151 = arith.constant 19 : i32
    %broadcast_in_dim3A_152 = vector.broadcast %broadcast_in_dim3A_151 : i32 to vector<16xi32>
    %gather3A_153 = tpu.vector_load_idx %arg5[%iota3A, %broadcast_in_dim3A_152] : memref<16x128xf32, #tpu.memory_space<vmem>>[vector<16xi32>, vector<16xi32>], vector<16xf32>,
    %slice3A_154 = vector.extract_strided_slice %get3A_126 {offsets = [3], sizes = [1], strides = [1]} : vector<16xf32> to vector<1xf32>
    %squeeze3A_155 = vector.extract %slice3A_154[0] : f32 from vector<1xf32>
    %mul3A_156 = vector.broadcast %squeeze3A_155 : f32 to vector<16xf32>
    %mul3A_157 = arith.mulf %mul3A_156, %gather3A_153 : vector<16xf32>
    %add3A_158 = arith.addf %add3A_150, %mul3A_157 : vector<16xf32>
    %broadcast_in_dim3A_159 = arith.constant 20 : i32
    %broadcast_in_dim3A_160 = vector.broadcast %broadcast_in_dim3A_159 : i32 to vector<16xi32>
    %gather3A_161 = tpu.vector_load_idx %arg5[%iota3A, %broadcast_in_dim3A_160] : memref<16x128xf32, #tpu.memory_space<vmem>>[vector<16xi32>, vector<16xi32>], vector<16xf32>,
    %slice3A_162 = vector.extract_strided_slice %get3A_126 {offsets = [4], sizes = [1], strides = [1]} : vector<16xf32> to vector<1xf32>
    %squeeze3A_163 = vector.extract %slice3A_162[0] : f32 from vector<1xf32>
    %mul3A_164 = vector.broadcast %squeeze3A_163 : f32 to vector<16xf32>
    %mul3A_165 = arith.mulf %mul3A_164, %gather3A_161 : vector<16xf32>
    %add3A_166 = arith.addf %add3A_158, %mul3A_165 : vector<16xf32>
    %broadcast_in_dim3A_167 = arith.constant 21 : i32
    %broadcast_in_dim3A_168 = vector.broadcast %broadcast_in_dim3A_167 : i32 to vector<16xi32>
    %gather3A_169 = tpu.vector_load_idx %arg5[%iota3A, %broadcast_in_dim3A_168] : memref<16x128xf32, #tpu.memory_space<vmem>>[vector<16xi32>, vector<16xi32>], vector<16xf32>,
    %slice3A_170 = vector.extract_strided_slice %get3A_126 {offsets = [5], sizes = [1], strides = [1]} : vector<16xf32> to vector<1xf32>
    %squeeze3A_171 = vector.extract %slice3A_170[0] : f32 from vector<1xf32>
    %mul3A_172 = vector.broadcast %squeeze3A_171 : f32 to vector<16xf32>
    %mul3A_173 = arith.mulf %mul3A_172, %gather3A_169 : vector<16xf32>
    %add3A_174 = arith.addf %add3A_166, %mul3A_173 : vector<16xf32>
    %broadcast_in_dim3A_175 = arith.constant 22 : i32
    %broadcast_in_dim3A_176 = vector.broadcast %broadcast_in_dim3A_175 : i32 to vector<16xi32>
    %gather3A_177 = tpu.vector_load_idx %arg5[%iota3A, %broadcast_in_dim3A_176] : memref<16x128xf32, #tpu.memory_space<vmem>>[vector<16xi32>, vector<16xi32>], vector<16xf32>,
    %slice3A_178 = vector.extract_strided_slice %get3A_126 {offsets = [6], sizes = [1], strides = [1]} : vector<16xf32> to vector<1xf32>
    %squeeze3A_179 = vector.extract %slice3A_178[0] : f32 from vector<1xf32>
    %mul3A_180 = vector.broadcast %squeeze3A_179 : f32 to vector<16xf32>
    %mul3A_181 = arith.mulf %mul3A_180, %gather3A_177 : vector<16xf32>
    %add3A_182 = arith.addf %add3A_174, %mul3A_181 : vector<16xf32>
    %broadcast_in_dim3A_183 = arith.constant 23 : i32
    %broadcast_in_dim3A_184 = vector.broadcast %broadcast_in_dim3A_183 : i32 to vector<16xi32>
    %gather3A_185 = tpu.vector_load_idx %arg5[%iota3A, %broadcast_in_dim3A_184] : memref<16x128xf32, #tpu.memory_space<vmem>>[vector<16xi32>, vector<16xi32>], vector<16xf32>,
    %slice3A_186 = vector.extract_strided_slice %get3A_126 {offsets = [7], sizes = [1], strides = [1]} : vector<16xf32> to vector<1xf32>
    %squeeze3A_187 = vector.extract %slice3A_186[0] : f32 from vector<1xf32>
    %mul3A_188 = vector.broadcast %squeeze3A_187 : f32 to vector<16xf32>
    %mul3A_189 = arith.mulf %mul3A_188, %gather3A_185 : vector<16xf32>
    %add3A_190 = arith.addf %add3A_182, %mul3A_189 : vector<16xf32>
    %broadcast_in_dim3A_191 = arith.constant 24 : i32
    %broadcast_in_dim3A_192 = vector.broadcast %broadcast_in_dim3A_191 : i32 to vector<16xi32>
    %gather3A_193 = tpu.vector_load_idx %arg5[%iota3A, %broadcast_in_dim3A_192] : memref<16x128xf32, #tpu.memory_space<vmem>>[vector<16xi32>, vector<16xi32>], vector<16xf32>,
    %slice3A_194 = vector.extract_strided_slice %get3A_126 {offsets = [8], sizes = [1], strides = [1]} : vector<16xf32> to vector<1xf32>
    %squeeze3A_195 = vector.extract %slice3A_194[0] : f32 from vector<1xf32>
    %mul3A_196 = vector.broadcast %squeeze3A_195 : f32 to vector<16xf32>
    %mul3A_197 = arith.mulf %mul3A_196, %gather3A_193 : vector<16xf32>
    %add3A_198 = arith.addf %add3A_190, %mul3A_197 : vector<16xf32>
    %broadcast_in_dim3A_199 = arith.constant 25 : i32
    %broadcast_in_dim3A_200 = vector.broadcast %broadcast_in_dim3A_199 : i32 to vector<16xi32>
    %gather3A_201 = tpu.vector_load_idx %arg5[%iota3A, %broadcast_in_dim3A_200] : memref<16x128xf32, #tpu.memory_space<vmem>>[vector<16xi32>, vector<16xi32>], vector<16xf32>,
    %slice3A_202 = vector.extract_strided_slice %get3A_126 {offsets = [9], sizes = [1], strides = [1]} : vector<16xf32> to vector<1xf32>
    %squeeze3A_203 = vector.extract %slice3A_202[0] : f32 from vector<1xf32>
    %mul3A_204 = vector.broadcast %squeeze3A_203 : f32 to vector<16xf32>
    %mul3A_205 = arith.mulf %mul3A_204, %gather3A_201 : vector<16xf32>
    %add3A_206 = arith.addf %add3A_198, %mul3A_205 : vector<16xf32>
    %broadcast_in_dim3A_207 = arith.constant 26 : i32
    %broadcast_in_dim3A_208 = vector.broadcast %broadcast_in_dim3A_207 : i32 to vector<16xi32>
    %gather3A_209 = tpu.vector_load_idx %arg5[%iota3A, %broadcast_in_dim3A_208] : memref<16x128xf32, #tpu.memory_space<vmem>>[vector<16xi32>, vector<16xi32>], vector<16xf32>,
    %slice3A_210 = vector.extract_strided_slice %get3A_126 {offsets = [10], sizes = [1], strides = [1]} : vector<16xf32> to vector<1xf32>
    %squeeze3A_211 = vector.extract %slice3A_210[0] : f32 from vector<1xf32>
    %mul3A_212 = vector.broadcast %squeeze3A_211 : f32 to vector<16xf32>
    %mul3A_213 = arith.mulf %mul3A_212, %gather3A_209 : vector<16xf32>
    %add3A_214 = arith.addf %add3A_206, %mul3A_213 : vector<16xf32>
    %broadcast_in_dim3A_215 = arith.constant 27 : i32
    %broadcast_in_dim3A_216 = vector.broadcast %broadcast_in_dim3A_215 : i32 to vector<16xi32>
    %gather3A_217 = tpu.vector_load_idx %arg5[%iota3A, %broadcast_in_dim3A_216] : memref<16x128xf32, #tpu.memory_space<vmem>>[vector<16xi32>, vector<16xi32>], vector<16xf32>,
    %slice3A_218 = vector.extract_strided_slice %get3A_126 {offsets = [11], sizes = [1], strides = [1]} : vector<16xf32> to vector<1xf32>
    %squeeze3A_219 = vector.extract %slice3A_218[0] : f32 from vector<1xf32>
    %mul3A_220 = vector.broadcast %squeeze3A_219 : f32 to vector<16xf32>
    %mul3A_221 = arith.mulf %mul3A_220, %gather3A_217 : vector<16xf32>
    %add3A_222 = arith.addf %add3A_214, %mul3A_221 : vector<16xf32>
    %broadcast_in_dim3A_223 = arith.constant 28 : i32
    %broadcast_in_dim3A_224 = vector.broadcast %broadcast_in_dim3A_223 : i32 to vector<16xi32>
    %gather3A_225 = tpu.vector_load_idx %arg5[%iota3A, %broadcast_in_dim3A_224] : memref<16x128xf32, #tpu.memory_space<vmem>>[vector<16xi32>, vector<16xi32>], vector<16xf32>,
    %slice3A_226 = vector.extract_strided_slice %get3A_126 {offsets = [12], sizes = [1], strides = [1]} : vector<16xf32> to vector<1xf32>
    %squeeze3A_227 = vector.extract %slice3A_226[0] : f32 from vector<1xf32>
    %mul3A_228 = vector.broadcast %squeeze3A_227 : f32 to vector<16xf32>
    %mul3A_229 = arith.mulf %mul3A_228, %gather3A_225 : vector<16xf32>
    %add3A_230 = arith.addf %add3A_222, %mul3A_229 : vector<16xf32>
    %broadcast_in_dim3A_231 = arith.constant 29 : i32
    %broadcast_in_dim3A_232 = vector.broadcast %broadcast_in_dim3A_231 : i32 to vector<16xi32>
    %gather3A_233 = tpu.vector_load_idx %arg5[%iota3A, %broadcast_in_dim3A_232] : memref<16x128xf32, #tpu.memory_space<vmem>>[vector<16xi32>, vector<16xi32>], vector<16xf32>,
    %slice3A_234 = vector.extract_strided_slice %get3A_126 {offsets = [13], sizes = [1], strides = [1]} : vector<16xf32> to vector<1xf32>
    %squeeze3A_235 = vector.extract %slice3A_234[0] : f32 from vector<1xf32>
    %mul3A_236 = vector.broadcast %squeeze3A_235 : f32 to vector<16xf32>
    %mul3A_237 = arith.mulf %mul3A_236, %gather3A_233 : vector<16xf32>
    %add3A_238 = arith.addf %add3A_230, %mul3A_237 : vector<16xf32>
    %broadcast_in_dim3A_239 = arith.constant 30 : i32
    %broadcast_in_dim3A_240 = vector.broadcast %broadcast_in_dim3A_239 : i32 to vector<16xi32>
    %gather3A_241 = tpu.vector_load_idx %arg5[%iota3A, %broadcast_in_dim3A_240] : memref<16x128xf32, #tpu.memory_space<vmem>>[vector<16xi32>, vector<16xi32>], vector<16xf32>,
    %slice3A_242 = vector.extract_strided_slice %get3A_126 {offsets = [14], sizes = [1], strides = [1]} : vector<16xf32> to vector<1xf32>
    %squeeze3A_243 = vector.extract %slice3A_242[0] : f32 from vector<1xf32>
    %mul3A_244 = vector.broadcast %squeeze3A_243 : f32 to vector<16xf32>
    %mul3A_245 = arith.mulf %mul3A_244, %gather3A_241 : vector<16xf32>
    %add3A_246 = arith.addf %add3A_238, %mul3A_245 : vector<16xf32>
    %broadcast_in_dim3A_247 = arith.constant 31 : i32
    %broadcast_in_dim3A_248 = vector.broadcast %broadcast_in_dim3A_247 : i32 to vector<16xi32>
    %gather3A_249 = tpu.vector_load_idx %arg5[%iota3A, %broadcast_in_dim3A_248] : memref<16x128xf32, #tpu.memory_space<vmem>>[vector<16xi32>, vector<16xi32>], vector<16xf32>,
    %slice3A_250 = vector.extract_strided_slice %get3A_126 {offsets = [15], sizes = [1], strides = [1]} : vector<16xf32> to vector<1xf32>
    %squeeze3A_251 = vector.extract %slice3A_250[0] : f32 from vector<1xf32>
    %mul3A_252 = vector.broadcast %squeeze3A_251 : f32 to vector<16xf32>
    %mul3A_253 = arith.mulf %mul3A_252, %gather3A_249 : vector<16xf32>
    %add3A_254 = arith.addf %add3A_246, %mul3A_253 : vector<16xf32>
    %get3A_255 = arith.constant 32 : index
    %get3A_256 = tpu.vector_load %arg6[%get3A_255] {strides = array<i32>} : memref<128xf32, #tpu.memory_space<vmem>>, vector<16xf32>,
    %broadcast_in_dim3A_257 = arith.constant 32 : i32
    %broadcast_in_dim3A_258 = vector.broadcast %broadcast_in_dim3A_257 : i32 to vector<16xi32>
    %gather3A_259 = tpu.vector_load_idx %arg5[%iota3A, %broadcast_in_dim3A_258] : memref<16x128xf32, #tpu.memory_space<vmem>>[vector<16xi32>, vector<16xi32>], vector<16xf32>,
    %slice3A_260 = vector.extract_strided_slice %get3A_256 {offsets = [0], sizes = [1], strides = [1]} : vector<16xf32> to vector<1xf32>
    %squeeze3A_261 = vector.extract %slice3A_260[0] : f32 from vector<1xf32>
    %mul3A_262 = vector.broadcast %squeeze3A_261 : f32 to vector<16xf32>
    %mul3A_263 = arith.mulf %mul3A_262, %gather3A_259 : vector<16xf32>
    %add3A_264 = arith.addf %add3A_254, %mul3A_263 : vector<16xf32>
    %broadcast_in_dim3A_265 = arith.constant 33 : i32
    %broadcast_in_dim3A_266 = vector.broadcast %broadcast_in_dim3A_265 : i32 to vector<16xi32>
    %gather3A_267 = tpu.vector_load_idx %arg5[%iota3A, %broadcast_in_dim3A_266] : memref<16x128xf32, #tpu.memory_space<vmem>>[vector<16xi32>, vector<16xi32>], vector<16xf32>,
    %slice3A_268 = vector.extract_strided_slice %get3A_256 {offsets = [1], sizes = [1], strides = [1]} : vector<16xf32> to vector<1xf32>
    %squeeze3A_269 = vector.extract %slice3A_268[0] : f32 from vector<1xf32>
    %mul3A_270 = vector.broadcast %squeeze3A_269 : f32 to vector<16xf32>
    %mul3A_271 = arith.mulf %mul3A_270, %gather3A_267 : vector<16xf32>
    %add3A_272 = arith.addf %add3A_264, %mul3A_271 : vector<16xf32>
    %broadcast_in_dim3A_273 = arith.constant 34 : i32
    %broadcast_in_dim3A_274 = vector.broadcast %broadcast_in_dim3A_273 : i32 to vector<16xi32>
    %gather3A_275 = tpu.vector_load_idx %arg5[%iota3A, %broadcast_in_dim3A_274] : memref<16x128xf32, #tpu.memory_space<vmem>>[vector<16xi32>, vector<16xi32>], vector<16xf32>,
    %slice3A_276 = vector.extract_strided_slice %get3A_256 {offsets = [2], sizes = [1], strides = [1]} : vector<16xf32> to vector<1xf32>
    %squeeze3A_277 = vector.extract %slice3A_276[0] : f32 from vector<1xf32>
    %mul3A_278 = vector.broadcast %squeeze3A_277 : f32 to vector<16xf32>
    %mul3A_279 = arith.mulf %mul3A_278, %gather3A_275 : vector<16xf32>
    %add3A_280 = arith.addf %add3A_272, %mul3A_279 : vector<16xf32>
    %broadcast_in_dim3A_281 = arith.constant 35 : i32
    %broadcast_in_dim3A_282 = vector.broadcast %broadcast_in_dim3A_281 : i32 to vector<16xi32>
    %gather3A_283 = tpu.vector_load_idx %arg5[%iota3A, %broadcast_in_dim3A_282] : memref<16x128xf32, #tpu.memory_space<vmem>>[vector<16xi32>, vector<16xi32>], vector<16xf32>,
    %slice3A_284 = vector.extract_strided_slice %get3A_256 {offsets = [3], sizes = [1], strides = [1]} : vector<16xf32> to vector<1xf32>
    %squeeze3A_285 = vector.extract %slice3A_284[0] : f32 from vector<1xf32>
    %mul3A_286 = vector.broadcast %squeeze3A_285 : f32 to vector<16xf32>
    %mul3A_287 = arith.mulf %mul3A_286, %gather3A_283 : vector<16xf32>
    %add3A_288 = arith.addf %add3A_280, %mul3A_287 : vector<16xf32>
    %broadcast_in_dim3A_289 = arith.constant 36 : i32
    %broadcast_in_dim3A_290 = vector.broadcast %broadcast_in_dim3A_289 : i32 to vector<16xi32>
    %gather3A_291 = tpu.vector_load_idx %arg5[%iota3A, %broadcast_in_dim3A_290] : memref<16x128xf32, #tpu.memory_space<vmem>>[vector<16xi32>, vector<16xi32>], vector<16xf32>,
    %slice3A_292 = vector.extract_strided_slice %get3A_256 {offsets = [4], sizes = [1], strides = [1]} : vector<16xf32> to vector<1xf32>
    %squeeze3A_293 = vector.extract %slice3A_292[0] : f32 from vector<1xf32>
    %mul3A_294 = vector.broadcast %squeeze3A_293 : f32 to vector<16xf32>
    %mul3A_295 = arith.mulf %mul3A_294, %gather3A_291 : vector<16xf32>
    %add3A_296 = arith.addf %add3A_288, %mul3A_295 : vector<16xf32>
    %broadcast_in_dim3A_297 = arith.constant 37 : i32
    %broadcast_in_dim3A_298 = vector.broadcast %broadcast_in_dim3A_297 : i32 to vector<16xi32>
    %gather3A_299 = tpu.vector_load_idx %arg5[%iota3A, %broadcast_in_dim3A_298] : memref<16x128xf32, #tpu.memory_space<vmem>>[vector<16xi32>, vector<16xi32>], vector<16xf32>,
    %slice3A_300 = vector.extract_strided_slice %get3A_256 {offsets = [5], sizes = [1], strides = [1]} : vector<16xf32> to vector<1xf32>
    %squeeze3A_301 = vector.extract %slice3A_300[0] : f32 from vector<1xf32>
    %mul3A_302 = vector.broadcast %squeeze3A_301 : f32 to vector<16xf32>
    %mul3A_303 = arith.mulf %mul3A_302, %gather3A_299 : vector<16xf32>
    %add3A_304 = arith.addf %add3A_296, %mul3A_303 : vector<16xf32>
    %broadcast_in_dim3A_305 = arith.constant 38 : i32
    %broadcast_in_dim3A_306 = vector.broadcast %broadcast_in_dim3A_305 : i32 to vector<16xi32>
    %gather3A_307 = tpu.vector_load_idx %arg5[%iota3A, %broadcast_in_dim3A_306] : memref<16x128xf32, #tpu.memory_space<vmem>>[vector<16xi32>, vector<16xi32>], vector<16xf32>,
    %slice3A_308 = vector.extract_strided_slice %get3A_256 {offsets = [6], sizes = [1], strides = [1]} : vector<16xf32> to vector<1xf32>
    %squeeze3A_309 = vector.extract %slice3A_308[0] : f32 from vector<1xf32>
    %mul3A_310 = vector.broadcast %squeeze3A_309 : f32 to vector<16xf32>
    %mul3A_311 = arith.mulf %mul3A_310, %gather3A_307 : vector<16xf32>
    %add3A_312 = arith.addf %add3A_304, %mul3A_311 : vector<16xf32>
    %broadcast_in_dim3A_313 = arith.constant 39 : i32
    %broadcast_in_dim3A_314 = vector.broadcast %broadcast_in_dim3A_313 : i32 to vector<16xi32>
    %gather3A_315 = tpu.vector_load_idx %arg5[%iota3A, %broadcast_in_dim3A_314] : memref<16x128xf32, #tpu.memory_space<vmem>>[vector<16xi32>, vector<16xi32>], vector<16xf32>,
    %slice3A_316 = vector.extract_strided_slice %get3A_256 {offsets = [7], sizes = [1], strides = [1]} : vector<16xf32> to vector<1xf32>
    %squeeze3A_317 = vector.extract %slice3A_316[0] : f32 from vector<1xf32>
    %mul3A_318 = vector.broadcast %squeeze3A_317 : f32 to vector<16xf32>
    %mul3A_319 = arith.mulf %mul3A_318, %gather3A_315 : vector<16xf32>
    %add3A_320 = arith.addf %add3A_312, %mul3A_319 : vector<16xf32>
    %broadcast_in_dim3A_321 = arith.constant 40 : i32
    %broadcast_in_dim3A_322 = vector.broadcast %broadcast_in_dim3A_321 : i32 to vector<16xi32>
    %gather3A_323 = tpu.vector_load_idx %arg5[%iota3A, %broadcast_in_dim3A_322] : memref<16x128xf32, #tpu.memory_space<vmem>>[vector<16xi32>, vector<16xi32>], vector<16xf32>,
    %slice3A_324 = vector.extract_strided_slice %get3A_256 {offsets = [8], sizes = [1], strides = [1]} : vector<16xf32> to vector<1xf32>
    %squeeze3A_325 = vector.extract %slice3A_324[0] : f32 from vector<1xf32>
    %mul3A_326 = vector.broadcast %squeeze3A_325 : f32 to vector<16xf32>
    %mul3A_327 = arith.mulf %mul3A_326, %gather3A_323 : vector<16xf32>
    %add3A_328 = arith.addf %add3A_320, %mul3A_327 : vector<16xf32>
    %broadcast_in_dim3A_329 = arith.constant 41 : i32
    %broadcast_in_dim3A_330 = vector.broadcast %broadcast_in_dim3A_329 : i32 to vector<16xi32>
    %gather3A_331 = tpu.vector_load_idx %arg5[%iota3A, %broadcast_in_dim3A_330] : memref<16x128xf32, #tpu.memory_space<vmem>>[vector<16xi32>, vector<16xi32>], vector<16xf32>,
    %slice3A_332 = vector.extract_strided_slice %get3A_256 {offsets = [9], sizes = [1], strides = [1]} : vector<16xf32> to vector<1xf32>
    %squeeze3A_333 = vector.extract %slice3A_332[0] : f32 from vector<1xf32>
    %mul3A_334 = vector.broadcast %squeeze3A_333 : f32 to vector<16xf32>
    %mul3A_335 = arith.mulf %mul3A_334, %gather3A_331 : vector<16xf32>
    %add3A_336 = arith.addf %add3A_328, %mul3A_335 : vector<16xf32>
    %broadcast_in_dim3A_337 = arith.constant 42 : i32
    %broadcast_in_dim3A_338 = vector.broadcast %broadcast_in_dim3A_337 : i32 to vector<16xi32>
    %gather3A_339 = tpu.vector_load_idx %arg5[%iota3A, %broadcast_in_dim3A_338] : memref<16x128xf32, #tpu.memory_space<vmem>>[vector<16xi32>, vector<16xi32>], vector<16xf32>,
    %slice3A_340 = vector.extract_strided_slice %get3A_256 {offsets = [10], sizes = [1], strides = [1]} : vector<16xf32> to vector<1xf32>
    %squeeze3A_341 = vector.extract %slice3A_340[0] : f32 from vector<1xf32>
    %mul3A_342 = vector.broadcast %squeeze3A_341 : f32 to vector<16xf32>
    %mul3A_343 = arith.mulf %mul3A_342, %gather3A_339 : vector<16xf32>
    %add3A_344 = arith.addf %add3A_336, %mul3A_343 : vector<16xf32>
    %broadcast_in_dim3A_345 = arith.constant 43 : i32
    %broadcast_in_dim3A_346 = vector.broadcast %broadcast_in_dim3A_345 : i32 to vector<16xi32>
    %gather3A_347 = tpu.vector_load_idx %arg5[%iota3A, %broadcast_in_dim3A_346] : memref<16x128xf32, #tpu.memory_space<vmem>>[vector<16xi32>, vector<16xi32>], vector<16xf32>,
    %slice3A_348 = vector.extract_strided_slice %get3A_256 {offsets = [11], sizes = [1], strides = [1]} : vector<16xf32> to vector<1xf32>
    %squeeze3A_349 = vector.extract %slice3A_348[0] : f32 from vector<1xf32>
    %mul3A_350 = vector.broadcast %squeeze3A_349 : f32 to vector<16xf32>
    %mul3A_351 = arith.mulf %mul3A_350, %gather3A_347 : vector<16xf32>
    %add3A_352 = arith.addf %add3A_344, %mul3A_351 : vector<16xf32>
    %broadcast_in_dim3A_353 = arith.constant 44 : i32
    %broadcast_in_dim3A_354 = vector.broadcast %broadcast_in_dim3A_353 : i32 to vector<16xi32>
    %gather3A_355 = tpu.vector_load_idx %arg5[%iota3A, %broadcast_in_dim3A_354] : memref<16x128xf32, #tpu.memory_space<vmem>>[vector<16xi32>, vector<16xi32>], vector<16xf32>,
    %slice3A_356 = vector.extract_strided_slice %get3A_256 {offsets = [12], sizes = [1], strides = [1]} : vector<16xf32> to vector<1xf32>
    %squeeze3A_357 = vector.extract %slice3A_356[0] : f32 from vector<1xf32>
    %mul3A_358 = vector.broadcast %squeeze3A_357 : f32 to vector<16xf32>
    %mul3A_359 = arith.mulf %mul3A_358, %gather3A_355 : vector<16xf32>
    %add3A_360 = arith.addf %add3A_352, %mul3A_359 : vector<16xf32>
    %broadcast_in_dim3A_361 = arith.constant 45 : i32
    %broadcast_in_dim3A_362 = vector.broadcast %broadcast_in_dim3A_361 : i32 to vector<16xi32>
    %gather3A_363 = tpu.vector_load_idx %arg5[%iota3A, %broadcast_in_dim3A_362] : memref<16x128xf32, #tpu.memory_space<vmem>>[vector<16xi32>, vector<16xi32>], vector<16xf32>,
    %slice3A_364 = vector.extract_strided_slice %get3A_256 {offsets = [13], sizes = [1], strides = [1]} : vector<16xf32> to vector<1xf32>
    %squeeze3A_365 = vector.extract %slice3A_364[0] : f32 from vector<1xf32>
    %mul3A_366 = vector.broadcast %squeeze3A_365 : f32 to vector<16xf32>
    %mul3A_367 = arith.mulf %mul3A_366, %gather3A_363 : vector<16xf32>
    %add3A_368 = arith.addf %add3A_360, %mul3A_367 : vector<16xf32>
    %broadcast_in_dim3A_369 = arith.constant 46 : i32
    %broadcast_in_dim3A_370 = vector.broadcast %broadcast_in_dim3A_369 : i32 to vector<16xi32>
    %gather3A_371 = tpu.vector_load_idx %arg5[%iota3A, %broadcast_in_dim3A_370] : memref<16x128xf32, #tpu.memory_space<vmem>>[vector<16xi32>, vector<16xi32>], vector<16xf32>,
    %slice3A_372 = vector.extract_strided_slice %get3A_256 {offsets = [14], sizes = [1], strides = [1]} : vector<16xf32> to vector<1xf32>
    %squeeze3A_373 = vector.extract %slice3A_372[0] : f32 from vector<1xf32>
    %mul3A_374 = vector.broadcast %squeeze3A_373 : f32 to vector<16xf32>
    %mul3A_375 = arith.mulf %mul3A_374, %gather3A_371 : vector<16xf32>
    %add3A_376 = arith.addf %add3A_368, %mul3A_375 : vector<16xf32>
    %broadcast_in_dim3A_377 = arith.constant 47 : i32
    %broadcast_in_dim3A_378 = vector.broadcast %broadcast_in_dim3A_377 : i32 to vector<16xi32>
    %gather3A_379 = tpu.vector_load_idx %arg5[%iota3A, %broadcast_in_dim3A_378] : memref<16x128xf32, #tpu.memory_space<vmem>>[vector<16xi32>, vector<16xi32>], vector<16xf32>,
    %slice3A_380 = vector.extract_strided_slice %get3A_256 {offsets = [15], sizes = [1], strides = [1]} : vector<16xf32> to vector<1xf32>
    %squeeze3A_381 = vector.extract %slice3A_380[0] : f32 from vector<1xf32>
    %mul3A_382 = vector.broadcast %squeeze3A_381 : f32 to vector<16xf32>
    %mul3A_383 = arith.mulf %mul3A_382, %gather3A_379 : vector<16xf32>
    %add3A_384 = arith.addf %add3A_376, %mul3A_383 : vector<16xf32>
    %get3A_385 = arith.constant 48 : index
    %get3A_386 = tpu.vector_load %arg6[%get3A_385] {strides = array<i32>} : memref<128xf32, #tpu.memory_space<vmem>>, vector<16xf32>,
    %broadcast_in_dim3A_387 = arith.constant 48 : i32
    %broadcast_in_dim3A_388 = vector.broadcast %broadcast_in_dim3A_387 : i32 to vector<16xi32>
    %gather3A_389 = tpu.vector_load_idx %arg5[%iota3A, %broadcast_in_dim3A_388] : memref<16x128xf32, #tpu.memory_space<vmem>>[vector<16xi32>, vector<16xi32>], vector<16xf32>,
    %slice3A_390 = vector.extract_strided_slice %get3A_386 {offsets = [0], sizes = [1], strides = [1]} : vector<16xf32> to vector<1xf32>
    %squeeze3A_391 = vector.extract %slice3A_390[0] : f32 from vector<1xf32>
    %mul3A_392 = vector.broadcast %squeeze3A_391 : f32 to vector<16xf32>
    %mul3A_393 = arith.mulf %mul3A_392, %gather3A_389 : vector<16xf32>
    %add3A_394 = arith.addf %add3A_384, %mul3A_393 : vector<16xf32>
    %broadcast_in_dim3A_395 = arith.constant 49 : i32
    %broadcast_in_dim3A_396 = vector.broadcast %broadcast_in_dim3A_395 : i32 to vector<16xi32>
    %gather3A_397 = tpu.vector_load_idx %arg5[%iota3A, %broadcast_in_dim3A_396] : memref<16x128xf32, #tpu.memory_space<vmem>>[vector<16xi32>, vector<16xi32>], vector<16xf32>,
    %slice3A_398 = vector.extract_strided_slice %get3A_386 {offsets = [1], sizes = [1], strides = [1]} : vector<16xf32> to vector<1xf32>
    %squeeze3A_399 = vector.extract %slice3A_398[0] : f32 from vector<1xf32>
    %mul3A_400 = vector.broadcast %squeeze3A_399 : f32 to vector<16xf32>
    %mul3A_401 = arith.mulf %mul3A_400, %gather3A_397 : vector<16xf32>
    %add3A_402 = arith.addf %add3A_394, %mul3A_401 : vector<16xf32>
    %broadcast_in_dim3A_403 = arith.constant 50 : i32
    %broadcast_in_dim3A_404 = vector.broadcast %broadcast_in_dim3A_403 : i32 to vector<16xi32>
    %gather3A_405 = tpu.vector_load_idx %arg5[%iota3A, %broadcast_in_dim3A_404] : memref<16x128xf32, #tpu.memory_space<vmem>>[vector<16xi32>, vector<16xi32>], vector<16xf32>,
    %slice3A_406 = vector.extract_strided_slice %get3A_386 {offsets = [2], sizes = [1], strides = [1]} : vector<16xf32> to vector<1xf32>
    %squeeze3A_407 = vector.extract %slice3A_406[0] : f32 from vector<1xf32>
    %mul3A_408 = vector.broadcast %squeeze3A_407 : f32 to vector<16xf32>
    %mul3A_409 = arith.mulf %mul3A_408, %gather3A_405 : vector<16xf32>
    %add3A_410 = arith.addf %add3A_402, %mul3A_409 : vector<16xf32>
    %broadcast_in_dim3A_411 = arith.constant 51 : i32
    %broadcast_in_dim3A_412 = vector.broadcast %broadcast_in_dim3A_411 : i32 to vector<16xi32>
    %gather3A_413 = tpu.vector_load_idx %arg5[%iota3A, %broadcast_in_dim3A_412] : memref<16x128xf32, #tpu.memory_space<vmem>>[vector<16xi32>, vector<16xi32>], vector<16xf32>,
    %slice3A_414 = vector.extract_strided_slice %get3A_386 {offsets = [3], sizes = [1], strides = [1]} : vector<16xf32> to vector<1xf32>
    %squeeze3A_415 = vector.extract %slice3A_414[0] : f32 from vector<1xf32>
    %mul3A_416 = vector.broadcast %squeeze3A_415 : f32 to vector<16xf32>
    %mul3A_417 = arith.mulf %mul3A_416, %gather3A_413 : vector<16xf32>
    %add3A_418 = arith.addf %add3A_410, %mul3A_417 : vector<16xf32>
    %broadcast_in_dim3A_419 = arith.constant 52 : i32
    %broadcast_in_dim3A_420 = vector.broadcast %broadcast_in_dim3A_419 : i32 to vector<16xi32>
    %gather3A_421 = tpu.vector_load_idx %arg5[%iota3A, %broadcast_in_dim3A_420] : memref<16x128xf32, #tpu.memory_space<vmem>>[vector<16xi32>, vector<16xi32>], vector<16xf32>,
    %slice3A_422 = vector.extract_strided_slice %get3A_386 {offsets = [4], sizes = [1], strides = [1]} : vector<16xf32> to vector<1xf32>
    %squeeze3A_423 = vector.extract %slice3A_422[0] : f32 from vector<1xf32>
    %mul3A_424 = vector.broadcast %squeeze3A_423 : f32 to vector<16xf32>
    %mul3A_425 = arith.mulf %mul3A_424, %gather3A_421 : vector<16xf32>
    %add3A_426 = arith.addf %add3A_418, %mul3A_425 : vector<16xf32>
    %broadcast_in_dim3A_427 = arith.constant 53 : i32
    %broadcast_in_dim3A_428 = vector.broadcast %broadcast_in_dim3A_427 : i32 to vector<16xi32>
    %gather3A_429 = tpu.vector_load_idx %arg5[%iota3A, %broadcast_in_dim3A_428] : memref<16x128xf32, #tpu.memory_space<vmem>>[vector<16xi32>, vector<16xi32>], vector<16xf32>,
    %slice3A_430 = vector.extract_strided_slice %get3A_386 {offsets = [5], sizes = [1], strides = [1]} : vector<16xf32> to vector<1xf32>
    %squeeze3A_431 = vector.extract %slice3A_430[0] : f32 from vector<1xf32>
    %mul3A_432 = vector.broadcast %squeeze3A_431 : f32 to vector<16xf32>
    %mul3A_433 = arith.mulf %mul3A_432, %gather3A_429 : vector<16xf32>
    %add3A_434 = arith.addf %add3A_426, %mul3A_433 : vector<16xf32>
    %broadcast_in_dim3A_435 = arith.constant 54 : i32
    %broadcast_in_dim3A_436 = vector.broadcast %broadcast_in_dim3A_435 : i32 to vector<16xi32>
    %gather3A_437 = tpu.vector_load_idx %arg5[%iota3A, %broadcast_in_dim3A_436] : memref<16x128xf32, #tpu.memory_space<vmem>>[vector<16xi32>, vector<16xi32>], vector<16xf32>,
    %slice3A_438 = vector.extract_strided_slice %get3A_386 {offsets = [6], sizes = [1], strides = [1]} : vector<16xf32> to vector<1xf32>
    %squeeze3A_439 = vector.extract %slice3A_438[0] : f32 from vector<1xf32>
    %mul3A_440 = vector.broadcast %squeeze3A_439 : f32 to vector<16xf32>
    %mul3A_441 = arith.mulf %mul3A_440, %gather3A_437 : vector<16xf32>
    %add3A_442 = arith.addf %add3A_434, %mul3A_441 : vector<16xf32>
    %broadcast_in_dim3A_443 = arith.constant 55 : i32
    %broadcast_in_dim3A_444 = vector.broadcast %broadcast_in_dim3A_443 : i32 to vector<16xi32>
    %gather3A_445 = tpu.vector_load_idx %arg5[%iota3A, %broadcast_in_dim3A_444] : memref<16x128xf32, #tpu.memory_space<vmem>>[vector<16xi32>, vector<16xi32>], vector<16xf32>,
    %slice3A_446 = vector.extract_strided_slice %get3A_386 {offsets = [7], sizes = [1], strides = [1]} : vector<16xf32> to vector<1xf32>
    %squeeze3A_447 = vector.extract %slice3A_446[0] : f32 from vector<1xf32>
    %mul3A_448 = vector.broadcast %squeeze3A_447 : f32 to vector<16xf32>
    %mul3A_449 = arith.mulf %mul3A_448, %gather3A_445 : vector<16xf32>
    %add3A_450 = arith.addf %add3A_442, %mul3A_449 : vector<16xf32>
    %broadcast_in_dim3A_451 = arith.constant 56 : i32
    %broadcast_in_dim3A_452 = vector.broadcast %broadcast_in_dim3A_451 : i32 to vector<16xi32>
    %gather3A_453 = tpu.vector_load_idx %arg5[%iota3A, %broadcast_in_dim3A_452] : memref<16x128xf32, #tpu.memory_space<vmem>>[vector<16xi32>, vector<16xi32>], vector<16xf32>,
    %slice3A_454 = vector.extract_strided_slice %get3A_386 {offsets = [8], sizes = [1], strides = [1]} : vector<16xf32> to vector<1xf32>
    %squeeze3A_455 = vector.extract %slice3A_454[0] : f32 from vector<1xf32>
    %mul3A_456 = vector.broadcast %squeeze3A_455 : f32 to vector<16xf32>
    %mul3A_457 = arith.mulf %mul3A_456, %gather3A_453 : vector<16xf32>
    %add3A_458 = arith.addf %add3A_450, %mul3A_457 : vector<16xf32>
    %broadcast_in_dim3A_459 = arith.constant 57 : i32
    %broadcast_in_dim3A_460 = vector.broadcast %broadcast_in_dim3A_459 : i32 to vector<16xi32>
    %gather3A_461 = tpu.vector_load_idx %arg5[%iota3A, %broadcast_in_dim3A_460] : memref<16x128xf32, #tpu.memory_space<vmem>>[vector<16xi32>, vector<16xi32>], vector<16xf32>,
    %slice3A_462 = vector.extract_strided_slice %get3A_386 {offsets = [9], sizes = [1], strides = [1]} : vector<16xf32> to vector<1xf32>
    %squeeze3A_463 = vector.extract %slice3A_462[0] : f32 from vector<1xf32>
    %mul3A_464 = vector.broadcast %squeeze3A_463 : f32 to vector<16xf32>
    %mul3A_465 = arith.mulf %mul3A_464, %gather3A_461 : vector<16xf32>
    %add3A_466 = arith.addf %add3A_458, %mul3A_465 : vector<16xf32>
    %broadcast_in_dim3A_467 = arith.constant 58 : i32
    %broadcast_in_dim3A_468 = vector.broadcast %broadcast_in_dim3A_467 : i32 to vector<16xi32>
    %gather3A_469 = tpu.vector_load_idx %arg5[%iota3A, %broadcast_in_dim3A_468] : memref<16x128xf32, #tpu.memory_space<vmem>>[vector<16xi32>, vector<16xi32>], vector<16xf32>,
    %slice3A_470 = vector.extract_strided_slice %get3A_386 {offsets = [10], sizes = [1], strides = [1]} : vector<16xf32> to vector<1xf32>
    %squeeze3A_471 = vector.extract %slice3A_470[0] : f32 from vector<1xf32>
    %mul3A_472 = vector.broadcast %squeeze3A_471 : f32 to vector<16xf32>
    %mul3A_473 = arith.mulf %mul3A_472, %gather3A_469 : vector<16xf32>
    %add3A_474 = arith.addf %add3A_466, %mul3A_473 : vector<16xf32>
    %broadcast_in_dim3A_475 = arith.constant 59 : i32
    %broadcast_in_dim3A_476 = vector.broadcast %broadcast_in_dim3A_475 : i32 to vector<16xi32>
    %gather3A_477 = tpu.vector_load_idx %arg5[%iota3A, %broadcast_in_dim3A_476] : memref<16x128xf32, #tpu.memory_space<vmem>>[vector<16xi32>, vector<16xi32>], vector<16xf32>,
    %slice3A_478 = vector.extract_strided_slice %get3A_386 {offsets = [11], sizes = [1], strides = [1]} : vector<16xf32> to vector<1xf32>
    %squeeze3A_479 = vector.extract %slice3A_478[0] : f32 from vector<1xf32>
    %mul3A_480 = vector.broadcast %squeeze3A_479 : f32 to vector<16xf32>
    %mul3A_481 = arith.mulf %mul3A_480, %gather3A_477 : vector<16xf32>
    %add3A_482 = arith.addf %add3A_474, %mul3A_481 : vector<16xf32>
    %broadcast_in_dim3A_483 = arith.constant 60 : i32
    %broadcast_in_dim3A_484 = vector.broadcast %broadcast_in_dim3A_483 : i32 to vector<16xi32>
    %gather3A_485 = tpu.vector_load_idx %arg5[%iota3A, %broadcast_in_dim3A_484] : memref<16x128xf32, #tpu.memory_space<vmem>>[vector<16xi32>, vector<16xi32>], vector<16xf32>,
    %slice3A_486 = vector.extract_strided_slice %get3A_386 {offsets = [12], sizes = [1], strides = [1]} : vector<16xf32> to vector<1xf32>
    %squeeze3A_487 = vector.extract %slice3A_486[0] : f32 from vector<1xf32>
    %mul3A_488 = vector.broadcast %squeeze3A_487 : f32 to vector<16xf32>
    %mul3A_489 = arith.mulf %mul3A_488, %gather3A_485 : vector<16xf32>
    %add3A_490 = arith.addf %add3A_482, %mul3A_489 : vector<16xf32>
    %broadcast_in_dim3A_491 = arith.constant 61 : i32
    %broadcast_in_dim3A_492 = vector.broadcast %broadcast_in_dim3A_491 : i32 to vector<16xi32>
    %gather3A_493 = tpu.vector_load_idx %arg5[%iota3A, %broadcast_in_dim3A_492] : memref<16x128xf32, #tpu.memory_space<vmem>>[vector<16xi32>, vector<16xi32>], vector<16xf32>,
    %slice3A_494 = vector.extract_strided_slice %get3A_386 {offsets = [13], sizes = [1], strides = [1]} : vector<16xf32> to vector<1xf32>
    %squeeze3A_495 = vector.extract %slice3A_494[0] : f32 from vector<1xf32>
    %mul3A_496 = vector.broadcast %squeeze3A_495 : f32 to vector<16xf32>
    %mul3A_497 = arith.mulf %mul3A_496, %gather3A_493 : vector<16xf32>
    %add3A_498 = arith.addf %add3A_490, %mul3A_497 : vector<16xf32>
    %broadcast_in_dim3A_499 = arith.constant 62 : i32
    %broadcast_in_dim3A_500 = vector.broadcast %broadcast_in_dim3A_499 : i32 to vector<16xi32>
    %gather3A_501 = tpu.vector_load_idx %arg5[%iota3A, %broadcast_in_dim3A_500] : memref<16x128xf32, #tpu.memory_space<vmem>>[vector<16xi32>, vector<16xi32>], vector<16xf32>,
    %slice3A_502 = vector.extract_strided_slice %get3A_386 {offsets = [14], sizes = [1], strides = [1]} : vector<16xf32> to vector<1xf32>
    %squeeze3A_503 = vector.extract %slice3A_502[0] : f32 from vector<1xf32>
    %mul3A_504 = vector.broadcast %squeeze3A_503 : f32 to vector<16xf32>
    %mul3A_505 = arith.mulf %mul3A_504, %gather3A_501 : vector<16xf32>
    %add3A_506 = arith.addf %add3A_498, %mul3A_505 : vector<16xf32>
    %broadcast_in_dim3A_507 = arith.constant 63 : i32
    %broadcast_in_dim3A_508 = vector.broadcast %broadcast_in_dim3A_507 : i32 to vector<16xi32>
    %gather3A_509 = tpu.vector_load_idx %arg5[%iota3A, %broadcast_in_dim3A_508] : memref<16x128xf32, #tpu.memory_space<vmem>>[vector<16xi32>, vector<16xi32>], vector<16xf32>,
    %slice3A_510 = vector.extract_strided_slice %get3A_386 {offsets = [15], sizes = [1], strides = [1]} : vector<16xf32> to vector<1xf32>
    %squeeze3A_511 = vector.extract %slice3A_510[0] : f32 from vector<1xf32>
    %mul3A_512 = vector.broadcast %squeeze3A_511 : f32 to vector<16xf32>
    %mul3A_513 = arith.mulf %mul3A_512, %gather3A_509 : vector<16xf32>
    %add3A_514 = arith.addf %add3A_506, %mul3A_513 : vector<16xf32>
    %get3A_515 = arith.constant 64 : index
    %get3A_516 = tpu.vector_load %arg6[%get3A_515] {strides = array<i32>} : memref<128xf32, #tpu.memory_space<vmem>>, vector<16xf32>,
    %broadcast_in_dim3A_517 = arith.constant 64 : i32
    %broadcast_in_dim3A_518 = vector.broadcast %broadcast_in_dim3A_517 : i32 to vector<16xi32>
    %gather3A_519 = tpu.vector_load_idx %arg5[%iota3A, %broadcast_in_dim3A_518] : memref<16x128xf32, #tpu.memory_space<vmem>>[vector<16xi32>, vector<16xi32>], vector<16xf32>,
    %slice3A_520 = vector.extract_strided_slice %get3A_516 {offsets = [0], sizes = [1], strides = [1]} : vector<16xf32> to vector<1xf32>
    %squeeze3A_521 = vector.extract %slice3A_520[0] : f32 from vector<1xf32>
    %mul3A_522 = vector.broadcast %squeeze3A_521 : f32 to vector<16xf32>
    %mul3A_523 = arith.mulf %mul3A_522, %gather3A_519 : vector<16xf32>
    %add3A_524 = arith.addf %add3A_514, %mul3A_523 : vector<16xf32>
    %broadcast_in_dim3A_525 = arith.constant 65 : i32
    %broadcast_in_dim3A_526 = vector.broadcast %broadcast_in_dim3A_525 : i32 to vector<16xi32>
    %gather3A_527 = tpu.vector_load_idx %arg5[%iota3A, %broadcast_in_dim3A_526] : memref<16x128xf32, #tpu.memory_space<vmem>>[vector<16xi32>, vector<16xi32>], vector<16xf32>,
    %slice3A_528 = vector.extract_strided_slice %get3A_516 {offsets = [1], sizes = [1], strides = [1]} : vector<16xf32> to vector<1xf32>
    %squeeze3A_529 = vector.extract %slice3A_528[0] : f32 from vector<1xf32>
    %mul3A_530 = vector.broadcast %squeeze3A_529 : f32 to vector<16xf32>
    %mul3A_531 = arith.mulf %mul3A_530, %gather3A_527 : vector<16xf32>
    %add3A_532 = arith.addf %add3A_524, %mul3A_531 : vector<16xf32>
    %broadcast_in_dim3A_533 = arith.constant 66 : i32
    %broadcast_in_dim3A_534 = vector.broadcast %broadcast_in_dim3A_533 : i32 to vector<16xi32>
    %gather3A_535 = tpu.vector_load_idx %arg5[%iota3A, %broadcast_in_dim3A_534] : memref<16x128xf32, #tpu.memory_space<vmem>>[vector<16xi32>, vector<16xi32>], vector<16xf32>,
    %slice3A_536 = vector.extract_strided_slice %get3A_516 {offsets = [2], sizes = [1], strides = [1]} : vector<16xf32> to vector<1xf32>
    %squeeze3A_537 = vector.extract %slice3A_536[0] : f32 from vector<1xf32>
    %mul3A_538 = vector.broadcast %squeeze3A_537 : f32 to vector<16xf32>
    %mul3A_539 = arith.mulf %mul3A_538, %gather3A_535 : vector<16xf32>
    %add3A_540 = arith.addf %add3A_532, %mul3A_539 : vector<16xf32>
    %broadcast_in_dim3A_541 = arith.constant 67 : i32
    %broadcast_in_dim3A_542 = vector.broadcast %broadcast_in_dim3A_541 : i32 to vector<16xi32>
    %gather3A_543 = tpu.vector_load_idx %arg5[%iota3A, %broadcast_in_dim3A_542] : memref<16x128xf32, #tpu.memory_space<vmem>>[vector<16xi32>, vector<16xi32>], vector<16xf32>,
    %slice3A_544 = vector.extract_strided_slice %get3A_516 {offsets = [3], sizes = [1], strides = [1]} : vector<16xf32> to vector<1xf32>
    %squeeze3A_545 = vector.extract %slice3A_544[0] : f32 from vector<1xf32>
    %mul3A_546 = vector.broadcast %squeeze3A_545 : f32 to vector<16xf32>
    %mul3A_547 = arith.mulf %mul3A_546, %gather3A_543 : vector<16xf32>
    %add3A_548 = arith.addf %add3A_540, %mul3A_547 : vector<16xf32>
    %broadcast_in_dim3A_549 = arith.constant 68 : i32
    %broadcast_in_dim3A_550 = vector.broadcast %broadcast_in_dim3A_549 : i32 to vector<16xi32>
    %gather3A_551 = tpu.vector_load_idx %arg5[%iota3A, %broadcast_in_dim3A_550] : memref<16x128xf32, #tpu.memory_space<vmem>>[vector<16xi32>, vector<16xi32>], vector<16xf32>,
    %slice3A_552 = vector.extract_strided_slice %get3A_516 {offsets = [4], sizes = [1], strides = [1]} : vector<16xf32> to vector<1xf32>
    %squeeze3A_553 = vector.extract %slice3A_552[0] : f32 from vector<1xf32>
    %mul3A_554 = vector.broadcast %squeeze3A_553 : f32 to vector<16xf32>
    %mul3A_555 = arith.mulf %mul3A_554, %gather3A_551 : vector<16xf32>
    %add3A_556 = arith.addf %add3A_548, %mul3A_555 : vector<16xf32>
    %broadcast_in_dim3A_557 = arith.constant 69 : i32
    %broadcast_in_dim3A_558 = vector.broadcast %broadcast_in_dim3A_557 : i32 to vector<16xi32>
    %gather3A_559 = tpu.vector_load_idx %arg5[%iota3A, %broadcast_in_dim3A_558] : memref<16x128xf32, #tpu.memory_space<vmem>>[vector<16xi32>, vector<16xi32>], vector<16xf32>,
    %slice3A_560 = vector.extract_strided_slice %get3A_516 {offsets = [5], sizes = [1], strides = [1]} : vector<16xf32> to vector<1xf32>
    %squeeze3A_561 = vector.extract %slice3A_560[0] : f32 from vector<1xf32>
    %mul3A_562 = vector.broadcast %squeeze3A_561 : f32 to vector<16xf32>
    %mul3A_563 = arith.mulf %mul3A_562, %gather3A_559 : vector<16xf32>
    %add3A_564 = arith.addf %add3A_556, %mul3A_563 : vector<16xf32>
    %broadcast_in_dim3A_565 = arith.constant 70 : i32
    %broadcast_in_dim3A_566 = vector.broadcast %broadcast_in_dim3A_565 : i32 to vector<16xi32>
    %gather3A_567 = tpu.vector_load_idx %arg5[%iota3A, %broadcast_in_dim3A_566] : memref<16x128xf32, #tpu.memory_space<vmem>>[vector<16xi32>, vector<16xi32>], vector<16xf32>,
    %slice3A_568 = vector.extract_strided_slice %get3A_516 {offsets = [6], sizes = [1], strides = [1]} : vector<16xf32> to vector<1xf32>
    %squeeze3A_569 = vector.extract %slice3A_568[0] : f32 from vector<1xf32>
    %mul3A_570 = vector.broadcast %squeeze3A_569 : f32 to vector<16xf32>
    %mul3A_571 = arith.mulf %mul3A_570, %gather3A_567 : vector<16xf32>
    %add3A_572 = arith.addf %add3A_564, %mul3A_571 : vector<16xf32>
    %broadcast_in_dim3A_573 = arith.constant 71 : i32
    %broadcast_in_dim3A_574 = vector.broadcast %broadcast_in_dim3A_573 : i32 to vector<16xi32>
    %gather3A_575 = tpu.vector_load_idx %arg5[%iota3A, %broadcast_in_dim3A_574] : memref<16x128xf32, #tpu.memory_space<vmem>>[vector<16xi32>, vector<16xi32>], vector<16xf32>,
    %slice3A_576 = vector.extract_strided_slice %get3A_516 {offsets = [7], sizes = [1], strides = [1]} : vector<16xf32> to vector<1xf32>
    %squeeze3A_577 = vector.extract %slice3A_576[0] : f32 from vector<1xf32>
    %mul3A_578 = vector.broadcast %squeeze3A_577 : f32 to vector<16xf32>
    %mul3A_579 = arith.mulf %mul3A_578, %gather3A_575 : vector<16xf32>
    %add3A_580 = arith.addf %add3A_572, %mul3A_579 : vector<16xf32>
    %broadcast_in_dim3A_581 = arith.constant 72 : i32
    %broadcast_in_dim3A_582 = vector.broadcast %broadcast_in_dim3A_581 : i32 to vector<16xi32>
    %gather3A_583 = tpu.vector_load_idx %arg5[%iota3A, %broadcast_in_dim3A_582] : memref<16x128xf32, #tpu.memory_space<vmem>>[vector<16xi32>, vector<16xi32>], vector<16xf32>,
    %slice3A_584 = vector.extract_strided_slice %get3A_516 {offsets = [8], sizes = [1], strides = [1]} : vector<16xf32> to vector<1xf32>
    %squeeze3A_585 = vector.extract %slice3A_584[0] : f32 from vector<1xf32>
    %mul3A_586 = vector.broadcast %squeeze3A_585 : f32 to vector<16xf32>
    %mul3A_587 = arith.mulf %mul3A_586, %gather3A_583 : vector<16xf32>
    %add3A_588 = arith.addf %add3A_580, %mul3A_587 : vector<16xf32>
    %broadcast_in_dim3A_589 = arith.constant 73 : i32
    %broadcast_in_dim3A_590 = vector.broadcast %broadcast_in_dim3A_589 : i32 to vector<16xi32>
    %gather3A_591 = tpu.vector_load_idx %arg5[%iota3A, %broadcast_in_dim3A_590] : memref<16x128xf32, #tpu.memory_space<vmem>>[vector<16xi32>, vector<16xi32>], vector<16xf32>,
    %slice3A_592 = vector.extract_strided_slice %get3A_516 {offsets = [9], sizes = [1], strides = [1]} : vector<16xf32> to vector<1xf32>
    %squeeze3A_593 = vector.extract %slice3A_592[0] : f32 from vector<1xf32>
    %mul3A_594 = vector.broadcast %squeeze3A_593 : f32 to vector<16xf32>
    %mul3A_595 = arith.mulf %mul3A_594, %gather3A_591 : vector<16xf32>
    %add3A_596 = arith.addf %add3A_588, %mul3A_595 : vector<16xf32>
    %broadcast_in_dim3A_597 = arith.constant 74 : i32
    %broadcast_in_dim3A_598 = vector.broadcast %broadcast_in_dim3A_597 : i32 to vector<16xi32>
    %gather3A_599 = tpu.vector_load_idx %arg5[%iota3A, %broadcast_in_dim3A_598] : memref<16x128xf32, #tpu.memory_space<vmem>>[vector<16xi32>, vector<16xi32>], vector<16xf32>,
    %slice3A_600 = vector.extract_strided_slice %get3A_516 {offsets = [10], sizes = [1], strides = [1]} : vector<16xf32> to vector<1xf32>
    %squeeze3A_601 = vector.extract %slice3A_600[0] : f32 from vector<1xf32>
    %mul3A_602 = vector.broadcast %squeeze3A_601 : f32 to vector<16xf32>
    %mul3A_603 = arith.mulf %mul3A_602, %gather3A_599 : vector<16xf32>
    %add3A_604 = arith.addf %add3A_596, %mul3A_603 : vector<16xf32>
    %broadcast_in_dim3A_605 = arith.constant 75 : i32
    %broadcast_in_dim3A_606 = vector.broadcast %broadcast_in_dim3A_605 : i32 to vector<16xi32>
    %gather3A_607 = tpu.vector_load_idx %arg5[%iota3A, %broadcast_in_dim3A_606] : memref<16x128xf32, #tpu.memory_space<vmem>>[vector<16xi32>, vector<16xi32>], vector<16xf32>,
    %slice3A_608 = vector.extract_strided_slice %get3A_516 {offsets = [11], sizes = [1], strides = [1]} : vector<16xf32> to vector<1xf32>
    %squeeze3A_609 = vector.extract %slice3A_608[0] : f32 from vector<1xf32>
    %mul3A_610 = vector.broadcast %squeeze3A_609 : f32 to vector<16xf32>
    %mul3A_611 = arith.mulf %mul3A_610, %gather3A_607 : vector<16xf32>
    %add3A_612 = arith.addf %add3A_604, %mul3A_611 : vector<16xf32>
    %broadcast_in_dim3A_613 = arith.constant 76 : i32
    %broadcast_in_dim3A_614 = vector.broadcast %broadcast_in_dim3A_613 : i32 to vector<16xi32>
    %gather3A_615 = tpu.vector_load_idx %arg5[%iota3A, %broadcast_in_dim3A_614] : memref<16x128xf32, #tpu.memory_space<vmem>>[vector<16xi32>, vector<16xi32>], vector<16xf32>,
    %slice3A_616 = vector.extract_strided_slice %get3A_516 {offsets = [12], sizes = [1], strides = [1]} : vector<16xf32> to vector<1xf32>
    %squeeze3A_617 = vector.extract %slice3A_616[0] : f32 from vector<1xf32>
    %mul3A_618 = vector.broadcast %squeeze3A_617 : f32 to vector<16xf32>
    %mul3A_619 = arith.mulf %mul3A_618, %gather3A_615 : vector<16xf32>
    %add3A_620 = arith.addf %add3A_612, %mul3A_619 : vector<16xf32>
    %broadcast_in_dim3A_621 = arith.constant 77 : i32
    %broadcast_in_dim3A_622 = vector.broadcast %broadcast_in_dim3A_621 : i32 to vector<16xi32>
    %gather3A_623 = tpu.vector_load_idx %arg5[%iota3A, %broadcast_in_dim3A_622] : memref<16x128xf32, #tpu.memory_space<vmem>>[vector<16xi32>, vector<16xi32>], vector<16xf32>,
    %slice3A_624 = vector.extract_strided_slice %get3A_516 {offsets = [13], sizes = [1], strides = [1]} : vector<16xf32> to vector<1xf32>
    %squeeze3A_625 = vector.extract %slice3A_624[0] : f32 from vector<1xf32>
    %mul3A_626 = vector.broadcast %squeeze3A_625 : f32 to vector<16xf32>
    %mul3A_627 = arith.mulf %mul3A_626, %gather3A_623 : vector<16xf32>
    %add3A_628 = arith.addf %add3A_620, %mul3A_627 : vector<16xf32>
    %broadcast_in_dim3A_629 = arith.constant 78 : i32
    %broadcast_in_dim3A_630 = vector.broadcast %broadcast_in_dim3A_629 : i32 to vector<16xi32>
    %gather3A_631 = tpu.vector_load_idx %arg5[%iota3A, %broadcast_in_dim3A_630] : memref<16x128xf32, #tpu.memory_space<vmem>>[vector<16xi32>, vector<16xi32>], vector<16xf32>,
    %slice3A_632 = vector.extract_strided_slice %get3A_516 {offsets = [14], sizes = [1], strides = [1]} : vector<16xf32> to vector<1xf32>
    %squeeze3A_633 = vector.extract %slice3A_632[0] : f32 from vector<1xf32>
    %mul3A_634 = vector.broadcast %squeeze3A_633 : f32 to vector<16xf32>
    %mul3A_635 = arith.mulf %mul3A_634, %gather3A_631 : vector<16xf32>
    %add3A_636 = arith.addf %add3A_628, %mul3A_635 : vector<16xf32>
    %broadcast_in_dim3A_637 = arith.constant 79 : i32
    %broadcast_in_dim3A_638 = vector.broadcast %broadcast_in_dim3A_637 : i32 to vector<16xi32>
    %gather3A_639 = tpu.vector_load_idx %arg5[%iota3A, %broadcast_in_dim3A_638] : memref<16x128xf32, #tpu.memory_space<vmem>>[vector<16xi32>, vector<16xi32>], vector<16xf32>,
    %slice3A_640 = vector.extract_strided_slice %get3A_516 {offsets = [15], sizes = [1], strides = [1]} : vector<16xf32> to vector<1xf32>
    %squeeze3A_641 = vector.extract %slice3A_640[0] : f32 from vector<1xf32>
    %mul3A_642 = vector.broadcast %squeeze3A_641 : f32 to vector<16xf32>
    %mul3A_643 = arith.mulf %mul3A_642, %gather3A_639 : vector<16xf32>
    %add3A_644 = arith.addf %add3A_636, %mul3A_643 : vector<16xf32>
    %get3A_645 = arith.constant 80 : index
    %get3A_646 = tpu.vector_load %arg6[%get3A_645] {strides = array<i32>} : memref<128xf32, #tpu.memory_space<vmem>>, vector<16xf32>,
    %broadcast_in_dim3A_647 = arith.constant 80 : i32
    %broadcast_in_dim3A_648 = vector.broadcast %broadcast_in_dim3A_647 : i32 to vector<16xi32>
    %gather3A_649 = tpu.vector_load_idx %arg5[%iota3A, %broadcast_in_dim3A_648] : memref<16x128xf32, #tpu.memory_space<vmem>>[vector<16xi32>, vector<16xi32>], vector<16xf32>,
    %slice3A_650 = vector.extract_strided_slice %get3A_646 {offsets = [0], sizes = [1], strides = [1]} : vector<16xf32> to vector<1xf32>
    %squeeze3A_651 = vector.extract %slice3A_650[0] : f32 from vector<1xf32>
    %mul3A_652 = vector.broadcast %squeeze3A_651 : f32 to vector<16xf32>
    %mul3A_653 = arith.mulf %mul3A_652, %gather3A_649 : vector<16xf32>
    %add3A_654 = arith.addf %add3A_644, %mul3A_653 : vector<16xf32>
    %broadcast_in_dim3A_655 = arith.constant 81 : i32
    %broadcast_in_dim3A_656 = vector.broadcast %broadcast_in_dim3A_655 : i32 to vector<16xi32>
    %gather3A_657 = tpu.vector_load_idx %arg5[%iota3A, %broadcast_in_dim3A_656] : memref<16x128xf32, #tpu.memory_space<vmem>>[vector<16xi32>, vector<16xi32>], vector<16xf32>,
    %slice3A_658 = vector.extract_strided_slice %get3A_646 {offsets = [1], sizes = [1], strides = [1]} : vector<16xf32> to vector<1xf32>
    %squeeze3A_659 = vector.extract %slice3A_658[0] : f32 from vector<1xf32>
    %mul3A_660 = vector.broadcast %squeeze3A_659 : f32 to vector<16xf32>
    %mul3A_661 = arith.mulf %mul3A_660, %gather3A_657 : vector<16xf32>
    %add3A_662 = arith.addf %add3A_654, %mul3A_661 : vector<16xf32>
    %broadcast_in_dim3A_663 = arith.constant 82 : i32
    %broadcast_in_dim3A_664 = vector.broadcast %broadcast_in_dim3A_663 : i32 to vector<16xi32>
    %gather3A_665 = tpu.vector_load_idx %arg5[%iota3A, %broadcast_in_dim3A_664] : memref<16x128xf32, #tpu.memory_space<vmem>>[vector<16xi32>, vector<16xi32>], vector<16xf32>,
    %slice3A_666 = vector.extract_strided_slice %get3A_646 {offsets = [2], sizes = [1], strides = [1]} : vector<16xf32> to vector<1xf32>
    %squeeze3A_667 = vector.extract %slice3A_666[0] : f32 from vector<1xf32>
    %mul3A_668 = vector.broadcast %squeeze3A_667 : f32 to vector<16xf32>
    %mul3A_669 = arith.mulf %mul3A_668, %gather3A_665 : vector<16xf32>
    %add3A_670 = arith.addf %add3A_662, %mul3A_669 : vector<16xf32>
    %broadcast_in_dim3A_671 = arith.constant 83 : i32
    %broadcast_in_dim3A_672 = vector.broadcast %broadcast_in_dim3A_671 : i32 to vector<16xi32>
    %gather3A_673 = tpu.vector_load_idx %arg5[%iota3A, %broadcast_in_dim3A_672] : memref<16x128xf32, #tpu.memory_space<vmem>>[vector<16xi32>, vector<16xi32>], vector<16xf32>,
    %slice3A_674 = vector.extract_strided_slice %get3A_646 {offsets = [3], sizes = [1], strides = [1]} : vector<16xf32> to vector<1xf32>
    %squeeze3A_675 = vector.extract %slice3A_674[0] : f32 from vector<1xf32>
    %mul3A_676 = vector.broadcast %squeeze3A_675 : f32 to vector<16xf32>
    %mul3A_677 = arith.mulf %mul3A_676, %gather3A_673 : vector<16xf32>
    %add3A_678 = arith.addf %add3A_670, %mul3A_677 : vector<16xf32>
    %broadcast_in_dim3A_679 = arith.constant 84 : i32
    %broadcast_in_dim3A_680 = vector.broadcast %broadcast_in_dim3A_679 : i32 to vector<16xi32>
    %gather3A_681 = tpu.vector_load_idx %arg5[%iota3A, %broadcast_in_dim3A_680] : memref<16x128xf32, #tpu.memory_space<vmem>>[vector<16xi32>, vector<16xi32>], vector<16xf32>,
    %slice3A_682 = vector.extract_strided_slice %get3A_646 {offsets = [4], sizes = [1], strides = [1]} : vector<16xf32> to vector<1xf32>
    %squeeze3A_683 = vector.extract %slice3A_682[0] : f32 from vector<1xf32>
    %mul3A_684 = vector.broadcast %squeeze3A_683 : f32 to vector<16xf32>
    %mul3A_685 = arith.mulf %mul3A_684, %gather3A_681 : vector<16xf32>
    %add3A_686 = arith.addf %add3A_678, %mul3A_685 : vector<16xf32>
    %broadcast_in_dim3A_687 = arith.constant 85 : i32
    %broadcast_in_dim3A_688 = vector.broadcast %broadcast_in_dim3A_687 : i32 to vector<16xi32>
    %gather3A_689 = tpu.vector_load_idx %arg5[%iota3A, %broadcast_in_dim3A_688] : memref<16x128xf32, #tpu.memory_space<vmem>>[vector<16xi32>, vector<16xi32>], vector<16xf32>,
    %slice3A_690 = vector.extract_strided_slice %get3A_646 {offsets = [5], sizes = [1], strides = [1]} : vector<16xf32> to vector<1xf32>
    %squeeze3A_691 = vector.extract %slice3A_690[0] : f32 from vector<1xf32>
    %mul3A_692 = vector.broadcast %squeeze3A_691 : f32 to vector<16xf32>
    %mul3A_693 = arith.mulf %mul3A_692, %gather3A_689 : vector<16xf32>
    %add3A_694 = arith.addf %add3A_686, %mul3A_693 : vector<16xf32>
    %broadcast_in_dim3A_695 = arith.constant 86 : i32
    %broadcast_in_dim3A_696 = vector.broadcast %broadcast_in_dim3A_695 : i32 to vector<16xi32>
    %gather3A_697 = tpu.vector_load_idx %arg5[%iota3A, %broadcast_in_dim3A_696] : memref<16x128xf32, #tpu.memory_space<vmem>>[vector<16xi32>, vector<16xi32>], vector<16xf32>,
    %slice3A_698 = vector.extract_strided_slice %get3A_646 {offsets = [6], sizes = [1], strides = [1]} : vector<16xf32> to vector<1xf32>
    %squeeze3A_699 = vector.extract %slice3A_698[0] : f32 from vector<1xf32>
    %mul3A_700 = vector.broadcast %squeeze3A_699 : f32 to vector<16xf32>
    %mul3A_701 = arith.mulf %mul3A_700, %gather3A_697 : vector<16xf32>
    %add3A_702 = arith.addf %add3A_694, %mul3A_701 : vector<16xf32>
    %broadcast_in_dim3A_703 = arith.constant 87 : i32
    %broadcast_in_dim3A_704 = vector.broadcast %broadcast_in_dim3A_703 : i32 to vector<16xi32>
    %gather3A_705 = tpu.vector_load_idx %arg5[%iota3A, %broadcast_in_dim3A_704] : memref<16x128xf32, #tpu.memory_space<vmem>>[vector<16xi32>, vector<16xi32>], vector<16xf32>,
    %slice3A_706 = vector.extract_strided_slice %get3A_646 {offsets = [7], sizes = [1], strides = [1]} : vector<16xf32> to vector<1xf32>
    %squeeze3A_707 = vector.extract %slice3A_706[0] : f32 from vector<1xf32>
    %mul3A_708 = vector.broadcast %squeeze3A_707 : f32 to vector<16xf32>
    %mul3A_709 = arith.mulf %mul3A_708, %gather3A_705 : vector<16xf32>
    %add3A_710 = arith.addf %add3A_702, %mul3A_709 : vector<16xf32>
    %broadcast_in_dim3A_711 = arith.constant 88 : i32
    %broadcast_in_dim3A_712 = vector.broadcast %broadcast_in_dim3A_711 : i32 to vector<16xi32>
    %gather3A_713 = tpu.vector_load_idx %arg5[%iota3A, %broadcast_in_dim3A_712] : memref<16x128xf32, #tpu.memory_space<vmem>>[vector<16xi32>, vector<16xi32>], vector<16xf32>,
    %slice3A_714 = vector.extract_strided_slice %get3A_646 {offsets = [8], sizes = [1], strides = [1]} : vector<16xf32> to vector<1xf32>
    %squeeze3A_715 = vector.extract %slice3A_714[0] : f32 from vector<1xf32>
    %mul3A_716 = vector.broadcast %squeeze3A_715 : f32 to vector<16xf32>
    %mul3A_717 = arith.mulf %mul3A_716, %gather3A_713 : vector<16xf32>
    %add3A_718 = arith.addf %add3A_710, %mul3A_717 : vector<16xf32>
    %broadcast_in_dim3A_719 = arith.constant 89 : i32
    %broadcast_in_dim3A_720 = vector.broadcast %broadcast_in_dim3A_719 : i32 to vector<16xi32>
    %gather3A_721 = tpu.vector_load_idx %arg5[%iota3A, %broadcast_in_dim3A_720] : memref<16x128xf32, #tpu.memory_space<vmem>>[vector<16xi32>, vector<16xi32>], vector<16xf32>,
    %slice3A_722 = vector.extract_strided_slice %get3A_646 {offsets = [9], sizes = [1], strides = [1]} : vector<16xf32> to vector<1xf32>
    %squeeze3A_723 = vector.extract %slice3A_722[0] : f32 from vector<1xf32>
    %mul3A_724 = vector.broadcast %squeeze3A_723 : f32 to vector<16xf32>
    %mul3A_725 = arith.mulf %mul3A_724, %gather3A_721 : vector<16xf32>
    %add3A_726 = arith.addf %add3A_718, %mul3A_725 : vector<16xf32>
    %broadcast_in_dim3A_727 = arith.constant 90 : i32
    %broadcast_in_dim3A_728 = vector.broadcast %broadcast_in_dim3A_727 : i32 to vector<16xi32>
    %gather3A_729 = tpu.vector_load_idx %arg5[%iota3A, %broadcast_in_dim3A_728] : memref<16x128xf32, #tpu.memory_space<vmem>>[vector<16xi32>, vector<16xi32>], vector<16xf32>,
    %slice3A_730 = vector.extract_strided_slice %get3A_646 {offsets = [10], sizes = [1], strides = [1]} : vector<16xf32> to vector<1xf32>
    %squeeze3A_731 = vector.extract %slice3A_730[0] : f32 from vector<1xf32>
    %mul3A_732 = vector.broadcast %squeeze3A_731 : f32 to vector<16xf32>
    %mul3A_733 = arith.mulf %mul3A_732, %gather3A_729 : vector<16xf32>
    %add3A_734 = arith.addf %add3A_726, %mul3A_733 : vector<16xf32>
    %broadcast_in_dim3A_735 = arith.constant 91 : i32
    %broadcast_in_dim3A_736 = vector.broadcast %broadcast_in_dim3A_735 : i32 to vector<16xi32>
    %gather3A_737 = tpu.vector_load_idx %arg5[%iota3A, %broadcast_in_dim3A_736] : memref<16x128xf32, #tpu.memory_space<vmem>>[vector<16xi32>, vector<16xi32>], vector<16xf32>,
    %slice3A_738 = vector.extract_strided_slice %get3A_646 {offsets = [11], sizes = [1], strides = [1]} : vector<16xf32> to vector<1xf32>
    %squeeze3A_739 = vector.extract %slice3A_738[0] : f32 from vector<1xf32>
    %mul3A_740 = vector.broadcast %squeeze3A_739 : f32 to vector<16xf32>
    %mul3A_741 = arith.mulf %mul3A_740, %gather3A_737 : vector<16xf32>
    %add3A_742 = arith.addf %add3A_734, %mul3A_741 : vector<16xf32>
    %broadcast_in_dim3A_743 = arith.constant 92 : i32
    %broadcast_in_dim3A_744 = vector.broadcast %broadcast_in_dim3A_743 : i32 to vector<16xi32>
    %gather3A_745 = tpu.vector_load_idx %arg5[%iota3A, %broadcast_in_dim3A_744] : memref<16x128xf32, #tpu.memory_space<vmem>>[vector<16xi32>, vector<16xi32>], vector<16xf32>,
    %slice3A_746 = vector.extract_strided_slice %get3A_646 {offsets = [12], sizes = [1], strides = [1]} : vector<16xf32> to vector<1xf32>
    %squeeze3A_747 = vector.extract %slice3A_746[0] : f32 from vector<1xf32>
    %mul3A_748 = vector.broadcast %squeeze3A_747 : f32 to vector<16xf32>
    %mul3A_749 = arith.mulf %mul3A_748, %gather3A_745 : vector<16xf32>
    %add3A_750 = arith.addf %add3A_742, %mul3A_749 : vector<16xf32>
    %broadcast_in_dim3A_751 = arith.constant 93 : i32
    %broadcast_in_dim3A_752 = vector.broadcast %broadcast_in_dim3A_751 : i32 to vector<16xi32>
    %gather3A_753 = tpu.vector_load_idx %arg5[%iota3A, %broadcast_in_dim3A_752] : memref<16x128xf32, #tpu.memory_space<vmem>>[vector<16xi32>, vector<16xi32>], vector<16xf32>,
    %slice3A_754 = vector.extract_strided_slice %get3A_646 {offsets = [13], sizes = [1], strides = [1]} : vector<16xf32> to vector<1xf32>
    %squeeze3A_755 = vector.extract %slice3A_754[0] : f32 from vector<1xf32>
    %mul3A_756 = vector.broadcast %squeeze3A_755 : f32 to vector<16xf32>
    %mul3A_757 = arith.mulf %mul3A_756, %gather3A_753 : vector<16xf32>
    %add3A_758 = arith.addf %add3A_750, %mul3A_757 : vector<16xf32>
    %broadcast_in_dim3A_759 = arith.constant 94 : i32
    %broadcast_in_dim3A_760 = vector.broadcast %broadcast_in_dim3A_759 : i32 to vector<16xi32>
    %gather3A_761 = tpu.vector_load_idx %arg5[%iota3A, %broadcast_in_dim3A_760] : memref<16x128xf32, #tpu.memory_space<vmem>>[vector<16xi32>, vector<16xi32>], vector<16xf32>,
    %slice3A_762 = vector.extract_strided_slice %get3A_646 {offsets = [14], sizes = [1], strides = [1]} : vector<16xf32> to vector<1xf32>
    %squeeze3A_763 = vector.extract %slice3A_762[0] : f32 from vector<1xf32>
    %mul3A_764 = vector.broadcast %squeeze3A_763 : f32 to vector<16xf32>
    %mul3A_765 = arith.mulf %mul3A_764, %gather3A_761 : vector<16xf32>
    %add3A_766 = arith.addf %add3A_758, %mul3A_765 : vector<16xf32>
    %broadcast_in_dim3A_767 = arith.constant 95 : i32
    %broadcast_in_dim3A_768 = vector.broadcast %broadcast_in_dim3A_767 : i32 to vector<16xi32>
    %gather3A_769 = tpu.vector_load_idx %arg5[%iota3A, %broadcast_in_dim3A_768] : memref<16x128xf32, #tpu.memory_space<vmem>>[vector<16xi32>, vector<16xi32>], vector<16xf32>,
    %slice3A_770 = vector.extract_strided_slice %get3A_646 {offsets = [15], sizes = [1], strides = [1]} : vector<16xf32> to vector<1xf32>
    %squeeze3A_771 = vector.extract %slice3A_770[0] : f32 from vector<1xf32>
    %mul3A_772 = vector.broadcast %squeeze3A_771 : f32 to vector<16xf32>
    %mul3A_773 = arith.mulf %mul3A_772, %gather3A_769 : vector<16xf32>
    %add3A_774 = arith.addf %add3A_766, %mul3A_773 : vector<16xf32>
    %get3A_775 = arith.constant 96 : index
    %get3A_776 = tpu.vector_load %arg6[%get3A_775] {strides = array<i32>} : memref<128xf32, #tpu.memory_space<vmem>>, vector<16xf32>,
    %broadcast_in_dim3A_777 = arith.constant 96 : i32
    %broadcast_in_dim3A_778 = vector.broadcast %broadcast_in_dim3A_777 : i32 to vector<16xi32>
    %gather3A_779 = tpu.vector_load_idx %arg5[%iota3A, %broadcast_in_dim3A_778] : memref<16x128xf32, #tpu.memory_space<vmem>>[vector<16xi32>, vector<16xi32>], vector<16xf32>,
    %slice3A_780 = vector.extract_strided_slice %get3A_776 {offsets = [0], sizes = [1], strides = [1]} : vector<16xf32> to vector<1xf32>
    %squeeze3A_781 = vector.extract %slice3A_780[0] : f32 from vector<1xf32>
    %mul3A_782 = vector.broadcast %squeeze3A_781 : f32 to vector<16xf32>
    %mul3A_783 = arith.mulf %mul3A_782, %gather3A_779 : vector<16xf32>
    %add3A_784 = arith.addf %add3A_774, %mul3A_783 : vector<16xf32>
    %broadcast_in_dim3A_785 = arith.constant 97 : i32
    %broadcast_in_dim3A_786 = vector.broadcast %broadcast_in_dim3A_785 : i32 to vector<16xi32>
    %gather3A_787 = tpu.vector_load_idx %arg5[%iota3A, %broadcast_in_dim3A_786] : memref<16x128xf32, #tpu.memory_space<vmem>>[vector<16xi32>, vector<16xi32>], vector<16xf32>,
    %slice3A_788 = vector.extract_strided_slice %get3A_776 {offsets = [1], sizes = [1], strides = [1]} : vector<16xf32> to vector<1xf32>
    %squeeze3A_789 = vector.extract %slice3A_788[0] : f32 from vector<1xf32>
    %mul3A_790 = vector.broadcast %squeeze3A_789 : f32 to vector<16xf32>
    %mul3A_791 = arith.mulf %mul3A_790, %gather3A_787 : vector<16xf32>
    %add3A_792 = arith.addf %add3A_784, %mul3A_791 : vector<16xf32>
    %broadcast_in_dim3A_793 = arith.constant 98 : i32
    %broadcast_in_dim3A_794 = vector.broadcast %broadcast_in_dim3A_793 : i32 to vector<16xi32>
    %gather3A_795 = tpu.vector_load_idx %arg5[%iota3A, %broadcast_in_dim3A_794] : memref<16x128xf32, #tpu.memory_space<vmem>>[vector<16xi32>, vector<16xi32>], vector<16xf32>,
    %slice3A_796 = vector.extract_strided_slice %get3A_776 {offsets = [2], sizes = [1], strides = [1]} : vector<16xf32> to vector<1xf32>
    %squeeze3A_797 = vector.extract %slice3A_796[0] : f32 from vector<1xf32>
    %mul3A_798 = vector.broadcast %squeeze3A_797 : f32 to vector<16xf32>
    %mul3A_799 = arith.mulf %mul3A_798, %gather3A_795 : vector<16xf32>
    %add3A_800 = arith.addf %add3A_792, %mul3A_799 : vector<16xf32>
    %broadcast_in_dim3A_801 = arith.constant 99 : i32
    %broadcast_in_dim3A_802 = vector.broadcast %broadcast_in_dim3A_801 : i32 to vector<16xi32>
    %gather3A_803 = tpu.vector_load_idx %arg5[%iota3A, %broadcast_in_dim3A_802] : memref<16x128xf32, #tpu.memory_space<vmem>>[vector<16xi32>, vector<16xi32>], vector<16xf32>,
    %slice3A_804 = vector.extract_strided_slice %get3A_776 {offsets = [3], sizes = [1], strides = [1]} : vector<16xf32> to vector<1xf32>
    %squeeze3A_805 = vector.extract %slice3A_804[0] : f32 from vector<1xf32>
    %mul3A_806 = vector.broadcast %squeeze3A_805 : f32 to vector<16xf32>
    %mul3A_807 = arith.mulf %mul3A_806, %gather3A_803 : vector<16xf32>
    %add3A_808 = arith.addf %add3A_800, %mul3A_807 : vector<16xf32>
    %broadcast_in_dim3A_809 = arith.constant 100 : i32
    %broadcast_in_dim3A_810 = vector.broadcast %broadcast_in_dim3A_809 : i32 to vector<16xi32>
    %gather3A_811 = tpu.vector_load_idx %arg5[%iota3A, %broadcast_in_dim3A_810] : memref<16x128xf32, #tpu.memory_space<vmem>>[vector<16xi32>, vector<16xi32>], vector<16xf32>,
    %slice3A_812 = vector.extract_strided_slice %get3A_776 {offsets = [4], sizes = [1], strides = [1]} : vector<16xf32> to vector<1xf32>
    %squeeze3A_813 = vector.extract %slice3A_812[0] : f32 from vector<1xf32>
    %mul3A_814 = vector.broadcast %squeeze3A_813 : f32 to vector<16xf32>
    %mul3A_815 = arith.mulf %mul3A_814, %gather3A_811 : vector<16xf32>
    %add3A_816 = arith.addf %add3A_808, %mul3A_815 : vector<16xf32>
    %broadcast_in_dim3A_817 = arith.constant 101 : i32
    %broadcast_in_dim3A_818 = vector.broadcast %broadcast_in_dim3A_817 : i32 to vector<16xi32>
    %gather3A_819 = tpu.vector_load_idx %arg5[%iota3A, %broadcast_in_dim3A_818] : memref<16x128xf32, #tpu.memory_space<vmem>>[vector<16xi32>, vector<16xi32>], vector<16xf32>,
    %slice3A_820 = vector.extract_strided_slice %get3A_776 {offsets = [5], sizes = [1], strides = [1]} : vector<16xf32> to vector<1xf32>
    %squeeze3A_821 = vector.extract %slice3A_820[0] : f32 from vector<1xf32>
    %mul3A_822 = vector.broadcast %squeeze3A_821 : f32 to vector<16xf32>
    %mul3A_823 = arith.mulf %mul3A_822, %gather3A_819 : vector<16xf32>
    %add3A_824 = arith.addf %add3A_816, %mul3A_823 : vector<16xf32>
    %broadcast_in_dim3A_825 = arith.constant 102 : i32
    %broadcast_in_dim3A_826 = vector.broadcast %broadcast_in_dim3A_825 : i32 to vector<16xi32>
    %gather3A_827 = tpu.vector_load_idx %arg5[%iota3A, %broadcast_in_dim3A_826] : memref<16x128xf32, #tpu.memory_space<vmem>>[vector<16xi32>, vector<16xi32>], vector<16xf32>,
    %slice3A_828 = vector.extract_strided_slice %get3A_776 {offsets = [6], sizes = [1], strides = [1]} : vector<16xf32> to vector<1xf32>
    %squeeze3A_829 = vector.extract %slice3A_828[0] : f32 from vector<1xf32>
    %mul3A_830 = vector.broadcast %squeeze3A_829 : f32 to vector<16xf32>
    %mul3A_831 = arith.mulf %mul3A_830, %gather3A_827 : vector<16xf32>
    %add3A_832 = arith.addf %add3A_824, %mul3A_831 : vector<16xf32>
    %broadcast_in_dim3A_833 = arith.constant 103 : i32
    %broadcast_in_dim3A_834 = vector.broadcast %broadcast_in_dim3A_833 : i32 to vector<16xi32>
    %gather3A_835 = tpu.vector_load_idx %arg5[%iota3A, %broadcast_in_dim3A_834] : memref<16x128xf32, #tpu.memory_space<vmem>>[vector<16xi32>, vector<16xi32>], vector<16xf32>,
    %slice3A_836 = vector.extract_strided_slice %get3A_776 {offsets = [7], sizes = [1], strides = [1]} : vector<16xf32> to vector<1xf32>
    %squeeze3A_837 = vector.extract %slice3A_836[0] : f32 from vector<1xf32>
    %mul3A_838 = vector.broadcast %squeeze3A_837 : f32 to vector<16xf32>
    %mul3A_839 = arith.mulf %mul3A_838, %gather3A_835 : vector<16xf32>
    %add3A_840 = arith.addf %add3A_832, %mul3A_839 : vector<16xf32>
    %broadcast_in_dim3A_841 = arith.constant 104 : i32
    %broadcast_in_dim3A_842 = vector.broadcast %broadcast_in_dim3A_841 : i32 to vector<16xi32>
    %gather3A_843 = tpu.vector_load_idx %arg5[%iota3A, %broadcast_in_dim3A_842] : memref<16x128xf32, #tpu.memory_space<vmem>>[vector<16xi32>, vector<16xi32>], vector<16xf32>,
    %slice3A_844 = vector.extract_strided_slice %get3A_776 {offsets = [8], sizes = [1], strides = [1]} : vector<16xf32> to vector<1xf32>
    %squeeze3A_845 = vector.extract %slice3A_844[0] : f32 from vector<1xf32>
    %mul3A_846 = vector.broadcast %squeeze3A_845 : f32 to vector<16xf32>
    %mul3A_847 = arith.mulf %mul3A_846, %gather3A_843 : vector<16xf32>
    %add3A_848 = arith.addf %add3A_840, %mul3A_847 : vector<16xf32>
    %broadcast_in_dim3A_849 = arith.constant 105 : i32
    %broadcast_in_dim3A_850 = vector.broadcast %broadcast_in_dim3A_849 : i32 to vector<16xi32>
    %gather3A_851 = tpu.vector_load_idx %arg5[%iota3A, %broadcast_in_dim3A_850] : memref<16x128xf32, #tpu.memory_space<vmem>>[vector<16xi32>, vector<16xi32>], vector<16xf32>,
    %slice3A_852 = vector.extract_strided_slice %get3A_776 {offsets = [9], sizes = [1], strides = [1]} : vector<16xf32> to vector<1xf32>
    %squeeze3A_853 = vector.extract %slice3A_852[0] : f32 from vector<1xf32>
    %mul3A_854 = vector.broadcast %squeeze3A_853 : f32 to vector<16xf32>
    %mul3A_855 = arith.mulf %mul3A_854, %gather3A_851 : vector<16xf32>
    %add3A_856 = arith.addf %add3A_848, %mul3A_855 : vector<16xf32>
    %broadcast_in_dim3A_857 = arith.constant 106 : i32
    %broadcast_in_dim3A_858 = vector.broadcast %broadcast_in_dim3A_857 : i32 to vector<16xi32>
    %gather3A_859 = tpu.vector_load_idx %arg5[%iota3A, %broadcast_in_dim3A_858] : memref<16x128xf32, #tpu.memory_space<vmem>>[vector<16xi32>, vector<16xi32>], vector<16xf32>,
    %slice3A_860 = vector.extract_strided_slice %get3A_776 {offsets = [10], sizes = [1], strides = [1]} : vector<16xf32> to vector<1xf32>
    %squeeze3A_861 = vector.extract %slice3A_860[0] : f32 from vector<1xf32>
    %mul3A_862 = vector.broadcast %squeeze3A_861 : f32 to vector<16xf32>
    %mul3A_863 = arith.mulf %mul3A_862, %gather3A_859 : vector<16xf32>
    %add3A_864 = arith.addf %add3A_856, %mul3A_863 : vector<16xf32>
    %broadcast_in_dim3A_865 = arith.constant 107 : i32
    %broadcast_in_dim3A_866 = vector.broadcast %broadcast_in_dim3A_865 : i32 to vector<16xi32>
    %gather3A_867 = tpu.vector_load_idx %arg5[%iota3A, %broadcast_in_dim3A_866] : memref<16x128xf32, #tpu.memory_space<vmem>>[vector<16xi32>, vector<16xi32>], vector<16xf32>,
    %slice3A_868 = vector.extract_strided_slice %get3A_776 {offsets = [11], sizes = [1], strides = [1]} : vector<16xf32> to vector<1xf32>
    %squeeze3A_869 = vector.extract %slice3A_868[0] : f32 from vector<1xf32>
    %mul3A_870 = vector.broadcast %squeeze3A_869 : f32 to vector<16xf32>
    %mul3A_871 = arith.mulf %mul3A_870, %gather3A_867 : vector<16xf32>
    %add3A_872 = arith.addf %add3A_864, %mul3A_871 : vector<16xf32>
    %broadcast_in_dim3A_873 = arith.constant 108 : i32
    %broadcast_in_dim3A_874 = vector.broadcast %broadcast_in_dim3A_873 : i32 to vector<16xi32>
    %gather3A_875 = tpu.vector_load_idx %arg5[%iota3A, %broadcast_in_dim3A_874] : memref<16x128xf32, #tpu.memory_space<vmem>>[vector<16xi32>, vector<16xi32>], vector<16xf32>,
    %slice3A_876 = vector.extract_strided_slice %get3A_776 {offsets = [12], sizes = [1], strides = [1]} : vector<16xf32> to vector<1xf32>
    %squeeze3A_877 = vector.extract %slice3A_876[0] : f32 from vector<1xf32>
    %mul3A_878 = vector.broadcast %squeeze3A_877 : f32 to vector<16xf32>
    %mul3A_879 = arith.mulf %mul3A_878, %gather3A_875 : vector<16xf32>
    %add3A_880 = arith.addf %add3A_872, %mul3A_879 : vector<16xf32>
    %broadcast_in_dim3A_881 = arith.constant 109 : i32
    %broadcast_in_dim3A_882 = vector.broadcast %broadcast_in_dim3A_881 : i32 to vector<16xi32>
    %gather3A_883 = tpu.vector_load_idx %arg5[%iota3A, %broadcast_in_dim3A_882] : memref<16x128xf32, #tpu.memory_space<vmem>>[vector<16xi32>, vector<16xi32>], vector<16xf32>,
    %slice3A_884 = vector.extract_strided_slice %get3A_776 {offsets = [13], sizes = [1], strides = [1]} : vector<16xf32> to vector<1xf32>
    %squeeze3A_885 = vector.extract %slice3A_884[0] : f32 from vector<1xf32>
    %mul3A_886 = vector.broadcast %squeeze3A_885 : f32 to vector<16xf32>
    %mul3A_887 = arith.mulf %mul3A_886, %gather3A_883 : vector<16xf32>
    %add3A_888 = arith.addf %add3A_880, %mul3A_887 : vector<16xf32>
    %broadcast_in_dim3A_889 = arith.constant 110 : i32
    %broadcast_in_dim3A_890 = vector.broadcast %broadcast_in_dim3A_889 : i32 to vector<16xi32>
    %gather3A_891 = tpu.vector_load_idx %arg5[%iota3A, %broadcast_in_dim3A_890] : memref<16x128xf32, #tpu.memory_space<vmem>>[vector<16xi32>, vector<16xi32>], vector<16xf32>,
    %slice3A_892 = vector.extract_strided_slice %get3A_776 {offsets = [14], sizes = [1], strides = [1]} : vector<16xf32> to vector<1xf32>
    %squeeze3A_893 = vector.extract %slice3A_892[0] : f32 from vector<1xf32>
    %mul3A_894 = vector.broadcast %squeeze3A_893 : f32 to vector<16xf32>
    %mul3A_895 = arith.mulf %mul3A_894, %gather3A_891 : vector<16xf32>
    %add3A_896 = arith.addf %add3A_888, %mul3A_895 : vector<16xf32>
    %broadcast_in_dim3A_897 = arith.constant 111 : i32
    %broadcast_in_dim3A_898 = vector.broadcast %broadcast_in_dim3A_897 : i32 to vector<16xi32>
    %gather3A_899 = tpu.vector_load_idx %arg5[%iota3A, %broadcast_in_dim3A_898] : memref<16x128xf32, #tpu.memory_space<vmem>>[vector<16xi32>, vector<16xi32>], vector<16xf32>,
    %slice3A_900 = vector.extract_strided_slice %get3A_776 {offsets = [15], sizes = [1], strides = [1]} : vector<16xf32> to vector<1xf32>
    %squeeze3A_901 = vector.extract %slice3A_900[0] : f32 from vector<1xf32>
    %mul3A_902 = vector.broadcast %squeeze3A_901 : f32 to vector<16xf32>
    %mul3A_903 = arith.mulf %mul3A_902, %gather3A_899 : vector<16xf32>
    %add3A_904 = arith.addf %add3A_896, %mul3A_903 : vector<16xf32>
    %get3A_905 = arith.constant 112 : index
    %get3A_906 = tpu.vector_load %arg6[%get3A_905] {strides = array<i32>} : memref<128xf32, #tpu.memory_space<vmem>>, vector<16xf32>,
    %broadcast_in_dim3A_907 = arith.constant 112 : i32
    %broadcast_in_dim3A_908 = vector.broadcast %broadcast_in_dim3A_907 : i32 to vector<16xi32>
    %gather3A_909 = tpu.vector_load_idx %arg5[%iota3A, %broadcast_in_dim3A_908] : memref<16x128xf32, #tpu.memory_space<vmem>>[vector<16xi32>, vector<16xi32>], vector<16xf32>,
    %slice3A_910 = vector.extract_strided_slice %get3A_906 {offsets = [0], sizes = [1], strides = [1]} : vector<16xf32> to vector<1xf32>
    %squeeze3A_911 = vector.extract %slice3A_910[0] : f32 from vector<1xf32>
    %mul3A_912 = vector.broadcast %squeeze3A_911 : f32 to vector<16xf32>
    %mul3A_913 = arith.mulf %mul3A_912, %gather3A_909 : vector<16xf32>
    %add3A_914 = arith.addf %add3A_904, %mul3A_913 : vector<16xf32>
    %broadcast_in_dim3A_915 = arith.constant 113 : i32
    %broadcast_in_dim3A_916 = vector.broadcast %broadcast_in_dim3A_915 : i32 to vector<16xi32>
    %gather3A_917 = tpu.vector_load_idx %arg5[%iota3A, %broadcast_in_dim3A_916] : memref<16x128xf32, #tpu.memory_space<vmem>>[vector<16xi32>, vector<16xi32>], vector<16xf32>,
    %slice3A_918 = vector.extract_strided_slice %get3A_906 {offsets = [1], sizes = [1], strides = [1]} : vector<16xf32> to vector<1xf32>
    %squeeze3A_919 = vector.extract %slice3A_918[0] : f32 from vector<1xf32>
    %mul3A_920 = vector.broadcast %squeeze3A_919 : f32 to vector<16xf32>
    %mul3A_921 = arith.mulf %mul3A_920, %gather3A_917 : vector<16xf32>
    %add3A_922 = arith.addf %add3A_914, %mul3A_921 : vector<16xf32>
    %broadcast_in_dim3A_923 = arith.constant 114 : i32
    %broadcast_in_dim3A_924 = vector.broadcast %broadcast_in_dim3A_923 : i32 to vector<16xi32>
    %gather3A_925 = tpu.vector_load_idx %arg5[%iota3A, %broadcast_in_dim3A_924] : memref<16x128xf32, #tpu.memory_space<vmem>>[vector<16xi32>, vector<16xi32>], vector<16xf32>,
    %slice3A_926 = vector.extract_strided_slice %get3A_906 {offsets = [2], sizes = [1], strides = [1]} : vector<16xf32> to vector<1xf32>
    %squeeze3A_927 = vector.extract %slice3A_926[0] : f32 from vector<1xf32>
    %mul3A_928 = vector.broadcast %squeeze3A_927 : f32 to vector<16xf32>
    %mul3A_929 = arith.mulf %mul3A_928, %gather3A_925 : vector<16xf32>
    %add3A_930 = arith.addf %add3A_922, %mul3A_929 : vector<16xf32>
    %broadcast_in_dim3A_931 = arith.constant 115 : i32
    %broadcast_in_dim3A_932 = vector.broadcast %broadcast_in_dim3A_931 : i32 to vector<16xi32>
    %gather3A_933 = tpu.vector_load_idx %arg5[%iota3A, %broadcast_in_dim3A_932] : memref<16x128xf32, #tpu.memory_space<vmem>>[vector<16xi32>, vector<16xi32>], vector<16xf32>,
    %slice3A_934 = vector.extract_strided_slice %get3A_906 {offsets = [3], sizes = [1], strides = [1]} : vector<16xf32> to vector<1xf32>
    %squeeze3A_935 = vector.extract %slice3A_934[0] : f32 from vector<1xf32>
    %mul3A_936 = vector.broadcast %squeeze3A_935 : f32 to vector<16xf32>
    %mul3A_937 = arith.mulf %mul3A_936, %gather3A_933 : vector<16xf32>
    %add3A_938 = arith.addf %add3A_930, %mul3A_937 : vector<16xf32>
    %broadcast_in_dim3A_939 = arith.constant 116 : i32
    %broadcast_in_dim3A_940 = vector.broadcast %broadcast_in_dim3A_939 : i32 to vector<16xi32>
    %gather3A_941 = tpu.vector_load_idx %arg5[%iota3A, %broadcast_in_dim3A_940] : memref<16x128xf32, #tpu.memory_space<vmem>>[vector<16xi32>, vector<16xi32>], vector<16xf32>,
    %slice3A_942 = vector.extract_strided_slice %get3A_906 {offsets = [4], sizes = [1], strides = [1]} : vector<16xf32> to vector<1xf32>
    %squeeze3A_943 = vector.extract %slice3A_942[0] : f32 from vector<1xf32>
    %mul3A_944 = vector.broadcast %squeeze3A_943 : f32 to vector<16xf32>
    %mul3A_945 = arith.mulf %mul3A_944, %gather3A_941 : vector<16xf32>
    %add3A_946 = arith.addf %add3A_938, %mul3A_945 : vector<16xf32>
    %broadcast_in_dim3A_947 = arith.constant 117 : i32
    %broadcast_in_dim3A_948 = vector.broadcast %broadcast_in_dim3A_947 : i32 to vector<16xi32>
    %gather3A_949 = tpu.vector_load_idx %arg5[%iota3A, %broadcast_in_dim3A_948] : memref<16x128xf32, #tpu.memory_space<vmem>>[vector<16xi32>, vector<16xi32>], vector<16xf32>,
    %slice3A_950 = vector.extract_strided_slice %get3A_906 {offsets = [5], sizes = [1], strides = [1]} : vector<16xf32> to vector<1xf32>
    %squeeze3A_951 = vector.extract %slice3A_950[0] : f32 from vector<1xf32>
    %mul3A_952 = vector.broadcast %squeeze3A_951 : f32 to vector<16xf32>
    %mul3A_953 = arith.mulf %mul3A_952, %gather3A_949 : vector<16xf32>
    %add3A_954 = arith.addf %add3A_946, %mul3A_953 : vector<16xf32>
    %broadcast_in_dim3A_955 = arith.constant 118 : i32
    %broadcast_in_dim3A_956 = vector.broadcast %broadcast_in_dim3A_955 : i32 to vector<16xi32>
    %gather3A_957 = tpu.vector_load_idx %arg5[%iota3A, %broadcast_in_dim3A_956] : memref<16x128xf32, #tpu.memory_space<vmem>>[vector<16xi32>, vector<16xi32>], vector<16xf32>,
    %slice3A_958 = vector.extract_strided_slice %get3A_906 {offsets = [6], sizes = [1], strides = [1]} : vector<16xf32> to vector<1xf32>
    %squeeze3A_959 = vector.extract %slice3A_958[0] : f32 from vector<1xf32>
    %mul3A_960 = vector.broadcast %squeeze3A_959 : f32 to vector<16xf32>
    %mul3A_961 = arith.mulf %mul3A_960, %gather3A_957 : vector<16xf32>
    %add3A_962 = arith.addf %add3A_954, %mul3A_961 : vector<16xf32>
    %broadcast_in_dim3A_963 = arith.constant 119 : i32
    %broadcast_in_dim3A_964 = vector.broadcast %broadcast_in_dim3A_963 : i32 to vector<16xi32>
    %gather3A_965 = tpu.vector_load_idx %arg5[%iota3A, %broadcast_in_dim3A_964] : memref<16x128xf32, #tpu.memory_space<vmem>>[vector<16xi32>, vector<16xi32>], vector<16xf32>,
    %slice3A_966 = vector.extract_strided_slice %get3A_906 {offsets = [7], sizes = [1], strides = [1]} : vector<16xf32> to vector<1xf32>
    %squeeze3A_967 = vector.extract %slice3A_966[0] : f32 from vector<1xf32>
    %mul3A_968 = vector.broadcast %squeeze3A_967 : f32 to vector<16xf32>
    %mul3A_969 = arith.mulf %mul3A_968, %gather3A_965 : vector<16xf32>
    %add3A_970 = arith.addf %add3A_962, %mul3A_969 : vector<16xf32>
    %broadcast_in_dim3A_971 = arith.constant 120 : i32
    %broadcast_in_dim3A_972 = vector.broadcast %broadcast_in_dim3A_971 : i32 to vector<16xi32>
    %gather3A_973 = tpu.vector_load_idx %arg5[%iota3A, %broadcast_in_dim3A_972] : memref<16x128xf32, #tpu.memory_space<vmem>>[vector<16xi32>, vector<16xi32>], vector<16xf32>,
    %slice3A_974 = vector.extract_strided_slice %get3A_906 {offsets = [8], sizes = [1], strides = [1]} : vector<16xf32> to vector<1xf32>
    %squeeze3A_975 = vector.extract %slice3A_974[0] : f32 from vector<1xf32>
    %mul3A_976 = vector.broadcast %squeeze3A_975 : f32 to vector<16xf32>
    %mul3A_977 = arith.mulf %mul3A_976, %gather3A_973 : vector<16xf32>
    %add3A_978 = arith.addf %add3A_970, %mul3A_977 : vector<16xf32>
    %broadcast_in_dim3A_979 = arith.constant 121 : i32
    %broadcast_in_dim3A_980 = vector.broadcast %broadcast_in_dim3A_979 : i32 to vector<16xi32>
    %gather3A_981 = tpu.vector_load_idx %arg5[%iota3A, %broadcast_in_dim3A_980] : memref<16x128xf32, #tpu.memory_space<vmem>>[vector<16xi32>, vector<16xi32>], vector<16xf32>,
    %slice3A_982 = vector.extract_strided_slice %get3A_906 {offsets = [9], sizes = [1], strides = [1]} : vector<16xf32> to vector<1xf32>
    %squeeze3A_983 = vector.extract %slice3A_982[0] : f32 from vector<1xf32>
    %mul3A_984 = vector.broadcast %squeeze3A_983 : f32 to vector<16xf32>
    %mul3A_985 = arith.mulf %mul3A_984, %gather3A_981 : vector<16xf32>
    %add3A_986 = arith.addf %add3A_978, %mul3A_985 : vector<16xf32>
    %broadcast_in_dim3A_987 = arith.constant 122 : i32
    %broadcast_in_dim3A_988 = vector.broadcast %broadcast_in_dim3A_987 : i32 to vector<16xi32>
    %gather3A_989 = tpu.vector_load_idx %arg5[%iota3A, %broadcast_in_dim3A_988] : memref<16x128xf32, #tpu.memory_space<vmem>>[vector<16xi32>, vector<16xi32>], vector<16xf32>,
    %slice3A_990 = vector.extract_strided_slice %get3A_906 {offsets = [10], sizes = [1], strides = [1]} : vector<16xf32> to vector<1xf32>
    %squeeze3A_991 = vector.extract %slice3A_990[0] : f32 from vector<1xf32>
    %mul3A_992 = vector.broadcast %squeeze3A_991 : f32 to vector<16xf32>
    %mul3A_993 = arith.mulf %mul3A_992, %gather3A_989 : vector<16xf32>
    %add3A_994 = arith.addf %add3A_986, %mul3A_993 : vector<16xf32>
    %broadcast_in_dim3A_995 = arith.constant 123 : i32
    %broadcast_in_dim3A_996 = vector.broadcast %broadcast_in_dim3A_995 : i32 to vector<16xi32>
    %gather3A_997 = tpu.vector_load_idx %arg5[%iota3A, %broadcast_in_dim3A_996] : memref<16x128xf32, #tpu.memory_space<vmem>>[vector<16xi32>, vector<16xi32>], vector<16xf32>,
    %slice3A_998 = vector.extract_strided_slice %get3A_906 {offsets = [11], sizes = [1], strides = [1]} : vector<16xf32> to vector<1xf32>
    %squeeze3A_999 = vector.extract %slice3A_998[0] : f32 from vector<1xf32>
    %mul3A_1000 = vector.broadcast %squeeze3A_999 : f32 to vector<16xf32>
    %mul3A_1001 = arith.mulf %mul3A_1000, %gather3A_997 : vector<16xf32>
    %add3A_1002 = arith.addf %add3A_994, %mul3A_1001 : vector<16xf32>
    %broadcast_in_dim3A_1003 = arith.constant 124 : i32
    %broadcast_in_dim3A_1004 = vector.broadcast %broadcast_in_dim3A_1003 : i32 to vector<16xi32>
    %gather3A_1005 = tpu.vector_load_idx %arg5[%iota3A, %broadcast_in_dim3A_1004] : memref<16x128xf32, #tpu.memory_space<vmem>>[vector<16xi32>, vector<16xi32>], vector<16xf32>,
    %slice3A_1006 = vector.extract_strided_slice %get3A_906 {offsets = [12], sizes = [1], strides = [1]} : vector<16xf32> to vector<1xf32>
    %squeeze3A_1007 = vector.extract %slice3A_1006[0] : f32 from vector<1xf32>
    %mul3A_1008 = vector.broadcast %squeeze3A_1007 : f32 to vector<16xf32>
    %mul3A_1009 = arith.mulf %mul3A_1008, %gather3A_1005 : vector<16xf32>
    %add3A_1010 = arith.addf %add3A_1002, %mul3A_1009 : vector<16xf32>
    %broadcast_in_dim3A_1011 = arith.constant 125 : i32
    %broadcast_in_dim3A_1012 = vector.broadcast %broadcast_in_dim3A_1011 : i32 to vector<16xi32>
    %gather3A_1013 = tpu.vector_load_idx %arg5[%iota3A, %broadcast_in_dim3A_1012] : memref<16x128xf32, #tpu.memory_space<vmem>>[vector<16xi32>, vector<16xi32>], vector<16xf32>,
    %slice3A_1014 = vector.extract_strided_slice %get3A_906 {offsets = [13], sizes = [1], strides = [1]} : vector<16xf32> to vector<1xf32>
    %squeeze3A_1015 = vector.extract %slice3A_1014[0] : f32 from vector<1xf32>
    %mul3A_1016 = vector.broadcast %squeeze3A_1015 : f32 to vector<16xf32>
    %mul3A_1017 = arith.mulf %mul3A_1016, %gather3A_1013 : vector<16xf32>
    %add3A_1018 = arith.addf %add3A_1010, %mul3A_1017 : vector<16xf32>
    %broadcast_in_dim3A_1019 = arith.constant 126 : i32
    %broadcast_in_dim3A_1020 = vector.broadcast %broadcast_in_dim3A_1019 : i32 to vector<16xi32>
    %gather3A_1021 = tpu.vector_load_idx %arg5[%iota3A, %broadcast_in_dim3A_1020] : memref<16x128xf32, #tpu.memory_space<vmem>>[vector<16xi32>, vector<16xi32>], vector<16xf32>,
    %slice3A_1022 = vector.extract_strided_slice %get3A_906 {offsets = [14], sizes = [1], strides = [1]} : vector<16xf32> to vector<1xf32>
    %squeeze3A_1023 = vector.extract %slice3A_1022[0] : f32 from vector<1xf32>
    %mul3A_1024 = vector.broadcast %squeeze3A_1023 : f32 to vector<16xf32>
    %mul3A_1025 = arith.mulf %mul3A_1024, %gather3A_1021 : vector<16xf32>
    %add3A_1026 = arith.addf %add3A_1018, %mul3A_1025 : vector<16xf32>
    %broadcast_in_dim3A_1027 = arith.constant 127 : i32
    %broadcast_in_dim3A_1028 = vector.broadcast %broadcast_in_dim3A_1027 : i32 to vector<16xi32>
    %gather3A_1029 = tpu.vector_load_idx %arg5[%iota3A, %broadcast_in_dim3A_1028] : memref<16x128xf32, #tpu.memory_space<vmem>>[vector<16xi32>, vector<16xi32>], vector<16xf32>,
    %slice3A_1030 = vector.extract_strided_slice %get3A_906 {offsets = [15], sizes = [1], strides = [1]} : vector<16xf32> to vector<1xf32>
    %squeeze3A_1031 = vector.extract %slice3A_1030[0] : f32 from vector<1xf32>
    %mul3A_1032 = vector.broadcast %squeeze3A_1031 : f32 to vector<16xf32>
    %mul3A_1033 = arith.mulf %mul3A_1032, %gather3A_1029 : vector<16xf32>
    %add3A_1034 = arith.addf %add3A_1026, %mul3A_1033 : vector<16xf32>
    %iota3A_1035 = tpu.iota {dimensions = array<i32: 0>} : vector<16xi32>
    %masked_sort3A = arith.constant dense<true> : vector<16xi1>
    %masked_sort3A_1036, %masked_sort3A_1037, %masked_sort3A_1038 = tpu.sort %add3A_1034, %iota3A_1035 masked %masked_sort3A {descending = true} : (vector<16xf32>, vector<16xi32>, vector<16xi1>) -> (vector<16xi1>, vector<16xf32>, vector<16xi32>)
    %mul3A_1039 = arith.constant 16 : i32
    %mul3A_1040 = vector.broadcast %mul3A_1039 : i32 to vector<16xi32>
    %mul3A_1041 = arith.muli %masked_sort3A_1038, %mul3A_1040 : vector<16xi32>
    %add3A_1042 = vector.broadcast %arg1 : i32 to vector<16xi32>
    %add3A_1043 = arith.addi %mul3A_1041, %add3A_1042 : vector<16xi32>
    %jit3A = arith.constant 17 : i32
    %eq3A = arith.constant 0 : i32
    %eq3A_1044 = arith.cmpi eq, %jit3A, %eq3A : i32
    %jit3A_1045 = arith.constant 1 : i32
    %select_n3A = arith.select %eq3A_1044, %jit3A_1045, %jit3A : i32
    %rem3A = vector.broadcast %select_n3A : i32 to vector<16xi32>
    %rem3A_1046 = arith.remsi %add3A_1043, %rem3A : vector<16xi32>
    %ne3A = arith.constant 0 : i32
    %ne3A_1047 = vector.broadcast %ne3A : i32 to vector<16xi32>
    %ne3A_1048 = arith.cmpi ne, %rem3A_1046, %ne3A_1047 : vector<16xi32>
    %lt3A = arith.constant 0 : i32
    %lt3A_1049 = vector.broadcast %lt3A : i32 to vector<16xi32>
    %lt3A_1050 = arith.cmpi slt, %rem3A_1046, %lt3A_1049 : vector<16xi32>
    %lt3A_1051 = arith.constant 0 : i32
    %lt3A_1052 = arith.cmpi slt, %select_n3A, %lt3A_1051 : i32
    %ne3A_1053 = vector.broadcast %lt3A_1052 : i1 to vector<16xi1>
    %ne3A_1054 = vector.broadcast %ne3A_1053 : vector<16xi1> to vector<16xi1>
    %ne3A_1055 = arith.xori %lt3A_1050, %ne3A_1054 : vector<16xi1>
    %and3A = arith.andi %ne3A_1055, %ne3A_1048 : vector<16xi1>
    %add3A_1056 = vector.broadcast %select_n3A : i32 to vector<16xi32>
    %add3A_1057 = arith.addi %rem3A_1046, %add3A_1056 : vector<16xi32>
    %select_n3A_1058 = arith.select %and3A, %add3A_1057, %rem3A_1046 : vector<16xi1>, vector<16xi32>
    %mul3A_1059 = arith.constant 16 : i32
    %mul3A_1060 = vector.broadcast %mul3A_1059 : i32 to vector<16xi32>
    %mul3A_1061 = arith.muli %select_n3A_1058, %mul3A_1060 : vector<16xi32>
    %jit3A_1062 = arith.constant 17 : i32
    %div3A = vector.broadcast %jit3A_1062 : i32 to vector<16xi32>
    %div3A_1063 = arith.divsi %add3A_1043, %div3A : vector<16xi32>
    %sign3A = arith.constant 0 : i32
    %sign3A_1064 = vector.broadcast %sign3A : i32 to vector<16xi32>
    %sign3A_1065 = arith.cmpi sgt, %add3A_1043, %sign3A_1064 : vector<16xi32>
    %sign3A_1066 = arith.extui %sign3A_1065 : vector<16xi1> to vector<16xi32>
    %sign3A_1067 = arith.constant 0 : i32
    %sign3A_1068 = vector.broadcast %sign3A_1067 : i32 to vector<16xi32>
    %sign3A_1069 = arith.cmpi slt, %add3A_1043, %sign3A_1068 : vector<16xi32>
    %sign3A_1070 = arith.extui %sign3A_1069 : vector<16xi1> to vector<16xi32>
    %sign3A_1071 = arith.subi %sign3A_1066, %sign3A_1070 : vector<16xi32>
    %sign3A_1072 = arith.constant 0 : i32
    %sign3A_1073 = arith.cmpi sgt, %jit3A_1062, %sign3A_1072 : i32
    %sign3A_1074 = arith.extui %sign3A_1073 : i1 to i32
    %sign3A_1075 = arith.constant 0 : i32
    %sign3A_1076 = arith.cmpi slt, %jit3A_1062, %sign3A_1075 : i32
    %sign3A_1077 = arith.extui %sign3A_1076 : i1 to i32
    %sign3A_1078 = arith.subi %sign3A_1074, %sign3A_1077 : i32
    %ne3A_1079 = vector.broadcast %sign3A_1078 : i32 to vector<16xi32>
    %ne3A_1080 = arith.cmpi ne, %sign3A_1071, %ne3A_1079 : vector<16xi32>
    %rem3A_1081 = vector.broadcast %jit3A_1062 : i32 to vector<16xi32>
    %rem3A_1082 = arith.remsi %add3A_1043, %rem3A_1081 : vector<16xi32>
    %ne3A_1083 = arith.constant 0 : i32
    %ne3A_1084 = vector.broadcast %ne3A_1083 : i32 to vector<16xi32>
    %ne3A_1085 = arith.cmpi ne, %rem3A_1082, %ne3A_1084 : vector<16xi32>
    %and3A_1086 = arith.andi %ne3A_1080, %ne3A_1085 : vector<16xi1>
    %sub3A = arith.constant 1 : i32
    %sub3A_1087 = vector.broadcast %sub3A : i32 to vector<16xi32>
    %sub3A_1088 = arith.subi %div3A_1063, %sub3A_1087 : vector<16xi32>
    %select_n3A_1089 = arith.select %and3A_1086, %sub3A_1088, %div3A_1063 : vector<16xi1>, vector<16xi32>
    %add3A_1090 = arith.addi %mul3A_1061, %select_n3A_1089 : vector<16xi32>
    %iota3A_1091 = tpu.iota {dimensions = array<i32: 0>} : vector<16xi32>
    %add3A_1092 = arith.constant 256 : i32
    %add3A_1093 = arith.addi %add3A_1092, %arg1 : i32
    %eq3A_1094 = vector.broadcast %add3A_1093 : i32 to vector<16xi32>
    %eq3A_1095 = arith.cmpi eq, %add3A_1090, %eq3A_1094 : vector<16xi32>
    %lt3A_1096 = arith.constant 8 : i32
    %lt3A_1097 = vector.broadcast %lt3A_1096 : i32 to vector<16xi32>
    %lt3A_1098 = arith.cmpi slt, %iota3A_1091, %lt3A_1097 : vector<16xi32>
    %and3A_1099 = arith.andi %eq3A_1095, %lt3A_1098 : vector<16xi1>
    %jit3A_1100 = arith.constant 1 : i32
    %jit3A_1101 = arith.constant 0 : i32
    %broadcast_in_dim3A_1102 = vector.broadcast %jit3A_1100 : i32 to vector<16xi32>
    %broadcast_in_dim3A_1103 = vector.broadcast %jit3A_1101 : i32 to vector<16xi32>
    %select_n3A_1104 = arith.select %and3A_1099, %broadcast_in_dim3A_1102, %broadcast_in_dim3A_1103 : vector<16xi1>, vector<16xi32>
    %reduce_sum3A = arith.constant true
    %reduce_sum3A_1105 = vector.broadcast %reduce_sum3A : i1 to vector<16xi1>
    %reduce_sum3A_1106 = tpu.scan <sum>, %select_n3A_1104 masked %reduce_sum3A_1105 : vector<16xi32>, vector<16xi1> -> vector<16xi32>
    %reduce_sum3A_1107 = vector.extract %reduce_sum3A_1106[15] : i32 from vector<16xi32>
    %mul3A_1108 = arith.constant 64 : i32
    %mul3A_1109 = vector.broadcast %mul3A_1108 : i32 to vector<16xi32>
    %mul3A_1110 = arith.muli %iota3A_1091, %mul3A_1109 : vector<16xi32>
    %jit3A_1111 = arith.constant 1048576 : i32
    %broadcast_in_dim3A_1112 = vector.broadcast %jit3A_1111 : i32 to vector<16xi32>
    %select_n3A_1113 = arith.select %and3A_1099, %mul3A_1110, %broadcast_in_dim3A_1112 : vector<16xi1>, vector<16xi32>
    %reduce_min3A = arith.constant true
    %reduce_min3A_1114 = vector.broadcast %reduce_min3A : i1 to vector<16xi1>
    %reduce_min3A_1115 = arith.constant -2147483648 : i32
    %reduce_min3A_1116 = vector.broadcast %reduce_min3A_1115 : i32 to vector<16xi32>
    %reduce_min3A_1117 = arith.xori %select_n3A_1113, %reduce_min3A_1116 : vector<16xi32>
    %reduce_min3A_1118 = tpu.scan <min>, %reduce_min3A_1117 masked %reduce_min3A_1114 : vector<16xi32>, vector<16xi1> -> vector<16xi32>
    %reduce_min3A_1119 = arith.xori %reduce_min3A_1118, %reduce_min3A_1116 : vector<16xi32>
    %reduce_min3A_1120 = vector.extract %reduce_min3A_1119[15] : i32 from vector<16xi32>
    %gt3A = arith.constant 0 : i32
    %gt3A_1121 = arith.cmpi sgt, %reduce_sum3A_1107, %gt3A : i32
    %jit3A_1122 = arith.constant -1 : i32
    %select_n3A_1123 = arith.select %gt3A_1121, %reduce_min3A_1120, %jit3A_1122 : i32
    %add3A_1124 = arith.constant 1 : i32
    %add3A_1125 = arith.addi %add3A_1124, %reduce_sum3A_1107 : i32
    %eq3A_1126 = arith.constant 8 : i32
    %eq3A_1127 = vector.broadcast %eq3A_1126 : i32 to vector<16xi32>
    %eq3A_1128 = arith.cmpi eq, %iota3A_1091, %eq3A_1127 : vector<16xi32>
    %eq3A_1129 = arith.constant 9 : i32
    %eq3A_1130 = vector.broadcast %eq3A_1129 : i32 to vector<16xi32>
    %eq3A_1131 = arith.cmpi eq, %iota3A_1091, %eq3A_1130 : vector<16xi32>
    %broadcast_in_dim3A_1132 = vector.broadcast %add3A_1125 : i32 to vector<16xi32>
    %select_n3A_1133 = arith.select %eq3A_1131, %broadcast_in_dim3A_1132, %add3A_1090 : vector<16xi1>, vector<16xi32>
    %broadcast_in_dim3A_1134 = vector.broadcast %select_n3A_1123 : i32 to vector<16xi32>
    %select_n3A_1135 = arith.select %eq3A_1128, %broadcast_in_dim3A_1134, %select_n3A_1133 : vector<16xi1>, vector<16xi32>
    %swap3A = arith.constant 0 : index
    %swap3A_1136 = tpu.vector_load %arg7[%swap3A] {strides = array<i32>} : memref<16xi32, #tpu.memory_space<vmem>>, vector<16xi32>,
    tpu.vector_store %arg7[%swap3A], %select_n3A_1135 {strides = array<i32>} : memref<16xi32, #tpu.memory_space<vmem>>, vector<16xi32>,
    %eq3A_1137 = arith.constant 0 : i32
    %eq3A_1138 = arith.cmpi eq, %arg0, %eq3A_1137 : i32
    %convert_element_type3A = arith.extui %eq3A_1138 : i1 to i32
    %cond3A = arith.constant 0 : i32
    %cond3A_1139 = arith.cmpi ne, %convert_element_type3A, %cond3A : i32
    scf.if %cond3A_1139 {
      "tpu.region"() ({
        %run_scoped3A = tpu.sem_alloc : memref<!tpu.dma_semaphore, #tpu.memory_space<semaphore_mem>>
        %dma_start3A = arith.constant 0 : i32
        %dma_start3A_1140 = tpu.memref_slice %arg4[%arg1, %dma_start3A] : memref<16x128xi32, #tpu.memory_space<hbm>> -> memref<1x16xi32, #tpu.memory_space<hbm>>
        %dma_start3A_1141 = tpu.memref_squeeze %dma_start3A_1140 : memref<1x16xi32, #tpu.memory_space<hbm>> -> memref<16xi32, #tpu.memory_space<hbm>>
        %dma_start3A_1142 = arith.constant 0 : i32
        %dma_start3A_1143 = tpu.memref_slice %arg4[%arg1, %dma_start3A_1142] : memref<16x128xi32, #tpu.memory_space<hbm>> -> memref<1x16xi32, #tpu.memory_space<hbm>>
        %dma_start3A_1144 = tpu.memref_squeeze %dma_start3A_1143 : memref<1x16xi32, #tpu.memory_space<hbm>> -> memref<16xi32, #tpu.memory_space<hbm>>
        tpu.enqueue_dma source(%arg7 : memref<16xi32, #tpu.memory_space<vmem>>) target(%dma_start3A_1144 : memref<16xi32, #tpu.memory_space<hbm>>) target_semaphore(%run_scoped3A : memref<!tpu.dma_semaphore, #tpu.memory_space<semaphore_mem>>)
        %dma_wait3A = arith.constant 0 : i32
        %dma_wait3A_1145 = tpu.memref_slice %arg4[%arg1, %dma_wait3A] : memref<16x128xi32, #tpu.memory_space<hbm>> -> memref<1x16xi32, #tpu.memory_space<hbm>>
        %dma_wait3A_1146 = tpu.memref_squeeze %dma_wait3A_1145 : memref<1x16xi32, #tpu.memory_space<hbm>> -> memref<16xi32, #tpu.memory_space<hbm>>
        %dma_wait3A_1147 = arith.constant 0 : i32
        %dma_wait3A_1148 = tpu.memref_slice %arg4[%arg1, %dma_wait3A_1147] : memref<16x128xi32, #tpu.memory_space<hbm>> -> memref<1x16xi32, #tpu.memory_space<hbm>>
        %dma_wait3A_1149 = tpu.memref_squeeze %dma_wait3A_1148 : memref<1x16xi32, #tpu.memory_space<hbm>> -> memref<16xi32, #tpu.memory_space<hbm>>
        tpu.wait_dma2 semaphore(%run_scoped3A : memref<!tpu.dma_semaphore, #tpu.memory_space<semaphore_mem>>) src(%arg7 : memref<16xi32, #tpu.memory_space<vmem>>) dst(%dma_wait3A_1149 : memref<16xi32, #tpu.memory_space<hbm>>)
        tpu.yield
      }) : () -> ()
    } else {
    }
    return
  }
}

module attributes {stable_mosaic.version = 14 : i64} {
  func.func @_mlp_body(%arg0: i32, %arg1: memref<256x128xf32, #tpu.memory_space<vmem>>, %arg2: memref<2048x128xf32, #tpu.memory_space<vmem>>, %arg3: memref<16x1x2048xf32, #tpu.memory_space<vmem>>, %arg4: memref<1x2048xf32, #tpu.memory_space<vmem>>, %arg5: memref<512x2048xf32, #tpu.memory_space<vmem>>, %arg6: memref<512x2048xf32, #tpu.memory_space<vmem>>, %arg7: memref<2048x512xf32, #tpu.memory_space<vmem>>, %arg8: memref<256x2048xf32, #tpu.memory_space<vmem>>, %arg9: memref<256x2048xbf16, #tpu.memory_space<vmem>>) attributes {dimension_semantics = [#tpu.dimension_semantics<arbitrary>], iteration_bounds = array<i64: 8>, scalar_prefetch = 0 : i64, scratch_operands = 1 : i64, tpu.core_type = #tpu.core_type<tc>, window_params = [{pipeline_mode = #tpu.pipeline_mode<synchronous>, transform_indices = @transform_0, window_bounds = array<i64: 256, 128>}, {pipeline_mode = #tpu.pipeline_mode<synchronous>, transform_indices = @transform_1, window_bounds = array<i64: 2048, 128>}, {pipeline_mode = #tpu.pipeline_mode<synchronous>, transform_indices = @transform_2, window_bounds = array<i64: 16, 1, 2048>}, {pipeline_mode = #tpu.pipeline_mode<synchronous>, transform_indices = @transform_3, window_bounds = array<i64: 1, 2048>}, {transform_indices = @transform_4, window_bounds = array<i64: 512, 2048>}, {transform_indices = @transform_5, window_bounds = array<i64: 512, 2048>}, {transform_indices = @transform_6, window_bounds = array<i64: 2048, 512>}, {pipeline_mode = #tpu.pipeline_mode<synchronous>, transform_indices = @transform_7, window_bounds = array<i64: 256, 2048>}]} {
    %eq3A = arith.constant 0 : i32
    %eq3A_0 = arith.cmpi eq, %arg0, %eq3A : i32
    %convert_element_type3A = arith.extui %eq3A_0 : i1 to i32
    %cond3A = arith.constant 0 : i32
    %cond3A_1 = arith.cmpi ne, %convert_element_type3A, %cond3A : i32
    scf.if %cond3A_1 {
      %get3A_35 = arith.constant 0 : index
      %get3A_36 = arith.constant 0 : index
      %get3A_37 = vector.load %arg1[%get3A_35, %get3A_36] : memref<256x128xf32, #tpu.memory_space<vmem>>, vector<256x128xf32>
      %get3A_38 = arith.constant 0 : index
      %get3A_39 = arith.constant 0 : index
      %get3A_40 = vector.load %arg2[%get3A_38, %get3A_39] : memref<2048x128xf32, #tpu.memory_space<vmem>>, vector<2048x128xf32>
      %dot_general3A_41 = arith.constant dense<0.000000e+00> : vector<256x2048xf32>
      %dot_general3A_42 = tpu.matmul %get3A_37, %get3A_40, %dot_general3A_41 {dimension_numbers = #tpu.dot_dimension_numbers<[1], [1], [0], [0], [0, 0, 1, 0], [], []>, transpose_lhs_hint = false} : vector<256x128xf32>, vector<2048x128xf32>, vector<256x2048xf32> -> vector<256x2048xf32>
      %reshape3A = vector.shape_cast %dot_general3A_42 : vector<256x2048xf32> to vector<16x16x2048xf32>
      %get3A_43 = arith.constant 0 : index
      %get3A_44 = arith.constant 0 : index
      %get3A_45 = arith.constant 0 : index
      %get3A_46 = vector.load %arg3[%get3A_43, %get3A_44, %get3A_45] : memref<16x1x2048xf32, #tpu.memory_space<vmem>>, vector<16x1x2048xf32>
      %add3A_47 = vector.broadcast %get3A_46 : vector<16x1x2048xf32> to vector<16x16x2048xf32>
      %add3A_48 = arith.addf %reshape3A, %add3A_47 : vector<16x16x2048xf32>
      %reshape3A_49 = vector.shape_cast %add3A_48 : vector<16x16x2048xf32> to vector<256x2048xf32>
      %swap3A_50 = arith.constant 0 : index
      %swap3A_51 = arith.constant 0 : index
      %swap3A_52 = vector.load %arg8[%swap3A_50, %swap3A_51] : memref<256x2048xf32, #tpu.memory_space<vmem>>, vector<256x2048xf32>
      tpu.vector_store %arg8[%swap3A_50, %swap3A_51], %reshape3A_49 {strides = array<i32>} : memref<256x2048xf32, #tpu.memory_space<vmem>>, vector<256x2048xf32>,
      %mul3A_53 = arith.mulf %reshape3A_49, %reshape3A_49 : vector<256x2048xf32>
      %reduce_sum3A = arith.constant dense<0.000000e+00> : vector<256xf32>
      %reduce_sum3A_54 = vector.multi_reduction <add>, %mul3A_53, %reduce_sum3A [1] : vector<256x2048xf32> to vector<256xf32>
      %broadcast_in_dim3A = vector.shape_cast %reduce_sum3A_54 : vector<256xf32> to vector<256x1xf32>
      %div3A_55 = arith.constant 2.048000e+03 : f32
      %div3A_56 = vector.broadcast %div3A_55 : f32 to vector<256x1xf32>
      %div3A_57 = arith.divf %broadcast_in_dim3A, %div3A_56 : vector<256x1xf32>
      %add3A_58 = arith.constant 9.99999997E-7 : f32
      %add3A_59 = vector.broadcast %add3A_58 : f32 to vector<256x1xf32>
      %add3A_60 = arith.addf %div3A_57, %add3A_59 : vector<256x1xf32>
      %rsqrt3A = math.rsqrt %add3A_60 : vector<256x1xf32>
      %mul3A_61 = vector.broadcast %rsqrt3A : vector<256x1xf32> to vector<256x2048xf32>
      %mul3A_62 = arith.mulf %reshape3A_49, %mul3A_61 : vector<256x2048xf32>
      %get3A_63 = arith.constant 0 : index
      %get3A_64 = arith.constant 0 : index
      %get3A_65 = vector.load %arg4[%get3A_63, %get3A_64] : memref<1x2048xf32, #tpu.memory_space<vmem>>, vector<1x2048xf32>
      %mul3A_66 = vector.broadcast %get3A_65 : vector<1x2048xf32> to vector<256x2048xf32>
      %mul3A_67 = arith.mulf %mul3A_62, %mul3A_66 : vector<256x2048xf32>
      %convert_element_type3A_68 = arith.truncf %mul3A_67 : vector<256x2048xf32> to vector<256x2048xbf16>
      %swap3A_69 = arith.constant 0 : index
      %swap3A_70 = arith.constant 0 : index
      %swap3A_71 = vector.load %arg9[%swap3A_69, %swap3A_70] : memref<256x2048xbf16, #tpu.memory_space<vmem>>, vector<256x2048xbf16>
      tpu.vector_store %arg9[%swap3A_69, %swap3A_70], %convert_element_type3A_68 {strides = array<i32>} : memref<256x2048xbf16, #tpu.memory_space<vmem>>, vector<256x2048xbf16>,
    } else {
    }
    %get3A = arith.constant 0 : index
    %get3A_2 = arith.constant 0 : index
    %get3A_3 = vector.load %arg9[%get3A, %get3A_2] : memref<256x2048xbf16, #tpu.memory_space<vmem>>, vector<256x2048xbf16>
    %get3A_4 = arith.constant 0 : index
    %get3A_5 = arith.constant 0 : index
    %get3A_6 = vector.load %arg5[%get3A_4, %get3A_5] : memref<512x2048xf32, #tpu.memory_space<vmem>>, vector<512x2048xf32>
    %convert_element_type3A_7 = arith.truncf %get3A_6 : vector<512x2048xf32> to vector<512x2048xbf16>
    %dot_general3A = arith.constant dense<0.000000e+00> : vector<256x512xf32>
    %dot_general3A_8 = tpu.matmul %get3A_3, %convert_element_type3A_7, %dot_general3A {dimension_numbers = #tpu.dot_dimension_numbers<[1], [1], [0], [0], [0, 0, 1, 0], [], []>, transpose_lhs_hint = false} : vector<256x2048xbf16>, vector<512x2048xbf16>, vector<256x512xf32> -> vector<256x512xf32>
    %get3A_9 = arith.constant 0 : index
    %get3A_10 = arith.constant 0 : index
    %get3A_11 = vector.load %arg6[%get3A_9, %get3A_10] : memref<512x2048xf32, #tpu.memory_space<vmem>>, vector<512x2048xf32>
    %convert_element_type3A_12 = arith.truncf %get3A_11 : vector<512x2048xf32> to vector<512x2048xbf16>
    %dot_general3A_13 = arith.constant dense<0.000000e+00> : vector<256x512xf32>
    %dot_general3A_14 = tpu.matmul %get3A_3, %convert_element_type3A_12, %dot_general3A_13 {dimension_numbers = #tpu.dot_dimension_numbers<[1], [1], [0], [0], [0, 0, 1, 0], [], []>, transpose_lhs_hint = false} : vector<256x2048xbf16>, vector<512x2048xbf16>, vector<256x512xf32> -> vector<256x512xf32>
    %neg3A = arith.constant 0.000000e+00 : f32
    %neg3A_15 = vector.broadcast %neg3A : f32 to vector<256x512xf32>
    %neg3A_16 = arith.subf %neg3A_15, %dot_general3A_14 : vector<256x512xf32>
    %exp3A = math.exp %neg3A_16 : vector<256x512xf32>
    %add3A = arith.constant 1.000000e+00 : f32
    %add3A_17 = vector.broadcast %add3A : f32 to vector<256x512xf32>
    %add3A_18 = arith.addf %add3A_17, %exp3A : vector<256x512xf32>
    %div3A = arith.constant 1.000000e+00 : f32
    %div3A_19 = vector.broadcast %div3A : f32 to vector<256x512xf32>
    %div3A_20 = arith.divf %div3A_19, %add3A_18 : vector<256x512xf32>
    %mul3A = arith.mulf %dot_general3A_14, %div3A_20 : vector<256x512xf32>
    %mul3A_21 = arith.mulf %dot_general3A_8, %mul3A : vector<256x512xf32>
    %convert_element_type3A_22 = arith.truncf %mul3A_21 : vector<256x512xf32> to vector<256x512xbf16>
    %get3A_23 = arith.constant 0 : index
    %get3A_24 = arith.constant 0 : index
    %get3A_25 = vector.load %arg8[%get3A_23, %get3A_24] : memref<256x2048xf32, #tpu.memory_space<vmem>>, vector<256x2048xf32>
    %get3A_26 = arith.constant 0 : index
    %get3A_27 = arith.constant 0 : index
    %get3A_28 = vector.load %arg7[%get3A_26, %get3A_27] : memref<2048x512xf32, #tpu.memory_space<vmem>>, vector<2048x512xf32>
    %convert_element_type3A_29 = arith.truncf %get3A_28 : vector<2048x512xf32> to vector<2048x512xbf16>
    %dot_general3A_30 = arith.constant dense<0.000000e+00> : vector<256x2048xf32>
    %dot_general3A_31 = tpu.matmul %convert_element_type3A_22, %convert_element_type3A_29, %dot_general3A_30 {dimension_numbers = #tpu.dot_dimension_numbers<[1], [1], [0], [0], [0, 0, 1, 0], [], []>, transpose_lhs_hint = false} : vector<256x512xbf16>, vector<2048x512xbf16>, vector<256x2048xf32> -> vector<256x2048xf32>
    %add3A_32 = arith.addf %get3A_25, %dot_general3A_31 : vector<256x2048xf32>
    %swap3A = arith.constant 0 : index
    %swap3A_33 = arith.constant 0 : index
    %swap3A_34 = vector.load %arg8[%swap3A, %swap3A_33] : memref<256x2048xf32, #tpu.memory_space<vmem>>, vector<256x2048xf32>
    tpu.vector_store %arg8[%swap3A, %swap3A_33], %add3A_32 {strides = array<i32>} : memref<256x2048xf32, #tpu.memory_space<vmem>>, vector<256x2048xf32>,
    return
  }
  func.func @transform_0(%arg0: i32) -> (i32, i32) {
    %c0_i32 = arith.constant 0 : i32
    %c0_i32_0 = arith.constant 0 : i32
    %c0_i32_1 = arith.constant 0 : i32
    return %c0_i32, %c0_i32_0 : i32, i32
  }
  func.func @transform_1(%arg0: i32) -> (i32, i32) {
    %c0_i32 = arith.constant 0 : i32
    %c0_i32_0 = arith.constant 0 : i32
    %c0_i32_1 = arith.constant 0 : i32
    return %c0_i32, %c0_i32_0 : i32, i32
  }
  func.func @transform_2(%arg0: i32) -> (i32, i32, i32) {
    %c0_i32 = arith.constant 0 : i32
    %c0_i32_0 = arith.constant 0 : i32
    %c0_i32_1 = arith.constant 0 : i32
    %c0_i32_2 = arith.constant 0 : i32
    return %c0_i32, %c0_i32_0, %c0_i32_1 : i32, i32, i32
  }
  func.func @transform_3(%arg0: i32) -> (i32, i32) {
    %c0_i32 = arith.constant 0 : i32
    %c0_i32_0 = arith.constant 0 : i32
    %c0_i32_1 = arith.constant 0 : i32
    return %c0_i32, %c0_i32_0 : i32, i32
  }
  func.func @transform_4(%arg0: i32) -> (i32, i32) {
    %c0_i32 = arith.constant 0 : i32
    %c0_i32_0 = arith.constant 0 : i32
    return %arg0, %c0_i32 : i32, i32
  }
  func.func @transform_5(%arg0: i32) -> (i32, i32) {
    %c0_i32 = arith.constant 0 : i32
    %c0_i32_0 = arith.constant 0 : i32
    return %arg0, %c0_i32 : i32, i32
  }
  func.func @transform_6(%arg0: i32) -> (i32, i32) {
    %c0_i32 = arith.constant 0 : i32
    %c0_i32_0 = arith.constant 0 : i32
    return %c0_i32, %arg0 : i32, i32
  }
  func.func @transform_7(%arg0: i32) -> (i32, i32) {
    %c0_i32 = arith.constant 0 : i32
    %c0_i32_0 = arith.constant 0 : i32
    %c0_i32_1 = arith.constant 0 : i32
    return %c0_i32, %c0_i32_0 : i32, i32
  }
}

module attributes {stable_mosaic.version = 14 : i64} {
  func.func @_attn_body(%arg0: i32, %arg1: memref<18x16x128xf32, #tpu.memory_space<hbm>>, %arg2: memref<16x128xi32, #tpu.memory_space<smem>>, %arg3: memref<512x2x64x1x128xf32, #tpu.memory_space<hbm>>, %arg4: memref<1x16x128xf32, #tpu.memory_space<vmem>>, %arg5: memref<2x8x64x128xf32, #tpu.memory_space<vmem>>, %arg6: memref<2x8x64x128xf32, #tpu.memory_space<vmem>>, %arg7: memref<2x18x128xf32, #tpu.memory_space<vmem>>, %arg8: memref<2x!tpu.dma_semaphore, #tpu.memory_space<semaphore_mem>>) attributes {dimension_semantics = [#tpu.dimension_semantics<arbitrary>], iteration_bounds = array<i64: 16>, scalar_prefetch = 0 : i64, scratch_operands = 4 : i64, tpu.core_type = #tpu.core_type<tc>, window_params = [{}, {transform_indices = @transform_1, window_bounds = array<i64: 16, 128>}, {}, {transform_indices = @transform_3, window_bounds = array<i64: 1, 16, 128>}]} {
    %rem3A = arith.constant 2 : i32
    %rem3A_0 = arith.remsi %arg0, %rem3A : i32
    %eq3A = arith.constant 0 : i32
    %eq3A_1 = arith.cmpi eq, %arg0, %eq3A : i32
    %convert_element_type3A = arith.extui %eq3A_1 : i1 to i32
    %cond3A = arith.constant 0 : i32
    %cond3A_2 = arith.cmpi ne, %convert_element_type3A, %cond3A : i32
    scf.if %cond3A_2 {
      %get3A_307 = arith.constant 0 : index
      %get3A_308 = arith.constant 0 : index
      %get3A_309 = memref.load %arg2[%get3A_307, %get3A_308] : memref<16x128xi32, #tpu.memory_space<smem>>
      %get3A_310 = arith.constant 0 : index
      %get3A_311 = arith.constant 1 : index
      %get3A_312 = memref.load %arg2[%get3A_310, %get3A_311] : memref<16x128xi32, #tpu.memory_space<smem>>
      %get3A_313 = arith.constant 0 : index
      %get3A_314 = arith.constant 2 : index
      %get3A_315 = memref.load %arg2[%get3A_313, %get3A_314] : memref<16x128xi32, #tpu.memory_space<smem>>
      %get3A_316 = arith.constant 0 : index
      %get3A_317 = arith.constant 3 : index
      %get3A_318 = memref.load %arg2[%get3A_316, %get3A_317] : memref<16x128xi32, #tpu.memory_space<smem>>
      %get3A_319 = arith.constant 0 : index
      %get3A_320 = arith.constant 4 : index
      %get3A_321 = memref.load %arg2[%get3A_319, %get3A_320] : memref<16x128xi32, #tpu.memory_space<smem>>
      %get3A_322 = arith.constant 0 : index
      %get3A_323 = arith.constant 5 : index
      %get3A_324 = memref.load %arg2[%get3A_322, %get3A_323] : memref<16x128xi32, #tpu.memory_space<smem>>
      %get3A_325 = arith.constant 0 : index
      %get3A_326 = arith.constant 6 : index
      %get3A_327 = memref.load %arg2[%get3A_325, %get3A_326] : memref<16x128xi32, #tpu.memory_space<smem>>
      %get3A_328 = arith.constant 0 : index
      %get3A_329 = arith.constant 7 : index
      %get3A_330 = memref.load %arg2[%get3A_328, %get3A_329] : memref<16x128xi32, #tpu.memory_space<smem>>
      %dma_start3A = arith.constant 0 : i32
      %dma_start3A_331 = arith.constant 0 : i32
      %dma_start3A_332 = arith.constant 0 : i32
      %dma_start3A_333 = tpu.memref_slice %arg8[%dma_start3A_332] : memref<2x!tpu.dma_semaphore, #tpu.memory_space<semaphore_mem>> -> memref<1x!tpu.dma_semaphore, #tpu.memory_space<semaphore_mem>>
      %dma_start3A_334 = tpu.memref_squeeze %dma_start3A_333 : memref<1x!tpu.dma_semaphore, #tpu.memory_space<semaphore_mem>> -> memref<!tpu.dma_semaphore, #tpu.memory_space<semaphore_mem>>
      %dma_start3A_335 = arith.constant 0 : i32
      %dma_start3A_336 = arith.constant 0 : i32
      %dma_start3A_337 = tpu.memref_slice %arg7[%dma_start3A_331, %dma_start3A_335, %dma_start3A_336] : memref<2x18x128xf32, #tpu.memory_space<vmem>> -> memref<1x18x128xf32, #tpu.memory_space<vmem>>
      %dma_start3A_338 = tpu.memref_squeeze %dma_start3A_337 : memref<1x18x128xf32, #tpu.memory_space<vmem>> -> memref<18x128xf32, #tpu.memory_space<vmem>>
      %dma_start3A_339 = arith.constant 0 : i32
      %dma_start3A_340 = arith.constant 0 : i32
      %dma_start3A_341 = tpu.memref_slice %arg1[%dma_start3A_339, %dma_start3A, %dma_start3A_340] : memref<18x16x128xf32, #tpu.memory_space<hbm>> -> memref<18x1x128xf32, #tpu.memory_space<hbm>>
      %dma_start3A_342 = tpu.memref_squeeze %dma_start3A_341 : memref<18x1x128xf32, #tpu.memory_space<hbm>> -> memref<18x128xf32, #tpu.memory_space<hbm>>
      tpu.enqueue_dma source(%dma_start3A_342 : memref<18x128xf32, #tpu.memory_space<hbm>>) target(%dma_start3A_338 : memref<18x128xf32, #tpu.memory_space<vmem>>) target_semaphore(%dma_start3A_334 : memref<!tpu.dma_semaphore, #tpu.memory_space<semaphore_mem>>)
      %dma_start3A_343 = arith.constant 0 : i32
      %dma_start3A_344 = arith.constant 0 : i32
      %dma_start3A_345 = arith.constant 0 : i32
      %dma_start3A_346 = arith.constant 0 : i32
      %dma_start3A_347 = arith.constant 0 : i32
      %dma_start3A_348 = tpu.memref_slice %arg8[%dma_start3A_347] : memref<2x!tpu.dma_semaphore, #tpu.memory_space<semaphore_mem>> -> memref<1x!tpu.dma_semaphore, #tpu.memory_space<semaphore_mem>>
      %dma_start3A_349 = tpu.memref_squeeze %dma_start3A_348 : memref<1x!tpu.dma_semaphore, #tpu.memory_space<semaphore_mem>> -> memref<!tpu.dma_semaphore, #tpu.memory_space<semaphore_mem>>
      %dma_start3A_350 = arith.constant 0 : i32
      %dma_start3A_351 = arith.constant 0 : i32
      %dma_start3A_352 = tpu.memref_slice %arg5[%dma_start3A_345, %dma_start3A_346, %dma_start3A_350, %dma_start3A_351] : memref<2x8x64x128xf32, #tpu.memory_space<vmem>> -> memref<1x1x64x128xf32, #tpu.memory_space<vmem>>
      %dma_start3A_353 = tpu.memref_squeeze %dma_start3A_352 : memref<1x1x64x128xf32, #tpu.memory_space<vmem>> -> memref<64x128xf32, #tpu.memory_space<vmem>>
      %dma_start3A_354 = arith.constant 0 : i32
      %dma_start3A_355 = arith.constant 0 : i32
      %dma_start3A_356 = tpu.memref_slice %arg3[%get3A_309, %dma_start3A_343, %dma_start3A_354, %dma_start3A_344, %dma_start3A_355] : memref<512x2x64x1x128xf32, #tpu.memory_space<hbm>> -> memref<1x1x64x1x128xf32, #tpu.memory_space<hbm>>
      %dma_start3A_357 = tpu.memref_squeeze %dma_start3A_356 : memref<1x1x64x1x128xf32, #tpu.memory_space<hbm>> -> memref<64x128xf32, #tpu.memory_space<hbm>>
      tpu.enqueue_dma source(%dma_start3A_357 : memref<64x128xf32, #tpu.memory_space<hbm>>) target(%dma_start3A_353 : memref<64x128xf32, #tpu.memory_space<vmem>>) target_semaphore(%dma_start3A_349 : memref<!tpu.dma_semaphore, #tpu.memory_space<semaphore_mem>>)
      %dma_start3A_358 = arith.constant 1 : i32
      %dma_start3A_359 = arith.constant 0 : i32
      %dma_start3A_360 = arith.constant 0 : i32
      %dma_start3A_361 = arith.constant 0 : i32
      %dma_start3A_362 = arith.constant 0 : i32
      %dma_start3A_363 = tpu.memref_slice %arg8[%dma_start3A_362] : memref<2x!tpu.dma_semaphore, #tpu.memory_space<semaphore_mem>> -> memref<1x!tpu.dma_semaphore, #tpu.memory_space<semaphore_mem>>
      %dma_start3A_364 = tpu.memref_squeeze %dma_start3A_363 : memref<1x!tpu.dma_semaphore, #tpu.memory_space<semaphore_mem>> -> memref<!tpu.dma_semaphore, #tpu.memory_space<semaphore_mem>>
      %dma_start3A_365 = arith.constant 0 : i32
      %dma_start3A_366 = arith.constant 0 : i32
      %dma_start3A_367 = tpu.memref_slice %arg6[%dma_start3A_360, %dma_start3A_361, %dma_start3A_365, %dma_start3A_366] : memref<2x8x64x128xf32, #tpu.memory_space<vmem>> -> memref<1x1x64x128xf32, #tpu.memory_space<vmem>>
      %dma_start3A_368 = tpu.memref_squeeze %dma_start3A_367 : memref<1x1x64x128xf32, #tpu.memory_space<vmem>> -> memref<64x128xf32, #tpu.memory_space<vmem>>
      %dma_start3A_369 = arith.constant 0 : i32
      %dma_start3A_370 = arith.constant 0 : i32
      %dma_start3A_371 = tpu.memref_slice %arg3[%get3A_309, %dma_start3A_358, %dma_start3A_369, %dma_start3A_359, %dma_start3A_370] : memref<512x2x64x1x128xf32, #tpu.memory_space<hbm>> -> memref<1x1x64x1x128xf32, #tpu.memory_space<hbm>>
      %dma_start3A_372 = tpu.memref_squeeze %dma_start3A_371 : memref<1x1x64x1x128xf32, #tpu.memory_space<hbm>> -> memref<64x128xf32, #tpu.memory_space<hbm>>
      tpu.enqueue_dma source(%dma_start3A_372 : memref<64x128xf32, #tpu.memory_space<hbm>>) target(%dma_start3A_368 : memref<64x128xf32, #tpu.memory_space<vmem>>) target_semaphore(%dma_start3A_364 : memref<!tpu.dma_semaphore, #tpu.memory_space<semaphore_mem>>)
      %dma_start3A_373 = arith.constant 0 : i32
      %dma_start3A_374 = arith.constant 0 : i32
      %dma_start3A_375 = arith.constant 0 : i32
      %dma_start3A_376 = arith.constant 1 : i32
      %dma_start3A_377 = arith.constant 0 : i32
      %dma_start3A_378 = tpu.memref_slice %arg8[%dma_start3A_377] : memref<2x!tpu.dma_semaphore, #tpu.memory_space<semaphore_mem>> -> memref<1x!tpu.dma_semaphore, #tpu.memory_space<semaphore_mem>>
      %dma_start3A_379 = tpu.memref_squeeze %dma_start3A_378 : memref<1x!tpu.dma_semaphore, #tpu.memory_space<semaphore_mem>> -> memref<!tpu.dma_semaphore, #tpu.memory_space<semaphore_mem>>
      %dma_start3A_380 = arith.constant 0 : i32
      %dma_start3A_381 = arith.constant 0 : i32
      %dma_start3A_382 = tpu.memref_slice %arg5[%dma_start3A_375, %dma_start3A_376, %dma_start3A_380, %dma_start3A_381] : memref<2x8x64x128xf32, #tpu.memory_space<vmem>> -> memref<1x1x64x128xf32, #tpu.memory_space<vmem>>
      %dma_start3A_383 = tpu.memref_squeeze %dma_start3A_382 : memref<1x1x64x128xf32, #tpu.memory_space<vmem>> -> memref<64x128xf32, #tpu.memory_space<vmem>>
      %dma_start3A_384 = arith.constant 0 : i32
      %dma_start3A_385 = arith.constant 0 : i32
      %dma_start3A_386 = tpu.memref_slice %arg3[%get3A_312, %dma_start3A_373, %dma_start3A_384, %dma_start3A_374, %dma_start3A_385] : memref<512x2x64x1x128xf32, #tpu.memory_space<hbm>> -> memref<1x1x64x1x128xf32, #tpu.memory_space<hbm>>
      %dma_start3A_387 = tpu.memref_squeeze %dma_start3A_386 : memref<1x1x64x1x128xf32, #tpu.memory_space<hbm>> -> memref<64x128xf32, #tpu.memory_space<hbm>>
      tpu.enqueue_dma source(%dma_start3A_387 : memref<64x128xf32, #tpu.memory_space<hbm>>) target(%dma_start3A_383 : memref<64x128xf32, #tpu.memory_space<vmem>>) target_semaphore(%dma_start3A_379 : memref<!tpu.dma_semaphore, #tpu.memory_space<semaphore_mem>>)
      %dma_start3A_388 = arith.constant 1 : i32
      %dma_start3A_389 = arith.constant 0 : i32
      %dma_start3A_390 = arith.constant 0 : i32
      %dma_start3A_391 = arith.constant 1 : i32
      %dma_start3A_392 = arith.constant 0 : i32
      %dma_start3A_393 = tpu.memref_slice %arg8[%dma_start3A_392] : memref<2x!tpu.dma_semaphore, #tpu.memory_space<semaphore_mem>> -> memref<1x!tpu.dma_semaphore, #tpu.memory_space<semaphore_mem>>
      %dma_start3A_394 = tpu.memref_squeeze %dma_start3A_393 : memref<1x!tpu.dma_semaphore, #tpu.memory_space<semaphore_mem>> -> memref<!tpu.dma_semaphore, #tpu.memory_space<semaphore_mem>>
      %dma_start3A_395 = arith.constant 0 : i32
      %dma_start3A_396 = arith.constant 0 : i32
      %dma_start3A_397 = tpu.memref_slice %arg6[%dma_start3A_390, %dma_start3A_391, %dma_start3A_395, %dma_start3A_396] : memref<2x8x64x128xf32, #tpu.memory_space<vmem>> -> memref<1x1x64x128xf32, #tpu.memory_space<vmem>>
      %dma_start3A_398 = tpu.memref_squeeze %dma_start3A_397 : memref<1x1x64x128xf32, #tpu.memory_space<vmem>> -> memref<64x128xf32, #tpu.memory_space<vmem>>
      %dma_start3A_399 = arith.constant 0 : i32
      %dma_start3A_400 = arith.constant 0 : i32
      %dma_start3A_401 = tpu.memref_slice %arg3[%get3A_312, %dma_start3A_388, %dma_start3A_399, %dma_start3A_389, %dma_start3A_400] : memref<512x2x64x1x128xf32, #tpu.memory_space<hbm>> -> memref<1x1x64x1x128xf32, #tpu.memory_space<hbm>>
      %dma_start3A_402 = tpu.memref_squeeze %dma_start3A_401 : memref<1x1x64x1x128xf32, #tpu.memory_space<hbm>> -> memref<64x128xf32, #tpu.memory_space<hbm>>
      tpu.enqueue_dma source(%dma_start3A_402 : memref<64x128xf32, #tpu.memory_space<hbm>>) target(%dma_start3A_398 : memref<64x128xf32, #tpu.memory_space<vmem>>) target_semaphore(%dma_start3A_394 : memref<!tpu.dma_semaphore, #tpu.memory_space<semaphore_mem>>)
      %dma_start3A_403 = arith.constant 0 : i32
      %dma_start3A_404 = arith.constant 0 : i32
      %dma_start3A_405 = arith.constant 0 : i32
      %dma_start3A_406 = arith.constant 2 : i32
      %dma_start3A_407 = arith.constant 0 : i32
      %dma_start3A_408 = tpu.memref_slice %arg8[%dma_start3A_407] : memref<2x!tpu.dma_semaphore, #tpu.memory_space<semaphore_mem>> -> memref<1x!tpu.dma_semaphore, #tpu.memory_space<semaphore_mem>>
      %dma_start3A_409 = tpu.memref_squeeze %dma_start3A_408 : memref<1x!tpu.dma_semaphore, #tpu.memory_space<semaphore_mem>> -> memref<!tpu.dma_semaphore, #tpu.memory_space<semaphore_mem>>
      %dma_start3A_410 = arith.constant 0 : i32
      %dma_start3A_411 = arith.constant 0 : i32
      %dma_start3A_412 = tpu.memref_slice %arg5[%dma_start3A_405, %dma_start3A_406, %dma_start3A_410, %dma_start3A_411] : memref<2x8x64x128xf32, #tpu.memory_space<vmem>> -> memref<1x1x64x128xf32, #tpu.memory_space<vmem>>
      %dma_start3A_413 = tpu.memref_squeeze %dma_start3A_412 : memref<1x1x64x128xf32, #tpu.memory_space<vmem>> -> memref<64x128xf32, #tpu.memory_space<vmem>>
      %dma_start3A_414 = arith.constant 0 : i32
      %dma_start3A_415 = arith.constant 0 : i32
      %dma_start3A_416 = tpu.memref_slice %arg3[%get3A_315, %dma_start3A_403, %dma_start3A_414, %dma_start3A_404, %dma_start3A_415] : memref<512x2x64x1x128xf32, #tpu.memory_space<hbm>> -> memref<1x1x64x1x128xf32, #tpu.memory_space<hbm>>
      %dma_start3A_417 = tpu.memref_squeeze %dma_start3A_416 : memref<1x1x64x1x128xf32, #tpu.memory_space<hbm>> -> memref<64x128xf32, #tpu.memory_space<hbm>>
      tpu.enqueue_dma source(%dma_start3A_417 : memref<64x128xf32, #tpu.memory_space<hbm>>) target(%dma_start3A_413 : memref<64x128xf32, #tpu.memory_space<vmem>>) target_semaphore(%dma_start3A_409 : memref<!tpu.dma_semaphore, #tpu.memory_space<semaphore_mem>>)
      %dma_start3A_418 = arith.constant 1 : i32
      %dma_start3A_419 = arith.constant 0 : i32
      %dma_start3A_420 = arith.constant 0 : i32
      %dma_start3A_421 = arith.constant 2 : i32
      %dma_start3A_422 = arith.constant 0 : i32
      %dma_start3A_423 = tpu.memref_slice %arg8[%dma_start3A_422] : memref<2x!tpu.dma_semaphore, #tpu.memory_space<semaphore_mem>> -> memref<1x!tpu.dma_semaphore, #tpu.memory_space<semaphore_mem>>
      %dma_start3A_424 = tpu.memref_squeeze %dma_start3A_423 : memref<1x!tpu.dma_semaphore, #tpu.memory_space<semaphore_mem>> -> memref<!tpu.dma_semaphore, #tpu.memory_space<semaphore_mem>>
      %dma_start3A_425 = arith.constant 0 : i32
      %dma_start3A_426 = arith.constant 0 : i32
      %dma_start3A_427 = tpu.memref_slice %arg6[%dma_start3A_420, %dma_start3A_421, %dma_start3A_425, %dma_start3A_426] : memref<2x8x64x128xf32, #tpu.memory_space<vmem>> -> memref<1x1x64x128xf32, #tpu.memory_space<vmem>>
      %dma_start3A_428 = tpu.memref_squeeze %dma_start3A_427 : memref<1x1x64x128xf32, #tpu.memory_space<vmem>> -> memref<64x128xf32, #tpu.memory_space<vmem>>
      %dma_start3A_429 = arith.constant 0 : i32
      %dma_start3A_430 = arith.constant 0 : i32
      %dma_start3A_431 = tpu.memref_slice %arg3[%get3A_315, %dma_start3A_418, %dma_start3A_429, %dma_start3A_419, %dma_start3A_430] : memref<512x2x64x1x128xf32, #tpu.memory_space<hbm>> -> memref<1x1x64x1x128xf32, #tpu.memory_space<hbm>>
      %dma_start3A_432 = tpu.memref_squeeze %dma_start3A_431 : memref<1x1x64x1x128xf32, #tpu.memory_space<hbm>> -> memref<64x128xf32, #tpu.memory_space<hbm>>
      tpu.enqueue_dma source(%dma_start3A_432 : memref<64x128xf32, #tpu.memory_space<hbm>>) target(%dma_start3A_428 : memref<64x128xf32, #tpu.memory_space<vmem>>) target_semaphore(%dma_start3A_424 : memref<!tpu.dma_semaphore, #tpu.memory_space<semaphore_mem>>)
      %dma_start3A_433 = arith.constant 0 : i32
      %dma_start3A_434 = arith.constant 0 : i32
      %dma_start3A_435 = arith.constant 0 : i32
      %dma_start3A_436 = arith.constant 3 : i32
      %dma_start3A_437 = arith.constant 0 : i32
      %dma_start3A_438 = tpu.memref_slice %arg8[%dma_start3A_437] : memref<2x!tpu.dma_semaphore, #tpu.memory_space<semaphore_mem>> -> memref<1x!tpu.dma_semaphore, #tpu.memory_space<semaphore_mem>>
      %dma_start3A_439 = tpu.memref_squeeze %dma_start3A_438 : memref<1x!tpu.dma_semaphore, #tpu.memory_space<semaphore_mem>> -> memref<!tpu.dma_semaphore, #tpu.memory_space<semaphore_mem>>
      %dma_start3A_440 = arith.constant 0 : i32
      %dma_start3A_441 = arith.constant 0 : i32
      %dma_start3A_442 = tpu.memref_slice %arg5[%dma_start3A_435, %dma_start3A_436, %dma_start3A_440, %dma_start3A_441] : memref<2x8x64x128xf32, #tpu.memory_space<vmem>> -> memref<1x1x64x128xf32, #tpu.memory_space<vmem>>
      %dma_start3A_443 = tpu.memref_squeeze %dma_start3A_442 : memref<1x1x64x128xf32, #tpu.memory_space<vmem>> -> memref<64x128xf32, #tpu.memory_space<vmem>>
      %dma_start3A_444 = arith.constant 0 : i32
      %dma_start3A_445 = arith.constant 0 : i32
      %dma_start3A_446 = tpu.memref_slice %arg3[%get3A_318, %dma_start3A_433, %dma_start3A_444, %dma_start3A_434, %dma_start3A_445] : memref<512x2x64x1x128xf32, #tpu.memory_space<hbm>> -> memref<1x1x64x1x128xf32, #tpu.memory_space<hbm>>
      %dma_start3A_447 = tpu.memref_squeeze %dma_start3A_446 : memref<1x1x64x1x128xf32, #tpu.memory_space<hbm>> -> memref<64x128xf32, #tpu.memory_space<hbm>>
      tpu.enqueue_dma source(%dma_start3A_447 : memref<64x128xf32, #tpu.memory_space<hbm>>) target(%dma_start3A_443 : memref<64x128xf32, #tpu.memory_space<vmem>>) target_semaphore(%dma_start3A_439 : memref<!tpu.dma_semaphore, #tpu.memory_space<semaphore_mem>>)
      %dma_start3A_448 = arith.constant 1 : i32
      %dma_start3A_449 = arith.constant 0 : i32
      %dma_start3A_450 = arith.constant 0 : i32
      %dma_start3A_451 = arith.constant 3 : i32
      %dma_start3A_452 = arith.constant 0 : i32
      %dma_start3A_453 = tpu.memref_slice %arg8[%dma_start3A_452] : memref<2x!tpu.dma_semaphore, #tpu.memory_space<semaphore_mem>> -> memref<1x!tpu.dma_semaphore, #tpu.memory_space<semaphore_mem>>
      %dma_start3A_454 = tpu.memref_squeeze %dma_start3A_453 : memref<1x!tpu.dma_semaphore, #tpu.memory_space<semaphore_mem>> -> memref<!tpu.dma_semaphore, #tpu.memory_space<semaphore_mem>>
      %dma_start3A_455 = arith.constant 0 : i32
      %dma_start3A_456 = arith.constant 0 : i32
      %dma_start3A_457 = tpu.memref_slice %arg6[%dma_start3A_450, %dma_start3A_451, %dma_start3A_455, %dma_start3A_456] : memref<2x8x64x128xf32, #tpu.memory_space<vmem>> -> memref<1x1x64x128xf32, #tpu.memory_space<vmem>>
      %dma_start3A_458 = tpu.memref_squeeze %dma_start3A_457 : memref<1x1x64x128xf32, #tpu.memory_space<vmem>> -> memref<64x128xf32, #tpu.memory_space<vmem>>
      %dma_start3A_459 = arith.constant 0 : i32
      %dma_start3A_460 = arith.constant 0 : i32
      %dma_start3A_461 = tpu.memref_slice %arg3[%get3A_318, %dma_start3A_448, %dma_start3A_459, %dma_start3A_449, %dma_start3A_460] : memref<512x2x64x1x128xf32, #tpu.memory_space<hbm>> -> memref<1x1x64x1x128xf32, #tpu.memory_space<hbm>>
      %dma_start3A_462 = tpu.memref_squeeze %dma_start3A_461 : memref<1x1x64x1x128xf32, #tpu.memory_space<hbm>> -> memref<64x128xf32, #tpu.memory_space<hbm>>
      tpu.enqueue_dma source(%dma_start3A_462 : memref<64x128xf32, #tpu.memory_space<hbm>>) target(%dma_start3A_458 : memref<64x128xf32, #tpu.memory_space<vmem>>) target_semaphore(%dma_start3A_454 : memref<!tpu.dma_semaphore, #tpu.memory_space<semaphore_mem>>)
      %dma_start3A_463 = arith.constant 0 : i32
      %dma_start3A_464 = arith.constant 0 : i32
      %dma_start3A_465 = arith.constant 0 : i32
      %dma_start3A_466 = arith.constant 4 : i32
      %dma_start3A_467 = arith.constant 0 : i32
      %dma_start3A_468 = tpu.memref_slice %arg8[%dma_start3A_467] : memref<2x!tpu.dma_semaphore, #tpu.memory_space<semaphore_mem>> -> memref<1x!tpu.dma_semaphore, #tpu.memory_space<semaphore_mem>>
      %dma_start3A_469 = tpu.memref_squeeze %dma_start3A_468 : memref<1x!tpu.dma_semaphore, #tpu.memory_space<semaphore_mem>> -> memref<!tpu.dma_semaphore, #tpu.memory_space<semaphore_mem>>
      %dma_start3A_470 = arith.constant 0 : i32
      %dma_start3A_471 = arith.constant 0 : i32
      %dma_start3A_472 = tpu.memref_slice %arg5[%dma_start3A_465, %dma_start3A_466, %dma_start3A_470, %dma_start3A_471] : memref<2x8x64x128xf32, #tpu.memory_space<vmem>> -> memref<1x1x64x128xf32, #tpu.memory_space<vmem>>
      %dma_start3A_473 = tpu.memref_squeeze %dma_start3A_472 : memref<1x1x64x128xf32, #tpu.memory_space<vmem>> -> memref<64x128xf32, #tpu.memory_space<vmem>>
      %dma_start3A_474 = arith.constant 0 : i32
      %dma_start3A_475 = arith.constant 0 : i32
      %dma_start3A_476 = tpu.memref_slice %arg3[%get3A_321, %dma_start3A_463, %dma_start3A_474, %dma_start3A_464, %dma_start3A_475] : memref<512x2x64x1x128xf32, #tpu.memory_space<hbm>> -> memref<1x1x64x1x128xf32, #tpu.memory_space<hbm>>
      %dma_start3A_477 = tpu.memref_squeeze %dma_start3A_476 : memref<1x1x64x1x128xf32, #tpu.memory_space<hbm>> -> memref<64x128xf32, #tpu.memory_space<hbm>>
      tpu.enqueue_dma source(%dma_start3A_477 : memref<64x128xf32, #tpu.memory_space<hbm>>) target(%dma_start3A_473 : memref<64x128xf32, #tpu.memory_space<vmem>>) target_semaphore(%dma_start3A_469 : memref<!tpu.dma_semaphore, #tpu.memory_space<semaphore_mem>>)
      %dma_start3A_478 = arith.constant 1 : i32
      %dma_start3A_479 = arith.constant 0 : i32
      %dma_start3A_480 = arith.constant 0 : i32
      %dma_start3A_481 = arith.constant 4 : i32
      %dma_start3A_482 = arith.constant 0 : i32
      %dma_start3A_483 = tpu.memref_slice %arg8[%dma_start3A_482] : memref<2x!tpu.dma_semaphore, #tpu.memory_space<semaphore_mem>> -> memref<1x!tpu.dma_semaphore, #tpu.memory_space<semaphore_mem>>
      %dma_start3A_484 = tpu.memref_squeeze %dma_start3A_483 : memref<1x!tpu.dma_semaphore, #tpu.memory_space<semaphore_mem>> -> memref<!tpu.dma_semaphore, #tpu.memory_space<semaphore_mem>>
      %dma_start3A_485 = arith.constant 0 : i32
      %dma_start3A_486 = arith.constant 0 : i32
      %dma_start3A_487 = tpu.memref_slice %arg6[%dma_start3A_480, %dma_start3A_481, %dma_start3A_485, %dma_start3A_486] : memref<2x8x64x128xf32, #tpu.memory_space<vmem>> -> memref<1x1x64x128xf32, #tpu.memory_space<vmem>>
      %dma_start3A_488 = tpu.memref_squeeze %dma_start3A_487 : memref<1x1x64x128xf32, #tpu.memory_space<vmem>> -> memref<64x128xf32, #tpu.memory_space<vmem>>
      %dma_start3A_489 = arith.constant 0 : i32
      %dma_start3A_490 = arith.constant 0 : i32
      %dma_start3A_491 = tpu.memref_slice %arg3[%get3A_321, %dma_start3A_478, %dma_start3A_489, %dma_start3A_479, %dma_start3A_490] : memref<512x2x64x1x128xf32, #tpu.memory_space<hbm>> -> memref<1x1x64x1x128xf32, #tpu.memory_space<hbm>>
      %dma_start3A_492 = tpu.memref_squeeze %dma_start3A_491 : memref<1x1x64x1x128xf32, #tpu.memory_space<hbm>> -> memref<64x128xf32, #tpu.memory_space<hbm>>
      tpu.enqueue_dma source(%dma_start3A_492 : memref<64x128xf32, #tpu.memory_space<hbm>>) target(%dma_start3A_488 : memref<64x128xf32, #tpu.memory_space<vmem>>) target_semaphore(%dma_start3A_484 : memref<!tpu.dma_semaphore, #tpu.memory_space<semaphore_mem>>)
      %dma_start3A_493 = arith.constant 0 : i32
      %dma_start3A_494 = arith.constant 0 : i32
      %dma_start3A_495 = arith.constant 0 : i32
      %dma_start3A_496 = arith.constant 5 : i32
      %dma_start3A_497 = arith.constant 0 : i32
      %dma_start3A_498 = tpu.memref_slice %arg8[%dma_start3A_497] : memref<2x!tpu.dma_semaphore, #tpu.memory_space<semaphore_mem>> -> memref<1x!tpu.dma_semaphore, #tpu.memory_space<semaphore_mem>>
      %dma_start3A_499 = tpu.memref_squeeze %dma_start3A_498 : memref<1x!tpu.dma_semaphore, #tpu.memory_space<semaphore_mem>> -> memref<!tpu.dma_semaphore, #tpu.memory_space<semaphore_mem>>
      %dma_start3A_500 = arith.constant 0 : i32
      %dma_start3A_501 = arith.constant 0 : i32
      %dma_start3A_502 = tpu.memref_slice %arg5[%dma_start3A_495, %dma_start3A_496, %dma_start3A_500, %dma_start3A_501] : memref<2x8x64x128xf32, #tpu.memory_space<vmem>> -> memref<1x1x64x128xf32, #tpu.memory_space<vmem>>
      %dma_start3A_503 = tpu.memref_squeeze %dma_start3A_502 : memref<1x1x64x128xf32, #tpu.memory_space<vmem>> -> memref<64x128xf32, #tpu.memory_space<vmem>>
      %dma_start3A_504 = arith.constant 0 : i32
      %dma_start3A_505 = arith.constant 0 : i32
      %dma_start3A_506 = tpu.memref_slice %arg3[%get3A_324, %dma_start3A_493, %dma_start3A_504, %dma_start3A_494, %dma_start3A_505] : memref<512x2x64x1x128xf32, #tpu.memory_space<hbm>> -> memref<1x1x64x1x128xf32, #tpu.memory_space<hbm>>
      %dma_start3A_507 = tpu.memref_squeeze %dma_start3A_506 : memref<1x1x64x1x128xf32, #tpu.memory_space<hbm>> -> memref<64x128xf32, #tpu.memory_space<hbm>>
      tpu.enqueue_dma source(%dma_start3A_507 : memref<64x128xf32, #tpu.memory_space<hbm>>) target(%dma_start3A_503 : memref<64x128xf32, #tpu.memory_space<vmem>>) target_semaphore(%dma_start3A_499 : memref<!tpu.dma_semaphore, #tpu.memory_space<semaphore_mem>>)
      %dma_start3A_508 = arith.constant 1 : i32
      %dma_start3A_509 = arith.constant 0 : i32
      %dma_start3A_510 = arith.constant 0 : i32
      %dma_start3A_511 = arith.constant 5 : i32
      %dma_start3A_512 = arith.constant 0 : i32
      %dma_start3A_513 = tpu.memref_slice %arg8[%dma_start3A_512] : memref<2x!tpu.dma_semaphore, #tpu.memory_space<semaphore_mem>> -> memref<1x!tpu.dma_semaphore, #tpu.memory_space<semaphore_mem>>
      %dma_start3A_514 = tpu.memref_squeeze %dma_start3A_513 : memref<1x!tpu.dma_semaphore, #tpu.memory_space<semaphore_mem>> -> memref<!tpu.dma_semaphore, #tpu.memory_space<semaphore_mem>>
      %dma_start3A_515 = arith.constant 0 : i32
      %dma_start3A_516 = arith.constant 0 : i32
      %dma_start3A_517 = tpu.memref_slice %arg6[%dma_start3A_510, %dma_start3A_511, %dma_start3A_515, %dma_start3A_516] : memref<2x8x64x128xf32, #tpu.memory_space<vmem>> -> memref<1x1x64x128xf32, #tpu.memory_space<vmem>>
      %dma_start3A_518 = tpu.memref_squeeze %dma_start3A_517 : memref<1x1x64x128xf32, #tpu.memory_space<vmem>> -> memref<64x128xf32, #tpu.memory_space<vmem>>
      %dma_start3A_519 = arith.constant 0 : i32
      %dma_start3A_520 = arith.constant 0 : i32
      %dma_start3A_521 = tpu.memref_slice %arg3[%get3A_324, %dma_start3A_508, %dma_start3A_519, %dma_start3A_509, %dma_start3A_520] : memref<512x2x64x1x128xf32, #tpu.memory_space<hbm>> -> memref<1x1x64x1x128xf32, #tpu.memory_space<hbm>>
      %dma_start3A_522 = tpu.memref_squeeze %dma_start3A_521 : memref<1x1x64x1x128xf32, #tpu.memory_space<hbm>> -> memref<64x128xf32, #tpu.memory_space<hbm>>
      tpu.enqueue_dma source(%dma_start3A_522 : memref<64x128xf32, #tpu.memory_space<hbm>>) target(%dma_start3A_518 : memref<64x128xf32, #tpu.memory_space<vmem>>) target_semaphore(%dma_start3A_514 : memref<!tpu.dma_semaphore, #tpu.memory_space<semaphore_mem>>)
      %dma_start3A_523 = arith.constant 0 : i32
      %dma_start3A_524 = arith.constant 0 : i32
      %dma_start3A_525 = arith.constant 0 : i32
      %dma_start3A_526 = arith.constant 6 : i32
      %dma_start3A_527 = arith.constant 0 : i32
      %dma_start3A_528 = tpu.memref_slice %arg8[%dma_start3A_527] : memref<2x!tpu.dma_semaphore, #tpu.memory_space<semaphore_mem>> -> memref<1x!tpu.dma_semaphore, #tpu.memory_space<semaphore_mem>>
      %dma_start3A_529 = tpu.memref_squeeze %dma_start3A_528 : memref<1x!tpu.dma_semaphore, #tpu.memory_space<semaphore_mem>> -> memref<!tpu.dma_semaphore, #tpu.memory_space<semaphore_mem>>
      %dma_start3A_530 = arith.constant 0 : i32
      %dma_start3A_531 = arith.constant 0 : i32
      %dma_start3A_532 = tpu.memref_slice %arg5[%dma_start3A_525, %dma_start3A_526, %dma_start3A_530, %dma_start3A_531] : memref<2x8x64x128xf32, #tpu.memory_space<vmem>> -> memref<1x1x64x128xf32, #tpu.memory_space<vmem>>
      %dma_start3A_533 = tpu.memref_squeeze %dma_start3A_532 : memref<1x1x64x128xf32, #tpu.memory_space<vmem>> -> memref<64x128xf32, #tpu.memory_space<vmem>>
      %dma_start3A_534 = arith.constant 0 : i32
      %dma_start3A_535 = arith.constant 0 : i32
      %dma_start3A_536 = tpu.memref_slice %arg3[%get3A_327, %dma_start3A_523, %dma_start3A_534, %dma_start3A_524, %dma_start3A_535] : memref<512x2x64x1x128xf32, #tpu.memory_space<hbm>> -> memref<1x1x64x1x128xf32, #tpu.memory_space<hbm>>
      %dma_start3A_537 = tpu.memref_squeeze %dma_start3A_536 : memref<1x1x64x1x128xf32, #tpu.memory_space<hbm>> -> memref<64x128xf32, #tpu.memory_space<hbm>>
      tpu.enqueue_dma source(%dma_start3A_537 : memref<64x128xf32, #tpu.memory_space<hbm>>) target(%dma_start3A_533 : memref<64x128xf32, #tpu.memory_space<vmem>>) target_semaphore(%dma_start3A_529 : memref<!tpu.dma_semaphore, #tpu.memory_space<semaphore_mem>>)
      %dma_start3A_538 = arith.constant 1 : i32
      %dma_start3A_539 = arith.constant 0 : i32
      %dma_start3A_540 = arith.constant 0 : i32
      %dma_start3A_541 = arith.constant 6 : i32
      %dma_start3A_542 = arith.constant 0 : i32
      %dma_start3A_543 = tpu.memref_slice %arg8[%dma_start3A_542] : memref<2x!tpu.dma_semaphore, #tpu.memory_space<semaphore_mem>> -> memref<1x!tpu.dma_semaphore, #tpu.memory_space<semaphore_mem>>
      %dma_start3A_544 = tpu.memref_squeeze %dma_start3A_543 : memref<1x!tpu.dma_semaphore, #tpu.memory_space<semaphore_mem>> -> memref<!tpu.dma_semaphore, #tpu.memory_space<semaphore_mem>>
      %dma_start3A_545 = arith.constant 0 : i32
      %dma_start3A_546 = arith.constant 0 : i32
      %dma_start3A_547 = tpu.memref_slice %arg6[%dma_start3A_540, %dma_start3A_541, %dma_start3A_545, %dma_start3A_546] : memref<2x8x64x128xf32, #tpu.memory_space<vmem>> -> memref<1x1x64x128xf32, #tpu.memory_space<vmem>>
      %dma_start3A_548 = tpu.memref_squeeze %dma_start3A_547 : memref<1x1x64x128xf32, #tpu.memory_space<vmem>> -> memref<64x128xf32, #tpu.memory_space<vmem>>
      %dma_start3A_549 = arith.constant 0 : i32
      %dma_start3A_550 = arith.constant 0 : i32
      %dma_start3A_551 = tpu.memref_slice %arg3[%get3A_327, %dma_start3A_538, %dma_start3A_549, %dma_start3A_539, %dma_start3A_550] : memref<512x2x64x1x128xf32, #tpu.memory_space<hbm>> -> memref<1x1x64x1x128xf32, #tpu.memory_space<hbm>>
      %dma_start3A_552 = tpu.memref_squeeze %dma_start3A_551 : memref<1x1x64x1x128xf32, #tpu.memory_space<hbm>> -> memref<64x128xf32, #tpu.memory_space<hbm>>
      tpu.enqueue_dma source(%dma_start3A_552 : memref<64x128xf32, #tpu.memory_space<hbm>>) target(%dma_start3A_548 : memref<64x128xf32, #tpu.memory_space<vmem>>) target_semaphore(%dma_start3A_544 : memref<!tpu.dma_semaphore, #tpu.memory_space<semaphore_mem>>)
      %dma_start3A_553 = arith.constant 0 : i32
      %dma_start3A_554 = arith.constant 0 : i32
      %dma_start3A_555 = arith.constant 0 : i32
      %dma_start3A_556 = arith.constant 7 : i32
      %dma_start3A_557 = arith.constant 0 : i32
      %dma_start3A_558 = tpu.memref_slice %arg8[%dma_start3A_557] : memref<2x!tpu.dma_semaphore, #tpu.memory_space<semaphore_mem>> -> memref<1x!tpu.dma_semaphore, #tpu.memory_space<semaphore_mem>>
      %dma_start3A_559 = tpu.memref_squeeze %dma_start3A_558 : memref<1x!tpu.dma_semaphore, #tpu.memory_space<semaphore_mem>> -> memref<!tpu.dma_semaphore, #tpu.memory_space<semaphore_mem>>
      %dma_start3A_560 = arith.constant 0 : i32
      %dma_start3A_561 = arith.constant 0 : i32
      %dma_start3A_562 = tpu.memref_slice %arg5[%dma_start3A_555, %dma_start3A_556, %dma_start3A_560, %dma_start3A_561] : memref<2x8x64x128xf32, #tpu.memory_space<vmem>> -> memref<1x1x64x128xf32, #tpu.memory_space<vmem>>
      %dma_start3A_563 = tpu.memref_squeeze %dma_start3A_562 : memref<1x1x64x128xf32, #tpu.memory_space<vmem>> -> memref<64x128xf32, #tpu.memory_space<vmem>>
      %dma_start3A_564 = arith.constant 0 : i32
      %dma_start3A_565 = arith.constant 0 : i32
      %dma_start3A_566 = tpu.memref_slice %arg3[%get3A_330, %dma_start3A_553, %dma_start3A_564, %dma_start3A_554, %dma_start3A_565] : memref<512x2x64x1x128xf32, #tpu.memory_space<hbm>> -> memref<1x1x64x1x128xf32, #tpu.memory_space<hbm>>
      %dma_start3A_567 = tpu.memref_squeeze %dma_start3A_566 : memref<1x1x64x1x128xf32, #tpu.memory_space<hbm>> -> memref<64x128xf32, #tpu.memory_space<hbm>>
      tpu.enqueue_dma source(%dma_start3A_567 : memref<64x128xf32, #tpu.memory_space<hbm>>) target(%dma_start3A_563 : memref<64x128xf32, #tpu.memory_space<vmem>>) target_semaphore(%dma_start3A_559 : memref<!tpu.dma_semaphore, #tpu.memory_space<semaphore_mem>>)
      %dma_start3A_568 = arith.constant 1 : i32
      %dma_start3A_569 = arith.constant 0 : i32
      %dma_start3A_570 = arith.constant 0 : i32
      %dma_start3A_571 = arith.constant 7 : i32
      %dma_start3A_572 = arith.constant 0 : i32
      %dma_start3A_573 = tpu.memref_slice %arg8[%dma_start3A_572] : memref<2x!tpu.dma_semaphore, #tpu.memory_space<semaphore_mem>> -> memref<1x!tpu.dma_semaphore, #tpu.memory_space<semaphore_mem>>
      %dma_start3A_574 = tpu.memref_squeeze %dma_start3A_573 : memref<1x!tpu.dma_semaphore, #tpu.memory_space<semaphore_mem>> -> memref<!tpu.dma_semaphore, #tpu.memory_space<semaphore_mem>>
      %dma_start3A_575 = arith.constant 0 : i32
      %dma_start3A_576 = arith.constant 0 : i32
      %dma_start3A_577 = tpu.memref_slice %arg6[%dma_start3A_570, %dma_start3A_571, %dma_start3A_575, %dma_start3A_576] : memref<2x8x64x128xf32, #tpu.memory_space<vmem>> -> memref<1x1x64x128xf32, #tpu.memory_space<vmem>>
      %dma_start3A_578 = tpu.memref_squeeze %dma_start3A_577 : memref<1x1x64x128xf32, #tpu.memory_space<vmem>> -> memref<64x128xf32, #tpu.memory_space<vmem>>
      %dma_start3A_579 = arith.constant 0 : i32
      %dma_start3A_580 = arith.constant 0 : i32
      %dma_start3A_581 = tpu.memref_slice %arg3[%get3A_330, %dma_start3A_568, %dma_start3A_579, %dma_start3A_569, %dma_start3A_580] : memref<512x2x64x1x128xf32, #tpu.memory_space<hbm>> -> memref<1x1x64x1x128xf32, #tpu.memory_space<hbm>>
      %dma_start3A_582 = tpu.memref_squeeze %dma_start3A_581 : memref<1x1x64x1x128xf32, #tpu.memory_space<hbm>> -> memref<64x128xf32, #tpu.memory_space<hbm>>
      tpu.enqueue_dma source(%dma_start3A_582 : memref<64x128xf32, #tpu.memory_space<hbm>>) target(%dma_start3A_578 : memref<64x128xf32, #tpu.memory_space<vmem>>) target_semaphore(%dma_start3A_574 : memref<!tpu.dma_semaphore, #tpu.memory_space<semaphore_mem>>)
    } else {
    }
    %lt3A = arith.constant 15 : i32
    %lt3A_3 = arith.cmpi slt, %arg0, %lt3A : i32
    %convert_element_type3A_4 = arith.extui %lt3A_3 : i1 to i32
    %cond3A_5 = arith.constant 0 : i32
    %cond3A_6 = arith.cmpi ne, %convert_element_type3A_4, %cond3A_5 : i32
    scf.if %cond3A_6 {
      %add3A_307 = arith.constant 1 : i32
      %add3A_308 = arith.addi %arg0, %add3A_307 : i32
      %sub3A_309 = arith.constant 1 : i32
      %sub3A_310 = arith.subi %sub3A_309, %rem3A_0 : i32
      %get3A_311 = arith.index_cast %add3A_308 : i32 to index
      %get3A_312 = arith.constant 0 : index
      %get3A_313 = memref.load %arg2[%get3A_311, %get3A_312] : memref<16x128xi32, #tpu.memory_space<smem>>
      %get3A_314 = arith.index_cast %add3A_308 : i32 to index
      %get3A_315 = arith.constant 1 : index
      %get3A_316 = memref.load %arg2[%get3A_314, %get3A_315] : memref<16x128xi32, #tpu.memory_space<smem>>
      %get3A_317 = arith.index_cast %add3A_308 : i32 to index
      %get3A_318 = arith.constant 2 : index
      %get3A_319 = memref.load %arg2[%get3A_317, %get3A_318] : memref<16x128xi32, #tpu.memory_space<smem>>
      %get3A_320 = arith.index_cast %add3A_308 : i32 to index
      %get3A_321 = arith.constant 3 : index
      %get3A_322 = memref.load %arg2[%get3A_320, %get3A_321] : memref<16x128xi32, #tpu.memory_space<smem>>
      %get3A_323 = arith.index_cast %add3A_308 : i32 to index
      %get3A_324 = arith.constant 4 : index
      %get3A_325 = memref.load %arg2[%get3A_323, %get3A_324] : memref<16x128xi32, #tpu.memory_space<smem>>
      %get3A_326 = arith.index_cast %add3A_308 : i32 to index
      %get3A_327 = arith.constant 5 : index
      %get3A_328 = memref.load %arg2[%get3A_326, %get3A_327] : memref<16x128xi32, #tpu.memory_space<smem>>
      %get3A_329 = arith.index_cast %add3A_308 : i32 to index
      %get3A_330 = arith.constant 6 : index
      %get3A_331 = memref.load %arg2[%get3A_329, %get3A_330] : memref<16x128xi32, #tpu.memory_space<smem>>
      %get3A_332 = arith.index_cast %add3A_308 : i32 to index
      %get3A_333 = arith.constant 7 : index
      %get3A_334 = memref.load %arg2[%get3A_332, %get3A_333] : memref<16x128xi32, #tpu.memory_space<smem>>
      %dma_start3A = tpu.memref_slice %arg8[%sub3A_310] : memref<2x!tpu.dma_semaphore, #tpu.memory_space<semaphore_mem>> -> memref<1x!tpu.dma_semaphore, #tpu.memory_space<semaphore_mem>>
      %dma_start3A_335 = tpu.memref_squeeze %dma_start3A : memref<1x!tpu.dma_semaphore, #tpu.memory_space<semaphore_mem>> -> memref<!tpu.dma_semaphore, #tpu.memory_space<semaphore_mem>>
      %dma_start3A_336 = arith.constant 0 : i32
      %dma_start3A_337 = arith.constant 0 : i32
      %dma_start3A_338 = tpu.memref_slice %arg7[%sub3A_310, %dma_start3A_336, %dma_start3A_337] : memref<2x18x128xf32, #tpu.memory_space<vmem>> -> memref<1x18x128xf32, #tpu.memory_space<vmem>>
      %dma_start3A_339 = tpu.memref_squeeze %dma_start3A_338 : memref<1x18x128xf32, #tpu.memory_space<vmem>> -> memref<18x128xf32, #tpu.memory_space<vmem>>
      %dma_start3A_340 = arith.constant 0 : i32
      %dma_start3A_341 = arith.constant 0 : i32
      %dma_start3A_342 = tpu.memref_slice %arg1[%dma_start3A_340, %add3A_308, %dma_start3A_341] : memref<18x16x128xf32, #tpu.memory_space<hbm>> -> memref<18x1x128xf32, #tpu.memory_space<hbm>>
      %dma_start3A_343 = tpu.memref_squeeze %dma_start3A_342 : memref<18x1x128xf32, #tpu.memory_space<hbm>> -> memref<18x128xf32, #tpu.memory_space<hbm>>
      tpu.enqueue_dma source(%dma_start3A_343 : memref<18x128xf32, #tpu.memory_space<hbm>>) target(%dma_start3A_339 : memref<18x128xf32, #tpu.memory_space<vmem>>) target_semaphore(%dma_start3A_335 : memref<!tpu.dma_semaphore, #tpu.memory_space<semaphore_mem>>)
      %dma_start3A_344 = arith.constant 0 : i32
      %dma_start3A_345 = arith.constant 0 : i32
      %dma_start3A_346 = arith.constant 0 : i32
      %dma_start3A_347 = tpu.memref_slice %arg8[%sub3A_310] : memref<2x!tpu.dma_semaphore, #tpu.memory_space<semaphore_mem>> -> memref<1x!tpu.dma_semaphore, #tpu.memory_space<semaphore_mem>>
      %dma_start3A_348 = tpu.memref_squeeze %dma_start3A_347 : memref<1x!tpu.dma_semaphore, #tpu.memory_space<semaphore_mem>> -> memref<!tpu.dma_semaphore, #tpu.memory_space<semaphore_mem>>
      %dma_start3A_349 = arith.constant 0 : i32
      %dma_start3A_350 = arith.constant 0 : i32
      %dma_start3A_351 = tpu.memref_slice %arg5[%sub3A_310, %dma_start3A_346, %dma_start3A_349, %dma_start3A_350] : memref<2x8x64x128xf32, #tpu.memory_space<vmem>> -> memref<1x1x64x128xf32, #tpu.memory_space<vmem>>
      %dma_start3A_352 = tpu.memref_squeeze %dma_start3A_351 : memref<1x1x64x128xf32, #tpu.memory_space<vmem>> -> memref<64x128xf32, #tpu.memory_space<vmem>>
      %dma_start3A_353 = arith.constant 0 : i32
      %dma_start3A_354 = arith.constant 0 : i32
      %dma_start3A_355 = tpu.memref_slice %arg3[%get3A_313, %dma_start3A_344, %dma_start3A_353, %dma_start3A_345, %dma_start3A_354] : memref<512x2x64x1x128xf32, #tpu.memory_space<hbm>> -> memref<1x1x64x1x128xf32, #tpu.memory_space<hbm>>
      %dma_start3A_356 = tpu.memref_squeeze %dma_start3A_355 : memref<1x1x64x1x128xf32, #tpu.memory_space<hbm>> -> memref<64x128xf32, #tpu.memory_space<hbm>>
      tpu.enqueue_dma source(%dma_start3A_356 : memref<64x128xf32, #tpu.memory_space<hbm>>) target(%dma_start3A_352 : memref<64x128xf32, #tpu.memory_space<vmem>>) target_semaphore(%dma_start3A_348 : memref<!tpu.dma_semaphore, #tpu.memory_space<semaphore_mem>>)
      %dma_start3A_357 = arith.constant 1 : i32
      %dma_start3A_358 = arith.constant 0 : i32
      %dma_start3A_359 = arith.constant 0 : i32
      %dma_start3A_360 = tpu.memref_slice %arg8[%sub3A_310] : memref<2x!tpu.dma_semaphore, #tpu.memory_space<semaphore_mem>> -> memref<1x!tpu.dma_semaphore, #tpu.memory_space<semaphore_mem>>
      %dma_start3A_361 = tpu.memref_squeeze %dma_start3A_360 : memref<1x!tpu.dma_semaphore, #tpu.memory_space<semaphore_mem>> -> memref<!tpu.dma_semaphore, #tpu.memory_space<semaphore_mem>>
      %dma_start3A_362 = arith.constant 0 : i32
      %dma_start3A_363 = arith.constant 0 : i32
      %dma_start3A_364 = tpu.memref_slice %arg6[%sub3A_310, %dma_start3A_359, %dma_start3A_362, %dma_start3A_363] : memref<2x8x64x128xf32, #tpu.memory_space<vmem>> -> memref<1x1x64x128xf32, #tpu.memory_space<vmem>>
      %dma_start3A_365 = tpu.memref_squeeze %dma_start3A_364 : memref<1x1x64x128xf32, #tpu.memory_space<vmem>> -> memref<64x128xf32, #tpu.memory_space<vmem>>
      %dma_start3A_366 = arith.constant 0 : i32
      %dma_start3A_367 = arith.constant 0 : i32
      %dma_start3A_368 = tpu.memref_slice %arg3[%get3A_313, %dma_start3A_357, %dma_start3A_366, %dma_start3A_358, %dma_start3A_367] : memref<512x2x64x1x128xf32, #tpu.memory_space<hbm>> -> memref<1x1x64x1x128xf32, #tpu.memory_space<hbm>>
      %dma_start3A_369 = tpu.memref_squeeze %dma_start3A_368 : memref<1x1x64x1x128xf32, #tpu.memory_space<hbm>> -> memref<64x128xf32, #tpu.memory_space<hbm>>
      tpu.enqueue_dma source(%dma_start3A_369 : memref<64x128xf32, #tpu.memory_space<hbm>>) target(%dma_start3A_365 : memref<64x128xf32, #tpu.memory_space<vmem>>) target_semaphore(%dma_start3A_361 : memref<!tpu.dma_semaphore, #tpu.memory_space<semaphore_mem>>)
      %dma_start3A_370 = arith.constant 0 : i32
      %dma_start3A_371 = arith.constant 0 : i32
      %dma_start3A_372 = arith.constant 1 : i32
      %dma_start3A_373 = tpu.memref_slice %arg8[%sub3A_310] : memref<2x!tpu.dma_semaphore, #tpu.memory_space<semaphore_mem>> -> memref<1x!tpu.dma_semaphore, #tpu.memory_space<semaphore_mem>>
      %dma_start3A_374 = tpu.memref_squeeze %dma_start3A_373 : memref<1x!tpu.dma_semaphore, #tpu.memory_space<semaphore_mem>> -> memref<!tpu.dma_semaphore, #tpu.memory_space<semaphore_mem>>
      %dma_start3A_375 = arith.constant 0 : i32
      %dma_start3A_376 = arith.constant 0 : i32
      %dma_start3A_377 = tpu.memref_slice %arg5[%sub3A_310, %dma_start3A_372, %dma_start3A_375, %dma_start3A_376] : memref<2x8x64x128xf32, #tpu.memory_space<vmem>> -> memref<1x1x64x128xf32, #tpu.memory_space<vmem>>
      %dma_start3A_378 = tpu.memref_squeeze %dma_start3A_377 : memref<1x1x64x128xf32, #tpu.memory_space<vmem>> -> memref<64x128xf32, #tpu.memory_space<vmem>>
      %dma_start3A_379 = arith.constant 0 : i32
      %dma_start3A_380 = arith.constant 0 : i32
      %dma_start3A_381 = tpu.memref_slice %arg3[%get3A_316, %dma_start3A_370, %dma_start3A_379, %dma_start3A_371, %dma_start3A_380] : memref<512x2x64x1x128xf32, #tpu.memory_space<hbm>> -> memref<1x1x64x1x128xf32, #tpu.memory_space<hbm>>
      %dma_start3A_382 = tpu.memref_squeeze %dma_start3A_381 : memref<1x1x64x1x128xf32, #tpu.memory_space<hbm>> -> memref<64x128xf32, #tpu.memory_space<hbm>>
      tpu.enqueue_dma source(%dma_start3A_382 : memref<64x128xf32, #tpu.memory_space<hbm>>) target(%dma_start3A_378 : memref<64x128xf32, #tpu.memory_space<vmem>>) target_semaphore(%dma_start3A_374 : memref<!tpu.dma_semaphore, #tpu.memory_space<semaphore_mem>>)
      %dma_start3A_383 = arith.constant 1 : i32
      %dma_start3A_384 = arith.constant 0 : i32
      %dma_start3A_385 = arith.constant 1 : i32
      %dma_start3A_386 = tpu.memref_slice %arg8[%sub3A_310] : memref<2x!tpu.dma_semaphore, #tpu.memory_space<semaphore_mem>> -> memref<1x!tpu.dma_semaphore, #tpu.memory_space<semaphore_mem>>
      %dma_start3A_387 = tpu.memref_squeeze %dma_start3A_386 : memref<1x!tpu.dma_semaphore, #tpu.memory_space<semaphore_mem>> -> memref<!tpu.dma_semaphore, #tpu.memory_space<semaphore_mem>>
      %dma_start3A_388 = arith.constant 0 : i32
      %dma_start3A_389 = arith.constant 0 : i32
      %dma_start3A_390 = tpu.memref_slice %arg6[%sub3A_310, %dma_start3A_385, %dma_start3A_388, %dma_start3A_389] : memref<2x8x64x128xf32, #tpu.memory_space<vmem>> -> memref<1x1x64x128xf32, #tpu.memory_space<vmem>>
      %dma_start3A_391 = tpu.memref_squeeze %dma_start3A_390 : memref<1x1x64x128xf32, #tpu.memory_space<vmem>> -> memref<64x128xf32, #tpu.memory_space<vmem>>
      %dma_start3A_392 = arith.constant 0 : i32
      %dma_start3A_393 = arith.constant 0 : i32
      %dma_start3A_394 = tpu.memref_slice %arg3[%get3A_316, %dma_start3A_383, %dma_start3A_392, %dma_start3A_384, %dma_start3A_393] : memref<512x2x64x1x128xf32, #tpu.memory_space<hbm>> -> memref<1x1x64x1x128xf32, #tpu.memory_space<hbm>>
      %dma_start3A_395 = tpu.memref_squeeze %dma_start3A_394 : memref<1x1x64x1x128xf32, #tpu.memory_space<hbm>> -> memref<64x128xf32, #tpu.memory_space<hbm>>
      tpu.enqueue_dma source(%dma_start3A_395 : memref<64x128xf32, #tpu.memory_space<hbm>>) target(%dma_start3A_391 : memref<64x128xf32, #tpu.memory_space<vmem>>) target_semaphore(%dma_start3A_387 : memref<!tpu.dma_semaphore, #tpu.memory_space<semaphore_mem>>)
      %dma_start3A_396 = arith.constant 0 : i32
      %dma_start3A_397 = arith.constant 0 : i32
      %dma_start3A_398 = arith.constant 2 : i32
      %dma_start3A_399 = tpu.memref_slice %arg8[%sub3A_310] : memref<2x!tpu.dma_semaphore, #tpu.memory_space<semaphore_mem>> -> memref<1x!tpu.dma_semaphore, #tpu.memory_space<semaphore_mem>>
      %dma_start3A_400 = tpu.memref_squeeze %dma_start3A_399 : memref<1x!tpu.dma_semaphore, #tpu.memory_space<semaphore_mem>> -> memref<!tpu.dma_semaphore, #tpu.memory_space<semaphore_mem>>
      %dma_start3A_401 = arith.constant 0 : i32
      %dma_start3A_402 = arith.constant 0 : i32
      %dma_start3A_403 = tpu.memref_slice %arg5[%sub3A_310, %dma_start3A_398, %dma_start3A_401, %dma_start3A_402] : memref<2x8x64x128xf32, #tpu.memory_space<vmem>> -> memref<1x1x64x128xf32, #tpu.memory_space<vmem>>
      %dma_start3A_404 = tpu.memref_squeeze %dma_start3A_403 : memref<1x1x64x128xf32, #tpu.memory_space<vmem>> -> memref<64x128xf32, #tpu.memory_space<vmem>>
      %dma_start3A_405 = arith.constant 0 : i32
      %dma_start3A_406 = arith.constant 0 : i32
      %dma_start3A_407 = tpu.memref_slice %arg3[%get3A_319, %dma_start3A_396, %dma_start3A_405, %dma_start3A_397, %dma_start3A_406] : memref<512x2x64x1x128xf32, #tpu.memory_space<hbm>> -> memref<1x1x64x1x128xf32, #tpu.memory_space<hbm>>
      %dma_start3A_408 = tpu.memref_squeeze %dma_start3A_407 : memref<1x1x64x1x128xf32, #tpu.memory_space<hbm>> -> memref<64x128xf32, #tpu.memory_space<hbm>>
      tpu.enqueue_dma source(%dma_start3A_408 : memref<64x128xf32, #tpu.memory_space<hbm>>) target(%dma_start3A_404 : memref<64x128xf32, #tpu.memory_space<vmem>>) target_semaphore(%dma_start3A_400 : memref<!tpu.dma_semaphore, #tpu.memory_space<semaphore_mem>>)
      %dma_start3A_409 = arith.constant 1 : i32
      %dma_start3A_410 = arith.constant 0 : i32
      %dma_start3A_411 = arith.constant 2 : i32
      %dma_start3A_412 = tpu.memref_slice %arg8[%sub3A_310] : memref<2x!tpu.dma_semaphore, #tpu.memory_space<semaphore_mem>> -> memref<1x!tpu.dma_semaphore, #tpu.memory_space<semaphore_mem>>
      %dma_start3A_413 = tpu.memref_squeeze %dma_start3A_412 : memref<1x!tpu.dma_semaphore, #tpu.memory_space<semaphore_mem>> -> memref<!tpu.dma_semaphore, #tpu.memory_space<semaphore_mem>>
      %dma_start3A_414 = arith.constant 0 : i32
      %dma_start3A_415 = arith.constant 0 : i32
      %dma_start3A_416 = tpu.memref_slice %arg6[%sub3A_310, %dma_start3A_411, %dma_start3A_414, %dma_start3A_415] : memref<2x8x64x128xf32, #tpu.memory_space<vmem>> -> memref<1x1x64x128xf32, #tpu.memory_space<vmem>>
      %dma_start3A_417 = tpu.memref_squeeze %dma_start3A_416 : memref<1x1x64x128xf32, #tpu.memory_space<vmem>> -> memref<64x128xf32, #tpu.memory_space<vmem>>
      %dma_start3A_418 = arith.constant 0 : i32
      %dma_start3A_419 = arith.constant 0 : i32
      %dma_start3A_420 = tpu.memref_slice %arg3[%get3A_319, %dma_start3A_409, %dma_start3A_418, %dma_start3A_410, %dma_start3A_419] : memref<512x2x64x1x128xf32, #tpu.memory_space<hbm>> -> memref<1x1x64x1x128xf32, #tpu.memory_space<hbm>>
      %dma_start3A_421 = tpu.memref_squeeze %dma_start3A_420 : memref<1x1x64x1x128xf32, #tpu.memory_space<hbm>> -> memref<64x128xf32, #tpu.memory_space<hbm>>
      tpu.enqueue_dma source(%dma_start3A_421 : memref<64x128xf32, #tpu.memory_space<hbm>>) target(%dma_start3A_417 : memref<64x128xf32, #tpu.memory_space<vmem>>) target_semaphore(%dma_start3A_413 : memref<!tpu.dma_semaphore, #tpu.memory_space<semaphore_mem>>)
      %dma_start3A_422 = arith.constant 0 : i32
      %dma_start3A_423 = arith.constant 0 : i32
      %dma_start3A_424 = arith.constant 3 : i32
      %dma_start3A_425 = tpu.memref_slice %arg8[%sub3A_310] : memref<2x!tpu.dma_semaphore, #tpu.memory_space<semaphore_mem>> -> memref<1x!tpu.dma_semaphore, #tpu.memory_space<semaphore_mem>>
      %dma_start3A_426 = tpu.memref_squeeze %dma_start3A_425 : memref<1x!tpu.dma_semaphore, #tpu.memory_space<semaphore_mem>> -> memref<!tpu.dma_semaphore, #tpu.memory_space<semaphore_mem>>
      %dma_start3A_427 = arith.constant 0 : i32
      %dma_start3A_428 = arith.constant 0 : i32
      %dma_start3A_429 = tpu.memref_slice %arg5[%sub3A_310, %dma_start3A_424, %dma_start3A_427, %dma_start3A_428] : memref<2x8x64x128xf32, #tpu.memory_space<vmem>> -> memref<1x1x64x128xf32, #tpu.memory_space<vmem>>
      %dma_start3A_430 = tpu.memref_squeeze %dma_start3A_429 : memref<1x1x64x128xf32, #tpu.memory_space<vmem>> -> memref<64x128xf32, #tpu.memory_space<vmem>>
      %dma_start3A_431 = arith.constant 0 : i32
      %dma_start3A_432 = arith.constant 0 : i32
      %dma_start3A_433 = tpu.memref_slice %arg3[%get3A_322, %dma_start3A_422, %dma_start3A_431, %dma_start3A_423, %dma_start3A_432] : memref<512x2x64x1x128xf32, #tpu.memory_space<hbm>> -> memref<1x1x64x1x128xf32, #tpu.memory_space<hbm>>
      %dma_start3A_434 = tpu.memref_squeeze %dma_start3A_433 : memref<1x1x64x1x128xf32, #tpu.memory_space<hbm>> -> memref<64x128xf32, #tpu.memory_space<hbm>>
      tpu.enqueue_dma source(%dma_start3A_434 : memref<64x128xf32, #tpu.memory_space<hbm>>) target(%dma_start3A_430 : memref<64x128xf32, #tpu.memory_space<vmem>>) target_semaphore(%dma_start3A_426 : memref<!tpu.dma_semaphore, #tpu.memory_space<semaphore_mem>>)
      %dma_start3A_435 = arith.constant 1 : i32
      %dma_start3A_436 = arith.constant 0 : i32
      %dma_start3A_437 = arith.constant 3 : i32
      %dma_start3A_438 = tpu.memref_slice %arg8[%sub3A_310] : memref<2x!tpu.dma_semaphore, #tpu.memory_space<semaphore_mem>> -> memref<1x!tpu.dma_semaphore, #tpu.memory_space<semaphore_mem>>
      %dma_start3A_439 = tpu.memref_squeeze %dma_start3A_438 : memref<1x!tpu.dma_semaphore, #tpu.memory_space<semaphore_mem>> -> memref<!tpu.dma_semaphore, #tpu.memory_space<semaphore_mem>>
      %dma_start3A_440 = arith.constant 0 : i32
      %dma_start3A_441 = arith.constant 0 : i32
      %dma_start3A_442 = tpu.memref_slice %arg6[%sub3A_310, %dma_start3A_437, %dma_start3A_440, %dma_start3A_441] : memref<2x8x64x128xf32, #tpu.memory_space<vmem>> -> memref<1x1x64x128xf32, #tpu.memory_space<vmem>>
      %dma_start3A_443 = tpu.memref_squeeze %dma_start3A_442 : memref<1x1x64x128xf32, #tpu.memory_space<vmem>> -> memref<64x128xf32, #tpu.memory_space<vmem>>
      %dma_start3A_444 = arith.constant 0 : i32
      %dma_start3A_445 = arith.constant 0 : i32
      %dma_start3A_446 = tpu.memref_slice %arg3[%get3A_322, %dma_start3A_435, %dma_start3A_444, %dma_start3A_436, %dma_start3A_445] : memref<512x2x64x1x128xf32, #tpu.memory_space<hbm>> -> memref<1x1x64x1x128xf32, #tpu.memory_space<hbm>>
      %dma_start3A_447 = tpu.memref_squeeze %dma_start3A_446 : memref<1x1x64x1x128xf32, #tpu.memory_space<hbm>> -> memref<64x128xf32, #tpu.memory_space<hbm>>
      tpu.enqueue_dma source(%dma_start3A_447 : memref<64x128xf32, #tpu.memory_space<hbm>>) target(%dma_start3A_443 : memref<64x128xf32, #tpu.memory_space<vmem>>) target_semaphore(%dma_start3A_439 : memref<!tpu.dma_semaphore, #tpu.memory_space<semaphore_mem>>)
      %dma_start3A_448 = arith.constant 0 : i32
      %dma_start3A_449 = arith.constant 0 : i32
      %dma_start3A_450 = arith.constant 4 : i32
      %dma_start3A_451 = tpu.memref_slice %arg8[%sub3A_310] : memref<2x!tpu.dma_semaphore, #tpu.memory_space<semaphore_mem>> -> memref<1x!tpu.dma_semaphore, #tpu.memory_space<semaphore_mem>>
      %dma_start3A_452 = tpu.memref_squeeze %dma_start3A_451 : memref<1x!tpu.dma_semaphore, #tpu.memory_space<semaphore_mem>> -> memref<!tpu.dma_semaphore, #tpu.memory_space<semaphore_mem>>
      %dma_start3A_453 = arith.constant 0 : i32
      %dma_start3A_454 = arith.constant 0 : i32
      %dma_start3A_455 = tpu.memref_slice %arg5[%sub3A_310, %dma_start3A_450, %dma_start3A_453, %dma_start3A_454] : memref<2x8x64x128xf32, #tpu.memory_space<vmem>> -> memref<1x1x64x128xf32, #tpu.memory_space<vmem>>
      %dma_start3A_456 = tpu.memref_squeeze %dma_start3A_455 : memref<1x1x64x128xf32, #tpu.memory_space<vmem>> -> memref<64x128xf32, #tpu.memory_space<vmem>>
      %dma_start3A_457 = arith.constant 0 : i32
      %dma_start3A_458 = arith.constant 0 : i32
      %dma_start3A_459 = tpu.memref_slice %arg3[%get3A_325, %dma_start3A_448, %dma_start3A_457, %dma_start3A_449, %dma_start3A_458] : memref<512x2x64x1x128xf32, #tpu.memory_space<hbm>> -> memref<1x1x64x1x128xf32, #tpu.memory_space<hbm>>
      %dma_start3A_460 = tpu.memref_squeeze %dma_start3A_459 : memref<1x1x64x1x128xf32, #tpu.memory_space<hbm>> -> memref<64x128xf32, #tpu.memory_space<hbm>>
      tpu.enqueue_dma source(%dma_start3A_460 : memref<64x128xf32, #tpu.memory_space<hbm>>) target(%dma_start3A_456 : memref<64x128xf32, #tpu.memory_space<vmem>>) target_semaphore(%dma_start3A_452 : memref<!tpu.dma_semaphore, #tpu.memory_space<semaphore_mem>>)
      %dma_start3A_461 = arith.constant 1 : i32
      %dma_start3A_462 = arith.constant 0 : i32
      %dma_start3A_463 = arith.constant 4 : i32
      %dma_start3A_464 = tpu.memref_slice %arg8[%sub3A_310] : memref<2x!tpu.dma_semaphore, #tpu.memory_space<semaphore_mem>> -> memref<1x!tpu.dma_semaphore, #tpu.memory_space<semaphore_mem>>
      %dma_start3A_465 = tpu.memref_squeeze %dma_start3A_464 : memref<1x!tpu.dma_semaphore, #tpu.memory_space<semaphore_mem>> -> memref<!tpu.dma_semaphore, #tpu.memory_space<semaphore_mem>>
      %dma_start3A_466 = arith.constant 0 : i32
      %dma_start3A_467 = arith.constant 0 : i32
      %dma_start3A_468 = tpu.memref_slice %arg6[%sub3A_310, %dma_start3A_463, %dma_start3A_466, %dma_start3A_467] : memref<2x8x64x128xf32, #tpu.memory_space<vmem>> -> memref<1x1x64x128xf32, #tpu.memory_space<vmem>>
      %dma_start3A_469 = tpu.memref_squeeze %dma_start3A_468 : memref<1x1x64x128xf32, #tpu.memory_space<vmem>> -> memref<64x128xf32, #tpu.memory_space<vmem>>
      %dma_start3A_470 = arith.constant 0 : i32
      %dma_start3A_471 = arith.constant 0 : i32
      %dma_start3A_472 = tpu.memref_slice %arg3[%get3A_325, %dma_start3A_461, %dma_start3A_470, %dma_start3A_462, %dma_start3A_471] : memref<512x2x64x1x128xf32, #tpu.memory_space<hbm>> -> memref<1x1x64x1x128xf32, #tpu.memory_space<hbm>>
      %dma_start3A_473 = tpu.memref_squeeze %dma_start3A_472 : memref<1x1x64x1x128xf32, #tpu.memory_space<hbm>> -> memref<64x128xf32, #tpu.memory_space<hbm>>
      tpu.enqueue_dma source(%dma_start3A_473 : memref<64x128xf32, #tpu.memory_space<hbm>>) target(%dma_start3A_469 : memref<64x128xf32, #tpu.memory_space<vmem>>) target_semaphore(%dma_start3A_465 : memref<!tpu.dma_semaphore, #tpu.memory_space<semaphore_mem>>)
      %dma_start3A_474 = arith.constant 0 : i32
      %dma_start3A_475 = arith.constant 0 : i32
      %dma_start3A_476 = arith.constant 5 : i32
      %dma_start3A_477 = tpu.memref_slice %arg8[%sub3A_310] : memref<2x!tpu.dma_semaphore, #tpu.memory_space<semaphore_mem>> -> memref<1x!tpu.dma_semaphore, #tpu.memory_space<semaphore_mem>>
      %dma_start3A_478 = tpu.memref_squeeze %dma_start3A_477 : memref<1x!tpu.dma_semaphore, #tpu.memory_space<semaphore_mem>> -> memref<!tpu.dma_semaphore, #tpu.memory_space<semaphore_mem>>
      %dma_start3A_479 = arith.constant 0 : i32
      %dma_start3A_480 = arith.constant 0 : i32
      %dma_start3A_481 = tpu.memref_slice %arg5[%sub3A_310, %dma_start3A_476, %dma_start3A_479, %dma_start3A_480] : memref<2x8x64x128xf32, #tpu.memory_space<vmem>> -> memref<1x1x64x128xf32, #tpu.memory_space<vmem>>
      %dma_start3A_482 = tpu.memref_squeeze %dma_start3A_481 : memref<1x1x64x128xf32, #tpu.memory_space<vmem>> -> memref<64x128xf32, #tpu.memory_space<vmem>>
      %dma_start3A_483 = arith.constant 0 : i32
      %dma_start3A_484 = arith.constant 0 : i32
      %dma_start3A_485 = tpu.memref_slice %arg3[%get3A_328, %dma_start3A_474, %dma_start3A_483, %dma_start3A_475, %dma_start3A_484] : memref<512x2x64x1x128xf32, #tpu.memory_space<hbm>> -> memref<1x1x64x1x128xf32, #tpu.memory_space<hbm>>
      %dma_start3A_486 = tpu.memref_squeeze %dma_start3A_485 : memref<1x1x64x1x128xf32, #tpu.memory_space<hbm>> -> memref<64x128xf32, #tpu.memory_space<hbm>>
      tpu.enqueue_dma source(%dma_start3A_486 : memref<64x128xf32, #tpu.memory_space<hbm>>) target(%dma_start3A_482 : memref<64x128xf32, #tpu.memory_space<vmem>>) target_semaphore(%dma_start3A_478 : memref<!tpu.dma_semaphore, #tpu.memory_space<semaphore_mem>>)
      %dma_start3A_487 = arith.constant 1 : i32
      %dma_start3A_488 = arith.constant 0 : i32
      %dma_start3A_489 = arith.constant 5 : i32
      %dma_start3A_490 = tpu.memref_slice %arg8[%sub3A_310] : memref<2x!tpu.dma_semaphore, #tpu.memory_space<semaphore_mem>> -> memref<1x!tpu.dma_semaphore, #tpu.memory_space<semaphore_mem>>
      %dma_start3A_491 = tpu.memref_squeeze %dma_start3A_490 : memref<1x!tpu.dma_semaphore, #tpu.memory_space<semaphore_mem>> -> memref<!tpu.dma_semaphore, #tpu.memory_space<semaphore_mem>>
      %dma_start3A_492 = arith.constant 0 : i32
      %dma_start3A_493 = arith.constant 0 : i32
      %dma_start3A_494 = tpu.memref_slice %arg6[%sub3A_310, %dma_start3A_489, %dma_start3A_492, %dma_start3A_493] : memref<2x8x64x128xf32, #tpu.memory_space<vmem>> -> memref<1x1x64x128xf32, #tpu.memory_space<vmem>>
      %dma_start3A_495 = tpu.memref_squeeze %dma_start3A_494 : memref<1x1x64x128xf32, #tpu.memory_space<vmem>> -> memref<64x128xf32, #tpu.memory_space<vmem>>
      %dma_start3A_496 = arith.constant 0 : i32
      %dma_start3A_497 = arith.constant 0 : i32
      %dma_start3A_498 = tpu.memref_slice %arg3[%get3A_328, %dma_start3A_487, %dma_start3A_496, %dma_start3A_488, %dma_start3A_497] : memref<512x2x64x1x128xf32, #tpu.memory_space<hbm>> -> memref<1x1x64x1x128xf32, #tpu.memory_space<hbm>>
      %dma_start3A_499 = tpu.memref_squeeze %dma_start3A_498 : memref<1x1x64x1x128xf32, #tpu.memory_space<hbm>> -> memref<64x128xf32, #tpu.memory_space<hbm>>
      tpu.enqueue_dma source(%dma_start3A_499 : memref<64x128xf32, #tpu.memory_space<hbm>>) target(%dma_start3A_495 : memref<64x128xf32, #tpu.memory_space<vmem>>) target_semaphore(%dma_start3A_491 : memref<!tpu.dma_semaphore, #tpu.memory_space<semaphore_mem>>)
      %dma_start3A_500 = arith.constant 0 : i32
      %dma_start3A_501 = arith.constant 0 : i32
      %dma_start3A_502 = arith.constant 6 : i32
      %dma_start3A_503 = tpu.memref_slice %arg8[%sub3A_310] : memref<2x!tpu.dma_semaphore, #tpu.memory_space<semaphore_mem>> -> memref<1x!tpu.dma_semaphore, #tpu.memory_space<semaphore_mem>>
      %dma_start3A_504 = tpu.memref_squeeze %dma_start3A_503 : memref<1x!tpu.dma_semaphore, #tpu.memory_space<semaphore_mem>> -> memref<!tpu.dma_semaphore, #tpu.memory_space<semaphore_mem>>
      %dma_start3A_505 = arith.constant 0 : i32
      %dma_start3A_506 = arith.constant 0 : i32
      %dma_start3A_507 = tpu.memref_slice %arg5[%sub3A_310, %dma_start3A_502, %dma_start3A_505, %dma_start3A_506] : memref<2x8x64x128xf32, #tpu.memory_space<vmem>> -> memref<1x1x64x128xf32, #tpu.memory_space<vmem>>
      %dma_start3A_508 = tpu.memref_squeeze %dma_start3A_507 : memref<1x1x64x128xf32, #tpu.memory_space<vmem>> -> memref<64x128xf32, #tpu.memory_space<vmem>>
      %dma_start3A_509 = arith.constant 0 : i32
      %dma_start3A_510 = arith.constant 0 : i32
      %dma_start3A_511 = tpu.memref_slice %arg3[%get3A_331, %dma_start3A_500, %dma_start3A_509, %dma_start3A_501, %dma_start3A_510] : memref<512x2x64x1x128xf32, #tpu.memory_space<hbm>> -> memref<1x1x64x1x128xf32, #tpu.memory_space<hbm>>
      %dma_start3A_512 = tpu.memref_squeeze %dma_start3A_511 : memref<1x1x64x1x128xf32, #tpu.memory_space<hbm>> -> memref<64x128xf32, #tpu.memory_space<hbm>>
      tpu.enqueue_dma source(%dma_start3A_512 : memref<64x128xf32, #tpu.memory_space<hbm>>) target(%dma_start3A_508 : memref<64x128xf32, #tpu.memory_space<vmem>>) target_semaphore(%dma_start3A_504 : memref<!tpu.dma_semaphore, #tpu.memory_space<semaphore_mem>>)
      %dma_start3A_513 = arith.constant 1 : i32
      %dma_start3A_514 = arith.constant 0 : i32
      %dma_start3A_515 = arith.constant 6 : i32
      %dma_start3A_516 = tpu.memref_slice %arg8[%sub3A_310] : memref<2x!tpu.dma_semaphore, #tpu.memory_space<semaphore_mem>> -> memref<1x!tpu.dma_semaphore, #tpu.memory_space<semaphore_mem>>
      %dma_start3A_517 = tpu.memref_squeeze %dma_start3A_516 : memref<1x!tpu.dma_semaphore, #tpu.memory_space<semaphore_mem>> -> memref<!tpu.dma_semaphore, #tpu.memory_space<semaphore_mem>>
      %dma_start3A_518 = arith.constant 0 : i32
      %dma_start3A_519 = arith.constant 0 : i32
      %dma_start3A_520 = tpu.memref_slice %arg6[%sub3A_310, %dma_start3A_515, %dma_start3A_518, %dma_start3A_519] : memref<2x8x64x128xf32, #tpu.memory_space<vmem>> -> memref<1x1x64x128xf32, #tpu.memory_space<vmem>>
      %dma_start3A_521 = tpu.memref_squeeze %dma_start3A_520 : memref<1x1x64x128xf32, #tpu.memory_space<vmem>> -> memref<64x128xf32, #tpu.memory_space<vmem>>
      %dma_start3A_522 = arith.constant 0 : i32
      %dma_start3A_523 = arith.constant 0 : i32
      %dma_start3A_524 = tpu.memref_slice %arg3[%get3A_331, %dma_start3A_513, %dma_start3A_522, %dma_start3A_514, %dma_start3A_523] : memref<512x2x64x1x128xf32, #tpu.memory_space<hbm>> -> memref<1x1x64x1x128xf32, #tpu.memory_space<hbm>>
      %dma_start3A_525 = tpu.memref_squeeze %dma_start3A_524 : memref<1x1x64x1x128xf32, #tpu.memory_space<hbm>> -> memref<64x128xf32, #tpu.memory_space<hbm>>
      tpu.enqueue_dma source(%dma_start3A_525 : memref<64x128xf32, #tpu.memory_space<hbm>>) target(%dma_start3A_521 : memref<64x128xf32, #tpu.memory_space<vmem>>) target_semaphore(%dma_start3A_517 : memref<!tpu.dma_semaphore, #tpu.memory_space<semaphore_mem>>)
      %dma_start3A_526 = arith.constant 0 : i32
      %dma_start3A_527 = arith.constant 0 : i32
      %dma_start3A_528 = arith.constant 7 : i32
      %dma_start3A_529 = tpu.memref_slice %arg8[%sub3A_310] : memref<2x!tpu.dma_semaphore, #tpu.memory_space<semaphore_mem>> -> memref<1x!tpu.dma_semaphore, #tpu.memory_space<semaphore_mem>>
      %dma_start3A_530 = tpu.memref_squeeze %dma_start3A_529 : memref<1x!tpu.dma_semaphore, #tpu.memory_space<semaphore_mem>> -> memref<!tpu.dma_semaphore, #tpu.memory_space<semaphore_mem>>
      %dma_start3A_531 = arith.constant 0 : i32
      %dma_start3A_532 = arith.constant 0 : i32
      %dma_start3A_533 = tpu.memref_slice %arg5[%sub3A_310, %dma_start3A_528, %dma_start3A_531, %dma_start3A_532] : memref<2x8x64x128xf32, #tpu.memory_space<vmem>> -> memref<1x1x64x128xf32, #tpu.memory_space<vmem>>
      %dma_start3A_534 = tpu.memref_squeeze %dma_start3A_533 : memref<1x1x64x128xf32, #tpu.memory_space<vmem>> -> memref<64x128xf32, #tpu.memory_space<vmem>>
      %dma_start3A_535 = arith.constant 0 : i32
      %dma_start3A_536 = arith.constant 0 : i32
      %dma_start3A_537 = tpu.memref_slice %arg3[%get3A_334, %dma_start3A_526, %dma_start3A_535, %dma_start3A_527, %dma_start3A_536] : memref<512x2x64x1x128xf32, #tpu.memory_space<hbm>> -> memref<1x1x64x1x128xf32, #tpu.memory_space<hbm>>
      %dma_start3A_538 = tpu.memref_squeeze %dma_start3A_537 : memref<1x1x64x1x128xf32, #tpu.memory_space<hbm>> -> memref<64x128xf32, #tpu.memory_space<hbm>>
      tpu.enqueue_dma source(%dma_start3A_538 : memref<64x128xf32, #tpu.memory_space<hbm>>) target(%dma_start3A_534 : memref<64x128xf32, #tpu.memory_space<vmem>>) target_semaphore(%dma_start3A_530 : memref<!tpu.dma_semaphore, #tpu.memory_space<semaphore_mem>>)
      %dma_start3A_539 = arith.constant 1 : i32
      %dma_start3A_540 = arith.constant 0 : i32
      %dma_start3A_541 = arith.constant 7 : i32
      %dma_start3A_542 = tpu.memref_slice %arg8[%sub3A_310] : memref<2x!tpu.dma_semaphore, #tpu.memory_space<semaphore_mem>> -> memref<1x!tpu.dma_semaphore, #tpu.memory_space<semaphore_mem>>
      %dma_start3A_543 = tpu.memref_squeeze %dma_start3A_542 : memref<1x!tpu.dma_semaphore, #tpu.memory_space<semaphore_mem>> -> memref<!tpu.dma_semaphore, #tpu.memory_space<semaphore_mem>>
      %dma_start3A_544 = arith.constant 0 : i32
      %dma_start3A_545 = arith.constant 0 : i32
      %dma_start3A_546 = tpu.memref_slice %arg6[%sub3A_310, %dma_start3A_541, %dma_start3A_544, %dma_start3A_545] : memref<2x8x64x128xf32, #tpu.memory_space<vmem>> -> memref<1x1x64x128xf32, #tpu.memory_space<vmem>>
      %dma_start3A_547 = tpu.memref_squeeze %dma_start3A_546 : memref<1x1x64x128xf32, #tpu.memory_space<vmem>> -> memref<64x128xf32, #tpu.memory_space<vmem>>
      %dma_start3A_548 = arith.constant 0 : i32
      %dma_start3A_549 = arith.constant 0 : i32
      %dma_start3A_550 = tpu.memref_slice %arg3[%get3A_334, %dma_start3A_539, %dma_start3A_548, %dma_start3A_540, %dma_start3A_549] : memref<512x2x64x1x128xf32, #tpu.memory_space<hbm>> -> memref<1x1x64x1x128xf32, #tpu.memory_space<hbm>>
      %dma_start3A_551 = tpu.memref_squeeze %dma_start3A_550 : memref<1x1x64x1x128xf32, #tpu.memory_space<hbm>> -> memref<64x128xf32, #tpu.memory_space<hbm>>
      tpu.enqueue_dma source(%dma_start3A_551 : memref<64x128xf32, #tpu.memory_space<hbm>>) target(%dma_start3A_547 : memref<64x128xf32, #tpu.memory_space<vmem>>) target_semaphore(%dma_start3A_543 : memref<!tpu.dma_semaphore, #tpu.memory_space<semaphore_mem>>)
    } else {
    }
    %get3A = arith.index_cast %arg0 : i32 to index
    %get3A_7 = arith.constant 9 : index
    %get3A_8 = memref.load %arg2[%get3A, %get3A_7] : memref<16x128xi32, #tpu.memory_space<smem>>
    %convert_element_type3A_9 = arith.sitofp %get3A_8 : i32 to f32
    %get3A_10 = arith.index_cast %arg0 : i32 to index
    %get3A_11 = arith.constant 8 : index
    %get3A_12 = memref.load %arg2[%get3A_10, %get3A_11] : memref<16x128xi32, #tpu.memory_space<smem>>
    %get3A_13 = arith.index_cast %arg0 : i32 to index
    %get3A_14 = arith.constant 0 : index
    %get3A_15 = memref.load %arg2[%get3A_13, %get3A_14] : memref<16x128xi32, #tpu.memory_space<smem>>
    %get3A_16 = arith.index_cast %arg0 : i32 to index
    %get3A_17 = arith.constant 1 : index
    %get3A_18 = memref.load %arg2[%get3A_16, %get3A_17] : memref<16x128xi32, #tpu.memory_space<smem>>
    %get3A_19 = arith.index_cast %arg0 : i32 to index
    %get3A_20 = arith.constant 2 : index
    %get3A_21 = memref.load %arg2[%get3A_19, %get3A_20] : memref<16x128xi32, #tpu.memory_space<smem>>
    %get3A_22 = arith.index_cast %arg0 : i32 to index
    %get3A_23 = arith.constant 3 : index
    %get3A_24 = memref.load %arg2[%get3A_22, %get3A_23] : memref<16x128xi32, #tpu.memory_space<smem>>
    %get3A_25 = arith.index_cast %arg0 : i32 to index
    %get3A_26 = arith.constant 4 : index
    %get3A_27 = memref.load %arg2[%get3A_25, %get3A_26] : memref<16x128xi32, #tpu.memory_space<smem>>
    %get3A_28 = arith.index_cast %arg0 : i32 to index
    %get3A_29 = arith.constant 5 : index
    %get3A_30 = memref.load %arg2[%get3A_28, %get3A_29] : memref<16x128xi32, #tpu.memory_space<smem>>
    %get3A_31 = arith.index_cast %arg0 : i32 to index
    %get3A_32 = arith.constant 6 : index
    %get3A_33 = memref.load %arg2[%get3A_31, %get3A_32] : memref<16x128xi32, #tpu.memory_space<smem>>
    %get3A_34 = arith.index_cast %arg0 : i32 to index
    %get3A_35 = arith.constant 7 : index
    %get3A_36 = memref.load %arg2[%get3A_34, %get3A_35] : memref<16x128xi32, #tpu.memory_space<smem>>
    %dma_wait3A = tpu.memref_slice %arg8[%rem3A_0] : memref<2x!tpu.dma_semaphore, #tpu.memory_space<semaphore_mem>> -> memref<1x!tpu.dma_semaphore, #tpu.memory_space<semaphore_mem>>
    %dma_wait3A_37 = tpu.memref_squeeze %dma_wait3A : memref<1x!tpu.dma_semaphore, #tpu.memory_space<semaphore_mem>> -> memref<!tpu.dma_semaphore, #tpu.memory_space<semaphore_mem>>
    %dma_wait3A_38 = arith.constant 0 : i32
    %dma_wait3A_39 = arith.constant 0 : i32
    %dma_wait3A_40 = tpu.memref_slice %arg7[%rem3A_0, %dma_wait3A_38, %dma_wait3A_39] : memref<2x18x128xf32, #tpu.memory_space<vmem>> -> memref<1x18x128xf32, #tpu.memory_space<vmem>>
    %dma_wait3A_41 = tpu.memref_squeeze %dma_wait3A_40 : memref<1x18x128xf32, #tpu.memory_space<vmem>> -> memref<18x128xf32, #tpu.memory_space<vmem>>
    %dma_wait3A_42 = arith.constant 0 : i32
    %dma_wait3A_43 = arith.constant 0 : i32
    %dma_wait3A_44 = tpu.memref_slice %arg1[%dma_wait3A_42, %arg0, %dma_wait3A_43] : memref<18x16x128xf32, #tpu.memory_space<hbm>> -> memref<18x1x128xf32, #tpu.memory_space<hbm>>
    %dma_wait3A_45 = tpu.memref_squeeze %dma_wait3A_44 : memref<18x1x128xf32, #tpu.memory_space<hbm>> -> memref<18x128xf32, #tpu.memory_space<hbm>>
    tpu.wait_dma2 semaphore(%dma_wait3A_37 : memref<!tpu.dma_semaphore, #tpu.memory_space<semaphore_mem>>) src(%dma_wait3A_45 : memref<18x128xf32, #tpu.memory_space<hbm>>) dst(%dma_wait3A_41 : memref<18x128xf32, #tpu.memory_space<vmem>>)
    %dma_wait3A_46 = arith.constant 0 : i32
    %dma_wait3A_47 = arith.constant 0 : i32
    %dma_wait3A_48 = arith.constant 0 : i32
    %dma_wait3A_49 = tpu.memref_slice %arg8[%rem3A_0] : memref<2x!tpu.dma_semaphore, #tpu.memory_space<semaphore_mem>> -> memref<1x!tpu.dma_semaphore, #tpu.memory_space<semaphore_mem>>
    %dma_wait3A_50 = tpu.memref_squeeze %dma_wait3A_49 : memref<1x!tpu.dma_semaphore, #tpu.memory_space<semaphore_mem>> -> memref<!tpu.dma_semaphore, #tpu.memory_space<semaphore_mem>>
    %dma_wait3A_51 = arith.constant 0 : i32
    %dma_wait3A_52 = arith.constant 0 : i32
    %dma_wait3A_53 = tpu.memref_slice %arg5[%rem3A_0, %dma_wait3A_48, %dma_wait3A_51, %dma_wait3A_52] : memref<2x8x64x128xf32, #tpu.memory_space<vmem>> -> memref<1x1x64x128xf32, #tpu.memory_space<vmem>>
    %dma_wait3A_54 = tpu.memref_squeeze %dma_wait3A_53 : memref<1x1x64x128xf32, #tpu.memory_space<vmem>> -> memref<64x128xf32, #tpu.memory_space<vmem>>
    %dma_wait3A_55 = arith.constant 0 : i32
    %dma_wait3A_56 = arith.constant 0 : i32
    %dma_wait3A_57 = tpu.memref_slice %arg3[%get3A_15, %dma_wait3A_46, %dma_wait3A_55, %dma_wait3A_47, %dma_wait3A_56] : memref<512x2x64x1x128xf32, #tpu.memory_space<hbm>> -> memref<1x1x64x1x128xf32, #tpu.memory_space<hbm>>
    %dma_wait3A_58 = tpu.memref_squeeze %dma_wait3A_57 : memref<1x1x64x1x128xf32, #tpu.memory_space<hbm>> -> memref<64x128xf32, #tpu.memory_space<hbm>>
    tpu.wait_dma2 semaphore(%dma_wait3A_50 : memref<!tpu.dma_semaphore, #tpu.memory_space<semaphore_mem>>) src(%dma_wait3A_58 : memref<64x128xf32, #tpu.memory_space<hbm>>) dst(%dma_wait3A_54 : memref<64x128xf32, #tpu.memory_space<vmem>>)
    %dma_wait3A_59 = arith.constant 1 : i32
    %dma_wait3A_60 = arith.constant 0 : i32
    %dma_wait3A_61 = arith.constant 0 : i32
    %dma_wait3A_62 = tpu.memref_slice %arg8[%rem3A_0] : memref<2x!tpu.dma_semaphore, #tpu.memory_space<semaphore_mem>> -> memref<1x!tpu.dma_semaphore, #tpu.memory_space<semaphore_mem>>
    %dma_wait3A_63 = tpu.memref_squeeze %dma_wait3A_62 : memref<1x!tpu.dma_semaphore, #tpu.memory_space<semaphore_mem>> -> memref<!tpu.dma_semaphore, #tpu.memory_space<semaphore_mem>>
    %dma_wait3A_64 = arith.constant 0 : i32
    %dma_wait3A_65 = arith.constant 0 : i32
    %dma_wait3A_66 = tpu.memref_slice %arg6[%rem3A_0, %dma_wait3A_61, %dma_wait3A_64, %dma_wait3A_65] : memref<2x8x64x128xf32, #tpu.memory_space<vmem>> -> memref<1x1x64x128xf32, #tpu.memory_space<vmem>>
    %dma_wait3A_67 = tpu.memref_squeeze %dma_wait3A_66 : memref<1x1x64x128xf32, #tpu.memory_space<vmem>> -> memref<64x128xf32, #tpu.memory_space<vmem>>
    %dma_wait3A_68 = arith.constant 0 : i32
    %dma_wait3A_69 = arith.constant 0 : i32
    %dma_wait3A_70 = tpu.memref_slice %arg3[%get3A_15, %dma_wait3A_59, %dma_wait3A_68, %dma_wait3A_60, %dma_wait3A_69] : memref<512x2x64x1x128xf32, #tpu.memory_space<hbm>> -> memref<1x1x64x1x128xf32, #tpu.memory_space<hbm>>
    %dma_wait3A_71 = tpu.memref_squeeze %dma_wait3A_70 : memref<1x1x64x1x128xf32, #tpu.memory_space<hbm>> -> memref<64x128xf32, #tpu.memory_space<hbm>>
    tpu.wait_dma2 semaphore(%dma_wait3A_63 : memref<!tpu.dma_semaphore, #tpu.memory_space<semaphore_mem>>) src(%dma_wait3A_71 : memref<64x128xf32, #tpu.memory_space<hbm>>) dst(%dma_wait3A_67 : memref<64x128xf32, #tpu.memory_space<vmem>>)
    %dma_wait3A_72 = arith.constant 0 : i32
    %dma_wait3A_73 = arith.constant 0 : i32
    %dma_wait3A_74 = arith.constant 1 : i32
    %dma_wait3A_75 = tpu.memref_slice %arg8[%rem3A_0] : memref<2x!tpu.dma_semaphore, #tpu.memory_space<semaphore_mem>> -> memref<1x!tpu.dma_semaphore, #tpu.memory_space<semaphore_mem>>
    %dma_wait3A_76 = tpu.memref_squeeze %dma_wait3A_75 : memref<1x!tpu.dma_semaphore, #tpu.memory_space<semaphore_mem>> -> memref<!tpu.dma_semaphore, #tpu.memory_space<semaphore_mem>>
    %dma_wait3A_77 = arith.constant 0 : i32
    %dma_wait3A_78 = arith.constant 0 : i32
    %dma_wait3A_79 = tpu.memref_slice %arg5[%rem3A_0, %dma_wait3A_74, %dma_wait3A_77, %dma_wait3A_78] : memref<2x8x64x128xf32, #tpu.memory_space<vmem>> -> memref<1x1x64x128xf32, #tpu.memory_space<vmem>>
    %dma_wait3A_80 = tpu.memref_squeeze %dma_wait3A_79 : memref<1x1x64x128xf32, #tpu.memory_space<vmem>> -> memref<64x128xf32, #tpu.memory_space<vmem>>
    %dma_wait3A_81 = arith.constant 0 : i32
    %dma_wait3A_82 = arith.constant 0 : i32
    %dma_wait3A_83 = tpu.memref_slice %arg3[%get3A_18, %dma_wait3A_72, %dma_wait3A_81, %dma_wait3A_73, %dma_wait3A_82] : memref<512x2x64x1x128xf32, #tpu.memory_space<hbm>> -> memref<1x1x64x1x128xf32, #tpu.memory_space<hbm>>
    %dma_wait3A_84 = tpu.memref_squeeze %dma_wait3A_83 : memref<1x1x64x1x128xf32, #tpu.memory_space<hbm>> -> memref<64x128xf32, #tpu.memory_space<hbm>>
    tpu.wait_dma2 semaphore(%dma_wait3A_76 : memref<!tpu.dma_semaphore, #tpu.memory_space<semaphore_mem>>) src(%dma_wait3A_84 : memref<64x128xf32, #tpu.memory_space<hbm>>) dst(%dma_wait3A_80 : memref<64x128xf32, #tpu.memory_space<vmem>>)
    %dma_wait3A_85 = arith.constant 1 : i32
    %dma_wait3A_86 = arith.constant 0 : i32
    %dma_wait3A_87 = arith.constant 1 : i32
    %dma_wait3A_88 = tpu.memref_slice %arg8[%rem3A_0] : memref<2x!tpu.dma_semaphore, #tpu.memory_space<semaphore_mem>> -> memref<1x!tpu.dma_semaphore, #tpu.memory_space<semaphore_mem>>
    %dma_wait3A_89 = tpu.memref_squeeze %dma_wait3A_88 : memref<1x!tpu.dma_semaphore, #tpu.memory_space<semaphore_mem>> -> memref<!tpu.dma_semaphore, #tpu.memory_space<semaphore_mem>>
    %dma_wait3A_90 = arith.constant 0 : i32
    %dma_wait3A_91 = arith.constant 0 : i32
    %dma_wait3A_92 = tpu.memref_slice %arg6[%rem3A_0, %dma_wait3A_87, %dma_wait3A_90, %dma_wait3A_91] : memref<2x8x64x128xf32, #tpu.memory_space<vmem>> -> memref<1x1x64x128xf32, #tpu.memory_space<vmem>>
    %dma_wait3A_93 = tpu.memref_squeeze %dma_wait3A_92 : memref<1x1x64x128xf32, #tpu.memory_space<vmem>> -> memref<64x128xf32, #tpu.memory_space<vmem>>
    %dma_wait3A_94 = arith.constant 0 : i32
    %dma_wait3A_95 = arith.constant 0 : i32
    %dma_wait3A_96 = tpu.memref_slice %arg3[%get3A_18, %dma_wait3A_85, %dma_wait3A_94, %dma_wait3A_86, %dma_wait3A_95] : memref<512x2x64x1x128xf32, #tpu.memory_space<hbm>> -> memref<1x1x64x1x128xf32, #tpu.memory_space<hbm>>
    %dma_wait3A_97 = tpu.memref_squeeze %dma_wait3A_96 : memref<1x1x64x1x128xf32, #tpu.memory_space<hbm>> -> memref<64x128xf32, #tpu.memory_space<hbm>>
    tpu.wait_dma2 semaphore(%dma_wait3A_89 : memref<!tpu.dma_semaphore, #tpu.memory_space<semaphore_mem>>) src(%dma_wait3A_97 : memref<64x128xf32, #tpu.memory_space<hbm>>) dst(%dma_wait3A_93 : memref<64x128xf32, #tpu.memory_space<vmem>>)
    %dma_wait3A_98 = arith.constant 0 : i32
    %dma_wait3A_99 = arith.constant 0 : i32
    %dma_wait3A_100 = arith.constant 2 : i32
    %dma_wait3A_101 = tpu.memref_slice %arg8[%rem3A_0] : memref<2x!tpu.dma_semaphore, #tpu.memory_space<semaphore_mem>> -> memref<1x!tpu.dma_semaphore, #tpu.memory_space<semaphore_mem>>
    %dma_wait3A_102 = tpu.memref_squeeze %dma_wait3A_101 : memref<1x!tpu.dma_semaphore, #tpu.memory_space<semaphore_mem>> -> memref<!tpu.dma_semaphore, #tpu.memory_space<semaphore_mem>>
    %dma_wait3A_103 = arith.constant 0 : i32
    %dma_wait3A_104 = arith.constant 0 : i32
    %dma_wait3A_105 = tpu.memref_slice %arg5[%rem3A_0, %dma_wait3A_100, %dma_wait3A_103, %dma_wait3A_104] : memref<2x8x64x128xf32, #tpu.memory_space<vmem>> -> memref<1x1x64x128xf32, #tpu.memory_space<vmem>>
    %dma_wait3A_106 = tpu.memref_squeeze %dma_wait3A_105 : memref<1x1x64x128xf32, #tpu.memory_space<vmem>> -> memref<64x128xf32, #tpu.memory_space<vmem>>
    %dma_wait3A_107 = arith.constant 0 : i32
    %dma_wait3A_108 = arith.constant 0 : i32
    %dma_wait3A_109 = tpu.memref_slice %arg3[%get3A_21, %dma_wait3A_98, %dma_wait3A_107, %dma_wait3A_99, %dma_wait3A_108] : memref<512x2x64x1x128xf32, #tpu.memory_space<hbm>> -> memref<1x1x64x1x128xf32, #tpu.memory_space<hbm>>
    %dma_wait3A_110 = tpu.memref_squeeze %dma_wait3A_109 : memref<1x1x64x1x128xf32, #tpu.memory_space<hbm>> -> memref<64x128xf32, #tpu.memory_space<hbm>>
    tpu.wait_dma2 semaphore(%dma_wait3A_102 : memref<!tpu.dma_semaphore, #tpu.memory_space<semaphore_mem>>) src(%dma_wait3A_110 : memref<64x128xf32, #tpu.memory_space<hbm>>) dst(%dma_wait3A_106 : memref<64x128xf32, #tpu.memory_space<vmem>>)
    %dma_wait3A_111 = arith.constant 1 : i32
    %dma_wait3A_112 = arith.constant 0 : i32
    %dma_wait3A_113 = arith.constant 2 : i32
    %dma_wait3A_114 = tpu.memref_slice %arg8[%rem3A_0] : memref<2x!tpu.dma_semaphore, #tpu.memory_space<semaphore_mem>> -> memref<1x!tpu.dma_semaphore, #tpu.memory_space<semaphore_mem>>
    %dma_wait3A_115 = tpu.memref_squeeze %dma_wait3A_114 : memref<1x!tpu.dma_semaphore, #tpu.memory_space<semaphore_mem>> -> memref<!tpu.dma_semaphore, #tpu.memory_space<semaphore_mem>>
    %dma_wait3A_116 = arith.constant 0 : i32
    %dma_wait3A_117 = arith.constant 0 : i32
    %dma_wait3A_118 = tpu.memref_slice %arg6[%rem3A_0, %dma_wait3A_113, %dma_wait3A_116, %dma_wait3A_117] : memref<2x8x64x128xf32, #tpu.memory_space<vmem>> -> memref<1x1x64x128xf32, #tpu.memory_space<vmem>>
    %dma_wait3A_119 = tpu.memref_squeeze %dma_wait3A_118 : memref<1x1x64x128xf32, #tpu.memory_space<vmem>> -> memref<64x128xf32, #tpu.memory_space<vmem>>
    %dma_wait3A_120 = arith.constant 0 : i32
    %dma_wait3A_121 = arith.constant 0 : i32
    %dma_wait3A_122 = tpu.memref_slice %arg3[%get3A_21, %dma_wait3A_111, %dma_wait3A_120, %dma_wait3A_112, %dma_wait3A_121] : memref<512x2x64x1x128xf32, #tpu.memory_space<hbm>> -> memref<1x1x64x1x128xf32, #tpu.memory_space<hbm>>
    %dma_wait3A_123 = tpu.memref_squeeze %dma_wait3A_122 : memref<1x1x64x1x128xf32, #tpu.memory_space<hbm>> -> memref<64x128xf32, #tpu.memory_space<hbm>>
    tpu.wait_dma2 semaphore(%dma_wait3A_115 : memref<!tpu.dma_semaphore, #tpu.memory_space<semaphore_mem>>) src(%dma_wait3A_123 : memref<64x128xf32, #tpu.memory_space<hbm>>) dst(%dma_wait3A_119 : memref<64x128xf32, #tpu.memory_space<vmem>>)
    %dma_wait3A_124 = arith.constant 0 : i32
    %dma_wait3A_125 = arith.constant 0 : i32
    %dma_wait3A_126 = arith.constant 3 : i32
    %dma_wait3A_127 = tpu.memref_slice %arg8[%rem3A_0] : memref<2x!tpu.dma_semaphore, #tpu.memory_space<semaphore_mem>> -> memref<1x!tpu.dma_semaphore, #tpu.memory_space<semaphore_mem>>
    %dma_wait3A_128 = tpu.memref_squeeze %dma_wait3A_127 : memref<1x!tpu.dma_semaphore, #tpu.memory_space<semaphore_mem>> -> memref<!tpu.dma_semaphore, #tpu.memory_space<semaphore_mem>>
    %dma_wait3A_129 = arith.constant 0 : i32
    %dma_wait3A_130 = arith.constant 0 : i32
    %dma_wait3A_131 = tpu.memref_slice %arg5[%rem3A_0, %dma_wait3A_126, %dma_wait3A_129, %dma_wait3A_130] : memref<2x8x64x128xf32, #tpu.memory_space<vmem>> -> memref<1x1x64x128xf32, #tpu.memory_space<vmem>>
    %dma_wait3A_132 = tpu.memref_squeeze %dma_wait3A_131 : memref<1x1x64x128xf32, #tpu.memory_space<vmem>> -> memref<64x128xf32, #tpu.memory_space<vmem>>
    %dma_wait3A_133 = arith.constant 0 : i32
    %dma_wait3A_134 = arith.constant 0 : i32
    %dma_wait3A_135 = tpu.memref_slice %arg3[%get3A_24, %dma_wait3A_124, %dma_wait3A_133, %dma_wait3A_125, %dma_wait3A_134] : memref<512x2x64x1x128xf32, #tpu.memory_space<hbm>> -> memref<1x1x64x1x128xf32, #tpu.memory_space<hbm>>
    %dma_wait3A_136 = tpu.memref_squeeze %dma_wait3A_135 : memref<1x1x64x1x128xf32, #tpu.memory_space<hbm>> -> memref<64x128xf32, #tpu.memory_space<hbm>>
    tpu.wait_dma2 semaphore(%dma_wait3A_128 : memref<!tpu.dma_semaphore, #tpu.memory_space<semaphore_mem>>) src(%dma_wait3A_136 : memref<64x128xf32, #tpu.memory_space<hbm>>) dst(%dma_wait3A_132 : memref<64x128xf32, #tpu.memory_space<vmem>>)
    %dma_wait3A_137 = arith.constant 1 : i32
    %dma_wait3A_138 = arith.constant 0 : i32
    %dma_wait3A_139 = arith.constant 3 : i32
    %dma_wait3A_140 = tpu.memref_slice %arg8[%rem3A_0] : memref<2x!tpu.dma_semaphore, #tpu.memory_space<semaphore_mem>> -> memref<1x!tpu.dma_semaphore, #tpu.memory_space<semaphore_mem>>
    %dma_wait3A_141 = tpu.memref_squeeze %dma_wait3A_140 : memref<1x!tpu.dma_semaphore, #tpu.memory_space<semaphore_mem>> -> memref<!tpu.dma_semaphore, #tpu.memory_space<semaphore_mem>>
    %dma_wait3A_142 = arith.constant 0 : i32
    %dma_wait3A_143 = arith.constant 0 : i32
    %dma_wait3A_144 = tpu.memref_slice %arg6[%rem3A_0, %dma_wait3A_139, %dma_wait3A_142, %dma_wait3A_143] : memref<2x8x64x128xf32, #tpu.memory_space<vmem>> -> memref<1x1x64x128xf32, #tpu.memory_space<vmem>>
    %dma_wait3A_145 = tpu.memref_squeeze %dma_wait3A_144 : memref<1x1x64x128xf32, #tpu.memory_space<vmem>> -> memref<64x128xf32, #tpu.memory_space<vmem>>
    %dma_wait3A_146 = arith.constant 0 : i32
    %dma_wait3A_147 = arith.constant 0 : i32
    %dma_wait3A_148 = tpu.memref_slice %arg3[%get3A_24, %dma_wait3A_137, %dma_wait3A_146, %dma_wait3A_138, %dma_wait3A_147] : memref<512x2x64x1x128xf32, #tpu.memory_space<hbm>> -> memref<1x1x64x1x128xf32, #tpu.memory_space<hbm>>
    %dma_wait3A_149 = tpu.memref_squeeze %dma_wait3A_148 : memref<1x1x64x1x128xf32, #tpu.memory_space<hbm>> -> memref<64x128xf32, #tpu.memory_space<hbm>>
    tpu.wait_dma2 semaphore(%dma_wait3A_141 : memref<!tpu.dma_semaphore, #tpu.memory_space<semaphore_mem>>) src(%dma_wait3A_149 : memref<64x128xf32, #tpu.memory_space<hbm>>) dst(%dma_wait3A_145 : memref<64x128xf32, #tpu.memory_space<vmem>>)
    %dma_wait3A_150 = arith.constant 0 : i32
    %dma_wait3A_151 = arith.constant 0 : i32
    %dma_wait3A_152 = arith.constant 4 : i32
    %dma_wait3A_153 = tpu.memref_slice %arg8[%rem3A_0] : memref<2x!tpu.dma_semaphore, #tpu.memory_space<semaphore_mem>> -> memref<1x!tpu.dma_semaphore, #tpu.memory_space<semaphore_mem>>
    %dma_wait3A_154 = tpu.memref_squeeze %dma_wait3A_153 : memref<1x!tpu.dma_semaphore, #tpu.memory_space<semaphore_mem>> -> memref<!tpu.dma_semaphore, #tpu.memory_space<semaphore_mem>>
    %dma_wait3A_155 = arith.constant 0 : i32
    %dma_wait3A_156 = arith.constant 0 : i32
    %dma_wait3A_157 = tpu.memref_slice %arg5[%rem3A_0, %dma_wait3A_152, %dma_wait3A_155, %dma_wait3A_156] : memref<2x8x64x128xf32, #tpu.memory_space<vmem>> -> memref<1x1x64x128xf32, #tpu.memory_space<vmem>>
    %dma_wait3A_158 = tpu.memref_squeeze %dma_wait3A_157 : memref<1x1x64x128xf32, #tpu.memory_space<vmem>> -> memref<64x128xf32, #tpu.memory_space<vmem>>
    %dma_wait3A_159 = arith.constant 0 : i32
    %dma_wait3A_160 = arith.constant 0 : i32
    %dma_wait3A_161 = tpu.memref_slice %arg3[%get3A_27, %dma_wait3A_150, %dma_wait3A_159, %dma_wait3A_151, %dma_wait3A_160] : memref<512x2x64x1x128xf32, #tpu.memory_space<hbm>> -> memref<1x1x64x1x128xf32, #tpu.memory_space<hbm>>
    %dma_wait3A_162 = tpu.memref_squeeze %dma_wait3A_161 : memref<1x1x64x1x128xf32, #tpu.memory_space<hbm>> -> memref<64x128xf32, #tpu.memory_space<hbm>>
    tpu.wait_dma2 semaphore(%dma_wait3A_154 : memref<!tpu.dma_semaphore, #tpu.memory_space<semaphore_mem>>) src(%dma_wait3A_162 : memref<64x128xf32, #tpu.memory_space<hbm>>) dst(%dma_wait3A_158 : memref<64x128xf32, #tpu.memory_space<vmem>>)
    %dma_wait3A_163 = arith.constant 1 : i32
    %dma_wait3A_164 = arith.constant 0 : i32
    %dma_wait3A_165 = arith.constant 4 : i32
    %dma_wait3A_166 = tpu.memref_slice %arg8[%rem3A_0] : memref<2x!tpu.dma_semaphore, #tpu.memory_space<semaphore_mem>> -> memref<1x!tpu.dma_semaphore, #tpu.memory_space<semaphore_mem>>
    %dma_wait3A_167 = tpu.memref_squeeze %dma_wait3A_166 : memref<1x!tpu.dma_semaphore, #tpu.memory_space<semaphore_mem>> -> memref<!tpu.dma_semaphore, #tpu.memory_space<semaphore_mem>>
    %dma_wait3A_168 = arith.constant 0 : i32
    %dma_wait3A_169 = arith.constant 0 : i32
    %dma_wait3A_170 = tpu.memref_slice %arg6[%rem3A_0, %dma_wait3A_165, %dma_wait3A_168, %dma_wait3A_169] : memref<2x8x64x128xf32, #tpu.memory_space<vmem>> -> memref<1x1x64x128xf32, #tpu.memory_space<vmem>>
    %dma_wait3A_171 = tpu.memref_squeeze %dma_wait3A_170 : memref<1x1x64x128xf32, #tpu.memory_space<vmem>> -> memref<64x128xf32, #tpu.memory_space<vmem>>
    %dma_wait3A_172 = arith.constant 0 : i32
    %dma_wait3A_173 = arith.constant 0 : i32
    %dma_wait3A_174 = tpu.memref_slice %arg3[%get3A_27, %dma_wait3A_163, %dma_wait3A_172, %dma_wait3A_164, %dma_wait3A_173] : memref<512x2x64x1x128xf32, #tpu.memory_space<hbm>> -> memref<1x1x64x1x128xf32, #tpu.memory_space<hbm>>
    %dma_wait3A_175 = tpu.memref_squeeze %dma_wait3A_174 : memref<1x1x64x1x128xf32, #tpu.memory_space<hbm>> -> memref<64x128xf32, #tpu.memory_space<hbm>>
    tpu.wait_dma2 semaphore(%dma_wait3A_167 : memref<!tpu.dma_semaphore, #tpu.memory_space<semaphore_mem>>) src(%dma_wait3A_175 : memref<64x128xf32, #tpu.memory_space<hbm>>) dst(%dma_wait3A_171 : memref<64x128xf32, #tpu.memory_space<vmem>>)
    %dma_wait3A_176 = arith.constant 0 : i32
    %dma_wait3A_177 = arith.constant 0 : i32
    %dma_wait3A_178 = arith.constant 5 : i32
    %dma_wait3A_179 = tpu.memref_slice %arg8[%rem3A_0] : memref<2x!tpu.dma_semaphore, #tpu.memory_space<semaphore_mem>> -> memref<1x!tpu.dma_semaphore, #tpu.memory_space<semaphore_mem>>
    %dma_wait3A_180 = tpu.memref_squeeze %dma_wait3A_179 : memref<1x!tpu.dma_semaphore, #tpu.memory_space<semaphore_mem>> -> memref<!tpu.dma_semaphore, #tpu.memory_space<semaphore_mem>>
    %dma_wait3A_181 = arith.constant 0 : i32
    %dma_wait3A_182 = arith.constant 0 : i32
    %dma_wait3A_183 = tpu.memref_slice %arg5[%rem3A_0, %dma_wait3A_178, %dma_wait3A_181, %dma_wait3A_182] : memref<2x8x64x128xf32, #tpu.memory_space<vmem>> -> memref<1x1x64x128xf32, #tpu.memory_space<vmem>>
    %dma_wait3A_184 = tpu.memref_squeeze %dma_wait3A_183 : memref<1x1x64x128xf32, #tpu.memory_space<vmem>> -> memref<64x128xf32, #tpu.memory_space<vmem>>
    %dma_wait3A_185 = arith.constant 0 : i32
    %dma_wait3A_186 = arith.constant 0 : i32
    %dma_wait3A_187 = tpu.memref_slice %arg3[%get3A_30, %dma_wait3A_176, %dma_wait3A_185, %dma_wait3A_177, %dma_wait3A_186] : memref<512x2x64x1x128xf32, #tpu.memory_space<hbm>> -> memref<1x1x64x1x128xf32, #tpu.memory_space<hbm>>
    %dma_wait3A_188 = tpu.memref_squeeze %dma_wait3A_187 : memref<1x1x64x1x128xf32, #tpu.memory_space<hbm>> -> memref<64x128xf32, #tpu.memory_space<hbm>>
    tpu.wait_dma2 semaphore(%dma_wait3A_180 : memref<!tpu.dma_semaphore, #tpu.memory_space<semaphore_mem>>) src(%dma_wait3A_188 : memref<64x128xf32, #tpu.memory_space<hbm>>) dst(%dma_wait3A_184 : memref<64x128xf32, #tpu.memory_space<vmem>>)
    %dma_wait3A_189 = arith.constant 1 : i32
    %dma_wait3A_190 = arith.constant 0 : i32
    %dma_wait3A_191 = arith.constant 5 : i32
    %dma_wait3A_192 = tpu.memref_slice %arg8[%rem3A_0] : memref<2x!tpu.dma_semaphore, #tpu.memory_space<semaphore_mem>> -> memref<1x!tpu.dma_semaphore, #tpu.memory_space<semaphore_mem>>
    %dma_wait3A_193 = tpu.memref_squeeze %dma_wait3A_192 : memref<1x!tpu.dma_semaphore, #tpu.memory_space<semaphore_mem>> -> memref<!tpu.dma_semaphore, #tpu.memory_space<semaphore_mem>>
    %dma_wait3A_194 = arith.constant 0 : i32
    %dma_wait3A_195 = arith.constant 0 : i32
    %dma_wait3A_196 = tpu.memref_slice %arg6[%rem3A_0, %dma_wait3A_191, %dma_wait3A_194, %dma_wait3A_195] : memref<2x8x64x128xf32, #tpu.memory_space<vmem>> -> memref<1x1x64x128xf32, #tpu.memory_space<vmem>>
    %dma_wait3A_197 = tpu.memref_squeeze %dma_wait3A_196 : memref<1x1x64x128xf32, #tpu.memory_space<vmem>> -> memref<64x128xf32, #tpu.memory_space<vmem>>
    %dma_wait3A_198 = arith.constant 0 : i32
    %dma_wait3A_199 = arith.constant 0 : i32
    %dma_wait3A_200 = tpu.memref_slice %arg3[%get3A_30, %dma_wait3A_189, %dma_wait3A_198, %dma_wait3A_190, %dma_wait3A_199] : memref<512x2x64x1x128xf32, #tpu.memory_space<hbm>> -> memref<1x1x64x1x128xf32, #tpu.memory_space<hbm>>
    %dma_wait3A_201 = tpu.memref_squeeze %dma_wait3A_200 : memref<1x1x64x1x128xf32, #tpu.memory_space<hbm>> -> memref<64x128xf32, #tpu.memory_space<hbm>>
    tpu.wait_dma2 semaphore(%dma_wait3A_193 : memref<!tpu.dma_semaphore, #tpu.memory_space<semaphore_mem>>) src(%dma_wait3A_201 : memref<64x128xf32, #tpu.memory_space<hbm>>) dst(%dma_wait3A_197 : memref<64x128xf32, #tpu.memory_space<vmem>>)
    %dma_wait3A_202 = arith.constant 0 : i32
    %dma_wait3A_203 = arith.constant 0 : i32
    %dma_wait3A_204 = arith.constant 6 : i32
    %dma_wait3A_205 = tpu.memref_slice %arg8[%rem3A_0] : memref<2x!tpu.dma_semaphore, #tpu.memory_space<semaphore_mem>> -> memref<1x!tpu.dma_semaphore, #tpu.memory_space<semaphore_mem>>
    %dma_wait3A_206 = tpu.memref_squeeze %dma_wait3A_205 : memref<1x!tpu.dma_semaphore, #tpu.memory_space<semaphore_mem>> -> memref<!tpu.dma_semaphore, #tpu.memory_space<semaphore_mem>>
    %dma_wait3A_207 = arith.constant 0 : i32
    %dma_wait3A_208 = arith.constant 0 : i32
    %dma_wait3A_209 = tpu.memref_slice %arg5[%rem3A_0, %dma_wait3A_204, %dma_wait3A_207, %dma_wait3A_208] : memref<2x8x64x128xf32, #tpu.memory_space<vmem>> -> memref<1x1x64x128xf32, #tpu.memory_space<vmem>>
    %dma_wait3A_210 = tpu.memref_squeeze %dma_wait3A_209 : memref<1x1x64x128xf32, #tpu.memory_space<vmem>> -> memref<64x128xf32, #tpu.memory_space<vmem>>
    %dma_wait3A_211 = arith.constant 0 : i32
    %dma_wait3A_212 = arith.constant 0 : i32
    %dma_wait3A_213 = tpu.memref_slice %arg3[%get3A_33, %dma_wait3A_202, %dma_wait3A_211, %dma_wait3A_203, %dma_wait3A_212] : memref<512x2x64x1x128xf32, #tpu.memory_space<hbm>> -> memref<1x1x64x1x128xf32, #tpu.memory_space<hbm>>
    %dma_wait3A_214 = tpu.memref_squeeze %dma_wait3A_213 : memref<1x1x64x1x128xf32, #tpu.memory_space<hbm>> -> memref<64x128xf32, #tpu.memory_space<hbm>>
    tpu.wait_dma2 semaphore(%dma_wait3A_206 : memref<!tpu.dma_semaphore, #tpu.memory_space<semaphore_mem>>) src(%dma_wait3A_214 : memref<64x128xf32, #tpu.memory_space<hbm>>) dst(%dma_wait3A_210 : memref<64x128xf32, #tpu.memory_space<vmem>>)
    %dma_wait3A_215 = arith.constant 1 : i32
    %dma_wait3A_216 = arith.constant 0 : i32
    %dma_wait3A_217 = arith.constant 6 : i32
    %dma_wait3A_218 = tpu.memref_slice %arg8[%rem3A_0] : memref<2x!tpu.dma_semaphore, #tpu.memory_space<semaphore_mem>> -> memref<1x!tpu.dma_semaphore, #tpu.memory_space<semaphore_mem>>
    %dma_wait3A_219 = tpu.memref_squeeze %dma_wait3A_218 : memref<1x!tpu.dma_semaphore, #tpu.memory_space<semaphore_mem>> -> memref<!tpu.dma_semaphore, #tpu.memory_space<semaphore_mem>>
    %dma_wait3A_220 = arith.constant 0 : i32
    %dma_wait3A_221 = arith.constant 0 : i32
    %dma_wait3A_222 = tpu.memref_slice %arg6[%rem3A_0, %dma_wait3A_217, %dma_wait3A_220, %dma_wait3A_221] : memref<2x8x64x128xf32, #tpu.memory_space<vmem>> -> memref<1x1x64x128xf32, #tpu.memory_space<vmem>>
    %dma_wait3A_223 = tpu.memref_squeeze %dma_wait3A_222 : memref<1x1x64x128xf32, #tpu.memory_space<vmem>> -> memref<64x128xf32, #tpu.memory_space<vmem>>
    %dma_wait3A_224 = arith.constant 0 : i32
    %dma_wait3A_225 = arith.constant 0 : i32
    %dma_wait3A_226 = tpu.memref_slice %arg3[%get3A_33, %dma_wait3A_215, %dma_wait3A_224, %dma_wait3A_216, %dma_wait3A_225] : memref<512x2x64x1x128xf32, #tpu.memory_space<hbm>> -> memref<1x1x64x1x128xf32, #tpu.memory_space<hbm>>
    %dma_wait3A_227 = tpu.memref_squeeze %dma_wait3A_226 : memref<1x1x64x1x128xf32, #tpu.memory_space<hbm>> -> memref<64x128xf32, #tpu.memory_space<hbm>>
    tpu.wait_dma2 semaphore(%dma_wait3A_219 : memref<!tpu.dma_semaphore, #tpu.memory_space<semaphore_mem>>) src(%dma_wait3A_227 : memref<64x128xf32, #tpu.memory_space<hbm>>) dst(%dma_wait3A_223 : memref<64x128xf32, #tpu.memory_space<vmem>>)
    %dma_wait3A_228 = arith.constant 0 : i32
    %dma_wait3A_229 = arith.constant 0 : i32
    %dma_wait3A_230 = arith.constant 7 : i32
    %dma_wait3A_231 = tpu.memref_slice %arg8[%rem3A_0] : memref<2x!tpu.dma_semaphore, #tpu.memory_space<semaphore_mem>> -> memref<1x!tpu.dma_semaphore, #tpu.memory_space<semaphore_mem>>
    %dma_wait3A_232 = tpu.memref_squeeze %dma_wait3A_231 : memref<1x!tpu.dma_semaphore, #tpu.memory_space<semaphore_mem>> -> memref<!tpu.dma_semaphore, #tpu.memory_space<semaphore_mem>>
    %dma_wait3A_233 = arith.constant 0 : i32
    %dma_wait3A_234 = arith.constant 0 : i32
    %dma_wait3A_235 = tpu.memref_slice %arg5[%rem3A_0, %dma_wait3A_230, %dma_wait3A_233, %dma_wait3A_234] : memref<2x8x64x128xf32, #tpu.memory_space<vmem>> -> memref<1x1x64x128xf32, #tpu.memory_space<vmem>>
    %dma_wait3A_236 = tpu.memref_squeeze %dma_wait3A_235 : memref<1x1x64x128xf32, #tpu.memory_space<vmem>> -> memref<64x128xf32, #tpu.memory_space<vmem>>
    %dma_wait3A_237 = arith.constant 0 : i32
    %dma_wait3A_238 = arith.constant 0 : i32
    %dma_wait3A_239 = tpu.memref_slice %arg3[%get3A_36, %dma_wait3A_228, %dma_wait3A_237, %dma_wait3A_229, %dma_wait3A_238] : memref<512x2x64x1x128xf32, #tpu.memory_space<hbm>> -> memref<1x1x64x1x128xf32, #tpu.memory_space<hbm>>
    %dma_wait3A_240 = tpu.memref_squeeze %dma_wait3A_239 : memref<1x1x64x1x128xf32, #tpu.memory_space<hbm>> -> memref<64x128xf32, #tpu.memory_space<hbm>>
    tpu.wait_dma2 semaphore(%dma_wait3A_232 : memref<!tpu.dma_semaphore, #tpu.memory_space<semaphore_mem>>) src(%dma_wait3A_240 : memref<64x128xf32, #tpu.memory_space<hbm>>) dst(%dma_wait3A_236 : memref<64x128xf32, #tpu.memory_space<vmem>>)
    %dma_wait3A_241 = arith.constant 1 : i32
    %dma_wait3A_242 = arith.constant 0 : i32
    %dma_wait3A_243 = arith.constant 7 : i32
    %dma_wait3A_244 = tpu.memref_slice %arg8[%rem3A_0] : memref<2x!tpu.dma_semaphore, #tpu.memory_space<semaphore_mem>> -> memref<1x!tpu.dma_semaphore, #tpu.memory_space<semaphore_mem>>
    %dma_wait3A_245 = tpu.memref_squeeze %dma_wait3A_244 : memref<1x!tpu.dma_semaphore, #tpu.memory_space<semaphore_mem>> -> memref<!tpu.dma_semaphore, #tpu.memory_space<semaphore_mem>>
    %dma_wait3A_246 = arith.constant 0 : i32
    %dma_wait3A_247 = arith.constant 0 : i32
    %dma_wait3A_248 = tpu.memref_slice %arg6[%rem3A_0, %dma_wait3A_243, %dma_wait3A_246, %dma_wait3A_247] : memref<2x8x64x128xf32, #tpu.memory_space<vmem>> -> memref<1x1x64x128xf32, #tpu.memory_space<vmem>>
    %dma_wait3A_249 = tpu.memref_squeeze %dma_wait3A_248 : memref<1x1x64x128xf32, #tpu.memory_space<vmem>> -> memref<64x128xf32, #tpu.memory_space<vmem>>
    %dma_wait3A_250 = arith.constant 0 : i32
    %dma_wait3A_251 = arith.constant 0 : i32
    %dma_wait3A_252 = tpu.memref_slice %arg3[%get3A_36, %dma_wait3A_241, %dma_wait3A_250, %dma_wait3A_242, %dma_wait3A_251] : memref<512x2x64x1x128xf32, #tpu.memory_space<hbm>> -> memref<1x1x64x1x128xf32, #tpu.memory_space<hbm>>
    %dma_wait3A_253 = tpu.memref_squeeze %dma_wait3A_252 : memref<1x1x64x1x128xf32, #tpu.memory_space<hbm>> -> memref<64x128xf32, #tpu.memory_space<hbm>>
    tpu.wait_dma2 semaphore(%dma_wait3A_245 : memref<!tpu.dma_semaphore, #tpu.memory_space<semaphore_mem>>) src(%dma_wait3A_253 : memref<64x128xf32, #tpu.memory_space<hbm>>) dst(%dma_wait3A_249 : memref<64x128xf32, #tpu.memory_space<vmem>>)
    %get3A_254 = arith.index_cast %rem3A_0 : i32 to index
    %get3A_255 = arith.constant 0 : index
    %get3A_256 = arith.constant 0 : index
    %get3A_257 = vector.load %arg7[%get3A_254, %get3A_255, %get3A_256] : memref<2x18x128xf32, #tpu.memory_space<vmem>>, vector<1x18x128xf32>
    %squeeze3A = vector.shape_cast %get3A_257 : vector<1x18x128xf32> to vector<18x128xf32>
    %slice3A = vector.extract_strided_slice %squeeze3A {offsets = [0, 0], sizes = [16, 128], strides = [1, 1]} : vector<18x128xf32> to vector<16x128xf32>
    %slice3A_258 = vector.extract_strided_slice %squeeze3A {offsets = [16, 0], sizes = [1, 128], strides = [1, 1]} : vector<18x128xf32> to vector<1x128xf32>
    %slice3A_259 = vector.extract_strided_slice %squeeze3A {offsets = [17, 0], sizes = [1, 128], strides = [1, 1]} : vector<18x128xf32> to vector<1x128xf32>
    %mul3A = vector.broadcast %slice3A_258 : vector<1x128xf32> to vector<16x128xf32>
    %mul3A_260 = arith.mulf %slice3A, %mul3A : vector<16x128xf32>
    %reduce_sum3A = arith.constant dense<0.000000e+00> : vector<16xf32>
    %reduce_sum3A_261 = vector.multi_reduction <add>, %mul3A_260, %reduce_sum3A [1] : vector<16x128xf32> to vector<16xf32>
    %broadcast_in_dim3A = vector.shape_cast %reduce_sum3A_261 : vector<16xf32> to vector<16x1xf32>
    %mul3A_262 = arith.constant 0.0883883461 : f32
    %mul3A_263 = vector.broadcast %mul3A_262 : f32 to vector<16x1xf32>
    %mul3A_264 = arith.mulf %broadcast_in_dim3A, %mul3A_263 : vector<16x1xf32>
    %get3A_265 = arith.index_cast %rem3A_0 : i32 to index
    %get3A_266 = arith.constant 0 : index
    %get3A_267 = arith.constant 0 : index
    %get3A_268 = arith.constant 0 : index
    %get3A_269 = vector.load %arg5[%get3A_265, %get3A_266, %get3A_267, %get3A_268] : memref<2x8x64x128xf32, #tpu.memory_space<vmem>>, vector<1x8x64x128xf32>
    %reshape3A = vector.shape_cast %get3A_269 : vector<1x8x64x128xf32> to vector<512x128xf32>
    %get3A_270 = arith.index_cast %rem3A_0 : i32 to index
    %get3A_271 = arith.constant 0 : index
    %get3A_272 = arith.constant 0 : index
    %get3A_273 = arith.constant 0 : index
    %get3A_274 = vector.load %arg6[%get3A_270, %get3A_271, %get3A_272, %get3A_273] : memref<2x8x64x128xf32, #tpu.memory_space<vmem>>, vector<1x8x64x128xf32>
    %reshape3A_275 = vector.shape_cast %get3A_274 : vector<1x8x64x128xf32> to vector<512x128xf32>
    %dot_general3A = arith.constant dense<0.000000e+00> : vector<16x512xf32>
    %dot_general3A_276 = tpu.matmul %slice3A, %reshape3A, %dot_general3A {dimension_numbers = #tpu.dot_dimension_numbers<[1], [1], [0], [0], [0, 0, 1, 0], [], []>, transpose_lhs_hint = false} : vector<16x128xf32>, vector<512x128xf32>, vector<16x512xf32> -> vector<16x512xf32>
    %mul3A_277 = arith.constant 0.0883883461 : f32
    %mul3A_278 = vector.broadcast %mul3A_277 : f32 to vector<16x512xf32>
    %mul3A_279 = arith.mulf %dot_general3A_276, %mul3A_278 : vector<16x512xf32>
    %iota3A = tpu.iota {dimensions = array<i32: 1>} : vector<1x512xi32>
    %eq3A_280 = vector.broadcast %get3A_12 : i32 to vector<1x512xi32>
    %eq3A_281 = arith.cmpi eq, %iota3A, %eq3A_280 : vector<1x512xi32>
    %jit3A = arith.constant 0xFF800000 : f32
    %broadcast_in_dim3A_282 = vector.shape_cast %eq3A_281 : vector<1x512xi1> to vector<1x512xi1>
    %broadcast_in_dim3A_283 = vector.broadcast %broadcast_in_dim3A_282 : vector<1x512xi1> to vector<16x512xi1>
    %broadcast_in_dim3A_284 = vector.broadcast %jit3A : f32 to vector<16x512xf32>
    %select_n3A = arith.select %broadcast_in_dim3A_283, %broadcast_in_dim3A_284, %mul3A_279 : vector<16x512xi1>, vector<16x512xf32>
    %reduce_max3A = arith.constant dense<0xFF800000> : vector<16xf32>
    %reduce_max3A_285 = vector.multi_reduction <maximumf>, %select_n3A, %reduce_max3A [1] : vector<16x512xf32> to vector<16xf32>
    %broadcast_in_dim3A_286 = vector.shape_cast %reduce_max3A_285 : vector<16xf32> to vector<16x1xf32>
    %max3A = arith.maximumf %broadcast_in_dim3A_286, %mul3A_264 : vector<16x1xf32>
    %sub3A = vector.broadcast %max3A : vector<16x1xf32> to vector<16x512xf32>
    %sub3A_287 = arith.subf %select_n3A, %sub3A : vector<16x512xf32>
    %exp3A = math.exp %sub3A_287 : vector<16x512xf32>
    %sub3A_288 = arith.subf %mul3A_264, %max3A : vector<16x1xf32>
    %exp3A_289 = math.exp %sub3A_288 : vector<16x1xf32>
    %mul3A_290 = vector.broadcast %convert_element_type3A_9 : f32 to vector<16x1xf32>
    %mul3A_291 = arith.mulf %exp3A_289, %mul3A_290 : vector<16x1xf32>
    %reduce_sum3A_292 = arith.constant dense<0.000000e+00> : vector<16xf32>
    %reduce_sum3A_293 = vector.multi_reduction <add>, %exp3A, %reduce_sum3A_292 [1] : vector<16x512xf32> to vector<16xf32>
    %broadcast_in_dim3A_294 = vector.shape_cast %reduce_sum3A_293 : vector<16xf32> to vector<16x1xf32>
    %add3A = arith.addf %broadcast_in_dim3A_294, %mul3A_291 : vector<16x1xf32>
    %dot_general3A_295 = arith.constant dense<0.000000e+00> : vector<16x128xf32>
    %dot_general3A_296 = tpu.matmul %exp3A, %reshape3A_275, %dot_general3A_295 {dimension_numbers = #tpu.dot_dimension_numbers<[1], [0], [0], [1], [0, 0, 1, 1], [], []>, transpose_lhs_hint = false} : vector<16x512xf32>, vector<512x128xf32>, vector<16x128xf32> -> vector<16x128xf32>
    %mul3A_297 = vector.broadcast %mul3A_291 : vector<16x1xf32> to vector<16x128xf32>
    %mul3A_298 = vector.broadcast %slice3A_259 : vector<1x128xf32> to vector<16x128xf32>
    %mul3A_299 = arith.mulf %mul3A_297, %mul3A_298 : vector<16x128xf32>
    %add3A_300 = arith.addf %dot_general3A_296, %mul3A_299 : vector<16x128xf32>
    %div3A = vector.broadcast %add3A : vector<16x1xf32> to vector<16x128xf32>
    %div3A_301 = arith.divf %add3A_300, %div3A : vector<16x128xf32>
    %swap3A = arith.constant 0 : index
    %swap3A_302 = arith.constant 0 : index
    %swap3A_303 = arith.constant 0 : index
    %swap3A_304 = vector.load %arg4[%swap3A, %swap3A_302, %swap3A_303] : memref<1x16x128xf32, #tpu.memory_space<vmem>>, vector<1x16x128xf32>
    %swap3A_305 = vector.shape_cast %swap3A_304 : vector<1x16x128xf32> to vector<16x128xf32>
    %swap3A_306 = vector.shape_cast %div3A_301 : vector<16x128xf32> to vector<1x16x128xf32>
    tpu.vector_store %arg4[%swap3A, %swap3A_302, %swap3A_303], %swap3A_306 {strides = array<i32>} : memref<1x16x128xf32, #tpu.memory_space<vmem>>, vector<1x16x128xf32>,
    return
  }
  func.func @transform_1(%arg0: i32) -> (i32, i32) {
    %c0_i32 = arith.constant 0 : i32
    %c0_i32_0 = arith.constant 0 : i32
    %c0_i32_1 = arith.constant 0 : i32
    return %c0_i32, %c0_i32_0 : i32, i32
  }
  func.func @transform_3(%arg0: i32) -> (i32, i32, i32) {
    %c0_i32 = arith.constant 0 : i32
    %c0_i32_0 = arith.constant 0 : i32
    %c0_i32_1 = arith.constant 0 : i32
    return %arg0, %c0_i32, %c0_i32_0 : i32, i32, i32
  }
}

module attributes {stable_mosaic.version = 14 : i64} {
  func.func @_qkv_body(%arg0: i32, %arg1: memref<16x2048xf32, #tpu.memory_space<vmem>>, %arg2: memref<768x2048xf32, #tpu.memory_space<vmem>>, %arg3: memref<1x6x128xf32, #tpu.memory_space<vmem>>, %arg4: memref<1x2048xf32, #tpu.memory_space<vmem>>, %arg5: memref<1x128xf32, #tpu.memory_space<vmem>>, %arg6: memref<1x128xf32, #tpu.memory_space<vmem>>, %arg7: memref<6x16x128xf32, #tpu.memory_space<vmem>>, %arg8: memref<16x128xf32, #tpu.memory_space<vmem>>, %arg9: memref<16x2048xbf16, #tpu.memory_space<vmem>>) attributes {dimension_semantics = [#tpu.dimension_semantics<arbitrary>], iteration_bounds = array<i64: 3>, scalar_prefetch = 0 : i64, scratch_operands = 1 : i64, tpu.core_type = #tpu.core_type<tc>, window_params = [{pipeline_mode = #tpu.pipeline_mode<synchronous>, transform_indices = @transform_0, window_bounds = array<i64: 16, 2048>}, {transform_indices = @transform_1, window_bounds = array<i64: 768, 2048>}, {transform_indices = @transform_2, window_bounds = array<i64: 1, 6, 128>}, {pipeline_mode = #tpu.pipeline_mode<synchronous>, transform_indices = @transform_3, window_bounds = array<i64: 1, 2048>}, {pipeline_mode = #tpu.pipeline_mode<synchronous>, transform_indices = @transform_4, window_bounds = array<i64: 1, 128>}, {pipeline_mode = #tpu.pipeline_mode<synchronous>, transform_indices = @transform_5, window_bounds = array<i64: 1, 128>}, {transform_indices = @transform_6, window_bounds = array<i64: 6, 16, 128>}, {pipeline_mode = #tpu.pipeline_mode<synchronous>, transform_indices = @transform_7, window_bounds = array<i64: 16, 128>}]} {
    %eq3A = arith.constant 0 : i32
    %eq3A_0 = arith.cmpi eq, %arg0, %eq3A : i32
    %convert_element_type3A = arith.extui %eq3A_0 : i1 to i32
    %cond3A = arith.constant 0 : i32
    %cond3A_1 = arith.cmpi ne, %convert_element_type3A, %cond3A : i32
    scf.if %cond3A_1 {
      %get3A_64 = arith.constant 0 : index
      %get3A_65 = arith.constant 0 : index
      %get3A_66 = vector.load %arg1[%get3A_64, %get3A_65] : memref<16x2048xf32, #tpu.memory_space<vmem>>, vector<16x2048xf32>
      %mul3A = arith.mulf %get3A_66, %get3A_66 : vector<16x2048xf32>
      %reduce_sum3A = arith.constant dense<0.000000e+00> : vector<16xf32>
      %reduce_sum3A_67 = vector.multi_reduction <add>, %mul3A, %reduce_sum3A [1] : vector<16x2048xf32> to vector<16xf32>
      %broadcast_in_dim3A = vector.shape_cast %reduce_sum3A_67 : vector<16xf32> to vector<16x1xf32>
      %div3A = arith.constant 2.048000e+03 : f32
      %div3A_68 = vector.broadcast %div3A : f32 to vector<16x1xf32>
      %div3A_69 = arith.divf %broadcast_in_dim3A, %div3A_68 : vector<16x1xf32>
      %add3A_70 = arith.constant 9.99999997E-7 : f32
      %add3A_71 = vector.broadcast %add3A_70 : f32 to vector<16x1xf32>
      %add3A_72 = arith.addf %div3A_69, %add3A_71 : vector<16x1xf32>
      %rsqrt3A = math.rsqrt %add3A_72 : vector<16x1xf32>
      %mul3A_73 = vector.broadcast %rsqrt3A : vector<16x1xf32> to vector<16x2048xf32>
      %mul3A_74 = arith.mulf %get3A_66, %mul3A_73 : vector<16x2048xf32>
      %get3A_75 = arith.constant 0 : index
      %get3A_76 = arith.constant 0 : index
      %get3A_77 = vector.load %arg4[%get3A_75, %get3A_76] : memref<1x2048xf32, #tpu.memory_space<vmem>>, vector<1x2048xf32>
      %mul3A_78 = vector.broadcast %get3A_77 : vector<1x2048xf32> to vector<16x2048xf32>
      %mul3A_79 = arith.mulf %mul3A_74, %mul3A_78 : vector<16x2048xf32>
      %convert_element_type3A_80 = arith.truncf %mul3A_79 : vector<16x2048xf32> to vector<16x2048xbf16>
      %swap3A = arith.constant 0 : index
      %swap3A_81 = arith.constant 0 : index
      %swap3A_82 = vector.load %arg9[%swap3A, %swap3A_81] : memref<16x2048xbf16, #tpu.memory_space<vmem>>, vector<16x2048xbf16>
      tpu.vector_store %arg9[%swap3A, %swap3A_81], %convert_element_type3A_80 {strides = array<i32>} : memref<16x2048xbf16, #tpu.memory_space<vmem>>, vector<16x2048xbf16>,
      %broadcast_in_dim3A_83 = arith.constant 0.000000e+00 : f32
      %broadcast_in_dim3A_84 = vector.broadcast %broadcast_in_dim3A_83 : f32 to vector<16x128xf32>
      %swap3A_85 = arith.constant 0 : index
      %swap3A_86 = arith.constant 0 : index
      %swap3A_87 = vector.load %arg8[%swap3A_85, %swap3A_86] : memref<16x128xf32, #tpu.memory_space<vmem>>, vector<16x128xf32>
      tpu.vector_store %arg8[%swap3A_85, %swap3A_86], %broadcast_in_dim3A_84 {strides = array<i32>} : memref<16x128xf32, #tpu.memory_space<vmem>>, vector<16x128xf32>,
    } else {
    }
    %get3A = arith.constant 0 : index
    %get3A_2 = arith.constant 0 : index
    %get3A_3 = vector.load %arg9[%get3A, %get3A_2] : memref<16x2048xbf16, #tpu.memory_space<vmem>>, vector<16x2048xbf16>
    %get3A_4 = arith.constant 0 : index
    %get3A_5 = arith.constant 0 : index
    %get3A_6 = vector.load %arg2[%get3A_4, %get3A_5] : memref<768x2048xf32, #tpu.memory_space<vmem>>, vector<768x2048xf32>
    %convert_element_type3A_7 = arith.truncf %get3A_6 : vector<768x2048xf32> to vector<768x2048xbf16>
    %dot_general3A = arith.constant dense<0.000000e+00> : vector<16x768xf32>
    %dot_general3A_8 = tpu.matmul %get3A_3, %convert_element_type3A_7, %dot_general3A {dimension_numbers = #tpu.dot_dimension_numbers<[1], [1], [0], [0], [0, 0, 1, 0], [], []>, transpose_lhs_hint = false} : vector<16x2048xbf16>, vector<768x2048xbf16>, vector<16x768xf32> -> vector<16x768xf32>
    %slice3A = vector.extract_strided_slice %dot_general3A_8 {offsets = [0, 0], sizes = [16, 128], strides = [1, 1]} : vector<16x768xf32> to vector<16x128xf32>
    %get3A_9 = arith.constant 0 : index
    %get3A_10 = arith.constant 0 : index
    %get3A_11 = arith.constant 0 : index
    %get3A_12 = vector.load %arg3[%get3A_9, %get3A_10, %get3A_11] : memref<1x6x128xf32, #tpu.memory_space<vmem>>, vector<1x1x128xf32>
    %get3A_13 = vector.shape_cast %get3A_12 : vector<1x1x128xf32> to vector<1x128xf32>
    %add3A = vector.broadcast %get3A_13 : vector<1x128xf32> to vector<16x128xf32>
    %add3A_14 = arith.addf %slice3A, %add3A : vector<16x128xf32>
    %slice3A_15 = vector.extract_strided_slice %dot_general3A_8 {offsets = [0, 128], sizes = [16, 128], strides = [1, 1]} : vector<16x768xf32> to vector<16x128xf32>
    %get3A_16 = arith.constant 0 : index
    %get3A_17 = arith.constant 1 : index
    %get3A_18 = arith.constant 0 : index
    %get3A_19 = vector.load %arg3[%get3A_16, %get3A_17, %get3A_18] : memref<1x6x128xf32, #tpu.memory_space<vmem>>, vector<1x1x128xf32>
    %get3A_20 = vector.shape_cast %get3A_19 : vector<1x1x128xf32> to vector<1x128xf32>
    %add3A_21 = vector.broadcast %get3A_20 : vector<1x128xf32> to vector<16x128xf32>
    %add3A_22 = arith.addf %slice3A_15, %add3A_21 : vector<16x128xf32>
    %slice3A_23 = vector.extract_strided_slice %dot_general3A_8 {offsets = [0, 256], sizes = [16, 128], strides = [1, 1]} : vector<16x768xf32> to vector<16x128xf32>
    %get3A_24 = arith.constant 0 : index
    %get3A_25 = arith.constant 2 : index
    %get3A_26 = arith.constant 0 : index
    %get3A_27 = vector.load %arg3[%get3A_24, %get3A_25, %get3A_26] : memref<1x6x128xf32, #tpu.memory_space<vmem>>, vector<1x1x128xf32>
    %get3A_28 = vector.shape_cast %get3A_27 : vector<1x1x128xf32> to vector<1x128xf32>
    %add3A_29 = vector.broadcast %get3A_28 : vector<1x128xf32> to vector<16x128xf32>
    %add3A_30 = arith.addf %slice3A_23, %add3A_29 : vector<16x128xf32>
    %slice3A_31 = vector.extract_strided_slice %dot_general3A_8 {offsets = [0, 384], sizes = [16, 128], strides = [1, 1]} : vector<16x768xf32> to vector<16x128xf32>
    %get3A_32 = arith.constant 0 : index
    %get3A_33 = arith.constant 3 : index
    %get3A_34 = arith.constant 0 : index
    %get3A_35 = vector.load %arg3[%get3A_32, %get3A_33, %get3A_34] : memref<1x6x128xf32, #tpu.memory_space<vmem>>, vector<1x1x128xf32>
    %get3A_36 = vector.shape_cast %get3A_35 : vector<1x1x128xf32> to vector<1x128xf32>
    %add3A_37 = vector.broadcast %get3A_36 : vector<1x128xf32> to vector<16x128xf32>
    %add3A_38 = arith.addf %slice3A_31, %add3A_37 : vector<16x128xf32>
    %slice3A_39 = vector.extract_strided_slice %dot_general3A_8 {offsets = [0, 512], sizes = [16, 128], strides = [1, 1]} : vector<16x768xf32> to vector<16x128xf32>
    %get3A_40 = arith.constant 0 : index
    %get3A_41 = arith.constant 4 : index
    %get3A_42 = arith.constant 0 : index
    %get3A_43 = vector.load %arg3[%get3A_40, %get3A_41, %get3A_42] : memref<1x6x128xf32, #tpu.memory_space<vmem>>, vector<1x1x128xf32>
    %get3A_44 = vector.shape_cast %get3A_43 : vector<1x1x128xf32> to vector<1x128xf32>
    %add3A_45 = vector.broadcast %get3A_44 : vector<1x128xf32> to vector<16x128xf32>
    %add3A_46 = arith.addf %slice3A_39, %add3A_45 : vector<16x128xf32>
    %slice3A_47 = vector.extract_strided_slice %dot_general3A_8 {offsets = [0, 640], sizes = [16, 128], strides = [1, 1]} : vector<16x768xf32> to vector<16x128xf32>
    %get3A_48 = arith.constant 0 : index
    %get3A_49 = arith.constant 5 : index
    %get3A_50 = arith.constant 0 : index
    %get3A_51 = vector.load %arg3[%get3A_48, %get3A_49, %get3A_50] : memref<1x6x128xf32, #tpu.memory_space<vmem>>, vector<1x1x128xf32>
    %get3A_52 = vector.shape_cast %get3A_51 : vector<1x1x128xf32> to vector<1x128xf32>
    %add3A_53 = vector.broadcast %get3A_52 : vector<1x128xf32> to vector<16x128xf32>
    %add3A_54 = arith.addf %slice3A_47, %add3A_53 : vector<16x128xf32>
    %lt3A = arith.constant 2 : i32
    %lt3A_55 = arith.cmpi slt, %arg0, %lt3A : i32
    %convert_element_type3A_56 = arith.extui %lt3A_55 : i1 to i32
    %cond3A_57 = arith.constant 0 : i32
    %cond3A_58 = arith.cmpi ne, %convert_element_type3A_56, %cond3A_57 : i32
    scf.if %cond3A_58 {
      %broadcast_in_dim3A = arith.constant 0.000000e+00 : f32
      %broadcast_in_dim3A_64 = vector.broadcast %broadcast_in_dim3A : f32 to vector<16x128xf32>
      %mul3A = arith.mulf %add3A_14, %add3A_14 : vector<16x128xf32>
      %reduce_sum3A = arith.constant dense<0.000000e+00> : vector<16xf32>
      %reduce_sum3A_65 = vector.multi_reduction <add>, %mul3A, %reduce_sum3A [1] : vector<16x128xf32> to vector<16xf32>
      %broadcast_in_dim3A_66 = vector.shape_cast %reduce_sum3A_65 : vector<16xf32> to vector<16x1xf32>
      %div3A = arith.constant 1.280000e+02 : f32
      %div3A_67 = vector.broadcast %div3A : f32 to vector<16x1xf32>
      %div3A_68 = arith.divf %broadcast_in_dim3A_66, %div3A_67 : vector<16x1xf32>
      %add3A_69 = arith.constant 9.99999997E-7 : f32
      %add3A_70 = vector.broadcast %add3A_69 : f32 to vector<16x1xf32>
      %add3A_71 = arith.addf %div3A_68, %add3A_70 : vector<16x1xf32>
      %rsqrt3A = math.rsqrt %add3A_71 : vector<16x1xf32>
      %mul3A_72 = vector.broadcast %rsqrt3A : vector<16x1xf32> to vector<16x128xf32>
      %mul3A_73 = arith.mulf %add3A_14, %mul3A_72 : vector<16x128xf32>
      %get3A_74 = arith.constant 0 : index
      %get3A_75 = arith.constant 0 : index
      %get3A_76 = vector.load %arg5[%get3A_74, %get3A_75] : memref<1x128xf32, #tpu.memory_space<vmem>>, vector<1x128xf32>
      %mul3A_77 = vector.broadcast %get3A_76 : vector<1x128xf32> to vector<16x128xf32>
      %mul3A_78 = arith.mulf %mul3A_73, %mul3A_77 : vector<16x128xf32>
      %swap3A = arith.constant 0 : index
      %swap3A_79 = arith.constant 0 : index
      %swap3A_80 = arith.constant 0 : index
      %swap3A_81 = vector.load %arg7[%swap3A, %swap3A_79, %swap3A_80] : memref<6x16x128xf32, #tpu.memory_space<vmem>>, vector<1x16x128xf32>
      %swap3A_82 = vector.shape_cast %swap3A_81 : vector<1x16x128xf32> to vector<16x128xf32>
      %swap3A_83 = vector.shape_cast %mul3A_78 : vector<16x128xf32> to vector<1x16x128xf32>
      tpu.vector_store %arg7[%swap3A, %swap3A_79, %swap3A_80], %swap3A_83 {strides = array<i32>} : memref<6x16x128xf32, #tpu.memory_space<vmem>>, vector<1x16x128xf32>,
      %add3A_84 = arith.addf %broadcast_in_dim3A_64, %mul3A_78 : vector<16x128xf32>
      %mul3A_85 = arith.mulf %add3A_22, %add3A_22 : vector<16x128xf32>
      %reduce_sum3A_86 = arith.constant dense<0.000000e+00> : vector<16xf32>
      %reduce_sum3A_87 = vector.multi_reduction <add>, %mul3A_85, %reduce_sum3A_86 [1] : vector<16x128xf32> to vector<16xf32>
      %broadcast_in_dim3A_88 = vector.shape_cast %reduce_sum3A_87 : vector<16xf32> to vector<16x1xf32>
      %div3A_89 = arith.constant 1.280000e+02 : f32
      %div3A_90 = vector.broadcast %div3A_89 : f32 to vector<16x1xf32>
      %div3A_91 = arith.divf %broadcast_in_dim3A_88, %div3A_90 : vector<16x1xf32>
      %add3A_92 = arith.constant 9.99999997E-7 : f32
      %add3A_93 = vector.broadcast %add3A_92 : f32 to vector<16x1xf32>
      %add3A_94 = arith.addf %div3A_91, %add3A_93 : vector<16x1xf32>
      %rsqrt3A_95 = math.rsqrt %add3A_94 : vector<16x1xf32>
      %mul3A_96 = vector.broadcast %rsqrt3A_95 : vector<16x1xf32> to vector<16x128xf32>
      %mul3A_97 = arith.mulf %add3A_22, %mul3A_96 : vector<16x128xf32>
      %get3A_98 = arith.constant 0 : index
      %get3A_99 = arith.constant 0 : index
      %get3A_100 = vector.load %arg5[%get3A_98, %get3A_99] : memref<1x128xf32, #tpu.memory_space<vmem>>, vector<1x128xf32>
      %mul3A_101 = vector.broadcast %get3A_100 : vector<1x128xf32> to vector<16x128xf32>
      %mul3A_102 = arith.mulf %mul3A_97, %mul3A_101 : vector<16x128xf32>
      %swap3A_103 = arith.constant 1 : index
      %swap3A_104 = arith.constant 0 : index
      %swap3A_105 = arith.constant 0 : index
      %swap3A_106 = vector.load %arg7[%swap3A_103, %swap3A_104, %swap3A_105] : memref<6x16x128xf32, #tpu.memory_space<vmem>>, vector<1x16x128xf32>
      %swap3A_107 = vector.shape_cast %swap3A_106 : vector<1x16x128xf32> to vector<16x128xf32>
      %swap3A_108 = vector.shape_cast %mul3A_102 : vector<16x128xf32> to vector<1x16x128xf32>
      tpu.vector_store %arg7[%swap3A_103, %swap3A_104, %swap3A_105], %swap3A_108 {strides = array<i32>} : memref<6x16x128xf32, #tpu.memory_space<vmem>>, vector<1x16x128xf32>,
      %add3A_109 = arith.addf %add3A_84, %mul3A_102 : vector<16x128xf32>
      %mul3A_110 = arith.mulf %add3A_30, %add3A_30 : vector<16x128xf32>
      %reduce_sum3A_111 = arith.constant dense<0.000000e+00> : vector<16xf32>
      %reduce_sum3A_112 = vector.multi_reduction <add>, %mul3A_110, %reduce_sum3A_111 [1] : vector<16x128xf32> to vector<16xf32>
      %broadcast_in_dim3A_113 = vector.shape_cast %reduce_sum3A_112 : vector<16xf32> to vector<16x1xf32>
      %div3A_114 = arith.constant 1.280000e+02 : f32
      %div3A_115 = vector.broadcast %div3A_114 : f32 to vector<16x1xf32>
      %div3A_116 = arith.divf %broadcast_in_dim3A_113, %div3A_115 : vector<16x1xf32>
      %add3A_117 = arith.constant 9.99999997E-7 : f32
      %add3A_118 = vector.broadcast %add3A_117 : f32 to vector<16x1xf32>
      %add3A_119 = arith.addf %div3A_116, %add3A_118 : vector<16x1xf32>
      %rsqrt3A_120 = math.rsqrt %add3A_119 : vector<16x1xf32>
      %mul3A_121 = vector.broadcast %rsqrt3A_120 : vector<16x1xf32> to vector<16x128xf32>
      %mul3A_122 = arith.mulf %add3A_30, %mul3A_121 : vector<16x128xf32>
      %get3A_123 = arith.constant 0 : index
      %get3A_124 = arith.constant 0 : index
      %get3A_125 = vector.load %arg5[%get3A_123, %get3A_124] : memref<1x128xf32, #tpu.memory_space<vmem>>, vector<1x128xf32>
      %mul3A_126 = vector.broadcast %get3A_125 : vector<1x128xf32> to vector<16x128xf32>
      %mul3A_127 = arith.mulf %mul3A_122, %mul3A_126 : vector<16x128xf32>
      %swap3A_128 = arith.constant 2 : index
      %swap3A_129 = arith.constant 0 : index
      %swap3A_130 = arith.constant 0 : index
      %swap3A_131 = vector.load %arg7[%swap3A_128, %swap3A_129, %swap3A_130] : memref<6x16x128xf32, #tpu.memory_space<vmem>>, vector<1x16x128xf32>
      %swap3A_132 = vector.shape_cast %swap3A_131 : vector<1x16x128xf32> to vector<16x128xf32>
      %swap3A_133 = vector.shape_cast %mul3A_127 : vector<16x128xf32> to vector<1x16x128xf32>
      tpu.vector_store %arg7[%swap3A_128, %swap3A_129, %swap3A_130], %swap3A_133 {strides = array<i32>} : memref<6x16x128xf32, #tpu.memory_space<vmem>>, vector<1x16x128xf32>,
      %add3A_134 = arith.addf %add3A_109, %mul3A_127 : vector<16x128xf32>
      %mul3A_135 = arith.mulf %add3A_38, %add3A_38 : vector<16x128xf32>
      %reduce_sum3A_136 = arith.constant dense<0.000000e+00> : vector<16xf32>
      %reduce_sum3A_137 = vector.multi_reduction <add>, %mul3A_135, %reduce_sum3A_136 [1] : vector<16x128xf32> to vector<16xf32>
      %broadcast_in_dim3A_138 = vector.shape_cast %reduce_sum3A_137 : vector<16xf32> to vector<16x1xf32>
      %div3A_139 = arith.constant 1.280000e+02 : f32
      %div3A_140 = vector.broadcast %div3A_139 : f32 to vector<16x1xf32>
      %div3A_141 = arith.divf %broadcast_in_dim3A_138, %div3A_140 : vector<16x1xf32>
      %add3A_142 = arith.constant 9.99999997E-7 : f32
      %add3A_143 = vector.broadcast %add3A_142 : f32 to vector<16x1xf32>
      %add3A_144 = arith.addf %div3A_141, %add3A_143 : vector<16x1xf32>
      %rsqrt3A_145 = math.rsqrt %add3A_144 : vector<16x1xf32>
      %mul3A_146 = vector.broadcast %rsqrt3A_145 : vector<16x1xf32> to vector<16x128xf32>
      %mul3A_147 = arith.mulf %add3A_38, %mul3A_146 : vector<16x128xf32>
      %get3A_148 = arith.constant 0 : index
      %get3A_149 = arith.constant 0 : index
      %get3A_150 = vector.load %arg5[%get3A_148, %get3A_149] : memref<1x128xf32, #tpu.memory_space<vmem>>, vector<1x128xf32>
      %mul3A_151 = vector.broadcast %get3A_150 : vector<1x128xf32> to vector<16x128xf32>
      %mul3A_152 = arith.mulf %mul3A_147, %mul3A_151 : vector<16x128xf32>
      %swap3A_153 = arith.constant 3 : index
      %swap3A_154 = arith.constant 0 : index
      %swap3A_155 = arith.constant 0 : index
      %swap3A_156 = vector.load %arg7[%swap3A_153, %swap3A_154, %swap3A_155] : memref<6x16x128xf32, #tpu.memory_space<vmem>>, vector<1x16x128xf32>
      %swap3A_157 = vector.shape_cast %swap3A_156 : vector<1x16x128xf32> to vector<16x128xf32>
      %swap3A_158 = vector.shape_cast %mul3A_152 : vector<16x128xf32> to vector<1x16x128xf32>
      tpu.vector_store %arg7[%swap3A_153, %swap3A_154, %swap3A_155], %swap3A_158 {strides = array<i32>} : memref<6x16x128xf32, #tpu.memory_space<vmem>>, vector<1x16x128xf32>,
      %add3A_159 = arith.addf %add3A_134, %mul3A_152 : vector<16x128xf32>
      %mul3A_160 = arith.mulf %add3A_46, %add3A_46 : vector<16x128xf32>
      %reduce_sum3A_161 = arith.constant dense<0.000000e+00> : vector<16xf32>
      %reduce_sum3A_162 = vector.multi_reduction <add>, %mul3A_160, %reduce_sum3A_161 [1] : vector<16x128xf32> to vector<16xf32>
      %broadcast_in_dim3A_163 = vector.shape_cast %reduce_sum3A_162 : vector<16xf32> to vector<16x1xf32>
      %div3A_164 = arith.constant 1.280000e+02 : f32
      %div3A_165 = vector.broadcast %div3A_164 : f32 to vector<16x1xf32>
      %div3A_166 = arith.divf %broadcast_in_dim3A_163, %div3A_165 : vector<16x1xf32>
      %add3A_167 = arith.constant 9.99999997E-7 : f32
      %add3A_168 = vector.broadcast %add3A_167 : f32 to vector<16x1xf32>
      %add3A_169 = arith.addf %div3A_166, %add3A_168 : vector<16x1xf32>
      %rsqrt3A_170 = math.rsqrt %add3A_169 : vector<16x1xf32>
      %mul3A_171 = vector.broadcast %rsqrt3A_170 : vector<16x1xf32> to vector<16x128xf32>
      %mul3A_172 = arith.mulf %add3A_46, %mul3A_171 : vector<16x128xf32>
      %get3A_173 = arith.constant 0 : index
      %get3A_174 = arith.constant 0 : index
      %get3A_175 = vector.load %arg5[%get3A_173, %get3A_174] : memref<1x128xf32, #tpu.memory_space<vmem>>, vector<1x128xf32>
      %mul3A_176 = vector.broadcast %get3A_175 : vector<1x128xf32> to vector<16x128xf32>
      %mul3A_177 = arith.mulf %mul3A_172, %mul3A_176 : vector<16x128xf32>
      %swap3A_178 = arith.constant 4 : index
      %swap3A_179 = arith.constant 0 : index
      %swap3A_180 = arith.constant 0 : index
      %swap3A_181 = vector.load %arg7[%swap3A_178, %swap3A_179, %swap3A_180] : memref<6x16x128xf32, #tpu.memory_space<vmem>>, vector<1x16x128xf32>
      %swap3A_182 = vector.shape_cast %swap3A_181 : vector<1x16x128xf32> to vector<16x128xf32>
      %swap3A_183 = vector.shape_cast %mul3A_177 : vector<16x128xf32> to vector<1x16x128xf32>
      tpu.vector_store %arg7[%swap3A_178, %swap3A_179, %swap3A_180], %swap3A_183 {strides = array<i32>} : memref<6x16x128xf32, #tpu.memory_space<vmem>>, vector<1x16x128xf32>,
      %add3A_184 = arith.addf %add3A_159, %mul3A_177 : vector<16x128xf32>
      %mul3A_185 = arith.mulf %add3A_54, %add3A_54 : vector<16x128xf32>
      %reduce_sum3A_186 = arith.constant dense<0.000000e+00> : vector<16xf32>
      %reduce_sum3A_187 = vector.multi_reduction <add>, %mul3A_185, %reduce_sum3A_186 [1] : vector<16x128xf32> to vector<16xf32>
      %broadcast_in_dim3A_188 = vector.shape_cast %reduce_sum3A_187 : vector<16xf32> to vector<16x1xf32>
      %div3A_189 = arith.constant 1.280000e+02 : f32
      %div3A_190 = vector.broadcast %div3A_189 : f32 to vector<16x1xf32>
      %div3A_191 = arith.divf %broadcast_in_dim3A_188, %div3A_190 : vector<16x1xf32>
      %add3A_192 = arith.constant 9.99999997E-7 : f32
      %add3A_193 = vector.broadcast %add3A_192 : f32 to vector<16x1xf32>
      %add3A_194 = arith.addf %div3A_191, %add3A_193 : vector<16x1xf32>
      %rsqrt3A_195 = math.rsqrt %add3A_194 : vector<16x1xf32>
      %mul3A_196 = vector.broadcast %rsqrt3A_195 : vector<16x1xf32> to vector<16x128xf32>
      %mul3A_197 = arith.mulf %add3A_54, %mul3A_196 : vector<16x128xf32>
      %get3A_198 = arith.constant 0 : index
      %get3A_199 = arith.constant 0 : index
      %get3A_200 = vector.load %arg5[%get3A_198, %get3A_199] : memref<1x128xf32, #tpu.memory_space<vmem>>, vector<1x128xf32>
      %mul3A_201 = vector.broadcast %get3A_200 : vector<1x128xf32> to vector<16x128xf32>
      %mul3A_202 = arith.mulf %mul3A_197, %mul3A_201 : vector<16x128xf32>
      %swap3A_203 = arith.constant 5 : index
      %swap3A_204 = arith.constant 0 : index
      %swap3A_205 = arith.constant 0 : index
      %swap3A_206 = vector.load %arg7[%swap3A_203, %swap3A_204, %swap3A_205] : memref<6x16x128xf32, #tpu.memory_space<vmem>>, vector<1x16x128xf32>
      %swap3A_207 = vector.shape_cast %swap3A_206 : vector<1x16x128xf32> to vector<16x128xf32>
      %swap3A_208 = vector.shape_cast %mul3A_202 : vector<16x128xf32> to vector<1x16x128xf32>
      tpu.vector_store %arg7[%swap3A_203, %swap3A_204, %swap3A_205], %swap3A_208 {strides = array<i32>} : memref<6x16x128xf32, #tpu.memory_space<vmem>>, vector<1x16x128xf32>,
      %add3A_209 = arith.addf %add3A_184, %mul3A_202 : vector<16x128xf32>
      %get3A_210 = arith.constant 0 : index
      %get3A_211 = arith.constant 0 : index
      %get3A_212 = vector.load %arg8[%get3A_210, %get3A_211] : memref<16x128xf32, #tpu.memory_space<vmem>>, vector<16x128xf32>
      %mul3A_213 = arith.constant 6.250000e-02 : f32
      %mul3A_214 = vector.broadcast %mul3A_213 : f32 to vector<16x128xf32>
      %mul3A_215 = arith.mulf %add3A_209, %mul3A_214 : vector<16x128xf32>
      %add3A_216 = arith.addf %get3A_212, %mul3A_215 : vector<16x128xf32>
      %swap3A_217 = arith.constant 0 : index
      %swap3A_218 = arith.constant 0 : index
      %swap3A_219 = vector.load %arg8[%swap3A_217, %swap3A_218] : memref<16x128xf32, #tpu.memory_space<vmem>>, vector<16x128xf32>
      tpu.vector_store %arg8[%swap3A_217, %swap3A_218], %add3A_216 {strides = array<i32>} : memref<16x128xf32, #tpu.memory_space<vmem>>, vector<16x128xf32>,
    } else {
    }
    %eq3A_59 = arith.constant 2 : i32
    %eq3A_60 = arith.cmpi eq, %arg0, %eq3A_59 : i32
    %convert_element_type3A_61 = arith.extui %eq3A_60 : i1 to i32
    %cond3A_62 = arith.constant 0 : i32
    %cond3A_63 = arith.cmpi ne, %convert_element_type3A_61, %cond3A_62 : i32
    scf.if %cond3A_63 {
      %broadcast_in_dim3A = arith.constant 0.000000e+00 : f32
      %broadcast_in_dim3A_64 = vector.broadcast %broadcast_in_dim3A : f32 to vector<16x128xf32>
      %mul3A = arith.mulf %add3A_14, %add3A_14 : vector<16x128xf32>
      %reduce_sum3A = arith.constant dense<0.000000e+00> : vector<16xf32>
      %reduce_sum3A_65 = vector.multi_reduction <add>, %mul3A, %reduce_sum3A [1] : vector<16x128xf32> to vector<16xf32>
      %broadcast_in_dim3A_66 = vector.shape_cast %reduce_sum3A_65 : vector<16xf32> to vector<16x1xf32>
      %div3A = arith.constant 1.280000e+02 : f32
      %div3A_67 = vector.broadcast %div3A : f32 to vector<16x1xf32>
      %div3A_68 = arith.divf %broadcast_in_dim3A_66, %div3A_67 : vector<16x1xf32>
      %add3A_69 = arith.constant 9.99999997E-7 : f32
      %add3A_70 = vector.broadcast %add3A_69 : f32 to vector<16x1xf32>
      %add3A_71 = arith.addf %div3A_68, %add3A_70 : vector<16x1xf32>
      %rsqrt3A = math.rsqrt %add3A_71 : vector<16x1xf32>
      %mul3A_72 = vector.broadcast %rsqrt3A : vector<16x1xf32> to vector<16x128xf32>
      %mul3A_73 = arith.mulf %add3A_14, %mul3A_72 : vector<16x128xf32>
      %get3A_74 = arith.constant 0 : index
      %get3A_75 = arith.constant 0 : index
      %get3A_76 = vector.load %arg5[%get3A_74, %get3A_75] : memref<1x128xf32, #tpu.memory_space<vmem>>, vector<1x128xf32>
      %mul3A_77 = vector.broadcast %get3A_76 : vector<1x128xf32> to vector<16x128xf32>
      %mul3A_78 = arith.mulf %mul3A_73, %mul3A_77 : vector<16x128xf32>
      %swap3A = arith.constant 0 : index
      %swap3A_79 = arith.constant 0 : index
      %swap3A_80 = arith.constant 0 : index
      %swap3A_81 = vector.load %arg7[%swap3A, %swap3A_79, %swap3A_80] : memref<6x16x128xf32, #tpu.memory_space<vmem>>, vector<1x16x128xf32>
      %swap3A_82 = vector.shape_cast %swap3A_81 : vector<1x16x128xf32> to vector<16x128xf32>
      %swap3A_83 = vector.shape_cast %mul3A_78 : vector<16x128xf32> to vector<1x16x128xf32>
      tpu.vector_store %arg7[%swap3A, %swap3A_79, %swap3A_80], %swap3A_83 {strides = array<i32>} : memref<6x16x128xf32, #tpu.memory_space<vmem>>, vector<1x16x128xf32>,
      %add3A_84 = arith.addf %broadcast_in_dim3A_64, %mul3A_78 : vector<16x128xf32>
      %mul3A_85 = arith.mulf %add3A_22, %add3A_22 : vector<16x128xf32>
      %reduce_sum3A_86 = arith.constant dense<0.000000e+00> : vector<16xf32>
      %reduce_sum3A_87 = vector.multi_reduction <add>, %mul3A_85, %reduce_sum3A_86 [1] : vector<16x128xf32> to vector<16xf32>
      %broadcast_in_dim3A_88 = vector.shape_cast %reduce_sum3A_87 : vector<16xf32> to vector<16x1xf32>
      %div3A_89 = arith.constant 1.280000e+02 : f32
      %div3A_90 = vector.broadcast %div3A_89 : f32 to vector<16x1xf32>
      %div3A_91 = arith.divf %broadcast_in_dim3A_88, %div3A_90 : vector<16x1xf32>
      %add3A_92 = arith.constant 9.99999997E-7 : f32
      %add3A_93 = vector.broadcast %add3A_92 : f32 to vector<16x1xf32>
      %add3A_94 = arith.addf %div3A_91, %add3A_93 : vector<16x1xf32>
      %rsqrt3A_95 = math.rsqrt %add3A_94 : vector<16x1xf32>
      %mul3A_96 = vector.broadcast %rsqrt3A_95 : vector<16x1xf32> to vector<16x128xf32>
      %mul3A_97 = arith.mulf %add3A_22, %mul3A_96 : vector<16x128xf32>
      %get3A_98 = arith.constant 0 : index
      %get3A_99 = arith.constant 0 : index
      %get3A_100 = vector.load %arg5[%get3A_98, %get3A_99] : memref<1x128xf32, #tpu.memory_space<vmem>>, vector<1x128xf32>
      %mul3A_101 = vector.broadcast %get3A_100 : vector<1x128xf32> to vector<16x128xf32>
      %mul3A_102 = arith.mulf %mul3A_97, %mul3A_101 : vector<16x128xf32>
      %swap3A_103 = arith.constant 1 : index
      %swap3A_104 = arith.constant 0 : index
      %swap3A_105 = arith.constant 0 : index
      %swap3A_106 = vector.load %arg7[%swap3A_103, %swap3A_104, %swap3A_105] : memref<6x16x128xf32, #tpu.memory_space<vmem>>, vector<1x16x128xf32>
      %swap3A_107 = vector.shape_cast %swap3A_106 : vector<1x16x128xf32> to vector<16x128xf32>
      %swap3A_108 = vector.shape_cast %mul3A_102 : vector<16x128xf32> to vector<1x16x128xf32>
      tpu.vector_store %arg7[%swap3A_103, %swap3A_104, %swap3A_105], %swap3A_108 {strides = array<i32>} : memref<6x16x128xf32, #tpu.memory_space<vmem>>, vector<1x16x128xf32>,
      %add3A_109 = arith.addf %add3A_84, %mul3A_102 : vector<16x128xf32>
      %mul3A_110 = arith.mulf %add3A_30, %add3A_30 : vector<16x128xf32>
      %reduce_sum3A_111 = arith.constant dense<0.000000e+00> : vector<16xf32>
      %reduce_sum3A_112 = vector.multi_reduction <add>, %mul3A_110, %reduce_sum3A_111 [1] : vector<16x128xf32> to vector<16xf32>
      %broadcast_in_dim3A_113 = vector.shape_cast %reduce_sum3A_112 : vector<16xf32> to vector<16x1xf32>
      %div3A_114 = arith.constant 1.280000e+02 : f32
      %div3A_115 = vector.broadcast %div3A_114 : f32 to vector<16x1xf32>
      %div3A_116 = arith.divf %broadcast_in_dim3A_113, %div3A_115 : vector<16x1xf32>
      %add3A_117 = arith.constant 9.99999997E-7 : f32
      %add3A_118 = vector.broadcast %add3A_117 : f32 to vector<16x1xf32>
      %add3A_119 = arith.addf %div3A_116, %add3A_118 : vector<16x1xf32>
      %rsqrt3A_120 = math.rsqrt %add3A_119 : vector<16x1xf32>
      %mul3A_121 = vector.broadcast %rsqrt3A_120 : vector<16x1xf32> to vector<16x128xf32>
      %mul3A_122 = arith.mulf %add3A_30, %mul3A_121 : vector<16x128xf32>
      %get3A_123 = arith.constant 0 : index
      %get3A_124 = arith.constant 0 : index
      %get3A_125 = vector.load %arg5[%get3A_123, %get3A_124] : memref<1x128xf32, #tpu.memory_space<vmem>>, vector<1x128xf32>
      %mul3A_126 = vector.broadcast %get3A_125 : vector<1x128xf32> to vector<16x128xf32>
      %mul3A_127 = arith.mulf %mul3A_122, %mul3A_126 : vector<16x128xf32>
      %swap3A_128 = arith.constant 2 : index
      %swap3A_129 = arith.constant 0 : index
      %swap3A_130 = arith.constant 0 : index
      %swap3A_131 = vector.load %arg7[%swap3A_128, %swap3A_129, %swap3A_130] : memref<6x16x128xf32, #tpu.memory_space<vmem>>, vector<1x16x128xf32>
      %swap3A_132 = vector.shape_cast %swap3A_131 : vector<1x16x128xf32> to vector<16x128xf32>
      %swap3A_133 = vector.shape_cast %mul3A_127 : vector<16x128xf32> to vector<1x16x128xf32>
      tpu.vector_store %arg7[%swap3A_128, %swap3A_129, %swap3A_130], %swap3A_133 {strides = array<i32>} : memref<6x16x128xf32, #tpu.memory_space<vmem>>, vector<1x16x128xf32>,
      %add3A_134 = arith.addf %add3A_109, %mul3A_127 : vector<16x128xf32>
      %mul3A_135 = arith.mulf %add3A_38, %add3A_38 : vector<16x128xf32>
      %reduce_sum3A_136 = arith.constant dense<0.000000e+00> : vector<16xf32>
      %reduce_sum3A_137 = vector.multi_reduction <add>, %mul3A_135, %reduce_sum3A_136 [1] : vector<16x128xf32> to vector<16xf32>
      %broadcast_in_dim3A_138 = vector.shape_cast %reduce_sum3A_137 : vector<16xf32> to vector<16x1xf32>
      %div3A_139 = arith.constant 1.280000e+02 : f32
      %div3A_140 = vector.broadcast %div3A_139 : f32 to vector<16x1xf32>
      %div3A_141 = arith.divf %broadcast_in_dim3A_138, %div3A_140 : vector<16x1xf32>
      %add3A_142 = arith.constant 9.99999997E-7 : f32
      %add3A_143 = vector.broadcast %add3A_142 : f32 to vector<16x1xf32>
      %add3A_144 = arith.addf %div3A_141, %add3A_143 : vector<16x1xf32>
      %rsqrt3A_145 = math.rsqrt %add3A_144 : vector<16x1xf32>
      %mul3A_146 = vector.broadcast %rsqrt3A_145 : vector<16x1xf32> to vector<16x128xf32>
      %mul3A_147 = arith.mulf %add3A_38, %mul3A_146 : vector<16x128xf32>
      %get3A_148 = arith.constant 0 : index
      %get3A_149 = arith.constant 0 : index
      %get3A_150 = vector.load %arg5[%get3A_148, %get3A_149] : memref<1x128xf32, #tpu.memory_space<vmem>>, vector<1x128xf32>
      %mul3A_151 = vector.broadcast %get3A_150 : vector<1x128xf32> to vector<16x128xf32>
      %mul3A_152 = arith.mulf %mul3A_147, %mul3A_151 : vector<16x128xf32>
      %swap3A_153 = arith.constant 3 : index
      %swap3A_154 = arith.constant 0 : index
      %swap3A_155 = arith.constant 0 : index
      %swap3A_156 = vector.load %arg7[%swap3A_153, %swap3A_154, %swap3A_155] : memref<6x16x128xf32, #tpu.memory_space<vmem>>, vector<1x16x128xf32>
      %swap3A_157 = vector.shape_cast %swap3A_156 : vector<1x16x128xf32> to vector<16x128xf32>
      %swap3A_158 = vector.shape_cast %mul3A_152 : vector<16x128xf32> to vector<1x16x128xf32>
      tpu.vector_store %arg7[%swap3A_153, %swap3A_154, %swap3A_155], %swap3A_158 {strides = array<i32>} : memref<6x16x128xf32, #tpu.memory_space<vmem>>, vector<1x16x128xf32>,
      %add3A_159 = arith.addf %add3A_134, %mul3A_152 : vector<16x128xf32>
      %get3A_160 = arith.constant 0 : index
      %get3A_161 = arith.constant 0 : index
      %get3A_162 = vector.load %arg8[%get3A_160, %get3A_161] : memref<16x128xf32, #tpu.memory_space<vmem>>, vector<16x128xf32>
      %mul3A_163 = arith.constant 6.250000e-02 : f32
      %mul3A_164 = vector.broadcast %mul3A_163 : f32 to vector<16x128xf32>
      %mul3A_165 = arith.mulf %add3A_159, %mul3A_164 : vector<16x128xf32>
      %add3A_166 = arith.addf %get3A_162, %mul3A_165 : vector<16x128xf32>
      %swap3A_167 = arith.constant 0 : index
      %swap3A_168 = arith.constant 0 : index
      %swap3A_169 = vector.load %arg8[%swap3A_167, %swap3A_168] : memref<16x128xf32, #tpu.memory_space<vmem>>, vector<16x128xf32>
      tpu.vector_store %arg8[%swap3A_167, %swap3A_168], %add3A_166 {strides = array<i32>} : memref<16x128xf32, #tpu.memory_space<vmem>>, vector<16x128xf32>,
      %mul3A_170 = arith.mulf %add3A_46, %add3A_46 : vector<16x128xf32>
      %reduce_sum3A_171 = arith.constant dense<0.000000e+00> : vector<16xf32>
      %reduce_sum3A_172 = vector.multi_reduction <add>, %mul3A_170, %reduce_sum3A_171 [1] : vector<16x128xf32> to vector<16xf32>
      %broadcast_in_dim3A_173 = vector.shape_cast %reduce_sum3A_172 : vector<16xf32> to vector<16x1xf32>
      %div3A_174 = arith.constant 1.280000e+02 : f32
      %div3A_175 = vector.broadcast %div3A_174 : f32 to vector<16x1xf32>
      %div3A_176 = arith.divf %broadcast_in_dim3A_173, %div3A_175 : vector<16x1xf32>
      %add3A_177 = arith.constant 9.99999997E-7 : f32
      %add3A_178 = vector.broadcast %add3A_177 : f32 to vector<16x1xf32>
      %add3A_179 = arith.addf %div3A_176, %add3A_178 : vector<16x1xf32>
      %rsqrt3A_180 = math.rsqrt %add3A_179 : vector<16x1xf32>
      %mul3A_181 = vector.broadcast %rsqrt3A_180 : vector<16x1xf32> to vector<16x128xf32>
      %mul3A_182 = arith.mulf %add3A_46, %mul3A_181 : vector<16x128xf32>
      %get3A_183 = arith.constant 0 : index
      %get3A_184 = arith.constant 0 : index
      %get3A_185 = vector.load %arg6[%get3A_183, %get3A_184] : memref<1x128xf32, #tpu.memory_space<vmem>>, vector<1x128xf32>
      %mul3A_186 = vector.broadcast %get3A_185 : vector<1x128xf32> to vector<16x128xf32>
      %mul3A_187 = arith.mulf %mul3A_182, %mul3A_186 : vector<16x128xf32>
      %swap3A_188 = arith.constant 4 : index
      %swap3A_189 = arith.constant 0 : index
      %swap3A_190 = arith.constant 0 : index
      %swap3A_191 = vector.load %arg7[%swap3A_188, %swap3A_189, %swap3A_190] : memref<6x16x128xf32, #tpu.memory_space<vmem>>, vector<1x16x128xf32>
      %swap3A_192 = vector.shape_cast %swap3A_191 : vector<1x16x128xf32> to vector<16x128xf32>
      %swap3A_193 = vector.shape_cast %mul3A_187 : vector<16x128xf32> to vector<1x16x128xf32>
      tpu.vector_store %arg7[%swap3A_188, %swap3A_189, %swap3A_190], %swap3A_193 {strides = array<i32>} : memref<6x16x128xf32, #tpu.memory_space<vmem>>, vector<1x16x128xf32>,
      %swap3A_194 = arith.constant 5 : index
      %swap3A_195 = arith.constant 0 : index
      %swap3A_196 = arith.constant 0 : index
      %swap3A_197 = vector.load %arg7[%swap3A_194, %swap3A_195, %swap3A_196] : memref<6x16x128xf32, #tpu.memory_space<vmem>>, vector<1x16x128xf32>
      %swap3A_198 = vector.shape_cast %swap3A_197 : vector<1x16x128xf32> to vector<16x128xf32>
      %swap3A_199 = vector.shape_cast %add3A_54 : vector<16x128xf32> to vector<1x16x128xf32>
      tpu.vector_store %arg7[%swap3A_194, %swap3A_195, %swap3A_196], %swap3A_199 {strides = array<i32>} : memref<6x16x128xf32, #tpu.memory_space<vmem>>, vector<1x16x128xf32>,
    } else {
    }
    return
  }
  func.func @transform_0(%arg0: i32) -> (i32, i32) {
    %c0_i32 = arith.constant 0 : i32
    %c0_i32_0 = arith.constant 0 : i32
    %c0_i32_1 = arith.constant 0 : i32
    return %c0_i32, %c0_i32_0 : i32, i32
  }
  func.func @transform_1(%arg0: i32) -> (i32, i32) {
    %c0_i32 = arith.constant 0 : i32
    %c0_i32_0 = arith.constant 0 : i32
    return %arg0, %c0_i32 : i32, i32
  }
  func.func @transform_2(%arg0: i32) -> (i32, i32, i32) {
    %c0_i32 = arith.constant 0 : i32
    %c0_i32_0 = arith.constant 0 : i32
    %c0_i32_1 = arith.constant 0 : i32
    return %arg0, %c0_i32, %c0_i32_0 : i32, i32, i32
  }
  func.func @transform_3(%arg0: i32) -> (i32, i32) {
    %c0_i32 = arith.constant 0 : i32
    %c0_i32_0 = arith.constant 0 : i32
    %c0_i32_1 = arith.constant 0 : i32
    return %c0_i32, %c0_i32_0 : i32, i32
  }
  func.func @transform_4(%arg0: i32) -> (i32, i32) {
    %c0_i32 = arith.constant 0 : i32
    %c0_i32_0 = arith.constant 0 : i32
    %c0_i32_1 = arith.constant 0 : i32
    return %c0_i32, %c0_i32_0 : i32, i32
  }
  func.func @transform_5(%arg0: i32) -> (i32, i32) {
    %c0_i32 = arith.constant 0 : i32
    %c0_i32_0 = arith.constant 0 : i32
    %c0_i32_1 = arith.constant 0 : i32
    return %c0_i32, %c0_i32_0 : i32, i32
  }
  func.func @transform_6(%arg0: i32) -> (i32, i32, i32) {
    %c0_i32 = arith.constant 0 : i32
    %c0_i32_0 = arith.constant 0 : i32
    %c0_i32_1 = arith.constant 0 : i32
    return %arg0, %c0_i32, %c0_i32_0 : i32, i32, i32
  }
  func.func @transform_7(%arg0: i32) -> (i32, i32) {
    %c0_i32 = arith.constant 0 : i32
    %c0_i32_0 = arith.constant 0 : i32
    %c0_i32_1 = arith.constant 0 : i32
    return %c0_i32, %c0_i32_0 : i32, i32
  }
}

</mosaic_0001>

<sc_bundles>
// kernel: kernel.6.cloned.1.call-start
scs
__scs_entry_jumppad:
0x0: {  	(pc) =	sbr.rel $0x88, $3  }
0x1: {  	(tag) =	ssettag $0x0;
	lr =	simm.s32 $0x1  }
0x2: {  	[smem:$0x3F94] =	sst lr;
	_ =	strace $0xD0000000  }
0x3: {  	_ = 	snop  }
0x4: {  	_ = 	snop  }
0x5: {  	_ = 	snop  }
0x6: {  	_ = 	snop  }
0x7: {  	_ = 	snop  }
__scs_overlays_trampoline_lowered:
0x8: {  	[smem:$0x3FA3] =	sst s0  }
0x9: {  	[smem:$0x3FA4] =	sst s1  }
0xa: {  	[smem:$0x3FA5] =	sst s2  }
0xb: {  	[smem:$0x3FA6] =	sst s3  }
0xc: {  	[smem:$0x3FA7] =	sst s4  }
0xd: {  	[smem:$0x3FA8] =	sst s5  }
0xe: {  	[smem:$0x3FA9] =	sst s6  }
0xf: {  	[smem:$0x3FAA] =	sst s7  }
0x10: {  	[smem:$0x3FAB] =	sst s8  }
0x11: {  	[smem:$0x3FAC] =	sst s9;
	s0 =	simm.s32 @!p0 $0x0  }
0x12: {  	s1 =	sld [smem:$0x3F92];
	s0 =	simm.s32 @p0 $0x1  }
0x13: {  	[smem:$0x3FAD] =	sst s0;
	s0 =	simm.s32 @!p1 $0x0  }
0x14: {  	s2 =	sld [smem:$0x3F91];
	s0 =	simm.s32 @p1 $0x1  }
0x15: {  	[smem:$0x3FAE] =	sst s0;
	s0 =	simm.s32 @!p2 $0x0  }
0x16: {  	s3 =	sld [smem:$0x3FDB];
	s0 =	simm.s32 @p2 $0x1  }
0x17: {  	s4 =	simm.s32 $0x1BF5;
	[smem:$0x3FB0] =	sst s0  }
0x18: {  	s0 =	sld [smem:$0x3F93];
	_ =	swait.ge [sflag:s4], $0x0  }
0x19: {  	s7 =	sld [smem:$0x3F94]  }
0x1a: {  	s8 =	sadd.s32 $0xFFFFE003, lr  }
0x1b: {  	s9 =	sadd.s32 $0xFFFFFEF7, lr;
	s5 =	simm.s32 $0xFFFFFFFF;
	p2 =	slt.u32 s8, $0xFFFFF086  }
0x1c: {  	p1 =	slt.u32 s9, $0xF7A;
	s5 =	simm.s32 @!p2 $0x0  }
0x1d: {  	s5 =	simm.s32 @p1 $0x1;
	p0 =	seq.s32 s7, s2  }
0x1e: {  	s7 =	smul.u32 @!p0 $0xF7A, s2;
	p2 =	seq.s32 @!p0 s5, $0x0  }
0x1f: {  	s9 =	smul.u32 $0xF7A, s1;
	s8 =	simm.s32 @!p0 $0x1BF5;
	p2 =	por !p2, p0  }
0x20: {  	[sflag:s8] =	ssyncset.s32 @!p0 $0xFFFFF086;
	s6 =	sadd.s32 @!p0 s3, s7;
	s7 =	simm.s32 @!p0 $0x108  }
0x21: {  	s3 =	sadd.s32 s3, s9;
	s6 =	sadd.s32 @!p0 $0x88, s6;
	s7 =	simm.s32 @p2 $0x1082  }
0x22: {  	[simem:s7], [sflag:s8] =	dma.local @!p0 [hbm:s6], $0xF7A  }
0x23: {  	s9 =	sor.u32 $0xD0000000, s2;
	s6 =	simm.s32 $0x108;
	_ =	swait.ge @!p0 [sflag:s8], $0x0  }
0x24: {  	s3 =	sadd.s32 $0x88, s3;
	s6 =	simm.s32 @!p1 $0x1082;
	[sflag:s4] =	ssyncset.s32 $0xFFFFF086  }
0x25: {  	[simem:s6], [sflag:s4] =	dma.local [hbm:s3], $0xF7A  }
0x26: {  	[smem:$0x3F94] =	sst s1;
	(tag) =	ssettag s2;
	_ =	strace s9  }
0x27: {  	s1 =	sld [smem:$0x3FA4]  }
0x28: {  	s2 =	sld [smem:$0x3FA5]  }
0x29: {  	s4 =	sld [smem:$0x3FA7]  }
0x2a: {  	p0 =	seq.s32 s5, $0x0;
	s5 =	sld [smem:$0x3FA8]  }
0x2b: {  	s6 =	sld [smem:$0x3FA9]  }
0x2c: {  	s7 =	sld [smem:$0x3FAA]  }
0x2d: {  	s3 =	simm.s32 $0x108;
	s8 =	sld [smem:$0x3FAB]  }
0x2e: {  	s3 =	simm.s32 @!p0 $0x1082;
	s9 =	sld [smem:$0x3FAC]  }
0x2f: {  	lr =	sadd.s32 s0, s3;
	s0 =	sld [smem:$0x3FA3]  }
0x30: {  	s3 =	sld [smem:$0x3FA6]  }
0x31: {  	[smem:$0x3FAF] =	sst s10  }
0x32: {  	s10 =	sld [smem:$0x3FAD];
	_ =	sdelay $0x3  }
0x33: {  	p0 =	seq.s32 s10, $0x1;
	s10 =	sld [smem:$0x3FAF];
	_ =	sdelay $0x3  }
0x34: {  	[smem:$0x3FAF] =	sst s10  }
0x35: {  	s10 =	sld [smem:$0x3FAE];
	_ =	sdelay $0x3  }
0x36: {  	p1 =	seq.s32 s10, $0x1;
	s10 =	sld [smem:$0x3FAF];
	_ =	sdelay $0x3  }
0x37: {  	[smem:$0x3FAF] =	sst s10  }
0x38: {  	s10 =	sld [smem:$0x3FB0]  }
0x39: {  	_ = 	snop;
	(pc) =	sbr.ind lr, $3  }
0x3a: {  	_ = 	snop  }
0x3b: {  	_ = 	snop  }
0x3c: {  	p2 =	seq.s32 s10, $0x1;
	s10 =	sld [smem:$0x3FAF]  }
0x3d: {  	_ =	shalt  }
0x3e: {  	_ =	shalt  }
0x3f: {  	_ =	shalt  }
0x40: {  	_ =	shalt  }
0x41: {  	_ =	shalt  }
0x42: {  	_ =	shalt  }
0x43: {  	_ =	shalt  }
0x44: {  	_ =	shalt  }
0x45: {  	_ =	shalt  }
0x46: {  	_ =	shalt  }
0x47: {  	_ =	shalt  }
0x48: {  	_ =	shalt  }
0x49: {  	_ =	shalt  }
0x4a: {  	_ =	shalt  }
0x4b: {  	_ =	shalt  }
0x4c: {  	_ =	shalt  }
0x4d: {  	_ =	shalt  }
0x4e: {  	_ =	shalt  }
0x4f: {  	_ =	shalt  }
0x50: {  	_ =	shalt  }
0x51: {  	_ =	shalt  }
0x52: {  	_ =	shalt  }
0x53: {  	_ =	shalt  }
0x54: {  	_ =	shalt  }
0x55: {  	_ =	shalt  }
0x56: {  	_ =	shalt  }
0x57: {  	_ =	shalt  }
0x58: {  	_ =	shalt  }
0x59: {  	_ =	shalt  }
0x5a: {  	_ =	shalt  }
0x5b: {  	_ =	shalt  }
0x5c: {  	_ =	shalt  }
0x5d: {  	_ =	shalt  }
0x5e: {  	_ =	shalt  }
0x5f: {  	_ =	shalt  }
0x60: {  	_ =	shalt  }
0x61: {  	_ =	shalt  }
0x62: {  	_ =	shalt  }
0x63: {  	_ =	shalt  }
0x64: {  	_ =	shalt  }
0x65: {  	_ =	shalt  }
0x66: {  	_ =	shalt  }
0x67: {  	_ =	shalt  }
0x68: {  	_ =	shalt  }
0x69: {  	_ =	shalt  }
0x6a: {  	_ =	shalt  }
0x6b: {  	_ =	shalt  }
0x6c: {  	_ =	shalt  }
0x6d: {  	_ =	shalt  }
0x6e: {  	_ =	shalt  }
0x6f: {  	_ =	shalt  }
0x70: {  	_ =	shalt  }
0x71: {  	_ =	shalt  }
0x72: {  	_ =	shalt  }
0x73: {  	_ =	shalt  }
0x74: {  	_ =	shalt  }
0x75: {  	_ =	shalt  }
0x76: {  	_ =	shalt  }
0x77: {  	_ =	shalt  }
0x78: {  	_ =	shalt  }
0x79: {  	_ =	shalt  }
0x7a: {  	_ =	shalt  }
0x7b: {  	_ =	shalt  }
0x7c: {  	_ =	shalt  }
0x7d: {  	_ =	shalt  }
0x7e: {  	_ =	shalt  }
0x7f: {  	_ =	shalt  }
0x80: {  	_ =	shalt  }
0x81: {  	_ =	shalt  }
0x82: {  	_ =	shalt  }
0x83: {  	_ =	shalt  }
0x84: {  	_ =	shalt  }
0x85: {  	_ =	shalt  }
0x86: {  	_ =	shalt  }
0x87: {  	_ =	shalt  }
.Lfunc_end0:
.L_simem_size_0:
called_computation_lowered:
.L_overlay_start_0:
0x88: {  	s2 =	sld [smem:$0x3FD9]  }
0x89: {  	s3 =	sld [smem:$0x3FFE];
	_ =	sdelay $0x1  }
0x8a: {  	s1 =	srdreg.scid  }
0x8b: {  	s0 =	sand.u32 $0x1, s1  }
0x8c: {  	s17 =	sshll.u32 s0, $0xA;
	s2 =	sadd.s32 s3, s2  }
0x8d: {  	s2 =	sadd.s32 s2, s17  }
0x8e: {  	[smem:$0x3FBB] =	sst s2  }
0x8f: {  	_ = 	snop  }
0x90: {  	s2 =	sld [smem:$0x3FBD]  }
0x91: {  	s18 =	sld [smem:$0x3FD0];
	(tm) =	ssettm $0x1  }
0x92: {  	s4 =	sld [smem:$0x3FFB];
	_ =	sdelay $0x3  }
0x93: {  	_ =	strace s4  }
0x94: {  	s4 =	sld [smem:$0x3FFC];
	_ =	sdelay $0x3  }
0x95: {  	_ =	strace s4  }
0x96: {  	s4 =	sld [smem:$0x3FFD];
	_ =	sdelay $0x3  }
0x97: {  	_ =	strace s4  }
0x98: {  	_ =	strace $0x8FFFFFFF  }
0x99: {  	s19 =	sld [smem:$0x3FDB];
	_ =	sdelay $0x1  }
0x9a: {  	s5 =	simm.s32 $_scs_section_size  }
0x9b: {  	s6 =	simm.s32 $_size__tile_overlayer_lowered;
	s7 =	simm.s32 $_tile_overlayer_lowered  }
0x9c: {  	s22 =	simm.s32 $0x1BFF;
	s21 =	sshll.u32 s7, $0x1;
	s4 =	sadd.s32 s5, s19  }
0x9d: {  	s8 =	simm.s32 $0x0;
	s20 =	sshll.u32 s6, $0x1;
	s6 =	sadd.s32 s21, s4  }
0x9e: {  	[timem:s8], [sflag:s22] =	dma.local [hbm:s6], s20  }
0x9f: {  	_ =	swait.ge [sflag:s22], s20  }
0xa0: {  	s5 =	ssub.s32 $0x0, s20;
	[sflag:s22] =	ssyncset.done $0x0  }
0xa1: {  	[sflag:s22] =	ssyncadd.s32 s5;
	_ =	sdelay $0x1  }
0xa2: {  	s23 =	simm.s32 $0x1B8B  }
0xa3: {  	_ =	swait.ge [sflag:s23], $0x1  }
0xa4: {  	[sflag:s23] =	ssyncset.done $0x0  }
0xa5: {  	s25 =	simm.s32 $0x1B8E;
	s24 =	sld [smem:$0x3FFE];
	[sflag:s23] =	ssyncadd.s32 $0xFFFFFFFF  }
0xa6: {  	s26 =	simm.s32 $execute0_lowered;
	[smem:$0x3FD2] =	sst s25  }
0xa7: {  	s6 =	sshll.u32 s26, $0x1;
	_ =	strace $0x80000046;
	[dreg:$0x1] =	wrdreg $0xFFFFFFFF  }
0xa8: {  	s28 =	simm.s32 $_size_execute0_lowered;
	s4 =	sadd.s32 s4, s6;
	[dreg:$0x0] =	wrdreg $0x0  }
0xa9: {  	s6 =	sshll.u32 s28, $0x1;
	[dreg:$0x2] =	wrdreg s4  }
0xaa: {  	[dreg:$0x3] =	wrdreg s6  }
0xab: {  	[dreg:$0x4] =	wrdreg $0xC0  }
0xac: {  	_ =	task [dreg:s8], $0x5FFFF  }
0xad: {  	[dreg:$0x1] =	wrdreg $0xFFFFFFFF  }
0xae: {  	[dreg:$0x0] =	wrdreg $0x60  }
0xaf: {  	[dreg:$0x2] =	wrdreg s18  }
0xb0: {  	[dreg:$0x3] =	wrdreg s2  }
0xb1: {  	[dreg:$0x4] =	wrdreg s24  }
0xb2: {  	[dreg:$0x5] =	wrdreg $0x9  }
0xb3: {  	_ =	task.clear_ibuf [dreg:s8], $0x6FFFF;
	_ =	strace $0x90000046  }
0xb4: {  	s29 =	simm.s32 $0x9;
	_ =	strace $0x80000048  }
0xb5: {  	_ =	swait.ge [sflag:s29], $0x1  }
0xb6: {  	[sflag:s29] =	ssyncadd.s32 $0xFFFFFFFF  }
0xb7: {  	_ =	strace $0x90000048  }
0xb8: {  	_ =	sfence  }
0xb9: {  	s30 =	sld [smem:$0x0];
	_ =	sdelay $0x2  }
0xba: {  	s31 =	sshll.u32 s1, $0xD;
	s1 =	sshrl.u32 s1, $0x2  }
0xbb: {  	s3 =	sand.u32 $0x4000, s31;
	s1 =	sadd.s32 s1, s30  }
0xbc: {  	s0 =	sor.u32 s3, s0;
	s1 =	sshll.u32 s1, $0x11  }
0xbd: {  	s0 =	sor.u32 s1, s0  }
0xbe: {  	s0 =	sadd.s32 $0x8F2B, s0  }
0xbf: {  	[sflag:s0] =	ssyncadd.remote.s32 $0x1  }
0xc0: {  	_ =	sfence.sel $0xFFFF  }
0xc1: {  	[dreg:$0x0] =	wrdreg $0xFFFFFFFF;
	(pc) =	sbr.abs _section_cstart, $3  }
0xc2: {  	[dreg:$0x1] =	wrdreg $0xFFFFFFFF  }
0xc3: {  	_ =	task.clear_ibuf [dreg:s8], $0x2FFFF;
	_ =	strace $0x9FFFFFFF  }
0xc4: {  	(tm) =	ssettm $0x7FFFFFFF  }
0xc5: {  	_ =	shalt  }
tec
execute0_lowered:
.L_overlay_start_1:
0x0: {  	(tag) =	ssettag $0x1  }
0x1: {  	v0 =	vlaneseq.u32;
	vm0 =	vcmask $0xB08  }
0x2: {  	vm1 =	vcmask $0x300;
	v3 =	vimm.s32 $0x80100000;
	vm2 =	vcmask $0x704  }
0x3: {  	vm3 =	vcmask $0x1310;
	vm4 =	vcmask $0x1B18;
	vm5 =	vcmask $0xF0C  }
0x4: {  	vm6 =	vcmask $0x2320;
	vm7 =	vcmask $0x2B28;
	vm8 =	vcmask $0x3330  }
0x5: {  	vm9 =	vcmask $0x1714;
	vm10 =	vcmask $0x3B38;
	vm11 =	vmmov $0xff  }
0x6: {  	s0 =	stileid.u32;
	vm12 =	vcmask $0x1F1C;
	vm14 =	vcmask $0x2F2C;
	vm15 =	vcmask $0x3734  }
0x7: {  	v1 =	vmul.u32 $0x80, v0;
	v2 =	vmov s0;
	s1 =	sor.u32 $0x100, s0;
	v3 =	vsel vm1, $0x80000000, v3  }
0x8: {  	v4 =	vimm.s32 $0x0;
	[tilespmem:$0x1FF30] =	vst v2;
	v2 =	vmov s1;
	v3 =	vsel vm2, $0x80000040, v3  }
0x9: {  	[tilespmem:$0x1FF40] =	vst v2;
	v2 =	vor.u32 $0x1, v1;
	v15 =	vor.u32 $0xC, v1;
	v16 =	vor.u32 $0xD, v1  }
0xa: {  	v17 =	vor.u32 $0xE, v1;
	v18 =	vor.u32 $0xF, v1;
	v19 =	vor.u32 $0x10, v1  }
0xb: {  	v20 =	vor.u32 $0x11, v1;
	v21 =	vor.u32 $0x12, v1;
	v22 =	vor.u32 $0x13, v1  }
0xc: {  	v23 =	vor.u32 $0x14, v1;
	v24 =	vor.u32 $0x15, v1;
	v25 =	vor.u32 $0x16, v1  }
0xd: {  	v26 =	vor.u32 $0x17, v1;
	v27 =	vor.u32 $0x18, v1;
	[tilespmem:$0x1FF50] =	vst v2;
	v2 =	vor.u32 $0x2, v1  }
0xe: {  	v28 =	vor.u32 $0x19, v1;
	v29 =	vor.u32 $0x1A, v1;
	[tilespmem:$0x1FF60] =	vst v2;
	v2 =	vor.u32 $0x3, v1  }
0xf: {  	v30 =	vor.u32 $0x1B, v1;
	v31 =	vor.u32 $0x1C, v1;
	[tilespmem:$0x1FF70] =	vst v2;
	v2 =	vor.u32 $0x4, v1  }
0x10: {  	v32 =	vor.u32 $0x1D, v1;
	v33 =	vor.u32 $0x1E, v1;
	[tilespmem:$0x1FF80] =	vst v2;
	v2 =	vor.u32 $0x5, v1  }
0x11: {  	v34 =	vor.u32 $0x1F, v1;
	v35 =	vor.u32 $0x20, v1;
	[tilespmem:$0x1FF90] =	vst v2;
	v2 =	vor.u32 $0x6, v1  }
0x12: {  	v36 =	vor.u32 $0x21, v1;
	v37 =	vor.u32 $0x22, v1;
	[tilespmem:$0x1FFA0] =	vst v2;
	v2 =	vor.u32 $0x7, v1  }
0x13: {  	v38 =	vor.u32 $0x23, v1;
	v39 =	vor.u32 $0x24, v1;
	[tilespmem:$0x1FFB0] =	vst v2;
	v2 =	vor.u32 $0x8, v1  }
0x14: {  	v40 =	vor.u32 $0x25, v1;
	v41 =	vor.u32 $0x26, v1;
	[tilespmem:$0x1FFC0] =	vst v2;
	v2 =	vor.u32 $0x9, v1  }
0x15: {  	v42 =	vor.u32 $0x27, v1;
	v43 =	vor.u32 $0x28, v1;
	[tilespmem:$0x1FFD0] =	vst v2;
	v2 =	vor.u32 $0xA, v1  }
0x16: {  	s3 =	rddreg [dreg:$0x0];
	v44 =	vor.u32 $0x29, v1;
	v45 =	vor.u32 $0x2A, v1;
	[tilespmem:$0x1FFE0] =	vst v2;
	v2 =	vor.u32 $0xB, v1  }
0x17: {  	s4 =	rddreg [dreg:$0x1];
	v46 =	vor.u32 $0x2B, v1;
	v47 =	vor.u32 $0x2C, v1;
	[tilespmem:$0x1FFF0] =	vst v2;
	v2 =	vimm.s32 $0xECA86420  }
0x18: {  	s5 =	rddreg [dreg:$0x2];
	s2 =	simm.s32 $0x0;
	v48 =	vor.u32 $0x2D, v1;
	v49 =	vor.u32 $0x2E, v1;
	v2 =	vunpack.c.l.s4.s8 v2  }
0x19: {  	s6 =	srdreg.scid;
	s31 =	simm.s32 $0x800;
	[smem:$0x7FF] =	sst s2;
	v50 =	vor.u32 $0x2F, v1;
	v51 =	vor.u32 $0x30, v1;
	v52 =	vor.u32 $0x31, v1  }
0x1a: {  	s7 =	sshll.u32 s0, $0x4;
	s6 =	sand.u32 $0x1, s6;
	s8 =	sshll.u32 s0, $0x8;
	v53 =	vor.u32 $0x32, v1;
	v62 =	vunpack.c.0.s8.s32 v2;
	v2 =	vsel vm0, $0x80000080, v3  }
0x1b: {  	s5 =	sadd.s32 s7, s5;
	s9 =	ssub.s32 $0x2, s6;
	s4 =	sadd.s32 s4, s8;
	v54 =	vor.u32 $0x33, v1;
	v55 =	vor.u32 $0x34, v1;
	v2 =	vsel vm5, $0x800000C0, v2  }
0x1c: {  	s3 =	sadd.s32 s3, s7;
	v56 =	vor.u32 $0x35, v1;
	v57 =	vor.u32 $0x36, v1;
	_ =	strace $0x80000047;
	[dreg:$0x4] =	wrdreg s4;
	v2 =	vsel vm3, $0x80000100, v2  }
0x1d: {  	v58 =	vor.u32 $0x37, v1;
	v59 =	vor.u32 $0x38, v1;
	s28 =	sshrl.u32 s9, $0x1;
	s30 =	sadd.s32 $0x1800, s5;
	[dreg:$0x6] =	wrdreg s3;
	v2 =	vsel vm9, $0x80000140, v2  }
0x1e: {  	p0 =	sne.s32 s6, $0x0;
	v60 =	vor.u32 $0x39, v1;
	v61 =	vor.u32 $0x3A, v1;
	s29 =	ssub.s32 s9, s28;
	[dreg:$0x7] =	wrdreg s30;
	v2 =	vsel vm4, $0x80000180, v2  }
0x1f: {  	s3 =	smax.u32 s29, $0x1;
	s4 =	simm.s32 $0x1;
	[dreg:$0x5] =	wrdreg s31;
	v3 =	vor.u32 $0x3C, v1;
	v63 =	vsel vm12, $0x800001C0, v2;
	v2 =	vor.u32 $0x3B, v1  }
.LBB2_1:
0x20: {  	s5 =	rddreg [dreg:$0x4]  }
0x21: {  	[tilespmem:s2], [sflag:$0x1] =	stream.linear.gather [hbm4b:s5+s2], $0x800, $0x38;
	[tilespmem:$0x900] =	vst v63  }
0x22: {  	_ =	swait.ge [sflag:s4], $0x800  }
0x23: {  	s26 =	rddreg [dreg:$0x5];
	[sflag:s4] =	ssyncset.done $0x0  }
0x24: {  	s6 =	rddreg [dreg:$0x6];
	[sflag:s4] =	ssyncadd.s32 $0xFFFFF800  }
0x25: {  	[tilespmem:s26], [sflag:$0x1] =	stream.linear.gather [hbm4b:s6+s2], $0x80, $0x38;
	[tilespmem:$0x900] =	vst v63  }
0x26: {  	_ =	swait.ge [sflag:s4], $0x80  }
0x27: {  	v7 =	vld [tilespmem:$0x1FF50];
	_ =	sdelay $0x1  }
0x28: {  	[sflag:s4] =	ssyncset.done $0x0;
	v9 =	vld [tilespmem:$0x1FF60]  }
0x29: {  	[sflag:s4] =	ssyncadd.s32 $0xFFFFFF80  }
0x2a: {  	v5 =	vld [tilespmem:$0x800];
	_ =	sdelay $0x1  }
0x2b: {  	v6 =	vld.idx.msk [tilespmem:v1+s2+$0x0], $0xffff;
	_ =	sdelay $0x1  }
0x2c: {  	v7 =	vld.idx.msk [tilespmem:v7+s2+$0x0], $0xffff  }
0x2d: {  	v8 =	vbroadcast v5, $0x0  }
0x2e: {  	v9 =	vld.idx.msk [tilespmem:v9+s2+$0x0], $0xffff  }
0x2f: {  	v10 =	vld [tilespmem:$0x1FF70];
	v6 =	vmul.f32 v6, v8;
	v8 =	vbroadcast v5, $0x1;
	_ =	sdelay $0x1  }
0x30: {  	v11 =	vld [tilespmem:$0x1FF80];
	v6 =	vadd.f32 $0.0e+00, v6;
	v7 =	vmul.f32 v7, v8;
	v8 =	vbroadcast v5, $0x2;
	_ =	sdelay $0x1  }
0x31: {  	v6 =	vadd.f32 v7, v6;
	v7 =	vmul.f32 v9, v8;
	v9 =	vld [tilespmem:$0x1FF90];
	_ =	sdelay $0x3  }
0x32: {  	v10 =	vld.idx.msk [tilespmem:v10+s2+$0x0], $0xffff;
	_ =	sdelay $0x1  }
0x33: {  	v11 =	vld.idx.msk [tilespmem:v11+s2+$0x0], $0xffff  }
0x34: {  	v8 =	vbroadcast v5, $0x3  }
0x35: {  	v9 =	vld.idx.msk [tilespmem:v9+s2+$0x0], $0xffff  }
0x36: {  	v6 =	vadd.f32 v7, v6;
	v7 =	vmul.f32 v10, v8;
	v8 =	vbroadcast v5, $0x4;
	v10 =	vld [tilespmem:$0x1FFA0];
	_ =	sdelay $0x1  }
0x37: {  	v6 =	vadd.f32 v7, v6;
	v7 =	vmul.f32 v11, v8;
	v8 =	vbroadcast v5, $0x5;
	v11 =	vld [tilespmem:$0x1FFB0];
	_ =	sdelay $0x1  }
0x38: {  	v6 =	vadd.f32 v7, v6;
	v7 =	vmul.f32 v9, v8;
	v9 =	vld [tilespmem:$0x1FFC0];
	_ =	sdelay $0x3  }
0x39: {  	v10 =	vld.idx.msk [tilespmem:v10+s2+$0x0], $0xffff;
	_ =	sdelay $0x1  }
0x3a: {  	v11 =	vld.idx.msk [tilespmem:v11+s2+$0x0], $0xffff  }
0x3b: {  	v8 =	vbroadcast v5, $0x6  }
0x3c: {  	v9 =	vld.idx.msk [tilespmem:v9+s2+$0x0], $0xffff  }
0x3d: {  	v6 =	vadd.f32 v7, v6;
	v7 =	vmul.f32 v10, v8;
	v8 =	vbroadcast v5, $0x7;
	v10 =	vld [tilespmem:$0x1FFD0];
	_ =	sdelay $0x1  }
0x3e: {  	v6 =	vadd.f32 v7, v6;
	v7 =	vmul.f32 v11, v8;
	v8 =	vbroadcast v5, $0x8;
	v11 =	vld [tilespmem:$0x1FFE0];
	_ =	sdelay $0x1  }
0x3f: {  	v6 =	vadd.f32 v7, v6;
	v7 =	vmul.f32 v9, v8;
	v9 =	vld [tilespmem:$0x1FFF0];
	_ =	sdelay $0x3  }
0x40: {  	v10 =	vld.idx.msk [tilespmem:v10+s2+$0x0], $0xffff;
	_ =	sdelay $0x1  }
0x41: {  	v11 =	vld.idx.msk [tilespmem:v11+s2+$0x0], $0xffff  }
0x42: {  	v8 =	vbroadcast v5, $0x9  }
0x43: {  	v9 =	vld.idx.msk [tilespmem:v9+s2+$0x0], $0xffff  }
0x44: {  	v6 =	vadd.f32 v7, v6;
	v7 =	vmul.f32 v10, v8;
	v8 =	vbroadcast v5, $0xA  }
0x45: {  	v10 =	vld.idx.msk [tilespmem:v15+s2+$0x0], $0xffff  }
0x46: {  	v6 =	vadd.f32 v7, v6;
	v7 =	vmul.f32 v11, v8;
	v8 =	vbroadcast v5, $0xB  }
0x47: {  	v11 =	vld.idx.msk [tilespmem:v16+s2+$0x0], $0xffff  }
0x48: {  	v6 =	vadd.f32 v7, v6;
	v7 =	vmul.f32 v9, v8;
	v8 =	vbroadcast v5, $0xC  }
0x49: {  	v9 =	vld.idx.msk [tilespmem:v17+s2+$0x0], $0xffff  }
0x4a: {  	v12 =	vld [tilespmem:$0x810];
	v6 =	vadd.f32 v7, v6;
	v7 =	vmul.f32 v10, v8;
	v8 =	vbroadcast v5, $0xD  }
0x4b: {  	v10 =	vld.idx.msk [tilespmem:v18+s2+$0x0], $0xffff  }
0x4c: {  	v6 =	vadd.f32 v7, v6;
	v7 =	vmul.f32 v11, v8;
	v8 =	vbroadcast v5, $0xE  }
0x4d: {  	v11 =	vld.idx.msk [tilespmem:v19+s2+$0x0], $0xffff  }
0x4e: {  	v5 =	vbroadcast v5, $0xF;
	v6 =	vadd.f32 v7, v6;
	v7 =	vmul.f32 v9, v8  }
0x4f: {  	v8 =	vld.idx.msk [tilespmem:v20+s2+$0x0], $0xffff  }
0x50: {  	v5 =	vmul.f32 v10, v5;
	v6 =	vadd.f32 v7, v6;
	v7 =	vbroadcast v12, $0x0  }
0x51: {  	v9 =	vld.idx.msk [tilespmem:v21+s2+$0x0], $0xffff  }
0x52: {  	v5 =	vadd.f32 v5, v6;
	v6 =	vmul.f32 v11, v7;
	v7 =	vbroadcast v12, $0x1  }
0x53: {  	v10 =	vld.idx.msk [tilespmem:v22+s2+$0x0], $0xffff  }
0x54: {  	v5 =	vadd.f32 v6, v5;
	v6 =	vmul.f32 v8, v7;
	v7 =	vbroadcast v12, $0x2  }
0x55: {  	v8 =	vld.idx.msk [tilespmem:v23+s2+$0x0], $0xffff  }
0x56: {  	v5 =	vadd.f32 v6, v5;
	v6 =	vmul.f32 v9, v7;
	v7 =	vbroadcast v12, $0x3  }
0x57: {  	v9 =	vld.idx.msk [tilespmem:v24+s2+$0x0], $0xffff  }
0x58: {  	v5 =	vadd.f32 v6, v5;
	v6 =	vmul.f32 v10, v7;
	v7 =	vbroadcast v12, $0x4  }
0x59: {  	v10 =	vld.idx.msk [tilespmem:v25+s2+$0x0], $0xffff  }
0x5a: {  	v5 =	vadd.f32 v6, v5;
	v6 =	vmul.f32 v8, v7;
	v7 =	vbroadcast v12, $0x5  }
0x5b: {  	v8 =	vld.idx.msk [tilespmem:v26+s2+$0x0], $0xffff  }
0x5c: {  	v5 =	vadd.f32 v6, v5;
	v6 =	vmul.f32 v9, v7;
	v7 =	vbroadcast v12, $0x6  }
0x5d: {  	v9 =	vld.idx.msk [tilespmem:v27+s2+$0x0], $0xffff  }
0x5e: {  	v5 =	vadd.f32 v6, v5;
	v6 =	vmul.f32 v10, v7;
	v7 =	vbroadcast v12, $0x7  }
0x5f: {  	v10 =	vld.idx.msk [tilespmem:v28+s2+$0x0], $0xffff  }
0x60: {  	v5 =	vadd.f32 v6, v5;
	v6 =	vmul.f32 v8, v7;
	v7 =	vbroadcast v12, $0x8  }
0x61: {  	v8 =	vld.idx.msk [tilespmem:v29+s2+$0x0], $0xffff  }
0x62: {  	v5 =	vadd.f32 v6, v5;
	v6 =	vmul.f32 v9, v7;
	v7 =	vbroadcast v12, $0x9  }
0x63: {  	v9 =	vld.idx.msk [tilespmem:v30+s2+$0x0], $0xffff  }
0x64: {  	v5 =	vadd.f32 v6, v5;
	v6 =	vmul.f32 v10, v7;
	v7 =	vbroadcast v12, $0xA  }
0x65: {  	v10 =	vld.idx.msk [tilespmem:v31+s2+$0x0], $0xffff  }
0x66: {  	v5 =	vadd.f32 v6, v5;
	v6 =	vmul.f32 v8, v7;
	v7 =	vbroadcast v12, $0xB  }
0x67: {  	v8 =	vld.idx.msk [tilespmem:v32+s2+$0x0], $0xffff  }
0x68: {  	v5 =	vadd.f32 v6, v5;
	v6 =	vmul.f32 v9, v7;
	v7 =	vbroadcast v12, $0xC  }
0x69: {  	v9 =	vld.idx.msk [tilespmem:v33+s2+$0x0], $0xffff  }
0x6a: {  	v11 =	vld [tilespmem:$0x820];
	v5 =	vadd.f32 v6, v5;
	v6 =	vmul.f32 v10, v7;
	v7 =	vbroadcast v12, $0xD  }
0x6b: {  	v10 =	vld.idx.msk [tilespmem:v34+s2+$0x0], $0xffff  }
0x6c: {  	v5 =	vadd.f32 v6, v5;
	v6 =	vmul.f32 v8, v7;
	v7 =	vbroadcast v12, $0xE  }
0x6d: {  	v8 =	vld.idx.msk [tilespmem:v35+s2+$0x0], $0xffff  }
0x6e: {  	v5 =	vadd.f32 v6, v5;
	v6 =	vmul.f32 v9, v7;
	v7 =	vbroadcast v12, $0xF  }
0x6f: {  	v9 =	vld.idx.msk [tilespmem:v36+s2+$0x0], $0xffff  }
0x70: {  	v5 =	vadd.f32 v6, v5;
	v6 =	vmul.f32 v10, v7;
	v7 =	vbroadcast v11, $0x0  }
0x71: {  	v10 =	vld.idx.msk [tilespmem:v37+s2+$0x0], $0xffff  }
0x72: {  	v5 =	vadd.f32 v6, v5;
	v6 =	vmul.f32 v8, v7;
	v7 =	vbroadcast v11, $0x1  }
0x73: {  	v8 =	vld.idx.msk [tilespmem:v38+s2+$0x0], $0xffff  }
0x74: {  	v5 =	vadd.f32 v6, v5;
	v6 =	vmul.f32 v9, v7;
	v7 =	vbroadcast v11, $0x2  }
0x75: {  	v9 =	vld.idx.msk [tilespmem:v39+s2+$0x0], $0xffff  }
0x76: {  	v5 =	vadd.f32 v6, v5;
	v6 =	vmul.f32 v10, v7;
	v7 =	vbroadcast v11, $0x3  }
0x77: {  	v10 =	vld.idx.msk [tilespmem:v40+s2+$0x0], $0xffff  }
0x78: {  	v5 =	vadd.f32 v6, v5;
	v6 =	vmul.f32 v8, v7;
	v7 =	vbroadcast v11, $0x4  }
0x79: {  	v8 =	vld.idx.msk [tilespmem:v41+s2+$0x0], $0xffff  }
0x7a: {  	v5 =	vadd.f32 v6, v5;
	v6 =	vmul.f32 v9, v7;
	v7 =	vbroadcast v11, $0x5  }
0x7b: {  	v9 =	vld.idx.msk [tilespmem:v42+s2+$0x0], $0xffff  }
0x7c: {  	v5 =	vadd.f32 v6, v5;
	v6 =	vmul.f32 v10, v7;
	v7 =	vbroadcast v11, $0x6  }
0x7d: {  	v10 =	vld.idx.msk [tilespmem:v43+s2+$0x0], $0xffff  }
0x7e: {  	v5 =	vadd.f32 v6, v5;
	v6 =	vmul.f32 v8, v7;
	v7 =	vbroadcast v11, $0x7  }
0x7f: {  	v8 =	vld.idx.msk [tilespmem:v44+s2+$0x0], $0xffff  }
0x80: {  	v5 =	vadd.f32 v6, v5;
	v6 =	vmul.f32 v9, v7;
	v7 =	vbroadcast v11, $0x8  }
0x81: {  	v9 =	vld.idx.msk [tilespmem:v45+s2+$0x0], $0xffff  }
0x82: {  	v5 =	vadd.f32 v6, v5;
	v6 =	vmul.f32 v10, v7;
	v7 =	vbroadcast v11, $0x9  }
0x83: {  	v10 =	vld.idx.msk [tilespmem:v46+s2+$0x0], $0xffff  }
0x84: {  	v5 =	vadd.f32 v6, v5;
	v6 =	vmul.f32 v8, v7;
	v7 =	vbroadcast v11, $0xA  }
0x85: {  	v8 =	vld.idx.msk [tilespmem:v47+s2+$0x0], $0xffff  }
0x86: {  	v5 =	vadd.f32 v6, v5;
	v6 =	vmul.f32 v9, v7;
	v7 =	vbroadcast v11, $0xB  }
0x87: {  	v9 =	vld.idx.msk [tilespmem:v48+s2+$0x0], $0xffff  }
0x88: {  	v5 =	vadd.f32 v6, v5;
	v6 =	vmul.f32 v10, v7;
	v7 =	vbroadcast v11, $0xC  }
0x89: {  	v10 =	vld.idx.msk [tilespmem:v49+s2+$0x0], $0xffff  }
0x8a: {  	v12 =	vld [tilespmem:$0x830];
	v5 =	vadd.f32 v6, v5;
	v6 =	vmul.f32 v8, v7;
	v7 =	vbroadcast v11, $0xD  }
0x8b: {  	v8 =	vld.idx.msk [tilespmem:v50+s2+$0x0], $0xffff  }
0x8c: {  	v5 =	vadd.f32 v6, v5;
	v6 =	vmul.f32 v9, v7;
	v7 =	vbroadcast v11, $0xE  }
0x8d: {  	v9 =	vld.idx.msk [tilespmem:v51+s2+$0x0], $0xffff  }
0x8e: {  	v5 =	vadd.f32 v6, v5;
	v6 =	vmul.f32 v10, v7;
	v7 =	vbroadcast v11, $0xF  }
0x8f: {  	v10 =	vld.idx.msk [tilespmem:v52+s2+$0x0], $0xffff  }
0x90: {  	v5 =	vadd.f32 v6, v5;
	v6 =	vmul.f32 v8, v7;
	v7 =	vbroadcast v12, $0x0  }
0x91: {  	v8 =	vld.idx.msk [tilespmem:v53+s2+$0x0], $0xffff  }
0x92: {  	v5 =	vadd.f32 v6, v5;
	v6 =	vmul.f32 v9, v7;
	v7 =	vbroadcast v12, $0x1  }
0x93: {  	v9 =	vld.idx.msk [tilespmem:v54+s2+$0x0], $0xffff  }
0x94: {  	v5 =	vadd.f32 v6, v5;
	v6 =	vmul.f32 v10, v7;
	v7 =	vbroadcast v12, $0x2  }
0x95: {  	v10 =	vld.idx.msk [tilespmem:v55+s2+$0x0], $0xffff  }
0x96: {  	v5 =	vadd.f32 v6, v5;
	v6 =	vmul.f32 v8, v7;
	v7 =	vbroadcast v12, $0x3  }
0x97: {  	v8 =	vld.idx.msk [tilespmem:v56+s2+$0x0], $0xffff  }
0x98: {  	v5 =	vadd.f32 v6, v5;
	v6 =	vmul.f32 v9, v7;
	v7 =	vbroadcast v12, $0x4  }
0x99: {  	v9 =	vld.idx.msk [tilespmem:v57+s2+$0x0], $0xffff  }
0x9a: {  	v5 =	vadd.f32 v6, v5;
	v6 =	vmul.f32 v10, v7;
	v7 =	vbroadcast v12, $0x5  }
0x9b: {  	v10 =	vld.idx.msk [tilespmem:v58+s2+$0x0], $0xffff  }
0x9c: {  	v5 =	vadd.f32 v6, v5;
	v6 =	vmul.f32 v8, v7;
	v7 =	vbroadcast v12, $0x6  }
0x9d: {  	v8 =	vld.idx.msk [tilespmem:v59+s2+$0x0], $0xffff  }
0x9e: {  	v5 =	vadd.f32 v6, v5;
	v6 =	vmul.f32 v9, v7;
	v7 =	vbroadcast v12, $0x7  }
0x9f: {  	v9 =	vld.idx.msk [tilespmem:v60+s2+$0x0], $0xffff  }
0xa0: {  	v5 =	vadd.f32 v6, v5;
	v6 =	vmul.f32 v10, v7;
	v7 =	vbroadcast v12, $0x8;
	_ =	sdelay $0x1  }
0xa1: {  	v5 =	vadd.f32 v6, v5;
	v6 =	vmul.f32 v8, v7;
	v7 =	vbroadcast v12, $0x9;
	v8 =	vld.idx.msk [tilespmem:v61+s2+$0x0], $0xffff  }
0xa2: {  	v10 =	vor.u32 $0x3D, v1  }
0xa3: {  	v5 =	vadd.f32 v6, v5;
	v6 =	vmul.f32 v9, v7;
	v7 =	vld.idx.msk [tilespmem:v2+s2+$0x0], $0xffff  }
0xa4: {  	v9 =	vbroadcast v12, $0xA  }
0xa5: {  	v11 =	vor.u32 $0x3E, v1;
	v5 =	vadd.f32 v6, v5;
	v6 =	vld.idx.msk [tilespmem:v3+s2+$0x0], $0xffff  }
0xa6: {  	v13 =	vor.u32 $0x3F, v1;
	v8 =	vmul.f32 v8, v9;
	v9 =	vbroadcast v12, $0xB  }
0xa7: {  	v10 =	vld.idx.msk [tilespmem:v10+s2+$0x0], $0xffff  }
0xa8: {  	v5 =	vadd.f32 v8, v5;
	v7 =	vmul.f32 v7, v9;
	v8 =	vbroadcast v12, $0xC  }
0xa9: {  	v9 =	vor.u32 $0x40, v1  }
0xaa: {  	v5 =	vadd.f32 v7, v5;
	v6 =	vmul.f32 v6, v8;
	v7 =	vbroadcast v12, $0xD;
	v8 =	vld.idx.msk [tilespmem:v11+s2+$0x0], $0xffff  }
0xab: {  	v11 =	vld.idx.msk [tilespmem:v13+s2+$0x0], $0xffff;
	v13 =	vor.u32 $0x41, v1  }
0xac: {  	v5 =	vadd.f32 v6, v5;
	v6 =	vmul.f32 v10, v7;
	v7 =	vld [tilespmem:$0x840]  }
0xad: {  	v14 =	vor.u32 $0x42, v1;
	v10 =	vbroadcast v12, $0xE  }
0xae: {  	v5 =	vadd.f32 v6, v5;
	v6 =	vld.idx.msk [tilespmem:v9+s2+$0x0], $0xffff  }
0xaf: {  	v9 =	vbroadcast v12, $0xF;
	v8 =	vmul.f32 v8, v10;
	v10 =	vor.u32 $0x43, v1  }
0xb0: {  	v12 =	vld.idx.msk [tilespmem:v13+s2+$0x0], $0xffff  }
0xb1: {  	v5 =	vadd.f32 v8, v5;
	v8 =	vmul.f32 v11, v9;
	v9 =	vbroadcast v7, $0x0  }
0xb2: {  	v13 =	vor.u32 $0x44, v1;
	v11 =	vld.idx.msk [tilespmem:v14+s2+$0x0], $0xffff  }
0xb3: {  	v5 =	vadd.f32 v8, v5;
	v6 =	vmul.f32 v6, v9;
	v8 =	vbroadcast v7, $0x1  }
0xb4: {  	v9 =	vld.idx.msk [tilespmem:v10+s2+$0x0], $0xffff;
	v10 =	vor.u32 $0x45, v1  }
0xb5: {  	v5 =	vadd.f32 v6, v5;
	v6 =	vmul.f32 v12, v8;
	v8 =	vbroadcast v7, $0x2  }
0xb6: {  	v12 =	vor.u32 $0x46, v1  }
0xb7: {  	v5 =	vadd.f32 v6, v5;
	v6 =	vmul.f32 v11, v8;
	v8 =	vbroadcast v7, $0x3;
	v11 =	vld.idx.msk [tilespmem:v13+s2+$0x0], $0xffff  }
0xb8: {  	v13 =	vor.u32 $0x47, v1  }
0xb9: {  	v5 =	vadd.f32 v6, v5;
	v6 =	vmul.f32 v9, v8;
	v8 =	vld.idx.msk [tilespmem:v10+s2+$0x0], $0xffff  }
0xba: {  	v9 =	vbroadcast v7, $0x4;
	v10 =	vor.u32 $0x48, v1  }
0xbb: {  	v5 =	vadd.f32 v6, v5;
	v6 =	vld.idx.msk [tilespmem:v12+s2+$0x0], $0xffff  }
0xbc: {  	v12 =	vor.u32 $0x49, v1;
	v9 =	vmul.f32 v11, v9;
	v11 =	vbroadcast v7, $0x5  }
0xbd: {  	v13 =	vld.idx.msk [tilespmem:v13+s2+$0x0], $0xffff  }
0xbe: {  	v5 =	vadd.f32 v9, v5;
	v8 =	vmul.f32 v8, v11;
	v9 =	vbroadcast v7, $0x6  }
0xbf: {  	v10 =	vld.idx.msk [tilespmem:v10+s2+$0x0], $0xffff;
	v11 =	vor.u32 $0x4A, v1  }
0xc0: {  	v5 =	vadd.f32 v8, v5;
	v6 =	vmul.f32 v6, v9;
	v8 =	vbroadcast v7, $0x7  }
0xc1: {  	v9 =	vld.idx.msk [tilespmem:v12+s2+$0x0], $0xffff;
	v12 =	vor.u32 $0x4B, v1  }
0xc2: {  	v5 =	vadd.f32 v6, v5;
	v6 =	vmul.f32 v13, v8;
	v8 =	vbroadcast v7, $0x8  }
0xc3: {  	v13 =	vor.u32 $0x4C, v1  }
0xc4: {  	v5 =	vadd.f32 v6, v5;
	v6 =	vmul.f32 v10, v8;
	v8 =	vbroadcast v7, $0x9;
	v10 =	vld.idx.msk [tilespmem:v11+s2+$0x0], $0xffff  }
0xc5: {  	v11 =	vor.u32 $0x4D, v1  }
0xc6: {  	v5 =	vadd.f32 v6, v5;
	v6 =	vmul.f32 v9, v8;
	v8 =	vld.idx.msk [tilespmem:v12+s2+$0x0], $0xffff  }
0xc7: {  	v9 =	vbroadcast v7, $0xA  }
0xc8: {  	v12 =	vor.u32 $0x4E, v1;
	v5 =	vadd.f32 v6, v5;
	v6 =	vld.idx.msk [tilespmem:v13+s2+$0x0], $0xffff  }
0xc9: {  	v13 =	vor.u32 $0x4F, v1;
	v9 =	vmul.f32 v10, v9;
	v10 =	vbroadcast v7, $0xB  }
0xca: {  	v11 =	vld.idx.msk [tilespmem:v11+s2+$0x0], $0xffff  }
0xcb: {  	v5 =	vadd.f32 v9, v5;
	v8 =	vmul.f32 v8, v10;
	v9 =	vbroadcast v7, $0xC  }
0xcc: {  	v10 =	vor.u32 $0x50, v1  }
0xcd: {  	v5 =	vadd.f32 v8, v5;
	v6 =	vmul.f32 v6, v9;
	v8 =	vbroadcast v7, $0xD;
	v9 =	vld.idx.msk [tilespmem:v12+s2+$0x0], $0xffff  }
0xce: {  	v12 =	vld.idx.msk [tilespmem:v13+s2+$0x0], $0xffff;
	v13 =	vor.u32 $0x51, v1  }
0xcf: {  	v5 =	vadd.f32 v6, v5;
	v6 =	vmul.f32 v11, v8;
	v8 =	vld [tilespmem:$0x850]  }
0xd0: {  	v14 =	vor.u32 $0x52, v1;
	v11 =	vbroadcast v7, $0xE  }
0xd1: {  	v5 =	vadd.f32 v6, v5;
	v6 =	vld.idx.msk [tilespmem:v10+s2+$0x0], $0xffff  }
0xd2: {  	v7 =	vbroadcast v7, $0xF;
	v10 =	vor.u32 $0x53, v1;
	v9 =	vmul.f32 v9, v11  }
0xd3: {  	v11 =	vld.idx.msk [tilespmem:v13+s2+$0x0], $0xffff  }
0xd4: {  	v7 =	vmul.f32 v12, v7;
	v5 =	vadd.f32 v9, v5;
	v9 =	vbroadcast v8, $0x0  }
0xd5: {  	v12 =	vld.idx.msk [tilespmem:v14+s2+$0x0], $0xffff;
	v13 =	vor.u32 $0x54, v1  }
0xd6: {  	v5 =	vadd.f32 v7, v5;
	v6 =	vmul.f32 v6, v9;
	v7 =	vbroadcast v8, $0x1  }
0xd7: {  	v9 =	vld.idx.msk [tilespmem:v10+s2+$0x0], $0xffff;
	v10 =	vor.u32 $0x55, v1  }
0xd8: {  	v5 =	vadd.f32 v6, v5;
	v6 =	vmul.f32 v11, v7;
	v7 =	vbroadcast v8, $0x2  }
0xd9: {  	v11 =	vor.u32 $0x56, v1  }
0xda: {  	v5 =	vadd.f32 v6, v5;
	v6 =	vmul.f32 v12, v7;
	v7 =	vbroadcast v8, $0x3;
	v12 =	vld.idx.msk [tilespmem:v13+s2+$0x0], $0xffff  }
0xdb: {  	v13 =	vor.u32 $0x57, v1  }
0xdc: {  	v5 =	vadd.f32 v6, v5;
	v6 =	vmul.f32 v9, v7;
	v7 =	vld.idx.msk [tilespmem:v10+s2+$0x0], $0xffff  }
0xdd: {  	v9 =	vbroadcast v8, $0x4;
	v10 =	vor.u32 $0x58, v1  }
0xde: {  	v5 =	vadd.f32 v6, v5;
	v6 =	vld.idx.msk [tilespmem:v11+s2+$0x0], $0xffff  }
0xdf: {  	v11 =	vbroadcast v8, $0x5;
	v9 =	vmul.f32 v12, v9;
	v12 =	vor.u32 $0x59, v1  }
0xe0: {  	v13 =	vld.idx.msk [tilespmem:v13+s2+$0x0], $0xffff  }
0xe1: {  	v5 =	vadd.f32 v9, v5;
	v7 =	vmul.f32 v7, v11;
	v9 =	vbroadcast v8, $0x6  }
0xe2: {  	v10 =	vld.idx.msk [tilespmem:v10+s2+$0x0], $0xffff;
	v11 =	vor.u32 $0x5A, v1  }
0xe3: {  	v5 =	vadd.f32 v7, v5;
	v6 =	vmul.f32 v6, v9;
	v7 =	vbroadcast v8, $0x7  }
0xe4: {  	v9 =	vld.idx.msk [tilespmem:v12+s2+$0x0], $0xffff;
	v12 =	vor.u32 $0x5B, v1  }
0xe5: {  	v5 =	vadd.f32 v6, v5;
	v6 =	vmul.f32 v13, v7;
	v7 =	vbroadcast v8, $0x8  }
0xe6: {  	v13 =	vor.u32 $0x5C, v1  }
0xe7: {  	v5 =	vadd.f32 v6, v5;
	v6 =	vmul.f32 v10, v7;
	v7 =	vbroadcast v8, $0x9;
	v10 =	vld.idx.msk [tilespmem:v11+s2+$0x0], $0xffff  }
0xe8: {  	v11 =	vor.u32 $0x5D, v1  }
0xe9: {  	v5 =	vadd.f32 v6, v5;
	v6 =	vmul.f32 v9, v7;
	v7 =	vld.idx.msk [tilespmem:v12+s2+$0x0], $0xffff  }
0xea: {  	v9 =	vbroadcast v8, $0xA  }
0xeb: {  	v12 =	vor.u32 $0x5E, v1;
	v5 =	vadd.f32 v6, v5;
	v6 =	vld.idx.msk [tilespmem:v13+s2+$0x0], $0xffff  }
0xec: {  	v13 =	vor.u32 $0x5F, v1;
	v9 =	vmul.f32 v10, v9;
	v10 =	vbroadcast v8, $0xB  }
0xed: {  	v11 =	vld.idx.msk [tilespmem:v11+s2+$0x0], $0xffff  }
0xee: {  	v5 =	vadd.f32 v9, v5;
	v7 =	vmul.f32 v7, v10;
	v9 =	vbroadcast v8, $0xC  }
0xef: {  	v10 =	vor.u32 $0x60, v1  }
0xf0: {  	v5 =	vadd.f32 v7, v5;
	v6 =	vmul.f32 v6, v9;
	v7 =	vbroadcast v8, $0xD;
	v9 =	vld.idx.msk [tilespmem:v12+s2+$0x0], $0xffff  }
0xf1: {  	v12 =	vld.idx.msk [tilespmem:v13+s2+$0x0], $0xffff;
	v13 =	vor.u32 $0x61, v1  }
0xf2: {  	v5 =	vadd.f32 v6, v5;
	v6 =	vmul.f32 v11, v7;
	v7 =	vld [tilespmem:$0x860]  }
0xf3: {  	v14 =	vor.u32 $0x62, v1;
	v11 =	vbroadcast v8, $0xE  }
0xf4: {  	v5 =	vadd.f32 v6, v5;
	v6 =	vld.idx.msk [tilespmem:v10+s2+$0x0], $0xffff  }
0xf5: {  	v8 =	vbroadcast v8, $0xF;
	v10 =	vor.u32 $0x63, v1;
	v9 =	vmul.f32 v9, v11  }
0xf6: {  	v11 =	vld.idx.msk [tilespmem:v13+s2+$0x0], $0xffff  }
0xf7: {  	v8 =	vmul.f32 v12, v8;
	v5 =	vadd.f32 v9, v5;
	v9 =	vbroadcast v7, $0x0  }
0xf8: {  	v12 =	vld.idx.msk [tilespmem:v14+s2+$0x0], $0xffff;
	v13 =	vor.u32 $0x64, v1  }
0xf9: {  	v5 =	vadd.f32 v8, v5;
	v6 =	vmul.f32 v6, v9;
	v8 =	vbroadcast v7, $0x1  }
0xfa: {  	v9 =	vld.idx.msk [tilespmem:v10+s2+$0x0], $0xffff;
	v10 =	vor.u32 $0x65, v1  }
0xfb: {  	v5 =	vadd.f32 v6, v5;
	v6 =	vmul.f32 v11, v8;
	v8 =	vbroadcast v7, $0x2  }
0xfc: {  	v11 =	vor.u32 $0x66, v1  }
0xfd: {  	v5 =	vadd.f32 v6, v5;
	v6 =	vmul.f32 v12, v8;
	v8 =	vbroadcast v7, $0x3;
	v12 =	vld.idx.msk [tilespmem:v13+s2+$0x0], $0xffff  }
0xfe: {  	v13 =	vor.u32 $0x67, v1  }
0xff: {  	v5 =	vadd.f32 v6, v5;
	v6 =	vmul.f32 v9, v8;
	v8 =	vld.idx.msk [tilespmem:v10+s2+$0x0], $0xffff  }
0x100: {  	v9 =	vbroadcast v7, $0x4;
	v10 =	vor.u32 $0x68, v1  }
0x101: {  	v5 =	vadd.f32 v6, v5;
	v6 =	vld.idx.msk [tilespmem:v11+s2+$0x0], $0xffff  }
0x102: {  	v11 =	vbroadcast v7, $0x5;
	v9 =	vmul.f32 v12, v9;
	v12 =	vor.u32 $0x69, v1  }
0x103: {  	v13 =	vld.idx.msk [tilespmem:v13+s2+$0x0], $0xffff  }
0x104: {  	v5 =	vadd.f32 v9, v5;
	v8 =	vmul.f32 v8, v11;
	v9 =	vbroadcast v7, $0x6  }
0x105: {  	v10 =	vld.idx.msk [tilespmem:v10+s2+$0x0], $0xffff;
	v11 =	vor.u32 $0x6A, v1  }
0x106: {  	v5 =	vadd.f32 v8, v5;
	v6 =	vmul.f32 v6, v9;
	v8 =	vbroadcast v7, $0x7  }
0x107: {  	v9 =	vld.idx.msk [tilespmem:v12+s2+$0x0], $0xffff;
	v12 =	vor.u32 $0x6B, v1  }
0x108: {  	v5 =	vadd.f32 v6, v5;
	v6 =	vmul.f32 v13, v8;
	v8 =	vbroadcast v7, $0x8  }
0x109: {  	v13 =	vor.u32 $0x6C, v1  }
0x10a: {  	v5 =	vadd.f32 v6, v5;
	v6 =	vmul.f32 v10, v8;
	v8 =	vbroadcast v7, $0x9;
	v10 =	vld.idx.msk [tilespmem:v11+s2+$0x0], $0xffff  }
0x10b: {  	v11 =	vor.u32 $0x6D, v1  }
0x10c: {  	v5 =	vadd.f32 v6, v5;
	v6 =	vmul.f32 v9, v8;
	v8 =	vld.idx.msk [tilespmem:v12+s2+$0x0], $0xffff  }
0x10d: {  	v9 =	vbroadcast v7, $0xA  }
0x10e: {  	v12 =	vor.u32 $0x6E, v1;
	v5 =	vadd.f32 v6, v5;
	v6 =	vld.idx.msk [tilespmem:v13+s2+$0x0], $0xffff  }
0x10f: {  	v13 =	vor.u32 $0x6F, v1;
	v9 =	vmul.f32 v10, v9;
	v10 =	vbroadcast v7, $0xB  }
0x110: {  	v11 =	vld.idx.msk [tilespmem:v11+s2+$0x0], $0xffff  }
0x111: {  	v5 =	vadd.f32 v9, v5;
	v8 =	vmul.f32 v8, v10;
	v9 =	vbroadcast v7, $0xC  }
0x112: {  	v10 =	vor.u32 $0x70, v1  }
0x113: {  	v5 =	vadd.f32 v8, v5;
	v6 =	vmul.f32 v6, v9;
	v8 =	vbroadcast v7, $0xD;
	v9 =	vld.idx.msk [tilespmem:v12+s2+$0x0], $0xffff  }
0x114: {  	v12 =	vld.idx.msk [tilespmem:v13+s2+$0x0], $0xffff;
	v13 =	vor.u32 $0x71, v1  }
0x115: {  	v5 =	vadd.f32 v6, v5;
	v6 =	vmul.f32 v11, v8;
	v8 =	vld [tilespmem:$0x870]  }
0x116: {  	v14 =	vor.u32 $0x72, v1;
	v11 =	vbroadcast v7, $0xE  }
0x117: {  	v5 =	vadd.f32 v6, v5;
	v6 =	vld.idx.msk [tilespmem:v10+s2+$0x0], $0xffff  }
0x118: {  	v7 =	vbroadcast v7, $0xF;
	v10 =	vor.u32 $0x73, v1;
	v9 =	vmul.f32 v9, v11  }
0x119: {  	v11 =	vld.idx.msk [tilespmem:v13+s2+$0x0], $0xffff  }
0x11a: {  	v7 =	vmul.f32 v12, v7;
	v5 =	vadd.f32 v9, v5;
	v9 =	vbroadcast v8, $0x0  }
0x11b: {  	v12 =	vld.idx.msk [tilespmem:v14+s2+$0x0], $0xffff;
	v13 =	vor.u32 $0x74, v1  }
0x11c: {  	v5 =	vadd.f32 v7, v5;
	v6 =	vmul.f32 v6, v9;
	v7 =	vbroadcast v8, $0x1  }
0x11d: {  	v9 =	vld.idx.msk [tilespmem:v10+s2+$0x0], $0xffff;
	v10 =	vor.u32 $0x75, v1  }
0x11e: {  	v5 =	vadd.f32 v6, v5;
	v6 =	vmul.f32 v11, v7;
	v7 =	vbroadcast v8, $0x2  }
0x11f: {  	v11 =	vor.u32 $0x76, v1  }
0x120: {  	v5 =	vadd.f32 v6, v5;
	v6 =	vmul.f32 v12, v7;
	v7 =	vbroadcast v8, $0x3;
	v12 =	vld.idx.msk [tilespmem:v13+s2+$0x0], $0xffff  }
0x121: {  	v13 =	vor.u32 $0x77, v1  }
0x122: {  	v5 =	vadd.f32 v6, v5;
	v6 =	vmul.f32 v9, v7;
	v7 =	vld.idx.msk [tilespmem:v10+s2+$0x0], $0xffff  }
0x123: {  	v9 =	vbroadcast v8, $0x4;
	v10 =	vor.u32 $0x78, v1  }
0x124: {  	v5 =	vadd.f32 v6, v5;
	v6 =	vld.idx.msk [tilespmem:v11+s2+$0x0], $0xffff  }
0x125: {  	v11 =	vbroadcast v8, $0x5;
	v9 =	vmul.f32 v12, v9;
	v12 =	vor.u32 $0x79, v1  }
0x126: {  	v13 =	vld.idx.msk [tilespmem:v13+s2+$0x0], $0xffff  }
0x127: {  	v5 =	vadd.f32 v9, v5;
	v7 =	vmul.f32 v7, v11;
	v9 =	vbroadcast v8, $0x6  }
0x128: {  	v10 =	vld.idx.msk [tilespmem:v10+s2+$0x0], $0xffff;
	v11 =	vor.u32 $0x7A, v1  }
0x129: {  	v5 =	vadd.f32 v7, v5;
	v6 =	vmul.f32 v6, v9;
	v7 =	vbroadcast v8, $0x7  }
0x12a: {  	v9 =	vld.idx.msk [tilespmem:v12+s2+$0x0], $0xffff;
	v12 =	vor.u32 $0x7B, v1  }
0x12b: {  	v5 =	vadd.f32 v6, v5;
	v6 =	vmul.f32 v13, v7;
	v7 =	vbroadcast v8, $0x8  }
0x12c: {  	v13 =	vor.u32 $0x7C, v1  }
0x12d: {  	v5 =	vadd.f32 v6, v5;
	v6 =	vmul.f32 v10, v7;
	v7 =	vbroadcast v8, $0x9;
	v10 =	vld.idx.msk [tilespmem:v11+s2+$0x0], $0xffff  }
0x12e: {  	v11 =	vor.u32 $0x7D, v1  }
0x12f: {  	v5 =	vadd.f32 v6, v5;
	v6 =	vmul.f32 v9, v7;
	v7 =	vld.idx.msk [tilespmem:v12+s2+$0x0], $0xffff  }
0x130: {  	v9 =	vbroadcast v8, $0xA;
	v12 =	vor.u32 $0x7E, v1  }
0x131: {  	v5 =	vadd.f32 v6, v5;
	v6 =	vld.idx.msk [tilespmem:v13+s2+$0x0], $0xffff  }
0x132: {  	v13 =	vor.u32 $0x7F, v1;
	v9 =	vmul.f32 v10, v9;
	v10 =	vbroadcast v8, $0xB  }
0x133: {  	v11 =	vld.idx.msk [tilespmem:v11+s2+$0x0], $0xffff  }
0x134: {  	v5 =	vadd.f32 v9, v5;
	v7 =	vmul.f32 v7, v10;
	v9 =	vbroadcast v8, $0xC  }
0x135: {  	v10 =	vld.idx.msk [tilespmem:v12+s2+$0x0], $0xffff  }
0x136: {  	v5 =	vadd.f32 v7, v5;
	v6 =	vmul.f32 v6, v9;
	v7 =	vbroadcast v8, $0xD  }
0x137: {  	v9 =	vld.idx.msk [tilespmem:v13+s2+$0x0], $0xffff  }
0x138: {  	v5 =	vadd.f32 v6, v5;
	v6 =	vmul.f32 v11, v7;
	v7 =	vbroadcast v8, $0xE;
	_ =	sdelay $0x1  }
0x139: {  	v5 =	vadd.f32 v6, v5;
	v6 =	vmul.f32 v10, v7;
	v7 =	vbroadcast v8, $0xF;
	_ =	sdelay $0x1  }
0x13a: {  	v5 =	vadd.f32 v6, v5;
	v6 =	vmul.f32 v9, v7;
	_ =	sdelay $0x1  }
0x13b: {  	v5 =	vadd.f32 v6, v5;
	_ =	sdelay $0x1  }
0x13c: {  	(xrf1) =	vsort.dscd.msk.f32 $0xffff, v5, v0;
	_ =	sdelay $0xa  }
0x13d: {  	v6 =	vld [tilespmem:$0x1FF30];
	_ =	sdelay $0x2  }
0x13e: {  	_, v5, _ =	vpop (xrf1)  }
0x13f: {  	v5 =	vshll.u32 v5, $0x4  }
0x140: {  	v5 =	vor.u32 v6, v5  }
0x141: {  	(v2sf) =	vpush v5, $0xD;
	_ =	sdelay $0x1  }
0x142: {  	(v2sf) =	vpush v5, $0xC;
	_ =	sdelay $0x1  }
0x143: {  	(v2sf) =	vpush v5, $0xE;
	_ =	sdelay $0x1  }
0x144: {  	(v2sf) =	vpush v5, $0xF;
	_ =	sdelay $0x1  }
0x145: {  	(v2sf) =	vpush v5, $0x9;
	_ =	sdelay $0x1  }
0x146: {  	(v2sf) =	vpush v5, $0x8  }
0x147: {  	(v2sf) =	vpush v5, $0xA;
	_ =	sdelay $0x2  }
0x148: {  	(v2sf) =	vpush v5, $0xB  }
0x149: {  	s28 =	spop (v2sf)  }
0x14a: {  	(v2sf) =	vpush v5, $0x0;
	s6 =	smulhi.u32 $0x78787879, s28;
	s5 =	sshra.s32 s28, $0x1F  }
0x14b: {  	(v2sf) =	vpush v5, $0x1;
	s7 =	spop (v2sf);
	s5 =	smul.u32 $0x78787879, s5  }
0x14c: {  	s8 =	smulhi.u32 $0x78787879, s7;
	s7 =	sshra.s32 s7, $0x1F  }
0x14d: {  	(v2sf) =	vpush v5, $0x2;
	s9 =	spop (v2sf);
	s10 =	smul.u32 $0x78787879, s7  }
0x14e: {  	(v2sf) =	vpush v5, $0x3;
	s11 =	smulhi.u32 $0x78787879, s9;
	s29 =	sshra.s32 s9, $0x1F  }
0x14f: {  	(v2sf) =	vpush v5, $0x4;
	s30 =	spop (v2sf);
	s12 =	smul.u32 $0x78787879, s29  }
0x150: {  	(v2sf) =	vpush v5, $0x5;
	s13 =	smulhi.u32 $0x78787879, s30;
	s9 =	sshra.s32 s30, $0x1F  }
0x151: {  	(v2sf) =	vpush v5, $0x6;
	s31 =	spop (v2sf);
	s9 =	smul.u32 $0x78787879, s9  }
0x152: {  	(v2sf) =	vpush v5, $0x7;
	s15 =	smulhi.u32 $0x78787879, s31;
	s7 =	sshra.s32 s31, $0x1F  }
0x153: {  	s14 =	spop (v2sf);
	s8 =	sadd.s32 s10, s8;
	s18 =	smul.u32 $0x78787879, s7  }
0x154: {  	s16 =	spop (v2sf);
	s20 =	smulhi.u32 $0x78787879, s14;
	s0 =	sshra.s32 s14, $0x1F  }
0x155: {  	s7 =	sadd.s32 s5, s6;
	s5 =	sadd.s32 s12, s11;
	s21 =	smul.u32 $0x78787879, s0  }
0x156: {  	s14 =	sshrl.u32 s8, $0x1F;
	s23 =	smulhi.u32 $0x78787879, s16;
	s30 =	sshra.s32 s16, $0x1F  }
0x157: {  	s8 =	sshra.s32 s8, $0x3;
	s17 =	spop (v2sf);
	s24 =	smul.u32 $0x78787879, s30  }
0x158: {  	s6 =	sadd.s32 s9, s13;
	s26 =	smulhi.u32 $0x78787879, s17;
	s31 =	sshra.s32 s17, $0x1F  }
0x159: {  	s19 =	spop (v2sf);
	s11 =	sadd.s32 s18, s15;
	s28 =	smul.u32 $0x78787879, s31  }
0x15a: {  	s1 =	spop (v2sf);
	s29 =	smulhi.u32 $0x78787879, s19;
	s0 =	sshra.s32 s19, $0x1F  }
0x15b: {  	s19 =	sshrl.u32 s7, $0x1F;
	s31 =	sshrl.u32 s5, $0x1F;
	s30 =	smul.u32 $0x78787879, s0  }
0x15c: {  	s22 =	spop (v2sf);
	s12 =	smulhi.u32 $0x78787879, s1;
	s1 =	sshra.s32 s1, $0x1F  }
0x15d: {  	s13 =	sadd.s32 s21, s20;
	s16 =	spop (v2sf);
	s1 =	smul.u32 $0x78787879, s1  }
0x15e: {  	s0 =	smulhi.u32 $0x78787879, s22;
	s10 =	sshra.s32 s22, $0x1F;
	s25 =	spop (v2sf)  }
0x15f: {  	s7 =	sshra.s32 s7, $0x3;
	s15 =	smul.u32 $0x78787879, s10;
	s17 =	spop (v2sf)  }
0x160: {  	s18 =	smulhi.u32 $0x78787879, s16;
	s22 =	sshra.s32 s16, $0x1F;
	s16 =	spop (v2sf)  }
0x161: {  	s10 =	sadd.s32 s24, s23;
	s20 =	smul.u32 $0x78787879, s22;
	s24 =	spop (v2sf)  }
0x162: {  	s5 =	sshra.s32 s5, $0x3;
	s22 =	smulhi.u32 $0x78787879, s24;
	s21 =	sshra.s32 s24, $0x1F  }
0x163: {  	s9 =	sadd.s32 s28, s26;
	s26 =	sshrl.u32 s11, $0x1F;
	s21 =	smul.u32 $0x78787879, s21  }
0x164: {  	s28 =	sshrl.u32 s13, $0x1F;
	s13 =	sshra.s32 s13, $0x3;
	s23 =	sshrl.u32 s6, $0x1F  }
0x165: {  	v7 =	vmov s14;
	s14 =	sshrl.u32 s9, $0x1F;
	s1 =	sadd.s32 s1, s12;
	s12 =	sadd.s32 s21, s22  }
0x166: {  	s0 =	sadd.s32 s15, s0;
	s24 =	sadd.s32 s30, s29;
	s21 =	sshra.s32 s12, $0x1F  }
0x167: {  	vm2 =	vcmask $0x704;
	v7 =	vsel vm0, s19, v7;
	s15 =	sadd.s32 s20, s18;
	s18 =	smulhi.u32 $0x78787879, s25;
	s30 =	sshra.s32 s24, $0x3;
	v6 =	vmov s21  }
0x168: {  	v7 =	vsel vm3, s31, v7;
	v9 =	vmov s28;
	s29 =	sshra.s32 s25, $0x1F;
	s25 =	sshrl.u32 s24, $0x1F;
	s24 =	sshra.s32 s24, $0x1F;
	v6 =	vsel vm1, s30, v6  }
0x169: {  	v7 =	vsel vm4, s23, v7;
	v9 =	vsel vm0, s26, v9;
	s23 =	sshrl.u32 s0, $0x1F;
	s26 =	sshrl.u32 s15, $0x1F;
	s30 =	sshra.s32 s1, $0x3;
	v6 =	vsel vm2, s24, v6  }
0x16a: {  	v10 =	vmov s8;
	s20 =	smul.u32 $0x78787879, s29;
	s29 =	sshrl.u32 s1, $0x1F;
	s1 =	sshra.s32 s1, $0x1F;
	v6 =	vsel vm0, s30, v6  }
0x16b: {  	v10 =	vsel vm0, s7, v10;
	s31 =	smulhi.u32 $0x78787879, s17;
	s17 =	sshra.s32 s17, $0x1F;
	v8 =	vmov s25;
	s24 =	sshra.s32 s0, $0x3;
	v6 =	vsel vm5, s1, v6  }
0x16c: {  	v10 =	vsel vm3, s5, v10;
	s28 =	sshra.s32 s15, $0x3;
	s17 =	smul.u32 $0x78787879, s17;
	v8 =	vnsel vm1, $0x0, v8;
	s0 =	sshra.s32 s0, $0x1F;
	v6 =	vsel vm3, s24, v6  }
0x16d: {  	v11 =	vmov s13;
	s22 =	sshrl.u32 s10, $0x1F;
	s18 =	sadd.s32 s20, s18;
	s20 =	sshra.s32 s11, $0x3;
	v8 =	vsel vm0, s29, v8;
	v6 =	vsel vm9, s0, v6  }
0x16e: {  	s17 =	sadd.s32 s17, s31;
	s25 =	smulhi.u32 $0x78787879, s16;
	v9 =	vsel vm3, s22, v9;
	v11 =	vsel vm0, s20, v11;
	s30 =	sshra.s32 s15, $0x1F;
	v6 =	vsel vm4, s28, v6  }
0x16f: {  	s16 =	sshra.s32 s16, $0x1F;
	s22 =	sshra.s32 s10, $0x3;
	v8 =	vsel vm3, s23, v8;
	v9 =	vsel vm4, s14, v9;
	s15 =	sshra.s32 s18, $0x3;
	v6 =	vsel vm12, s30, v6  }
0x170: {  	s16 =	smul.u32 $0x78787879, s16;
	s29 =	sshrl.u32 s18, $0x1F;
	v11 =	vsel vm3, s22, v11;
	vm2 =	vcmask $0x2724;
	s18 =	sshra.s32 s18, $0x1F;
	v6 =	vsel vm6, s15, v6  }
0x171: {  	s31 =	sshrl.u32 s17, $0x1F;
	s19 =	sshra.s32 s17, $0x3;
	v8 =	vsel vm4, s26, v8;
	v7 =	vcombine.low v9, v7;
	v6 =	vsel vm2, s18, v6  }
0x172: {  	s21 =	sshra.s32 s17, $0x1F;
	v9 =	vmul.u32 $0x2, v0;
	v8 =	vsel vm6, s29, v8;
	s1 =	sadd.s32 s16, s25;
	s25 =	sshra.s32 s9, $0x3;
	v6 =	vsel vm7, s19, v6  }
0x173: {  	v8 =	vsel vm7, s31, v8;
	s16 =	sshrl.u32 s1, $0x1F;
	s23 =	sshra.s32 s1, $0x3;
	s24 =	sshra.s32 s6, $0x3;
	v11 =	vsel vm4, s25, v11;
	v6 =	vsel vm14, s21, v6  }
0x174: {  	s26 =	sshra.s32 s1, $0x1F;
	v8 =	vsel vm8, s16, v8;
	v10 =	vsel vm4, s24, v10;
	s28 =	sshrl.u32 s12, $0x1F;
	v6 =	vsel vm8, s23, v6  }
0x175: {  	s29 =	sshra.s32 s12, $0x3;
	v10 =	vcombine.low v11, v10;
	v8 =	vsel vm10, s28, v8;
	v6 =	vsel vm15, s26, v6  }
0x176: {  	v7 =	vperm.xlane v7, v62;
	v8 =	vperm.xlane v8, v9;
	v6 =	vsel vm10, s29, v6  }
0x177: {  	v6 =	vperm.xlane v6, v9;
	v9 =	vperm.xlane v10, v62;
	_ =	sdelay $0x1  }
0x178: {  	v7 =	vsel vm11, v8, v7;
	v6 =	vsel vm11, v6, v9  }
0x179: {  	v6 =	vadd.s32 v7, v6  }
0x17a: {  	v7 =	vmul.u32 $0xFFFFFFEF, v6;
	_ =	sdelay $0x1  }
0x17b: {  	v7 =	vadd.s32 v5, v7  }
0x17c: {  	vm13 =	vlt.s32 v5, $0x1;
	vm2 =	vne.s32 v7, $0x0  }
0x17d: {  	v5 =	vshll.u32 v7, $0x4;
	vm2 =	vmand vm13, vm2  }
0x17e: {  	vm13 =	vlt.s32 v7, $0x0;
	v7 =	vadd.s32 $0x110, v5;
	v8 =	vsel vm2, $0xFFFFFFFF, v4  }
0x17f: {  	v5 =	vsel vm13, v7, v5;
	v6 =	vadd.s32 v8, v6  }
0x180: {  	v5 =	vadd.s32 v5, v6;
	v6 =	vld [tilespmem:$0x1FF40];
	_ =	sdelay $0x4  }
0x181: {  	vm2 =	veq.s32 v5, v6  }
0x182: {  	vm13 =	vmand vm2, vm11  }
0x183: {  	v6 =	vsel vm13, $0x1, v4  }
0x184: {  	(xrf0) =	vadd.scan.msk.s32 $0xffff, v6;
	v6 =	vnsel vm2, $0x80100000, v63  }
0x185: {  	(xrf0) =	vmin.scan.msk.u32 $0xffff, v6;
	_ =	sdelay $0x4  }
0x186: {  	v6, _, _ =	vpop (xrf0)  }
0x187: {  	(v2sf) =	vpush v6, $0xF;
	v6, _, _ =	vpop (xrf0)  }
0x188: {  	(v2sf) =	vpush v6, $0xF;
	_ =	sdelay $0xd  }
0x189: {  	s30 =	spop (v2sf)  }
0x18a: {  	s31 =	spop (v2sf)  }
0x18b: {  	p1 =	sgt.s32 s30, $0x0;
	s1 =	sxor.u32 $0x80000000, s31  }
0x18c: {  	vm2 =	veq.s32 v0, $0x8;
	s1 =	simm.s32 @!p1 $0xFFFFFFFF  }
0x18d: {  	s0 =	sadd.s32 $0x1, s30;
	v5 =	vsel vm2, s1, v5;
	vm2 =	veq.s32 v0, $0x9  }
0x18e: {  	s3 =	sadd.s32 $0xFFFFFFFF, s3;
	s5 =	simm.s32 @!p0 $0x880;
	v5 =	vsel vm2, s0, v5  }
0x18f: {  	p1 =	sne.s32 s3, $0x0;
	s1 =	rddreg [dreg:$0x7];
	s0 =	simm.s32 @!p0 $0x0;
	[tilespmem:$0x880] =	vst v5  }
0x190: {  	[hbm4b:s1+s0] =	stream.linear.scatter @!p0 [tilespmem:s5], [sflag:$0x1], $0x10, $0x38;
	[tilespmem:$0x900] =	vst v63  }
.Ltmp0:
0x191: {  	_ = 	snop;
	(pc) =	sbr.rel @p1 .LBB2_1-.Ltmp0, $4  }
0x192: {  	s0 =	simm.s32 @!p0 $0x1  }
0x193: {  	_ =	swait.ge @!p0 [sflag:s0], $0x10  }
0x194: {  	[sflag:s0] =	ssyncset.done @!p0 $0x0  }
0x195: {  	[sflag:s0] =	ssyncadd.s32 @!p0 $0xFFFFFFF0  }
0x196: {  	_ =	sfence.sel $0x180000  }
0x197: {  	[bflag:$0x0] =	sbarrier.arrive $0xFFFF  }
0x198: {  	_ =	strace $0x90000047  }
0x199: {  	s0 =	stileid.u32;
	[bflag:$0x2] =	sbarrier.arrive $0xFFFF  }
0x19a: {  	p0 =	sne.s32 s0, $0x0;
	s0 =	rddreg [dreg:$0x3]  }
0x19b: {  	s0 =	sadd.s32 @!p0 $0x100000, s0  }
0x19c: {  	[sflag:s0] =	ssyncadd.tile.s32 @!p0 $0x1;
	_ =	shalt  }
.Lfunc_end2:
_tile_overlayer_lowered:
.L_overlay_start_2:
0x19d: {  	(tag) =	ssettag $0x2  }
0x19e: {  	s0 =	rddreg [dreg:$0x0];
	s2 =	stileid.u32  }
0x19f: {  	s1 =	rddreg [dreg:$0x1];
	p0 =	sne.s32 s2, $0x0  }
0x1a0: {  	s3 =	rddreg [dreg:$0x2];
	[bflag:$0x3] =	sbarrier.arrive $0xFFFF;
	s2 =	simm.s32 @!p0 $0x1C01  }
0x1a1: {  	[timem:s3], [sflag:s2] =	dma.local @!p0 [hbm:s0], s1  }
0x1a2: {  	s0 =	simm.s32 @!p0 $0x1  }
0x1a3: {  	_ =	swait.ge @!p0 [sflag:s0], s1  }
0x1a4: {  	s1 =	ssub.s32 @!p0 $0x0, s1;
	[sflag:s0] =	ssyncset.done @!p0 $0x0  }
0x1a5: {  	[sflag:s0] =	ssyncadd.s32 @!p0 s1  }
0x1a6: {  	[bflag:$0x3] =	sbarrier.arrive $0xFFFF  }
0x1a7: {  	_ =	shalt  }

</sc_bundles>
